<compile_context>
chip_gen: v7x
topology: tpu7x:2x2x1
jax: 0.10.2.dev20260603
libtpu: 0.0.44.dev20260713+nightly
codegen_flags: <defaults>
</compile_context>

<pallas_src>
import jax
import jax.numpy as jnp
from jax import lax
from jax.experimental import pallas as pl
from jax.experimental.pallas import tpu as pltpu
from jax.experimental.pallas import tpu_sc as plsc

N = 10000
E = 320000
D = 128

NUM_WORKERS = 32
CHUNK = 128
CH = 64
NBUF = 4
N_PAD = 10240
E_PAD = 327680
E_PER_W = E_PAD // NUM_WORKERS
CHUNKS_PER_W = E_PER_W // CHUNK
CHUNKS_SS = E_PER_W // CH
ROWS_PER_TILE = N_PAD // 16
WB_STEPS = ROWS_PER_TILE // CHUNK
WB_SS = ROWS_PER_TILE // CH


def _seg_sum_body(y, src, dst, zrows, out,
                  src_v0, src_v1, src_v2, src_v3,
                  dst_v0, dst_v1, dst_v2, dst_v3,
                  rows_v0, rows_v1, rows_v2, rows_v3,
                  agg_sp,
                  sem_i0, sem_i1, sem_i2, sem_i3,
                  sem_g0, sem_g1, sem_g2, sem_g3):
    cid = lax.axis_index("c")
    sid = lax.axis_index("s")
    wid = sid * 2 + cid
    row0 = sid * ROWS_PER_TILE
    ebase = wid * E_PER_W

    sv = (src_v0, src_v1, src_v2, src_v3)
    dv = (dst_v0, dst_v1, dst_v2, dst_v3)
    rv = (rows_v0, rows_v1, rows_v2, rows_v3)
    sem_i = (sem_i0, sem_i1, sem_i2, sem_i3)
    sem_g = (sem_g0, sem_g1, sem_g2, sem_g3)

    def start_idx(k, b):
        base = ebase + k * CH
        pltpu.async_copy(src.at[pl.ds(base, CH)], sv[b], sem_i[b])
        pltpu.async_copy(dst.at[pl.ds(base, CH)], dv[b], sem_i[b])

    def wait_idx(k, b):
        base = ebase + k * CH
        pltpu.make_async_copy(src.at[pl.ds(base, CH)], sv[b], sem_i[b]).wait()
        pltpu.make_async_copy(dst.at[pl.ds(base, CH)], dv[b], sem_i[b]).wait()

    def start_gather(b):
        pltpu.async_copy(y.at[sv[b]], rv[b], sem_g[b])

    def wait_gather(b):
        pltpu.make_async_copy(y.at[sv[b]], rv[b], sem_g[b]).wait()

    def scatter(b):
        pltpu.sync_copy(rv[b], agg_sp.at[dv[b]], add=True)

    for b in range(NBUF):
        start_idx(b, b)
    for b in range(NBUF - 1):
        wait_idx(b, b)
        start_gather(b)

    pltpu.sync_copy(zrows, rows_v3)

    def zero_body(j, carry):
        pltpu.sync_copy(rows_v3, agg_sp.at[pl.ds(row0 + j * CH, CH)])
        return carry

    lax.fori_loop(0, WB_SS, zero_body, 0)
    plsc.subcore_barrier()

    def edge_body(k4, carry):
        for b in range(NBUF):
            k = NBUF * k4 + b
            wait_gather(b)
            bn = (b + NBUF - 1) % NBUF
            wait_idx(k + NBUF - 1, bn)
            start_gather(bn)
            scatter(b)
            start_idx(k + NBUF, b)
        return carry

    lax.fori_loop(0, CHUNKS_SS // NBUF - 1, edge_body, 0)

    wait_gather(0)
    wait_idx(CHUNKS_SS - 1, 3)
    start_gather(3)
    scatter(0)
    for b in range(1, NBUF):
        wait_gather(b)
        scatter(b)

    plsc.subcore_barrier()

    obase = cid * N_PAD + row0

    for j in range(WB_SS):
        bb = j % 2
        if j >= 2:
            pltpu.make_async_copy(
                rv[bb], out.at[pl.ds(obase + (j - 2) * CH, CH)],
                sem_g[bb]).wait()
        pltpu.sync_copy(agg_sp.at[pl.ds(row0 + j * CH, CH)], rv[bb])
        pltpu.async_copy(rv[bb], out.at[pl.ds(obase + j * CH, CH)], sem_g[bb])
    for j in (WB_SS - 2, WB_SS - 1):
        bb = j % 2
        pltpu.make_async_copy(
            rv[bb], out.at[pl.ds(obase + j * CH, CH)], sem_g[bb]).wait()


def _cnt_body(dst, zrows, ones, out, dst_v0, dst_v1, rows_v, ones_v, acc_sp,
              sem_i0, sem_i1):
    cid = lax.axis_index("c")
    sid = lax.axis_index("s")
    wid = sid * 2 + cid
    row0 = sid * ROWS_PER_TILE
    ebase = wid * E_PER_W

    dv = (dst_v0, dst_v1)
    sem_i = (sem_i0, sem_i1)

    def start_idx(k, b):
        base = ebase + k * CHUNK
        pltpu.async_copy(dst.at[pl.ds(base, CHUNK)], dv[b], sem_i[b])

    def wait_idx(k, b):
        base = ebase + k * CHUNK
        pltpu.make_async_copy(dst.at[pl.ds(base, CHUNK)], dv[b], sem_i[b]).wait()

    start_idx(0, 0)
    start_idx(1, 1)

    pltpu.sync_copy(zrows, rows_v)

    def zero_body(j, carry):
        pltpu.sync_copy(rows_v, acc_sp.at[pl.ds(row0 + j * CHUNK, CHUNK)])
        return carry

    lax.fori_loop(0, WB_STEPS, zero_body, 0)
    pltpu.sync_copy(ones, ones_v)
    plsc.subcore_barrier()

    def edge_body(k2, carry):
        for b in (0, 1):
            k = 2 * k2 + b
            wait_idx(k, b)
            pltpu.sync_copy(ones_v, acc_sp.at[dv[b]], add=True)
            start_idx(k + 2, b)
        return carry

    lax.fori_loop(0, CHUNKS_PER_W // 2 - 1, edge_body, 0)

    wait_idx(CHUNKS_PER_W - 2, 0)
    pltpu.sync_copy(ones_v, acc_sp.at[dv[0]], add=True)
    wait_idx(CHUNKS_PER_W - 1, 1)
    pltpu.sync_copy(ones_v, acc_sp.at[dv[1]], add=True)
    plsc.subcore_barrier()

    obase = cid * N_PAD + row0

    wv = (rows_v, ones_v)
    for j in range(WB_STEPS):
        bb = j % 2
        if j >= 2:
            pltpu.make_async_copy(
                wv[bb], out.at[pl.ds(obase + (j - 2) * CHUNK, CHUNK)],
                sem_i[bb]).wait()
        pltpu.sync_copy(acc_sp.at[pl.ds(row0 + j * CHUNK, CHUNK)], wv[bb])
        pltpu.async_copy(wv[bb], out.at[pl.ds(obase + j * CHUNK, CHUNK)],
                         sem_i[bb])
    for j in (WB_STEPS - 2, WB_STEPS - 1):
        bb = j % 2
        pltpu.make_async_copy(
            wv[bb], out.at[pl.ds(obase + j * CHUNK, CHUNK)], sem_i[bb]).wait()


_sc_mesh = plsc.VectorSubcoreMesh(core_axis_name="c", subcore_axis_name="s")
_sc_out = jax.ShapeDtypeStruct((2 * N_PAD, D), jnp.float32)

_seg_sum = pl.kernel(
    _seg_sum_body,
    out_type=_sc_out,
    mesh=_sc_mesh,
    scratch_types=(
        [pltpu.VMEM((CH,), jnp.int32)] * 8
        + [pltpu.VMEM((CH, D), jnp.float32)] * 4
        + [pltpu.VMEM_SHARED((N_PAD, D), jnp.float32)]
        + [pltpu.SemaphoreType.DMA] * 8
    ),
)

_cnt_hist = pl.kernel(
    _cnt_body,
    out_type=_sc_out,
    mesh=_sc_mesh,
    scratch_types=[
        pltpu.VMEM((CHUNK,), jnp.int32),
        pltpu.VMEM((CHUNK,), jnp.int32),
        pltpu.VMEM((CHUNK, D), jnp.float32),
        pltpu.VMEM((CHUNK, D), jnp.float32),
        pltpu.VMEM_SHARED((N_PAD, D), jnp.float32),
        pltpu.SemaphoreType.DMA,
        pltpu.SemaphoreType.DMA,
    ],
)


BM = 1024


def _mm2_body(x_ref, wl_ref, wr_ref, yl_ref, yr_ref):
    x = x_ref[...]
    yl_ref[...] = jnp.dot(x, wl_ref[...], preferred_element_type=jnp.float32)
    yr_ref[...] = jnp.dot(x, wr_ref[...], preferred_element_type=jnp.float32)


def _layer_body(aggp_ref, cntp_ref, z_ref, b_ref, wl_ref, wr_ref,
                yl_ref, yr_ref):
    agg = aggp_ref[0] + aggp_ref[1]
    cnt = cntp_ref[0, :, 0:1] + cntp_ref[1, :, 0:1]
    mean = agg / jnp.maximum(cnt, 1.0)
    h = jnp.maximum(mean + z_ref[...] + b_ref[...], 0.0)
    yl_ref[...] = jnp.dot(h, wl_ref[...], preferred_element_type=jnp.float32)
    yr_ref[...] = jnp.dot(h, wr_ref[...], preferred_element_type=jnp.float32)


def _out_body(aggp_ref, cntp_ref, z_ref, b_ref, out_ref):
    agg = aggp_ref[0] + aggp_ref[1]
    cnt = cntp_ref[0, :, 0:1] + cntp_ref[1, :, 0:1]
    out_ref[...] = agg / jnp.maximum(cnt, 1.0) + z_ref[...] + b_ref[...]


_row_spec = pl.BlockSpec((BM, D), lambda i: (i, 0))
_w_spec = pl.BlockSpec((D, D), lambda i: (0, 0))
_b_spec = pl.BlockSpec((1, D), lambda i: (0, 0))
_p_spec = pl.BlockSpec((2, BM, D), lambda i: (0, i, 0))
_GRID = (N_PAD // BM,)
_row_out = jax.ShapeDtypeStruct((N_PAD, D), jnp.float32)

_mm2 = pl.pallas_call(
    _mm2_body,
    grid=_GRID,
    in_specs=[_row_spec, _w_spec, _w_spec],
    out_specs=[_row_spec, _row_spec],
    out_shape=[_row_out, _row_out],
)

_layer = pl.pallas_call(
    _layer_body,
    grid=_GRID,
    in_specs=[_p_spec, _p_spec, _row_spec, _b_spec, _w_spec, _w_spec],
    out_specs=[_row_spec, _row_spec],
    out_shape=[_row_out, _row_out],
)

_out_comb = pl.pallas_call(
    _out_body,
    grid=_GRID,
    in_specs=[_p_spec, _p_spec, _row_spec, _b_spec],
    out_specs=_row_spec,
    out_shape=_row_out,
)


@jax.jit
def kernel(x, edge_index, W1l, W1r, b1, W2l, W2r, b2):
    src = edge_index[0]
    dst = edge_index[1]
    pad_e = E_PAD - E
    src_p = jnp.concatenate([src, jnp.full((pad_e,), N, jnp.int32)])
    dst_p = jnp.concatenate([dst, jnp.full((pad_e,), N_PAD - 1, jnp.int32)])
    x_p = jnp.pad(x, ((0, N_PAD - N), (0, 0)))
    zrows = jnp.zeros((CHUNK, D), jnp.float32)
    zss = jnp.zeros((CH, D), jnp.float32)
    ones = jnp.ones((CHUNK, D), jnp.float32)
    b1r = b1.reshape(1, D)
    b2r = b2.reshape(1, D)

    cnt = _cnt_hist(dst_p, zrows, ones)
    cntp = cnt.reshape(2, N_PAD, D)
    y1, z1 = _mm2(x_p, W1l, W1r)
    agg1 = _seg_sum(y1, src_p, dst_p, zss)
    aggp1 = agg1.reshape(2, N_PAD, D)
    y2, z2 = _layer(aggp1, cntp, z1, b1r, W2l, W2r)
    agg2 = _seg_sum(y2, src_p, dst_p, zss)
    aggp2 = agg2.reshape(2, N_PAD, D)
    out = _out_comb(aggp2, cntp, z2, b2r)
    return out[:N]

# --- scband reference (transcript-rebuilt; emitter-appended) ---
"""Pipeline reference for scband-net-13305808683303 (READ-ONLY COPY).

The authoritative reference and input builder live on the scoring server;
editing this copy changes nothing except your own understanding.
"""

import jax, jax.numpy as jnp
import numpy as np

N = 10000
E = 320000
IN_DIM = 128
HID_DIM = 128
OUT_DIM = 128


def setup_inputs(seed: int = 0) -> dict:
    key = jax.random.key(seed)
    ks = jax.random.split(key, 9)
    x = jax.random.normal(ks[0], (N, IN_DIM), dtype=jnp.float32)
    edge_index = jax.random.randint(ks[1], (2, E), 0, N, dtype=jnp.int32)
    s1 = 1.0 / np.sqrt(IN_DIM)
    s2 = 1.0 / np.sqrt(HID_DIM)
    W1l = jax.random.uniform(ks[2], (IN_DIM, HID_DIM), jnp.float32, -s1, s1)
    W1r = jax.random.uniform(ks[3], (IN_DIM, HID_DIM), jnp.float32, -s1, s1)
    b1 = jax.random.uniform(ks[4], (HID_DIM,), jnp.float32, -s1, s1)
    W2l = jax.random.uniform(ks[5], (HID_DIM, OUT_DIM), jnp.float32, -s2, s2)
    W2r = jax.random.uniform(ks[6], (HID_DIM, OUT_DIM), jnp.float32, -s2, s2)
    b2 = jax.random.uniform(ks[7], (OUT_DIM,), jnp.float32, -s2, s2)
    return {"x": x, "edge_index": edge_index, "W1l": W1l, "W1r": W1r, "b1": b1, "W2l": W2l, "W2r": W2r, "b2": b2}


def _sage_conv(x, src, dst, Wl, Wr, b):
    # PyG SAGEConv with mean aggregation:
    # out = lin_l(mean_{j in N(i)} x_j) + lin_r(x_i) + bias
    msgs = x[src]  # gather source node features (SparseCore gather)
    agg = jax.ops.segment_sum(msgs, dst, num_segments=N)  # scatter-add
    cnt = jax.ops.segment_sum(jnp.ones((src.shape[0], 1), x.dtype), dst, num_segments=N)
    mean = agg / jnp.maximum(cnt, 1.0)
    return mean @ Wl + x @ Wr + b


def reference(x, edge_index, W1l, W1r, b1, W2l, W2r, b2):
    src = edge_index[0]
    dst = edge_index[1]
    h = _sage_conv(x, src, dst, W1l, W1r, b1)
    h = jax.nn.relu(h)
    # dropout is identity in eval mode (deterministic reference)
    out = _sage_conv(h, src, dst, W2l, W2r, b2)
    return out

if __name__ == "__main__":
    import jax
    _d = setup_inputs()
    print(jax.jit(kernel)(*tuple(_d.values())))

</pallas_src>

<mosaic_0001>
#map = affine_map<(d0, d1) -> (0)>
#map1 = affine_map<(d0, d1) -> (0, 0)>
module attributes {stable_mosaic.version = 14 : i64} {
  func.func @_cnt_body(%arg0: i32, %arg1: i32, %arg2: memref<327680xi32, #tpu.memory_space<hbm>>, %arg3: memref<128x128xf32, #tpu.memory_space<hbm>>, %arg4: memref<128x128xf32, #tpu.memory_space<hbm>>, %arg5: memref<20480x128xf32, #tpu.memory_space<hbm>>, %arg6: memref<128xi32, #tpu.memory_space<vmem>>, %arg7: memref<128xi32, #tpu.memory_space<vmem>>, %arg8: memref<128x128xf32, #tpu.memory_space<vmem>>, %arg9: memref<128x128xf32, #tpu.memory_space<vmem>>, %arg10: memref<10240x128xf32, #tpu.memory_space<vmem_shared>>, %arg11: memref<!tpu.dma_semaphore, #tpu.memory_space<semaphore_mem>>, %arg12: memref<!tpu.dma_semaphore, #tpu.memory_space<semaphore_mem>>) attributes {dimension_semantics = [#tpu.dimension_semantics<core_parallel>, #tpu.dimension_semantics<subcore_parallel>], iteration_bounds = array<i64: 2, 16>, scalar_prefetch = 0 : i64, scratch_operands = 7 : i64, tpu.core_type = #tpu.core_type<sc_vector_subcore>, window_params = [{transform_indices = #map}, {transform_indices = #map1}, {transform_indices = #map1}, {transform_indices = #map1}]} {
    %mul3A = arith.constant 2 : i32
    %mul3A_0 = arith.muli %arg1, %mul3A : i32
    %add3A = arith.addi %mul3A_0, %arg0 : i32
    %mul3A_1 = arith.constant 640 : i32
    %mul3A_2 = arith.muli %arg1, %mul3A_1 : i32
    %mul3A_3 = arith.constant 10240 : i32
    %mul3A_4 = arith.muli %add3A, %mul3A_3 : i32
    %add3A_5 = arith.constant 0 : i32
    %add3A_6 = arith.addi %mul3A_4, %add3A_5 : i32
    %dma_start3A = tpu.memref_slice %arg2[%add3A_6] : memref<327680xi32, #tpu.memory_space<hbm>> -> memref<128xi32, #tpu.memory_space<hbm>>
    %dma_start3A_7 = tpu.memref_slice %arg2[%add3A_6] : memref<327680xi32, #tpu.memory_space<hbm>> -> memref<128xi32, #tpu.memory_space<hbm>>
    tpu.enqueue_dma source(%dma_start3A_7 : memref<128xi32, #tpu.memory_space<hbm>>) target(%arg6 : memref<128xi32, #tpu.memory_space<vmem>>) target_semaphore(%arg11 : memref<!tpu.dma_semaphore, #tpu.memory_space<semaphore_mem>>)
    %add3A_8 = arith.constant 128 : i32
    %add3A_9 = arith.addi %mul3A_4, %add3A_8 : i32
    %dma_start3A_10 = tpu.memref_slice %arg2[%add3A_9] : memref<327680xi32, #tpu.memory_space<hbm>> -> memref<128xi32, #tpu.memory_space<hbm>>
    %dma_start3A_11 = tpu.memref_slice %arg2[%add3A_9] : memref<327680xi32, #tpu.memory_space<hbm>> -> memref<128xi32, #tpu.memory_space<hbm>>
    tpu.enqueue_dma source(%dma_start3A_11 : memref<128xi32, #tpu.memory_space<hbm>>) target(%arg7 : memref<128xi32, #tpu.memory_space<vmem>>) target_semaphore(%arg12 : memref<!tpu.dma_semaphore, #tpu.memory_space<semaphore_mem>>)
    "tpu.region"() ({
      %run_scoped3A = tpu.sem_alloc : memref<!tpu.dma_semaphore, #tpu.memory_space<semaphore_mem>>
      tpu.enqueue_dma source(%arg3 : memref<128x128xf32, #tpu.memory_space<hbm>>) target(%arg8 : memref<128x128xf32, #tpu.memory_space<vmem>>) target_semaphore(%run_scoped3A : memref<!tpu.dma_semaphore, #tpu.memory_space<semaphore_mem>>)
      tpu.wait_dma2 semaphore(%run_scoped3A : memref<!tpu.dma_semaphore, #tpu.memory_space<semaphore_mem>>) src(%arg3 : memref<128x128xf32, #tpu.memory_space<hbm>>) dst(%arg8 : memref<128x128xf32, #tpu.memory_space<vmem>>)
      tpu.yield
    }) : () -> ()
    %scan3A = arith.constant 0 : i32
    %scan3A_12 = arith.constant 0 : i32
    %scan3A_13 = arith.constant 5 : i32
    %scan3A_14 = arith.addi %scan3A_12, %scan3A_13 : i32
    %scan3A_15 = arith.constant 1 : i32
    scf.for %scan3A_104 = %scan3A_12 to %scan3A_14 step %scan3A_15  : i32 {
      %mul3A_105 = arith.constant 128 : i32
      %mul3A_106 = arith.muli %scan3A_104, %mul3A_105 : i32
      %add3A_107 = arith.addi %mul3A_2, %mul3A_106 : i32
      "tpu.region"() ({
        %run_scoped3A = tpu.sem_alloc : memref<!tpu.dma_semaphore, #tpu.memory_space<semaphore_mem>>
        %dma_start3A_108 = arith.constant 0 : i32
        %dma_start3A_109 = tpu.memref_slice %arg10[%add3A_107, %dma_start3A_108] : memref<10240x128xf32, #tpu.memory_space<vmem_shared>> -> memref<128x128xf32, #tpu.memory_space<vmem_shared>>
        %dma_start3A_110 = arith.constant 0 : i32
        %dma_start3A_111 = tpu.memref_slice %arg10[%add3A_107, %dma_start3A_110] : memref<10240x128xf32, #tpu.memory_space<vmem_shared>> -> memref<128x128xf32, #tpu.memory_space<vmem_shared>>
        tpu.enqueue_dma source(%arg8 : memref<128x128xf32, #tpu.memory_space<vmem>>) target(%dma_start3A_111 : memref<128x128xf32, #tpu.memory_space<vmem_shared>>) target_semaphore(%run_scoped3A : memref<!tpu.dma_semaphore, #tpu.memory_space<semaphore_mem>>)
        %dma_wait3A_112 = arith.constant 0 : i32
        %dma_wait3A_113 = tpu.memref_slice %arg10[%add3A_107, %dma_wait3A_112] : memref<10240x128xf32, #tpu.memory_space<vmem_shared>> -> memref<128x128xf32, #tpu.memory_space<vmem_shared>>
        %dma_wait3A_114 = arith.constant 0 : i32
        %dma_wait3A_115 = tpu.memref_slice %arg10[%add3A_107, %dma_wait3A_114] : memref<10240x128xf32, #tpu.memory_space<vmem_shared>> -> memref<128x128xf32, #tpu.memory_space<vmem_shared>>
        tpu.wait_dma2 semaphore(%run_scoped3A : memref<!tpu.dma_semaphore, #tpu.memory_space<semaphore_mem>>) src(%arg8 : memref<128x128xf32, #tpu.memory_space<vmem>>) dst(%dma_wait3A_115 : memref<128x128xf32, #tpu.memory_space<vmem_shared>>)
        tpu.yield
      }) : () -> ()
    }
    %scan3A_16 = arith.constant 5 : i32
    "tpu.region"() ({
      %run_scoped3A = tpu.sem_alloc : memref<!tpu.dma_semaphore, #tpu.memory_space<semaphore_mem>>
      tpu.enqueue_dma source(%arg4 : memref<128x128xf32, #tpu.memory_space<hbm>>) target(%arg9 : memref<128x128xf32, #tpu.memory_space<vmem>>) target_semaphore(%run_scoped3A : memref<!tpu.dma_semaphore, #tpu.memory_space<semaphore_mem>>)
      tpu.wait_dma2 semaphore(%run_scoped3A : memref<!tpu.dma_semaphore, #tpu.memory_space<semaphore_mem>>) src(%arg4 : memref<128x128xf32, #tpu.memory_space<hbm>>) dst(%arg9 : memref<128x128xf32, #tpu.memory_space<vmem>>)
      tpu.yield
    }) : () -> ()
    %barrier3A = arith.constant 0 : index
    tpu.barrier barrier_id(%barrier3A)
    %scan3A_17 = arith.constant 0 : i32
    %scan3A_18 = arith.constant 0 : i32
    %scan3A_19 = arith.constant 39 : i32
    %scan3A_20 = arith.addi %scan3A_18, %scan3A_19 : i32
    %scan3A_21 = arith.constant 1 : i32
    scf.for %scan3A_104 = %scan3A_18 to %scan3A_20 step %scan3A_21  : i32 {
      %mul3A_105 = arith.constant 2 : i32
      %mul3A_106 = arith.muli %mul3A_105, %scan3A_104 : i32
      %add3A_107 = arith.constant 0 : i32
      %add3A_108 = arith.addi %mul3A_106, %add3A_107 : i32
      %mul3A_109 = arith.constant 128 : i32
      %mul3A_110 = arith.muli %add3A_108, %mul3A_109 : i32
      %add3A_111 = arith.addi %mul3A_4, %mul3A_110 : i32
      %dma_wait3A_112 = tpu.memref_slice %arg2[%add3A_111] : memref<327680xi32, #tpu.memory_space<hbm>> -> memref<128xi32, #tpu.memory_space<hbm>>
      %dma_wait3A_113 = tpu.memref_slice %arg2[%add3A_111] : memref<327680xi32, #tpu.memory_space<hbm>> -> memref<128xi32, #tpu.memory_space<hbm>>
      tpu.wait_dma2 semaphore(%arg11 : memref<!tpu.dma_semaphore, #tpu.memory_space<semaphore_mem>>) src(%dma_wait3A_113 : memref<128xi32, #tpu.memory_space<hbm>>) dst(%arg6 : memref<128xi32, #tpu.memory_space<vmem>>)
      "tpu.region"() ({
        %run_scoped3A = tpu.sem_alloc : memref<!tpu.dma_semaphore, #tpu.memory_space<semaphore_mem>>
        %dma_start3A_137 = arith.constant 0 : i32
        %dma_start3A_138 = arith.constant 0 : i32
        %dma_start3A_139 = tpu.memref_slice %arg10[%dma_start3A_137, %dma_start3A_138] : memref<10240x128xf32, #tpu.memory_space<vmem_shared>> -> memref<10240x128xf32, #tpu.memory_space<vmem_shared>>
        tpu.enqueue_indirect_dma source(%arg9 : memref<128x128xf32, #tpu.memory_space<vmem>>) target(%dma_start3A_139 : memref<10240x128xf32, #tpu.memory_space<vmem_shared>>) offsets(%arg6 : memref<128xi32, #tpu.memory_space<vmem>>) semaphore(%run_scoped3A : memref<!tpu.dma_semaphore, #tpu.memory_space<semaphore_mem>>) {add = true}
        %dma_wait3A_140 = arith.constant 0 : i32
        %dma_wait3A_141 = arith.constant 0 : i32
        %dma_wait3A_142 = tpu.memref_slice %arg10[%dma_wait3A_140, %dma_wait3A_141] : memref<10240x128xf32, #tpu.memory_space<vmem_shared>> -> memref<10240x128xf32, #tpu.memory_space<vmem_shared>>
        tpu.wait_indirect_dma semaphore(%run_scoped3A : memref<!tpu.dma_semaphore, #tpu.memory_space<semaphore_mem>>) src(%arg9 : memref<128x128xf32, #tpu.memory_space<vmem>>) dst(%dma_wait3A_142 : memref<10240x128xf32, #tpu.memory_space<vmem_shared>>)
        tpu.yield
      }) : () -> ()
      %add3A_114 = arith.constant 2 : i32
      %add3A_115 = arith.addi %add3A_108, %add3A_114 : i32
      %mul3A_116 = arith.constant 128 : i32
      %mul3A_117 = arith.muli %add3A_115, %mul3A_116 : i32
      %add3A_118 = arith.addi %mul3A_4, %mul3A_117 : i32
      %dma_start3A_119 = tpu.memref_slice %arg2[%add3A_118] : memref<327680xi32, #tpu.memory_space<hbm>> -> memref<128xi32, #tpu.memory_space<hbm>>
      %dma_start3A_120 = tpu.memref_slice %arg2[%add3A_118] : memref<327680xi32, #tpu.memory_space<hbm>> -> memref<128xi32, #tpu.memory_space<hbm>>
      tpu.enqueue_dma source(%dma_start3A_120 : memref<128xi32, #tpu.memory_space<hbm>>) target(%arg6 : memref<128xi32, #tpu.memory_space<vmem>>) target_semaphore(%arg11 : memref<!tpu.dma_semaphore, #tpu.memory_space<semaphore_mem>>)
      %mul3A_121 = arith.constant 2 : i32
      %mul3A_122 = arith.muli %mul3A_121, %scan3A_104 : i32
      %add3A_123 = arith.constant 1 : i32
      %add3A_124 = arith.addi %mul3A_122, %add3A_123 : i32
      %mul3A_125 = arith.constant 128 : i32
      %mul3A_126 = arith.muli %add3A_124, %mul3A_125 : i32
      %add3A_127 = arith.addi %mul3A_4, %mul3A_126 : i32
      %dma_wait3A_128 = tpu.memref_slice %arg2[%add3A_127] : memref<327680xi32, #tpu.memory_space<hbm>> -> memref<128xi32, #tpu.memory_space<hbm>>
      %dma_wait3A_129 = tpu.memref_slice %arg2[%add3A_127] : memref<327680xi32, #tpu.memory_space<hbm>> -> memref<128xi32, #tpu.memory_space<hbm>>
      tpu.wait_dma2 semaphore(%arg12 : memref<!tpu.dma_semaphore, #tpu.memory_space<semaphore_mem>>) src(%dma_wait3A_129 : memref<128xi32, #tpu.memory_space<hbm>>) dst(%arg7 : memref<128xi32, #tpu.memory_space<vmem>>)
      "tpu.region"() ({
        %run_scoped3A = tpu.sem_alloc : memref<!tpu.dma_semaphore, #tpu.memory_space<semaphore_mem>>
        %dma_start3A_137 = arith.constant 0 : i32
        %dma_start3A_138 = arith.constant 0 : i32
        %dma_start3A_139 = tpu.memref_slice %arg10[%dma_start3A_137, %dma_start3A_138] : memref<10240x128xf32, #tpu.memory_space<vmem_shared>> -> memref<10240x128xf32, #tpu.memory_space<vmem_shared>>
        tpu.enqueue_indirect_dma source(%arg9 : memref<128x128xf32, #tpu.memory_space<vmem>>) target(%dma_start3A_139 : memref<10240x128xf32, #tpu.memory_space<vmem_shared>>) offsets(%arg7 : memref<128xi32, #tpu.memory_space<vmem>>) semaphore(%run_scoped3A : memref<!tpu.dma_semaphore, #tpu.memory_space<semaphore_mem>>) {add = true}
        %dma_wait3A_140 = arith.constant 0 : i32
        %dma_wait3A_141 = arith.constant 0 : i32
        %dma_wait3A_142 = tpu.memref_slice %arg10[%dma_wait3A_140, %dma_wait3A_141] : memref<10240x128xf32, #tpu.memory_space<vmem_shared>> -> memref<10240x128xf32, #tpu.memory_space<vmem_shared>>
        tpu.wait_indirect_dma semaphore(%run_scoped3A : memref<!tpu.dma_semaphore, #tpu.memory_space<semaphore_mem>>) src(%arg9 : memref<128x128xf32, #tpu.memory_space<vmem>>) dst(%dma_wait3A_142 : memref<10240x128xf32, #tpu.memory_space<vmem_shared>>)
        tpu.yield
      }) : () -> ()
      %add3A_130 = arith.constant 2 : i32
      %add3A_131 = arith.addi %add3A_124, %add3A_130 : i32
      %mul3A_132 = arith.constant 128 : i32
      %mul3A_133 = arith.muli %add3A_131, %mul3A_132 : i32
      %add3A_134 = arith.addi %mul3A_4, %mul3A_133 : i32
      %dma_start3A_135 = tpu.memref_slice %arg2[%add3A_134] : memref<327680xi32, #tpu.memory_space<hbm>> -> memref<128xi32, #tpu.memory_space<hbm>>
      %dma_start3A_136 = tpu.memref_slice %arg2[%add3A_134] : memref<327680xi32, #tpu.memory_space<hbm>> -> memref<128xi32, #tpu.memory_space<hbm>>
      tpu.enqueue_dma source(%dma_start3A_136 : memref<128xi32, #tpu.memory_space<hbm>>) target(%arg7 : memref<128xi32, #tpu.memory_space<vmem>>) target_semaphore(%arg12 : memref<!tpu.dma_semaphore, #tpu.memory_space<semaphore_mem>>)
    }
    %scan3A_22 = arith.constant 39 : i32
    %add3A_23 = arith.constant 9984 : i32
    %add3A_24 = arith.addi %mul3A_4, %add3A_23 : i32
    %dma_wait3A = tpu.memref_slice %arg2[%add3A_24] : memref<327680xi32, #tpu.memory_space<hbm>> -> memref<128xi32, #tpu.memory_space<hbm>>
    %dma_wait3A_25 = tpu.memref_slice %arg2[%add3A_24] : memref<327680xi32, #tpu.memory_space<hbm>> -> memref<128xi32, #tpu.memory_space<hbm>>
    tpu.wait_dma2 semaphore(%arg11 : memref<!tpu.dma_semaphore, #tpu.memory_space<semaphore_mem>>) src(%dma_wait3A_25 : memref<128xi32, #tpu.memory_space<hbm>>) dst(%arg6 : memref<128xi32, #tpu.memory_space<vmem>>)
    "tpu.region"() ({
      %run_scoped3A = tpu.sem_alloc : memref<!tpu.dma_semaphore, #tpu.memory_space<semaphore_mem>>
      %dma_start3A_104 = arith.constant 0 : i32
      %dma_start3A_105 = arith.constant 0 : i32
      %dma_start3A_106 = tpu.memref_slice %arg10[%dma_start3A_104, %dma_start3A_105] : memref<10240x128xf32, #tpu.memory_space<vmem_shared>> -> memref<10240x128xf32, #tpu.memory_space<vmem_shared>>
      tpu.enqueue_indirect_dma source(%arg9 : memref<128x128xf32, #tpu.memory_space<vmem>>) target(%dma_start3A_106 : memref<10240x128xf32, #tpu.memory_space<vmem_shared>>) offsets(%arg6 : memref<128xi32, #tpu.memory_space<vmem>>) semaphore(%run_scoped3A : memref<!tpu.dma_semaphore, #tpu.memory_space<semaphore_mem>>) {add = true}
      %dma_wait3A_107 = arith.constant 0 : i32
      %dma_wait3A_108 = arith.constant 0 : i32
      %dma_wait3A_109 = tpu.memref_slice %arg10[%dma_wait3A_107, %dma_wait3A_108] : memref<10240x128xf32, #tpu.memory_space<vmem_shared>> -> memref<10240x128xf32, #tpu.memory_space<vmem_shared>>
      tpu.wait_indirect_dma semaphore(%run_scoped3A : memref<!tpu.dma_semaphore, #tpu.memory_space<semaphore_mem>>) src(%arg9 : memref<128x128xf32, #tpu.memory_space<vmem>>) dst(%dma_wait3A_109 : memref<10240x128xf32, #tpu.memory_space<vmem_shared>>)
      tpu.yield
    }) : () -> ()
    %add3A_26 = arith.constant 10112 : i32
    %add3A_27 = arith.addi %mul3A_4, %add3A_26 : i32
    %dma_wait3A_28 = tpu.memref_slice %arg2[%add3A_27] : memref<327680xi32, #tpu.memory_space<hbm>> -> memref<128xi32, #tpu.memory_space<hbm>>
    %dma_wait3A_29 = tpu.memref_slice %arg2[%add3A_27] : memref<327680xi32, #tpu.memory_space<hbm>> -> memref<128xi32, #tpu.memory_space<hbm>>
    tpu.wait_dma2 semaphore(%arg12 : memref<!tpu.dma_semaphore, #tpu.memory_space<semaphore_mem>>) src(%dma_wait3A_29 : memref<128xi32, #tpu.memory_space<hbm>>) dst(%arg7 : memref<128xi32, #tpu.memory_space<vmem>>)
    "tpu.region"() ({
      %run_scoped3A = tpu.sem_alloc : memref<!tpu.dma_semaphore, #tpu.memory_space<semaphore_mem>>
      %dma_start3A_104 = arith.constant 0 : i32
      %dma_start3A_105 = arith.constant 0 : i32
      %dma_start3A_106 = tpu.memref_slice %arg10[%dma_start3A_104, %dma_start3A_105] : memref<10240x128xf32, #tpu.memory_space<vmem_shared>> -> memref<10240x128xf32, #tpu.memory_space<vmem_shared>>
      tpu.enqueue_indirect_dma source(%arg9 : memref<128x128xf32, #tpu.memory_space<vmem>>) target(%dma_start3A_106 : memref<10240x128xf32, #tpu.memory_space<vmem_shared>>) offsets(%arg7 : memref<128xi32, #tpu.memory_space<vmem>>) semaphore(%run_scoped3A : memref<!tpu.dma_semaphore, #tpu.memory_space<semaphore_mem>>) {add = true}
      %dma_wait3A_107 = arith.constant 0 : i32
      %dma_wait3A_108 = arith.constant 0 : i32
      %dma_wait3A_109 = tpu.memref_slice %arg10[%dma_wait3A_107, %dma_wait3A_108] : memref<10240x128xf32, #tpu.memory_space<vmem_shared>> -> memref<10240x128xf32, #tpu.memory_space<vmem_shared>>
      tpu.wait_indirect_dma semaphore(%run_scoped3A : memref<!tpu.dma_semaphore, #tpu.memory_space<semaphore_mem>>) src(%arg9 : memref<128x128xf32, #tpu.memory_space<vmem>>) dst(%dma_wait3A_109 : memref<10240x128xf32, #tpu.memory_space<vmem_shared>>)
      tpu.yield
    }) : () -> ()
    %barrier3A_30 = arith.constant 0 : index
    tpu.barrier barrier_id(%barrier3A_30)
    %mul3A_31 = arith.constant 10240 : i32
    %mul3A_32 = arith.muli %arg0, %mul3A_31 : i32
    %add3A_33 = arith.addi %mul3A_32, %mul3A_2 : i32
    %add3A_34 = arith.constant 0 : i32
    %add3A_35 = arith.addi %mul3A_2, %add3A_34 : i32
    "tpu.region"() ({
      %run_scoped3A = tpu.sem_alloc : memref<!tpu.dma_semaphore, #tpu.memory_space<semaphore_mem>>
      %dma_start3A_104 = arith.constant 0 : i32
      %dma_start3A_105 = tpu.memref_slice %arg10[%add3A_35, %dma_start3A_104] : memref<10240x128xf32, #tpu.memory_space<vmem_shared>> -> memref<128x128xf32, #tpu.memory_space<vmem_shared>>
      %dma_start3A_106 = arith.constant 0 : i32
      %dma_start3A_107 = tpu.memref_slice %arg10[%add3A_35, %dma_start3A_106] : memref<10240x128xf32, #tpu.memory_space<vmem_shared>> -> memref<128x128xf32, #tpu.memory_space<vmem_shared>>
      tpu.enqueue_dma source(%dma_start3A_107 : memref<128x128xf32, #tpu.memory_space<vmem_shared>>) target(%arg8 : memref<128x128xf32, #tpu.memory_space<vmem>>) target_semaphore(%run_scoped3A : memref<!tpu.dma_semaphore, #tpu.memory_space<semaphore_mem>>)
      %dma_wait3A_108 = arith.constant 0 : i32
      %dma_wait3A_109 = tpu.memref_slice %arg10[%add3A_35, %dma_wait3A_108] : memref<10240x128xf32, #tpu.memory_space<vmem_shared>> -> memref<128x128xf32, #tpu.memory_space<vmem_shared>>
      %dma_wait3A_110 = arith.constant 0 : i32
      %dma_wait3A_111 = tpu.memref_slice %arg10[%add3A_35, %dma_wait3A_110] : memref<10240x128xf32, #tpu.memory_space<vmem_shared>> -> memref<128x128xf32, #tpu.memory_space<vmem_shared>>
      tpu.wait_dma2 semaphore(%run_scoped3A : memref<!tpu.dma_semaphore, #tpu.memory_space<semaphore_mem>>) src(%dma_wait3A_111 : memref<128x128xf32, #tpu.memory_space<vmem_shared>>) dst(%arg8 : memref<128x128xf32, #tpu.memory_space<vmem>>)
      tpu.yield
    }) : () -> ()
    %add3A_36 = arith.constant 0 : i32
    %add3A_37 = arith.addi %add3A_33, %add3A_36 : i32
    %dma_start3A_38 = arith.constant 0 : i32
    %dma_start3A_39 = tpu.memref_slice %arg5[%add3A_37, %dma_start3A_38] : memref<20480x128xf32, #tpu.memory_space<hbm>> -> memref<128x128xf32, #tpu.memory_space<hbm>>
    %dma_start3A_40 = arith.constant 0 : i32
    %dma_start3A_41 = tpu.memref_slice %arg5[%add3A_37, %dma_start3A_40] : memref<20480x128xf32, #tpu.memory_space<hbm>> -> memref<128x128xf32, #tpu.memory_space<hbm>>
    tpu.enqueue_dma source(%arg8 : memref<128x128xf32, #tpu.memory_space<vmem>>) target(%dma_start3A_41 : memref<128x128xf32, #tpu.memory_space<hbm>>) target_semaphore(%arg11 : memref<!tpu.dma_semaphore, #tpu.memory_space<semaphore_mem>>)
    %add3A_42 = arith.constant 128 : i32
    %add3A_43 = arith.addi %mul3A_2, %add3A_42 : i32
    "tpu.region"() ({
      %run_scoped3A = tpu.sem_alloc : memref<!tpu.dma_semaphore, #tpu.memory_space<semaphore_mem>>
      %dma_start3A_104 = arith.constant 0 : i32
      %dma_start3A_105 = tpu.memref_slice %arg10[%add3A_43, %dma_start3A_104] : memref<10240x128xf32, #tpu.memory_space<vmem_shared>> -> memref<128x128xf32, #tpu.memory_space<vmem_shared>>
      %dma_start3A_106 = arith.constant 0 : i32
      %dma_start3A_107 = tpu.memref_slice %arg10[%add3A_43, %dma_start3A_106] : memref<10240x128xf32, #tpu.memory_space<vmem_shared>> -> memref<128x128xf32, #tpu.memory_space<vmem_shared>>
      tpu.enqueue_dma source(%dma_start3A_107 : memref<128x128xf32, #tpu.memory_space<vmem_shared>>) target(%arg9 : memref<128x128xf32, #tpu.memory_space<vmem>>) target_semaphore(%run_scoped3A : memref<!tpu.dma_semaphore, #tpu.memory_space<semaphore_mem>>)
      %dma_wait3A_108 = arith.constant 0 : i32
      %dma_wait3A_109 = tpu.memref_slice %arg10[%add3A_43, %dma_wait3A_108] : memref<10240x128xf32, #tpu.memory_space<vmem_shared>> -> memref<128x128xf32, #tpu.memory_space<vmem_shared>>
      %dma_wait3A_110 = arith.constant 0 : i32
      %dma_wait3A_111 = tpu.memref_slice %arg10[%add3A_43, %dma_wait3A_110] : memref<10240x128xf32, #tpu.memory_space<vmem_shared>> -> memref<128x128xf32, #tpu.memory_space<vmem_shared>>
      tpu.wait_dma2 semaphore(%run_scoped3A : memref<!tpu.dma_semaphore, #tpu.memory_space<semaphore_mem>>) src(%dma_wait3A_111 : memref<128x128xf32, #tpu.memory_space<vmem_shared>>) dst(%arg9 : memref<128x128xf32, #tpu.memory_space<vmem>>)
      tpu.yield
    }) : () -> ()
    %add3A_44 = arith.constant 128 : i32
    %add3A_45 = arith.addi %add3A_33, %add3A_44 : i32
    %dma_start3A_46 = arith.constant 0 : i32
    %dma_start3A_47 = tpu.memref_slice %arg5[%add3A_45, %dma_start3A_46] : memref<20480x128xf32, #tpu.memory_space<hbm>> -> memref<128x128xf32, #tpu.memory_space<hbm>>
    %dma_start3A_48 = arith.constant 0 : i32
    %dma_start3A_49 = tpu.memref_slice %arg5[%add3A_45, %dma_start3A_48] : memref<20480x128xf32, #tpu.memory_space<hbm>> -> memref<128x128xf32, #tpu.memory_space<hbm>>
    tpu.enqueue_dma source(%arg9 : memref<128x128xf32, #tpu.memory_space<vmem>>) target(%dma_start3A_49 : memref<128x128xf32, #tpu.memory_space<hbm>>) target_semaphore(%arg12 : memref<!tpu.dma_semaphore, #tpu.memory_space<semaphore_mem>>)
    %add3A_50 = arith.constant 0 : i32
    %add3A_51 = arith.addi %add3A_33, %add3A_50 : i32
    %dma_wait3A_52 = arith.constant 0 : i32
    %dma_wait3A_53 = tpu.memref_slice %arg5[%add3A_51, %dma_wait3A_52] : memref<20480x128xf32, #tpu.memory_space<hbm>> -> memref<128x128xf32, #tpu.memory_space<hbm>>
    %dma_wait3A_54 = arith.constant 0 : i32
    %dma_wait3A_55 = tpu.memref_slice %arg5[%add3A_51, %dma_wait3A_54] : memref<20480x128xf32, #tpu.memory_space<hbm>> -> memref<128x128xf32, #tpu.memory_space<hbm>>
    tpu.wait_dma2 semaphore(%arg11 : memref<!tpu.dma_semaphore, #tpu.memory_space<semaphore_mem>>) src(%arg8 : memref<128x128xf32, #tpu.memory_space<vmem>>) dst(%dma_wait3A_55 : memref<128x128xf32, #tpu.memory_space<hbm>>)
    %add3A_56 = arith.constant 256 : i32
    %add3A_57 = arith.addi %mul3A_2, %add3A_56 : i32
    "tpu.region"() ({
      %run_scoped3A = tpu.sem_alloc : memref<!tpu.dma_semaphore, #tpu.memory_space<semaphore_mem>>
      %dma_start3A_104 = arith.constant 0 : i32
      %dma_start3A_105 = tpu.memref_slice %arg10[%add3A_57, %dma_start3A_104] : memref<10240x128xf32, #tpu.memory_space<vmem_shared>> -> memref<128x128xf32, #tpu.memory_space<vmem_shared>>
      %dma_start3A_106 = arith.constant 0 : i32
      %dma_start3A_107 = tpu.memref_slice %arg10[%add3A_57, %dma_start3A_106] : memref<10240x128xf32, #tpu.memory_space<vmem_shared>> -> memref<128x128xf32, #tpu.memory_space<vmem_shared>>
      tpu.enqueue_dma source(%dma_start3A_107 : memref<128x128xf32, #tpu.memory_space<vmem_shared>>) target(%arg8 : memref<128x128xf32, #tpu.memory_space<vmem>>) target_semaphore(%run_scoped3A : memref<!tpu.dma_semaphore, #tpu.memory_space<semaphore_mem>>)
      %dma_wait3A_108 = arith.constant 0 : i32
      %dma_wait3A_109 = tpu.memref_slice %arg10[%add3A_57, %dma_wait3A_108] : memref<10240x128xf32, #tpu.memory_space<vmem_shared>> -> memref<128x128xf32, #tpu.memory_space<vmem_shared>>
      %dma_wait3A_110 = arith.constant 0 : i32
      %dma_wait3A_111 = tpu.memref_slice %arg10[%add3A_57, %dma_wait3A_110] : memref<10240x128xf32, #tpu.memory_space<vmem_shared>> -> memref<128x128xf32, #tpu.memory_space<vmem_shared>>
      tpu.wait_dma2 semaphore(%run_scoped3A : memref<!tpu.dma_semaphore, #tpu.memory_space<semaphore_mem>>) src(%dma_wait3A_111 : memref<128x128xf32, #tpu.memory_space<vmem_shared>>) dst(%arg8 : memref<128x128xf32, #tpu.memory_space<vmem>>)
      tpu.yield
    }) : () -> ()
    %add3A_58 = arith.constant 256 : i32
    %add3A_59 = arith.addi %add3A_33, %add3A_58 : i32
    %dma_start3A_60 = arith.constant 0 : i32
    %dma_start3A_61 = tpu.memref_slice %arg5[%add3A_59, %dma_start3A_60] : memref<20480x128xf32, #tpu.memory_space<hbm>> -> memref<128x128xf32, #tpu.memory_space<hbm>>
    %dma_start3A_62 = arith.constant 0 : i32
    %dma_start3A_63 = tpu.memref_slice %arg5[%add3A_59, %dma_start3A_62] : memref<20480x128xf32, #tpu.memory_space<hbm>> -> memref<128x128xf32, #tpu.memory_space<hbm>>
    tpu.enqueue_dma source(%arg8 : memref<128x128xf32, #tpu.memory_space<vmem>>) target(%dma_start3A_63 : memref<128x128xf32, #tpu.memory_space<hbm>>) target_semaphore(%arg11 : memref<!tpu.dma_semaphore, #tpu.memory_space<semaphore_mem>>)
    %add3A_64 = arith.constant 128 : i32
    %add3A_65 = arith.addi %add3A_33, %add3A_64 : i32
    %dma_wait3A_66 = arith.constant 0 : i32
    %dma_wait3A_67 = tpu.memref_slice %arg5[%add3A_65, %dma_wait3A_66] : memref<20480x128xf32, #tpu.memory_space<hbm>> -> memref<128x128xf32, #tpu.memory_space<hbm>>
    %dma_wait3A_68 = arith.constant 0 : i32
    %dma_wait3A_69 = tpu.memref_slice %arg5[%add3A_65, %dma_wait3A_68] : memref<20480x128xf32, #tpu.memory_space<hbm>> -> memref<128x128xf32, #tpu.memory_space<hbm>>
    tpu.wait_dma2 semaphore(%arg12 : memref<!tpu.dma_semaphore, #tpu.memory_space<semaphore_mem>>) src(%arg9 : memref<128x128xf32, #tpu.memory_space<vmem>>) dst(%dma_wait3A_69 : memref<128x128xf32, #tpu.memory_space<hbm>>)
    %add3A_70 = arith.constant 384 : i32
    %add3A_71 = arith.addi %mul3A_2, %add3A_70 : i32
    "tpu.region"() ({
      %run_scoped3A = tpu.sem_alloc : memref<!tpu.dma_semaphore, #tpu.memory_space<semaphore_mem>>
      %dma_start3A_104 = arith.constant 0 : i32
      %dma_start3A_105 = tpu.memref_slice %arg10[%add3A_71, %dma_start3A_104] : memref<10240x128xf32, #tpu.memory_space<vmem_shared>> -> memref<128x128xf32, #tpu.memory_space<vmem_shared>>
      %dma_start3A_106 = arith.constant 0 : i32
      %dma_start3A_107 = tpu.memref_slice %arg10[%add3A_71, %dma_start3A_106] : memref<10240x128xf32, #tpu.memory_space<vmem_shared>> -> memref<128x128xf32, #tpu.memory_space<vmem_shared>>
      tpu.enqueue_dma source(%dma_start3A_107 : memref<128x128xf32, #tpu.memory_space<vmem_shared>>) target(%arg9 : memref<128x128xf32, #tpu.memory_space<vmem>>) target_semaphore(%run_scoped3A : memref<!tpu.dma_semaphore, #tpu.memory_space<semaphore_mem>>)
      %dma_wait3A_108 = arith.constant 0 : i32
      %dma_wait3A_109 = tpu.memref_slice %arg10[%add3A_71, %dma_wait3A_108] : memref<10240x128xf32, #tpu.memory_space<vmem_shared>> -> memref<128x128xf32, #tpu.memory_space<vmem_shared>>
      %dma_wait3A_110 = arith.constant 0 : i32
      %dma_wait3A_111 = tpu.memref_slice %arg10[%add3A_71, %dma_wait3A_110] : memref<10240x128xf32, #tpu.memory_space<vmem_shared>> -> memref<128x128xf32, #tpu.memory_space<vmem_shared>>
      tpu.wait_dma2 semaphore(%run_scoped3A : memref<!tpu.dma_semaphore, #tpu.memory_space<semaphore_mem>>) src(%dma_wait3A_111 : memref<128x128xf32, #tpu.memory_space<vmem_shared>>) dst(%arg9 : memref<128x128xf32, #tpu.memory_space<vmem>>)
      tpu.yield
    }) : () -> ()
    %add3A_72 = arith.constant 384 : i32
    %add3A_73 = arith.addi %add3A_33, %add3A_72 : i32
    %dma_start3A_74 = arith.constant 0 : i32
    %dma_start3A_75 = tpu.memref_slice %arg5[%add3A_73, %dma_start3A_74] : memref<20480x128xf32, #tpu.memory_space<hbm>> -> memref<128x128xf32, #tpu.memory_space<hbm>>
    %dma_start3A_76 = arith.constant 0 : i32
    %dma_start3A_77 = tpu.memref_slice %arg5[%add3A_73, %dma_start3A_76] : memref<20480x128xf32, #tpu.memory_space<hbm>> -> memref<128x128xf32, #tpu.memory_space<hbm>>
    tpu.enqueue_dma source(%arg9 : memref<128x128xf32, #tpu.memory_space<vmem>>) target(%dma_start3A_77 : memref<128x128xf32, #tpu.memory_space<hbm>>) target_semaphore(%arg12 : memref<!tpu.dma_semaphore, #tpu.memory_space<semaphore_mem>>)
    %add3A_78 = arith.constant 256 : i32
    %add3A_79 = arith.addi %add3A_33, %add3A_78 : i32
    %dma_wait3A_80 = arith.constant 0 : i32
    %dma_wait3A_81 = tpu.memref_slice %arg5[%add3A_79, %dma_wait3A_80] : memref<20480x128xf32, #tpu.memory_space<hbm>> -> memref<128x128xf32, #tpu.memory_space<hbm>>
    %dma_wait3A_82 = arith.constant 0 : i32
    %dma_wait3A_83 = tpu.memref_slice %arg5[%add3A_79, %dma_wait3A_82] : memref<20480x128xf32, #tpu.memory_space<hbm>> -> memref<128x128xf32, #tpu.memory_space<hbm>>
    tpu.wait_dma2 semaphore(%arg11 : memref<!tpu.dma_semaphore, #tpu.memory_space<semaphore_mem>>) src(%arg8 : memref<128x128xf32, #tpu.memory_space<vmem>>) dst(%dma_wait3A_83 : memref<128x128xf32, #tpu.memory_space<hbm>>)
    %add3A_84 = arith.constant 512 : i32
    %add3A_85 = arith.addi %mul3A_2, %add3A_84 : i32
    "tpu.region"() ({
      %run_scoped3A = tpu.sem_alloc : memref<!tpu.dma_semaphore, #tpu.memory_space<semaphore_mem>>
      %dma_start3A_104 = arith.constant 0 : i32
      %dma_start3A_105 = tpu.memref_slice %arg10[%add3A_85, %dma_start3A_104] : memref<10240x128xf32, #tpu.memory_space<vmem_shared>> -> memref<128x128xf32, #tpu.memory_space<vmem_shared>>
      %dma_start3A_106 = arith.constant 0 : i32
      %dma_start3A_107 = tpu.memref_slice %arg10[%add3A_85, %dma_start3A_106] : memref<10240x128xf32, #tpu.memory_space<vmem_shared>> -> memref<128x128xf32, #tpu.memory_space<vmem_shared>>
      tpu.enqueue_dma source(%dma_start3A_107 : memref<128x128xf32, #tpu.memory_space<vmem_shared>>) target(%arg8 : memref<128x128xf32, #tpu.memory_space<vmem>>) target_semaphore(%run_scoped3A : memref<!tpu.dma_semaphore, #tpu.memory_space<semaphore_mem>>)
      %dma_wait3A_108 = arith.constant 0 : i32
      %dma_wait3A_109 = tpu.memref_slice %arg10[%add3A_85, %dma_wait3A_108] : memref<10240x128xf32, #tpu.memory_space<vmem_shared>> -> memref<128x128xf32, #tpu.memory_space<vmem_shared>>
      %dma_wait3A_110 = arith.constant 0 : i32
      %dma_wait3A_111 = tpu.memref_slice %arg10[%add3A_85, %dma_wait3A_110] : memref<10240x128xf32, #tpu.memory_space<vmem_shared>> -> memref<128x128xf32, #tpu.memory_space<vmem_shared>>
      tpu.wait_dma2 semaphore(%run_scoped3A : memref<!tpu.dma_semaphore, #tpu.memory_space<semaphore_mem>>) src(%dma_wait3A_111 : memref<128x128xf32, #tpu.memory_space<vmem_shared>>) dst(%arg8 : memref<128x128xf32, #tpu.memory_space<vmem>>)
      tpu.yield
    }) : () -> ()
    %add3A_86 = arith.constant 512 : i32
    %add3A_87 = arith.addi %add3A_33, %add3A_86 : i32
    %dma_start3A_88 = arith.constant 0 : i32
    %dma_start3A_89 = tpu.memref_slice %arg5[%add3A_87, %dma_start3A_88] : memref<20480x128xf32, #tpu.memory_space<hbm>> -> memref<128x128xf32, #tpu.memory_space<hbm>>
    %dma_start3A_90 = arith.constant 0 : i32
    %dma_start3A_91 = tpu.memref_slice %arg5[%add3A_87, %dma_start3A_90] : memref<20480x128xf32, #tpu.memory_space<hbm>> -> memref<128x128xf32, #tpu.memory_space<hbm>>
    tpu.enqueue_dma source(%arg8 : memref<128x128xf32, #tpu.memory_space<vmem>>) target(%dma_start3A_91 : memref<128x128xf32, #tpu.memory_space<hbm>>) target_semaphore(%arg11 : memref<!tpu.dma_semaphore, #tpu.memory_space<semaphore_mem>>)
    %add3A_92 = arith.constant 384 : i32
    %add3A_93 = arith.addi %add3A_33, %add3A_92 : i32
    %dma_wait3A_94 = arith.constant 0 : i32
    %dma_wait3A_95 = tpu.memref_slice %arg5[%add3A_93, %dma_wait3A_94] : memref<20480x128xf32, #tpu.memory_space<hbm>> -> memref<128x128xf32, #tpu.memory_space<hbm>>
    %dma_wait3A_96 = arith.constant 0 : i32
    %dma_wait3A_97 = tpu.memref_slice %arg5[%add3A_93, %dma_wait3A_96] : memref<20480x128xf32, #tpu.memory_space<hbm>> -> memref<128x128xf32, #tpu.memory_space<hbm>>
    tpu.wait_dma2 semaphore(%arg12 : memref<!tpu.dma_semaphore, #tpu.memory_space<semaphore_mem>>) src(%arg9 : memref<128x128xf32, #tpu.memory_space<vmem>>) dst(%dma_wait3A_97 : memref<128x128xf32, #tpu.memory_space<hbm>>)
    %add3A_98 = arith.constant 512 : i32
    %add3A_99 = arith.addi %add3A_33, %add3A_98 : i32
    %dma_wait3A_100 = arith.constant 0 : i32
    %dma_wait3A_101 = tpu.memref_slice %arg5[%add3A_99, %dma_wait3A_100] : memref<20480x128xf32, #tpu.memory_space<hbm>> -> memref<128x128xf32, #tpu.memory_space<hbm>>
    %dma_wait3A_102 = arith.constant 0 : i32
    %dma_wait3A_103 = tpu.memref_slice %arg5[%add3A_99, %dma_wait3A_102] : memref<20480x128xf32, #tpu.memory_space<hbm>> -> memref<128x128xf32, #tpu.memory_space<hbm>>
    tpu.wait_dma2 semaphore(%arg11 : memref<!tpu.dma_semaphore, #tpu.memory_space<semaphore_mem>>) src(%arg8 : memref<128x128xf32, #tpu.memory_space<vmem>>) dst(%dma_wait3A_103 : memref<128x128xf32, #tpu.memory_space<hbm>>)
    return
  }
}

#map = affine_map<(d0, d1) -> (0, 0)>
#map1 = affine_map<(d0, d1) -> (0)>
module attributes {stable_mosaic.version = 14 : i64} {
  func.func @_seg_sum_body(%arg0: i32, %arg1: i32, %arg2: memref<10240x128xf32, #tpu.memory_space<hbm>>, %arg3: memref<327680xi32, #tpu.memory_space<hbm>>, %arg4: memref<327680xi32, #tpu.memory_space<hbm>>, %arg5: memref<64x128xf32, #tpu.memory_space<hbm>>, %arg6: memref<20480x128xf32, #tpu.memory_space<hbm>>, %arg7: memref<64xi32, #tpu.memory_space<vmem>>, %arg8: memref<64xi32, #tpu.memory_space<vmem>>, %arg9: memref<64xi32, #tpu.memory_space<vmem>>, %arg10: memref<64xi32, #tpu.memory_space<vmem>>, %arg11: memref<64xi32, #tpu.memory_space<vmem>>, %arg12: memref<64xi32, #tpu.memory_space<vmem>>, %arg13: memref<64xi32, #tpu.memory_space<vmem>>, %arg14: memref<64xi32, #tpu.memory_space<vmem>>, %arg15: memref<64x128xf32, #tpu.memory_space<vmem>>, %arg16: memref<64x128xf32, #tpu.memory_space<vmem>>, %arg17: memref<64x128xf32, #tpu.memory_space<vmem>>, %arg18: memref<64x128xf32, #tpu.memory_space<vmem>>, %arg19: memref<10240x128xf32, #tpu.memory_space<vmem_shared>>, %arg20: memref<!tpu.dma_semaphore, #tpu.memory_space<semaphore_mem>>, %arg21: memref<!tpu.dma_semaphore, #tpu.memory_space<semaphore_mem>>, %arg22: memref<!tpu.dma_semaphore, #tpu.memory_space<semaphore_mem>>, %arg23: memref<!tpu.dma_semaphore, #tpu.memory_space<semaphore_mem>>, %arg24: memref<!tpu.dma_semaphore, #tpu.memory_space<semaphore_mem>>, %arg25: memref<!tpu.dma_semaphore, #tpu.memory_space<semaphore_mem>>, %arg26: memref<!tpu.dma_semaphore, #tpu.memory_space<semaphore_mem>>, %arg27: memref<!tpu.dma_semaphore, #tpu.memory_space<semaphore_mem>>) attributes {dimension_semantics = [#tpu.dimension_semantics<core_parallel>, #tpu.dimension_semantics<subcore_parallel>], iteration_bounds = array<i64: 2, 16>, scalar_prefetch = 0 : i64, scratch_operands = 21 : i64, tpu.core_type = #tpu.core_type<sc_vector_subcore>, window_params = [{transform_indices = #map}, {transform_indices = #map1}, {transform_indices = #map1}, {transform_indices = #map}, {transform_indices = #map}]} {
    %mul3A = arith.constant 2 : i32
    %mul3A_0 = arith.muli %arg1, %mul3A : i32
    %add3A = arith.addi %mul3A_0, %arg0 : i32
    %mul3A_1 = arith.constant 640 : i32
    %mul3A_2 = arith.muli %arg1, %mul3A_1 : i32
    %mul3A_3 = arith.constant 10240 : i32
    %mul3A_4 = arith.muli %add3A, %mul3A_3 : i32
    %add3A_5 = arith.constant 0 : i32
    %add3A_6 = arith.addi %mul3A_4, %add3A_5 : i32
    %dma_start3A = tpu.memref_slice %arg3[%add3A_6] : memref<327680xi32, #tpu.memory_space<hbm>> -> memref<64xi32, #tpu.memory_space<hbm>>
    %dma_start3A_7 = tpu.memref_slice %arg3[%add3A_6] : memref<327680xi32, #tpu.memory_space<hbm>> -> memref<64xi32, #tpu.memory_space<hbm>>
    tpu.enqueue_dma source(%dma_start3A_7 : memref<64xi32, #tpu.memory_space<hbm>>) target(%arg7 : memref<64xi32, #tpu.memory_space<vmem>>) target_semaphore(%arg20 : memref<!tpu.dma_semaphore, #tpu.memory_space<semaphore_mem>>)
    %dma_start3A_8 = tpu.memref_slice %arg4[%add3A_6] : memref<327680xi32, #tpu.memory_space<hbm>> -> memref<64xi32, #tpu.memory_space<hbm>>
    %dma_start3A_9 = tpu.memref_slice %arg4[%add3A_6] : memref<327680xi32, #tpu.memory_space<hbm>> -> memref<64xi32, #tpu.memory_space<hbm>>
    tpu.enqueue_dma source(%dma_start3A_9 : memref<64xi32, #tpu.memory_space<hbm>>) target(%arg11 : memref<64xi32, #tpu.memory_space<vmem>>) target_semaphore(%arg20 : memref<!tpu.dma_semaphore, #tpu.memory_space<semaphore_mem>>)
    %add3A_10 = arith.constant 64 : i32
    %add3A_11 = arith.addi %mul3A_4, %add3A_10 : i32
    %dma_start3A_12 = tpu.memref_slice %arg3[%add3A_11] : memref<327680xi32, #tpu.memory_space<hbm>> -> memref<64xi32, #tpu.memory_space<hbm>>
    %dma_start3A_13 = tpu.memref_slice %arg3[%add3A_11] : memref<327680xi32, #tpu.memory_space<hbm>> -> memref<64xi32, #tpu.memory_space<hbm>>
    tpu.enqueue_dma source(%dma_start3A_13 : memref<64xi32, #tpu.memory_space<hbm>>) target(%arg8 : memref<64xi32, #tpu.memory_space<vmem>>) target_semaphore(%arg21 : memref<!tpu.dma_semaphore, #tpu.memory_space<semaphore_mem>>)
    %dma_start3A_14 = tpu.memref_slice %arg4[%add3A_11] : memref<327680xi32, #tpu.memory_space<hbm>> -> memref<64xi32, #tpu.memory_space<hbm>>
    %dma_start3A_15 = tpu.memref_slice %arg4[%add3A_11] : memref<327680xi32, #tpu.memory_space<hbm>> -> memref<64xi32, #tpu.memory_space<hbm>>
    tpu.enqueue_dma source(%dma_start3A_15 : memref<64xi32, #tpu.memory_space<hbm>>) target(%arg12 : memref<64xi32, #tpu.memory_space<vmem>>) target_semaphore(%arg21 : memref<!tpu.dma_semaphore, #tpu.memory_space<semaphore_mem>>)
    %add3A_16 = arith.constant 128 : i32
    %add3A_17 = arith.addi %mul3A_4, %add3A_16 : i32
    %dma_start3A_18 = tpu.memref_slice %arg3[%add3A_17] : memref<327680xi32, #tpu.memory_space<hbm>> -> memref<64xi32, #tpu.memory_space<hbm>>
    %dma_start3A_19 = tpu.memref_slice %arg3[%add3A_17] : memref<327680xi32, #tpu.memory_space<hbm>> -> memref<64xi32, #tpu.memory_space<hbm>>
    tpu.enqueue_dma source(%dma_start3A_19 : memref<64xi32, #tpu.memory_space<hbm>>) target(%arg9 : memref<64xi32, #tpu.memory_space<vmem>>) target_semaphore(%arg22 : memref<!tpu.dma_semaphore, #tpu.memory_space<semaphore_mem>>)
    %dma_start3A_20 = tpu.memref_slice %arg4[%add3A_17] : memref<327680xi32, #tpu.memory_space<hbm>> -> memref<64xi32, #tpu.memory_space<hbm>>
    %dma_start3A_21 = tpu.memref_slice %arg4[%add3A_17] : memref<327680xi32, #tpu.memory_space<hbm>> -> memref<64xi32, #tpu.memory_space<hbm>>
    tpu.enqueue_dma source(%dma_start3A_21 : memref<64xi32, #tpu.memory_space<hbm>>) target(%arg13 : memref<64xi32, #tpu.memory_space<vmem>>) target_semaphore(%arg22 : memref<!tpu.dma_semaphore, #tpu.memory_space<semaphore_mem>>)
    %add3A_22 = arith.constant 192 : i32
    %add3A_23 = arith.addi %mul3A_4, %add3A_22 : i32
    %dma_start3A_24 = tpu.memref_slice %arg3[%add3A_23] : memref<327680xi32, #tpu.memory_space<hbm>> -> memref<64xi32, #tpu.memory_space<hbm>>
    %dma_start3A_25 = tpu.memref_slice %arg3[%add3A_23] : memref<327680xi32, #tpu.memory_space<hbm>> -> memref<64xi32, #tpu.memory_space<hbm>>
    tpu.enqueue_dma source(%dma_start3A_25 : memref<64xi32, #tpu.memory_space<hbm>>) target(%arg10 : memref<64xi32, #tpu.memory_space<vmem>>) target_semaphore(%arg23 : memref<!tpu.dma_semaphore, #tpu.memory_space<semaphore_mem>>)
    %dma_start3A_26 = tpu.memref_slice %arg4[%add3A_23] : memref<327680xi32, #tpu.memory_space<hbm>> -> memref<64xi32, #tpu.memory_space<hbm>>
    %dma_start3A_27 = tpu.memref_slice %arg4[%add3A_23] : memref<327680xi32, #tpu.memory_space<hbm>> -> memref<64xi32, #tpu.memory_space<hbm>>
    tpu.enqueue_dma source(%dma_start3A_27 : memref<64xi32, #tpu.memory_space<hbm>>) target(%arg14 : memref<64xi32, #tpu.memory_space<vmem>>) target_semaphore(%arg23 : memref<!tpu.dma_semaphore, #tpu.memory_space<semaphore_mem>>)
    %add3A_28 = arith.constant 0 : i32
    %add3A_29 = arith.addi %mul3A_4, %add3A_28 : i32
    %dma_wait3A = tpu.memref_slice %arg3[%add3A_29] : memref<327680xi32, #tpu.memory_space<hbm>> -> memref<64xi32, #tpu.memory_space<hbm>>
    %dma_wait3A_30 = tpu.memref_slice %arg3[%add3A_29] : memref<327680xi32, #tpu.memory_space<hbm>> -> memref<64xi32, #tpu.memory_space<hbm>>
    tpu.wait_dma2 semaphore(%arg20 : memref<!tpu.dma_semaphore, #tpu.memory_space<semaphore_mem>>) src(%dma_wait3A_30 : memref<64xi32, #tpu.memory_space<hbm>>) dst(%arg7 : memref<64xi32, #tpu.memory_space<vmem>>)
    %dma_wait3A_31 = tpu.memref_slice %arg4[%add3A_29] : memref<327680xi32, #tpu.memory_space<hbm>> -> memref<64xi32, #tpu.memory_space<hbm>>
    %dma_wait3A_32 = tpu.memref_slice %arg4[%add3A_29] : memref<327680xi32, #tpu.memory_space<hbm>> -> memref<64xi32, #tpu.memory_space<hbm>>
    tpu.wait_dma2 semaphore(%arg20 : memref<!tpu.dma_semaphore, #tpu.memory_space<semaphore_mem>>) src(%dma_wait3A_32 : memref<64xi32, #tpu.memory_space<hbm>>) dst(%arg11 : memref<64xi32, #tpu.memory_space<vmem>>)
    %dma_start3A_33 = arith.constant 0 : i32
    %dma_start3A_34 = arith.constant 0 : i32
    %dma_start3A_35 = tpu.memref_slice %arg2[%dma_start3A_33, %dma_start3A_34] : memref<10240x128xf32, #tpu.memory_space<hbm>> -> memref<10240x128xf32, #tpu.memory_space<hbm>>
    tpu.enqueue_indirect_dma source(%dma_start3A_35 : memref<10240x128xf32, #tpu.memory_space<hbm>>) target(%arg15 : memref<64x128xf32, #tpu.memory_space<vmem>>) offsets(%arg7 : memref<64xi32, #tpu.memory_space<vmem>>) semaphore(%arg24 : memref<!tpu.dma_semaphore, #tpu.memory_space<semaphore_mem>>)
    %add3A_36 = arith.constant 64 : i32
    %add3A_37 = arith.addi %mul3A_4, %add3A_36 : i32
    %dma_wait3A_38 = tpu.memref_slice %arg3[%add3A_37] : memref<327680xi32, #tpu.memory_space<hbm>> -> memref<64xi32, #tpu.memory_space<hbm>>
    %dma_wait3A_39 = tpu.memref_slice %arg3[%add3A_37] : memref<327680xi32, #tpu.memory_space<hbm>> -> memref<64xi32, #tpu.memory_space<hbm>>
    tpu.wait_dma2 semaphore(%arg21 : memref<!tpu.dma_semaphore, #tpu.memory_space<semaphore_mem>>) src(%dma_wait3A_39 : memref<64xi32, #tpu.memory_space<hbm>>) dst(%arg8 : memref<64xi32, #tpu.memory_space<vmem>>)
    %dma_wait3A_40 = tpu.memref_slice %arg4[%add3A_37] : memref<327680xi32, #tpu.memory_space<hbm>> -> memref<64xi32, #tpu.memory_space<hbm>>
    %dma_wait3A_41 = tpu.memref_slice %arg4[%add3A_37] : memref<327680xi32, #tpu.memory_space<hbm>> -> memref<64xi32, #tpu.memory_space<hbm>>
    tpu.wait_dma2 semaphore(%arg21 : memref<!tpu.dma_semaphore, #tpu.memory_space<semaphore_mem>>) src(%dma_wait3A_41 : memref<64xi32, #tpu.memory_space<hbm>>) dst(%arg12 : memref<64xi32, #tpu.memory_space<vmem>>)
    %dma_start3A_42 = arith.constant 0 : i32
    %dma_start3A_43 = arith.constant 0 : i32
    %dma_start3A_44 = tpu.memref_slice %arg2[%dma_start3A_42, %dma_start3A_43] : memref<10240x128xf32, #tpu.memory_space<hbm>> -> memref<10240x128xf32, #tpu.memory_space<hbm>>
    tpu.enqueue_indirect_dma source(%dma_start3A_44 : memref<10240x128xf32, #tpu.memory_space<hbm>>) target(%arg16 : memref<64x128xf32, #tpu.memory_space<vmem>>) offsets(%arg8 : memref<64xi32, #tpu.memory_space<vmem>>) semaphore(%arg25 : memref<!tpu.dma_semaphore, #tpu.memory_space<semaphore_mem>>)
    %add3A_45 = arith.constant 128 : i32
    %add3A_46 = arith.addi %mul3A_4, %add3A_45 : i32
    %dma_wait3A_47 = tpu.memref_slice %arg3[%add3A_46] : memref<327680xi32, #tpu.memory_space<hbm>> -> memref<64xi32, #tpu.memory_space<hbm>>
    %dma_wait3A_48 = tpu.memref_slice %arg3[%add3A_46] : memref<327680xi32, #tpu.memory_space<hbm>> -> memref<64xi32, #tpu.memory_space<hbm>>
    tpu.wait_dma2 semaphore(%arg22 : memref<!tpu.dma_semaphore, #tpu.memory_space<semaphore_mem>>) src(%dma_wait3A_48 : memref<64xi32, #tpu.memory_space<hbm>>) dst(%arg9 : memref<64xi32, #tpu.memory_space<vmem>>)
    %dma_wait3A_49 = tpu.memref_slice %arg4[%add3A_46] : memref<327680xi32, #tpu.memory_space<hbm>> -> memref<64xi32, #tpu.memory_space<hbm>>
    %dma_wait3A_50 = tpu.memref_slice %arg4[%add3A_46] : memref<327680xi32, #tpu.memory_space<hbm>> -> memref<64xi32, #tpu.memory_space<hbm>>
    tpu.wait_dma2 semaphore(%arg22 : memref<!tpu.dma_semaphore, #tpu.memory_space<semaphore_mem>>) src(%dma_wait3A_50 : memref<64xi32, #tpu.memory_space<hbm>>) dst(%arg13 : memref<64xi32, #tpu.memory_space<vmem>>)
    %dma_start3A_51 = arith.constant 0 : i32
    %dma_start3A_52 = arith.constant 0 : i32
    %dma_start3A_53 = tpu.memref_slice %arg2[%dma_start3A_51, %dma_start3A_52] : memref<10240x128xf32, #tpu.memory_space<hbm>> -> memref<10240x128xf32, #tpu.memory_space<hbm>>
    tpu.enqueue_indirect_dma source(%dma_start3A_53 : memref<10240x128xf32, #tpu.memory_space<hbm>>) target(%arg17 : memref<64x128xf32, #tpu.memory_space<vmem>>) offsets(%arg9 : memref<64xi32, #tpu.memory_space<vmem>>) semaphore(%arg26 : memref<!tpu.dma_semaphore, #tpu.memory_space<semaphore_mem>>)
    "tpu.region"() ({
      %run_scoped3A = tpu.sem_alloc : memref<!tpu.dma_semaphore, #tpu.memory_space<semaphore_mem>>
      tpu.enqueue_dma source(%arg5 : memref<64x128xf32, #tpu.memory_space<hbm>>) target(%arg18 : memref<64x128xf32, #tpu.memory_space<vmem>>) target_semaphore(%run_scoped3A : memref<!tpu.dma_semaphore, #tpu.memory_space<semaphore_mem>>)
      tpu.wait_dma2 semaphore(%run_scoped3A : memref<!tpu.dma_semaphore, #tpu.memory_space<semaphore_mem>>) src(%arg5 : memref<64x128xf32, #tpu.memory_space<hbm>>) dst(%arg18 : memref<64x128xf32, #tpu.memory_space<vmem>>)
      tpu.yield
    }) : () -> ()
    %scan3A = arith.constant 0 : i32
    %scan3A_54 = arith.constant 0 : i32
    %scan3A_55 = arith.constant 10 : i32
    %scan3A_56 = arith.addi %scan3A_54, %scan3A_55 : i32
    %scan3A_57 = arith.constant 1 : i32
    scf.for %scan3A_230 = %scan3A_54 to %scan3A_56 step %scan3A_57  : i32 {
      %mul3A_231 = arith.constant 64 : i32
      %mul3A_232 = arith.muli %scan3A_230, %mul3A_231 : i32
      %add3A_233 = arith.addi %mul3A_2, %mul3A_232 : i32
      "tpu.region"() ({
        %run_scoped3A = tpu.sem_alloc : memref<!tpu.dma_semaphore, #tpu.memory_space<semaphore_mem>>
        %dma_start3A_234 = arith.constant 0 : i32
        %dma_start3A_235 = tpu.memref_slice %arg19[%add3A_233, %dma_start3A_234] : memref<10240x128xf32, #tpu.memory_space<vmem_shared>> -> memref<64x128xf32, #tpu.memory_space<vmem_shared>>
        %dma_start3A_236 = arith.constant 0 : i32
        %dma_start3A_237 = tpu.memref_slice %arg19[%add3A_233, %dma_start3A_236] : memref<10240x128xf32, #tpu.memory_space<vmem_shared>> -> memref<64x128xf32, #tpu.memory_space<vmem_shared>>
        tpu.enqueue_dma source(%arg18 : memref<64x128xf32, #tpu.memory_space<vmem>>) target(%dma_start3A_237 : memref<64x128xf32, #tpu.memory_space<vmem_shared>>) target_semaphore(%run_scoped3A : memref<!tpu.dma_semaphore, #tpu.memory_space<semaphore_mem>>)
        %dma_wait3A_238 = arith.constant 0 : i32
        %dma_wait3A_239 = tpu.memref_slice %arg19[%add3A_233, %dma_wait3A_238] : memref<10240x128xf32, #tpu.memory_space<vmem_shared>> -> memref<64x128xf32, #tpu.memory_space<vmem_shared>>
        %dma_wait3A_240 = arith.constant 0 : i32
        %dma_wait3A_241 = tpu.memref_slice %arg19[%add3A_233, %dma_wait3A_240] : memref<10240x128xf32, #tpu.memory_space<vmem_shared>> -> memref<64x128xf32, #tpu.memory_space<vmem_shared>>
        tpu.wait_dma2 semaphore(%run_scoped3A : memref<!tpu.dma_semaphore, #tpu.memory_space<semaphore_mem>>) src(%arg18 : memref<64x128xf32, #tpu.memory_space<vmem>>) dst(%dma_wait3A_241 : memref<64x128xf32, #tpu.memory_space<vmem_shared>>)
        tpu.yield
      }) : () -> ()
    }
    %scan3A_58 = arith.constant 10 : i32
    %barrier3A = arith.constant 0 : index
    tpu.barrier barrier_id(%barrier3A)
    %scan3A_59 = arith.constant 0 : i32
    %scan3A_60 = arith.constant 0 : i32
    %scan3A_61 = arith.constant 39 : i32
    %scan3A_62 = arith.addi %scan3A_60, %scan3A_61 : i32
    %scan3A_63 = arith.constant 1 : i32
    scf.for %scan3A_230 = %scan3A_60 to %scan3A_62 step %scan3A_63  : i32 {
      %mul3A_231 = arith.constant 4 : i32
      %mul3A_232 = arith.muli %mul3A_231, %scan3A_230 : i32
      %add3A_233 = arith.constant 0 : i32
      %add3A_234 = arith.addi %mul3A_232, %add3A_233 : i32
      %dma_wait3A_235 = arith.constant 0 : i32
      %dma_wait3A_236 = arith.constant 0 : i32
      %dma_wait3A_237 = tpu.memref_slice %arg2[%dma_wait3A_235, %dma_wait3A_236] : memref<10240x128xf32, #tpu.memory_space<hbm>> -> memref<10240x128xf32, #tpu.memory_space<hbm>>
      tpu.wait_indirect_dma semaphore(%arg24 : memref<!tpu.dma_semaphore, #tpu.memory_space<semaphore_mem>>) src(%dma_wait3A_237 : memref<10240x128xf32, #tpu.memory_space<hbm>>) dst(%arg15 : memref<64x128xf32, #tpu.memory_space<vmem>>)
      %add3A_238 = arith.constant 4 : i32
      %add3A_239 = arith.addi %add3A_234, %add3A_238 : i32
      %sub3A = arith.constant 1 : i32
      %sub3A_240 = arith.subi %add3A_239, %sub3A : i32
      %mul3A_241 = arith.constant 64 : i32
      %mul3A_242 = arith.muli %sub3A_240, %mul3A_241 : i32
      %add3A_243 = arith.addi %mul3A_4, %mul3A_242 : i32
      %dma_wait3A_244 = tpu.memref_slice %arg3[%add3A_243] : memref<327680xi32, #tpu.memory_space<hbm>> -> memref<64xi32, #tpu.memory_space<hbm>>
      %dma_wait3A_245 = tpu.memref_slice %arg3[%add3A_243] : memref<327680xi32, #tpu.memory_space<hbm>> -> memref<64xi32, #tpu.memory_space<hbm>>
      tpu.wait_dma2 semaphore(%arg23 : memref<!tpu.dma_semaphore, #tpu.memory_space<semaphore_mem>>) src(%dma_wait3A_245 : memref<64xi32, #tpu.memory_space<hbm>>) dst(%arg10 : memref<64xi32, #tpu.memory_space<vmem>>)
      %dma_wait3A_246 = tpu.memref_slice %arg4[%add3A_243] : memref<327680xi32, #tpu.memory_space<hbm>> -> memref<64xi32, #tpu.memory_space<hbm>>
      %dma_wait3A_247 = tpu.memref_slice %arg4[%add3A_243] : memref<327680xi32, #tpu.memory_space<hbm>> -> memref<64xi32, #tpu.memory_space<hbm>>
      tpu.wait_dma2 semaphore(%arg23 : memref<!tpu.dma_semaphore, #tpu.memory_space<semaphore_mem>>) src(%dma_wait3A_247 : memref<64xi32, #tpu.memory_space<hbm>>) dst(%arg14 : memref<64xi32, #tpu.memory_space<vmem>>)
      %dma_start3A_248 = arith.constant 0 : i32
      %dma_start3A_249 = arith.constant 0 : i32
      %dma_start3A_250 = tpu.memref_slice %arg2[%dma_start3A_248, %dma_start3A_249] : memref<10240x128xf32, #tpu.memory_space<hbm>> -> memref<10240x128xf32, #tpu.memory_space<hbm>>
      tpu.enqueue_indirect_dma source(%dma_start3A_250 : memref<10240x128xf32, #tpu.memory_space<hbm>>) target(%arg18 : memref<64x128xf32, #tpu.memory_space<vmem>>) offsets(%arg10 : memref<64xi32, #tpu.memory_space<vmem>>) semaphore(%arg27 : memref<!tpu.dma_semaphore, #tpu.memory_space<semaphore_mem>>)
      "tpu.region"() ({
        %run_scoped3A = tpu.sem_alloc : memref<!tpu.dma_semaphore, #tpu.memory_space<semaphore_mem>>
        %dma_start3A_350 = arith.constant 0 : i32
        %dma_start3A_351 = arith.constant 0 : i32
        %dma_start3A_352 = tpu.memref_slice %arg19[%dma_start3A_350, %dma_start3A_351] : memref<10240x128xf32, #tpu.memory_space<vmem_shared>> -> memref<10240x128xf32, #tpu.memory_space<vmem_shared>>
        tpu.enqueue_indirect_dma source(%arg15 : memref<64x128xf32, #tpu.memory_space<vmem>>) target(%dma_start3A_352 : memref<10240x128xf32, #tpu.memory_space<vmem_shared>>) offsets(%arg11 : memref<64xi32, #tpu.memory_space<vmem>>) semaphore(%run_scoped3A : memref<!tpu.dma_semaphore, #tpu.memory_space<semaphore_mem>>) {add = true}
        %dma_wait3A_353 = arith.constant 0 : i32
        %dma_wait3A_354 = arith.constant 0 : i32
        %dma_wait3A_355 = tpu.memref_slice %arg19[%dma_wait3A_353, %dma_wait3A_354] : memref<10240x128xf32, #tpu.memory_space<vmem_shared>> -> memref<10240x128xf32, #tpu.memory_space<vmem_shared>>
        tpu.wait_indirect_dma semaphore(%run_scoped3A : memref<!tpu.dma_semaphore, #tpu.memory_space<semaphore_mem>>) src(%arg15 : memref<64x128xf32, #tpu.memory_space<vmem>>) dst(%dma_wait3A_355 : memref<10240x128xf32, #tpu.memory_space<vmem_shared>>)
        tpu.yield
      }) : () -> ()
      %add3A_251 = arith.constant 4 : i32
      %add3A_252 = arith.addi %add3A_234, %add3A_251 : i32
      %mul3A_253 = arith.constant 64 : i32
      %mul3A_254 = arith.muli %add3A_252, %mul3A_253 : i32
      %add3A_255 = arith.addi %mul3A_4, %mul3A_254 : i32
      %dma_start3A_256 = tpu.memref_slice %arg3[%add3A_255] : memref<327680xi32, #tpu.memory_space<hbm>> -> memref<64xi32, #tpu.memory_space<hbm>>
      %dma_start3A_257 = tpu.memref_slice %arg3[%add3A_255] : memref<327680xi32, #tpu.memory_space<hbm>> -> memref<64xi32, #tpu.memory_space<hbm>>
      tpu.enqueue_dma source(%dma_start3A_257 : memref<64xi32, #tpu.memory_space<hbm>>) target(%arg7 : memref<64xi32, #tpu.memory_space<vmem>>) target_semaphore(%arg20 : memref<!tpu.dma_semaphore, #tpu.memory_space<semaphore_mem>>)
      %dma_start3A_258 = tpu.memref_slice %arg4[%add3A_255] : memref<327680xi32, #tpu.memory_space<hbm>> -> memref<64xi32, #tpu.memory_space<hbm>>
      %dma_start3A_259 = tpu.memref_slice %arg4[%add3A_255] : memref<327680xi32, #tpu.memory_space<hbm>> -> memref<64xi32, #tpu.memory_space<hbm>>
      tpu.enqueue_dma source(%dma_start3A_259 : memref<64xi32, #tpu.memory_space<hbm>>) target(%arg11 : memref<64xi32, #tpu.memory_space<vmem>>) target_semaphore(%arg20 : memref<!tpu.dma_semaphore, #tpu.memory_space<semaphore_mem>>)
      %mul3A_260 = arith.constant 4 : i32
      %mul3A_261 = arith.muli %mul3A_260, %scan3A_230 : i32
      %add3A_262 = arith.constant 1 : i32
      %add3A_263 = arith.addi %mul3A_261, %add3A_262 : i32
      %dma_wait3A_264 = arith.constant 0 : i32
      %dma_wait3A_265 = arith.constant 0 : i32
      %dma_wait3A_266 = tpu.memref_slice %arg2[%dma_wait3A_264, %dma_wait3A_265] : memref<10240x128xf32, #tpu.memory_space<hbm>> -> memref<10240x128xf32, #tpu.memory_space<hbm>>
      tpu.wait_indirect_dma semaphore(%arg25 : memref<!tpu.dma_semaphore, #tpu.memory_space<semaphore_mem>>) src(%dma_wait3A_266 : memref<10240x128xf32, #tpu.memory_space<hbm>>) dst(%arg16 : memref<64x128xf32, #tpu.memory_space<vmem>>)
      %add3A_267 = arith.constant 4 : i32
      %add3A_268 = arith.addi %add3A_263, %add3A_267 : i32
      %sub3A_269 = arith.constant 1 : i32
      %sub3A_270 = arith.subi %add3A_268, %sub3A_269 : i32
      %mul3A_271 = arith.constant 64 : i32
      %mul3A_272 = arith.muli %sub3A_270, %mul3A_271 : i32
      %add3A_273 = arith.addi %mul3A_4, %mul3A_272 : i32
      %dma_wait3A_274 = tpu.memref_slice %arg3[%add3A_273] : memref<327680xi32, #tpu.memory_space<hbm>> -> memref<64xi32, #tpu.memory_space<hbm>>
      %dma_wait3A_275 = tpu.memref_slice %arg3[%add3A_273] : memref<327680xi32, #tpu.memory_space<hbm>> -> memref<64xi32, #tpu.memory_space<hbm>>
      tpu.wait_dma2 semaphore(%arg20 : memref<!tpu.dma_semaphore, #tpu.memory_space<semaphore_mem>>) src(%dma_wait3A_275 : memref<64xi32, #tpu.memory_space<hbm>>) dst(%arg7 : memref<64xi32, #tpu.memory_space<vmem>>)
      %dma_wait3A_276 = tpu.memref_slice %arg4[%add3A_273] : memref<327680xi32, #tpu.memory_space<hbm>> -> memref<64xi32, #tpu.memory_space<hbm>>
      %dma_wait3A_277 = tpu.memref_slice %arg4[%add3A_273] : memref<327680xi32, #tpu.memory_space<hbm>> -> memref<64xi32, #tpu.memory_space<hbm>>
      tpu.wait_dma2 semaphore(%arg20 : memref<!tpu.dma_semaphore, #tpu.memory_space<semaphore_mem>>) src(%dma_wait3A_277 : memref<64xi32, #tpu.memory_space<hbm>>) dst(%arg11 : memref<64xi32, #tpu.memory_space<vmem>>)
      %dma_start3A_278 = arith.constant 0 : i32
      %dma_start3A_279 = arith.constant 0 : i32
      %dma_start3A_280 = tpu.memref_slice %arg2[%dma_start3A_278, %dma_start3A_279] : memref<10240x128xf32, #tpu.memory_space<hbm>> -> memref<10240x128xf32, #tpu.memory_space<hbm>>
      tpu.enqueue_indirect_dma source(%dma_start3A_280 : memref<10240x128xf32, #tpu.memory_space<hbm>>) target(%arg15 : memref<64x128xf32, #tpu.memory_space<vmem>>) offsets(%arg7 : memref<64xi32, #tpu.memory_space<vmem>>) semaphore(%arg24 : memref<!tpu.dma_semaphore, #tpu.memory_space<semaphore_mem>>)
      "tpu.region"() ({
        %run_scoped3A = tpu.sem_alloc : memref<!tpu.dma_semaphore, #tpu.memory_space<semaphore_mem>>
        %dma_start3A_350 = arith.constant 0 : i32
        %dma_start3A_351 = arith.constant 0 : i32
        %dma_start3A_352 = tpu.memref_slice %arg19[%dma_start3A_350, %dma_start3A_351] : memref<10240x128xf32, #tpu.memory_space<vmem_shared>> -> memref<10240x128xf32, #tpu.memory_space<vmem_shared>>
        tpu.enqueue_indirect_dma source(%arg16 : memref<64x128xf32, #tpu.memory_space<vmem>>) target(%dma_start3A_352 : memref<10240x128xf32, #tpu.memory_space<vmem_shared>>) offsets(%arg12 : memref<64xi32, #tpu.memory_space<vmem>>) semaphore(%run_scoped3A : memref<!tpu.dma_semaphore, #tpu.memory_space<semaphore_mem>>) {add = true}
        %dma_wait3A_353 = arith.constant 0 : i32
        %dma_wait3A_354 = arith.constant 0 : i32
        %dma_wait3A_355 = tpu.memref_slice %arg19[%dma_wait3A_353, %dma_wait3A_354] : memref<10240x128xf32, #tpu.memory_space<vmem_shared>> -> memref<10240x128xf32, #tpu.memory_space<vmem_shared>>
        tpu.wait_indirect_dma semaphore(%run_scoped3A : memref<!tpu.dma_semaphore, #tpu.memory_space<semaphore_mem>>) src(%arg16 : memref<64x128xf32, #tpu.memory_space<vmem>>) dst(%dma_wait3A_355 : memref<10240x128xf32, #tpu.memory_space<vmem_shared>>)
        tpu.yield
      }) : () -> ()
      %add3A_281 = arith.constant 4 : i32
      %add3A_282 = arith.addi %add3A_263, %add3A_281 : i32
      %mul3A_283 = arith.constant 64 : i32
      %mul3A_284 = arith.muli %add3A_282, %mul3A_283 : i32
      %add3A_285 = arith.addi %mul3A_4, %mul3A_284 : i32
      %dma_start3A_286 = tpu.memref_slice %arg3[%add3A_285] : memref<327680xi32, #tpu.memory_space<hbm>> -> memref<64xi32, #tpu.memory_space<hbm>>
      %dma_start3A_287 = tpu.memref_slice %arg3[%add3A_285] : memref<327680xi32, #tpu.memory_space<hbm>> -> memref<64xi32, #tpu.memory_space<hbm>>
      tpu.enqueue_dma source(%dma_start3A_287 : memref<64xi32, #tpu.memory_space<hbm>>) target(%arg8 : memref<64xi32, #tpu.memory_space<vmem>>) target_semaphore(%arg21 : memref<!tpu.dma_semaphore, #tpu.memory_space<semaphore_mem>>)
      %dma_start3A_288 = tpu.memref_slice %arg4[%add3A_285] : memref<327680xi32, #tpu.memory_space<hbm>> -> memref<64xi32, #tpu.memory_space<hbm>>
      %dma_start3A_289 = tpu.memref_slice %arg4[%add3A_285] : memref<327680xi32, #tpu.memory_space<hbm>> -> memref<64xi32, #tpu.memory_space<hbm>>
      tpu.enqueue_dma source(%dma_start3A_289 : memref<64xi32, #tpu.memory_space<hbm>>) target(%arg12 : memref<64xi32, #tpu.memory_space<vmem>>) target_semaphore(%arg21 : memref<!tpu.dma_semaphore, #tpu.memory_space<semaphore_mem>>)
      %mul3A_290 = arith.constant 4 : i32
      %mul3A_291 = arith.muli %mul3A_290, %scan3A_230 : i32
      %add3A_292 = arith.constant 2 : i32
      %add3A_293 = arith.addi %mul3A_291, %add3A_292 : i32
      %dma_wait3A_294 = arith.constant 0 : i32
      %dma_wait3A_295 = arith.constant 0 : i32
      %dma_wait3A_296 = tpu.memref_slice %arg2[%dma_wait3A_294, %dma_wait3A_295] : memref<10240x128xf32, #tpu.memory_space<hbm>> -> memref<10240x128xf32, #tpu.memory_space<hbm>>
      tpu.wait_indirect_dma semaphore(%arg26 : memref<!tpu.dma_semaphore, #tpu.memory_space<semaphore_mem>>) src(%dma_wait3A_296 : memref<10240x128xf32, #tpu.memory_space<hbm>>) dst(%arg17 : memref<64x128xf32, #tpu.memory_space<vmem>>)
      %add3A_297 = arith.constant 4 : i32
      %add3A_298 = arith.addi %add3A_293, %add3A_297 : i32
      %sub3A_299 = arith.constant 1 : i32
      %sub3A_300 = arith.subi %add3A_298, %sub3A_299 : i32
      %mul3A_301 = arith.constant 64 : i32
      %mul3A_302 = arith.muli %sub3A_300, %mul3A_301 : i32
      %add3A_303 = arith.addi %mul3A_4, %mul3A_302 : i32
      %dma_wait3A_304 = tpu.memref_slice %arg3[%add3A_303] : memref<327680xi32, #tpu.memory_space<hbm>> -> memref<64xi32, #tpu.memory_space<hbm>>
      %dma_wait3A_305 = tpu.memref_slice %arg3[%add3A_303] : memref<327680xi32, #tpu.memory_space<hbm>> -> memref<64xi32, #tpu.memory_space<hbm>>
      tpu.wait_dma2 semaphore(%arg21 : memref<!tpu.dma_semaphore, #tpu.memory_space<semaphore_mem>>) src(%dma_wait3A_305 : memref<64xi32, #tpu.memory_space<hbm>>) dst(%arg8 : memref<64xi32, #tpu.memory_space<vmem>>)
      %dma_wait3A_306 = tpu.memref_slice %arg4[%add3A_303] : memref<327680xi32, #tpu.memory_space<hbm>> -> memref<64xi32, #tpu.memory_space<hbm>>
      %dma_wait3A_307 = tpu.memref_slice %arg4[%add3A_303] : memref<327680xi32, #tpu.memory_space<hbm>> -> memref<64xi32, #tpu.memory_space<hbm>>
      tpu.wait_dma2 semaphore(%arg21 : memref<!tpu.dma_semaphore, #tpu.memory_space<semaphore_mem>>) src(%dma_wait3A_307 : memref<64xi32, #tpu.memory_space<hbm>>) dst(%arg12 : memref<64xi32, #tpu.memory_space<vmem>>)
      %dma_start3A_308 = arith.constant 0 : i32
      %dma_start3A_309 = arith.constant 0 : i32
      %dma_start3A_310 = tpu.memref_slice %arg2[%dma_start3A_308, %dma_start3A_309] : memref<10240x128xf32, #tpu.memory_space<hbm>> -> memref<10240x128xf32, #tpu.memory_space<hbm>>
      tpu.enqueue_indirect_dma source(%dma_start3A_310 : memref<10240x128xf32, #tpu.memory_space<hbm>>) target(%arg16 : memref<64x128xf32, #tpu.memory_space<vmem>>) offsets(%arg8 : memref<64xi32, #tpu.memory_space<vmem>>) semaphore(%arg25 : memref<!tpu.dma_semaphore, #tpu.memory_space<semaphore_mem>>)
      "tpu.region"() ({
        %run_scoped3A = tpu.sem_alloc : memref<!tpu.dma_semaphore, #tpu.memory_space<semaphore_mem>>
        %dma_start3A_350 = arith.constant 0 : i32
        %dma_start3A_351 = arith.constant 0 : i32
        %dma_start3A_352 = tpu.memref_slice %arg19[%dma_start3A_350, %dma_start3A_351] : memref<10240x128xf32, #tpu.memory_space<vmem_shared>> -> memref<10240x128xf32, #tpu.memory_space<vmem_shared>>
        tpu.enqueue_indirect_dma source(%arg17 : memref<64x128xf32, #tpu.memory_space<vmem>>) target(%dma_start3A_352 : memref<10240x128xf32, #tpu.memory_space<vmem_shared>>) offsets(%arg13 : memref<64xi32, #tpu.memory_space<vmem>>) semaphore(%run_scoped3A : memref<!tpu.dma_semaphore, #tpu.memory_space<semaphore_mem>>) {add = true}
        %dma_wait3A_353 = arith.constant 0 : i32
        %dma_wait3A_354 = arith.constant 0 : i32
        %dma_wait3A_355 = tpu.memref_slice %arg19[%dma_wait3A_353, %dma_wait3A_354] : memref<10240x128xf32, #tpu.memory_space<vmem_shared>> -> memref<10240x128xf32, #tpu.memory_space<vmem_shared>>
        tpu.wait_indirect_dma semaphore(%run_scoped3A : memref<!tpu.dma_semaphore, #tpu.memory_space<semaphore_mem>>) src(%arg17 : memref<64x128xf32, #tpu.memory_space<vmem>>) dst(%dma_wait3A_355 : memref<10240x128xf32, #tpu.memory_space<vmem_shared>>)
        tpu.yield
      }) : () -> ()
      %add3A_311 = arith.constant 4 : i32
      %add3A_312 = arith.addi %add3A_293, %add3A_311 : i32
      %mul3A_313 = arith.constant 64 : i32
      %mul3A_314 = arith.muli %add3A_312, %mul3A_313 : i32
      %add3A_315 = arith.addi %mul3A_4, %mul3A_314 : i32
      %dma_start3A_316 = tpu.memref_slice %arg3[%add3A_315] : memref<327680xi32, #tpu.memory_space<hbm>> -> memref<64xi32, #tpu.memory_space<hbm>>
      %dma_start3A_317 = tpu.memref_slice %arg3[%add3A_315] : memref<327680xi32, #tpu.memory_space<hbm>> -> memref<64xi32, #tpu.memory_space<hbm>>
      tpu.enqueue_dma source(%dma_start3A_317 : memref<64xi32, #tpu.memory_space<hbm>>) target(%arg9 : memref<64xi32, #tpu.memory_space<vmem>>) target_semaphore(%arg22 : memref<!tpu.dma_semaphore, #tpu.memory_space<semaphore_mem>>)
      %dma_start3A_318 = tpu.memref_slice %arg4[%add3A_315] : memref<327680xi32, #tpu.memory_space<hbm>> -> memref<64xi32, #tpu.memory_space<hbm>>
      %dma_start3A_319 = tpu.memref_slice %arg4[%add3A_315] : memref<327680xi32, #tpu.memory_space<hbm>> -> memref<64xi32, #tpu.memory_space<hbm>>
      tpu.enqueue_dma source(%dma_start3A_319 : memref<64xi32, #tpu.memory_space<hbm>>) target(%arg13 : memref<64xi32, #tpu.memory_space<vmem>>) target_semaphore(%arg22 : memref<!tpu.dma_semaphore, #tpu.memory_space<semaphore_mem>>)
      %mul3A_320 = arith.constant 4 : i32
      %mul3A_321 = arith.muli %mul3A_320, %scan3A_230 : i32
      %add3A_322 = arith.constant 3 : i32
      %add3A_323 = arith.addi %mul3A_321, %add3A_322 : i32
      %dma_wait3A_324 = arith.constant 0 : i32
      %dma_wait3A_325 = arith.constant 0 : i32
      %dma_wait3A_326 = tpu.memref_slice %arg2[%dma_wait3A_324, %dma_wait3A_325] : memref<10240x128xf32, #tpu.memory_space<hbm>> -> memref<10240x128xf32, #tpu.memory_space<hbm>>
      tpu.wait_indirect_dma semaphore(%arg27 : memref<!tpu.dma_semaphore, #tpu.memory_space<semaphore_mem>>) src(%dma_wait3A_326 : memref<10240x128xf32, #tpu.memory_space<hbm>>) dst(%arg18 : memref<64x128xf32, #tpu.memory_space<vmem>>)
      %add3A_327 = arith.constant 4 : i32
      %add3A_328 = arith.addi %add3A_323, %add3A_327 : i32
      %sub3A_329 = arith.constant 1 : i32
      %sub3A_330 = arith.subi %add3A_328, %sub3A_329 : i32
      %mul3A_331 = arith.constant 64 : i32
      %mul3A_332 = arith.muli %sub3A_330, %mul3A_331 : i32
      %add3A_333 = arith.addi %mul3A_4, %mul3A_332 : i32
      %dma_wait3A_334 = tpu.memref_slice %arg3[%add3A_333] : memref<327680xi32, #tpu.memory_space<hbm>> -> memref<64xi32, #tpu.memory_space<hbm>>
      %dma_wait3A_335 = tpu.memref_slice %arg3[%add3A_333] : memref<327680xi32, #tpu.memory_space<hbm>> -> memref<64xi32, #tpu.memory_space<hbm>>
      tpu.wait_dma2 semaphore(%arg22 : memref<!tpu.dma_semaphore, #tpu.memory_space<semaphore_mem>>) src(%dma_wait3A_335 : memref<64xi32, #tpu.memory_space<hbm>>) dst(%arg9 : memref<64xi32, #tpu.memory_space<vmem>>)
      %dma_wait3A_336 = tpu.memref_slice %arg4[%add3A_333] : memref<327680xi32, #tpu.memory_space<hbm>> -> memref<64xi32, #tpu.memory_space<hbm>>
      %dma_wait3A_337 = tpu.memref_slice %arg4[%add3A_333] : memref<327680xi32, #tpu.memory_space<hbm>> -> memref<64xi32, #tpu.memory_space<hbm>>
      tpu.wait_dma2 semaphore(%arg22 : memref<!tpu.dma_semaphore, #tpu.memory_space<semaphore_mem>>) src(%dma_wait3A_337 : memref<64xi32, #tpu.memory_space<hbm>>) dst(%arg13 : memref<64xi32, #tpu.memory_space<vmem>>)
      %dma_start3A_338 = arith.constant 0 : i32
      %dma_start3A_339 = arith.constant 0 : i32
      %dma_start3A_340 = tpu.memref_slice %arg2[%dma_start3A_338, %dma_start3A_339] : memref<10240x128xf32, #tpu.memory_space<hbm>> -> memref<10240x128xf32, #tpu.memory_space<hbm>>
      tpu.enqueue_indirect_dma source(%dma_start3A_340 : memref<10240x128xf32, #tpu.memory_space<hbm>>) target(%arg17 : memref<64x128xf32, #tpu.memory_space<vmem>>) offsets(%arg9 : memref<64xi32, #tpu.memory_space<vmem>>) semaphore(%arg26 : memref<!tpu.dma_semaphore, #tpu.memory_space<semaphore_mem>>)
      "tpu.region"() ({
        %run_scoped3A = tpu.sem_alloc : memref<!tpu.dma_semaphore, #tpu.memory_space<semaphore_mem>>
        %dma_start3A_350 = arith.constant 0 : i32
        %dma_start3A_351 = arith.constant 0 : i32
        %dma_start3A_352 = tpu.memref_slice %arg19[%dma_start3A_350, %dma_start3A_351] : memref<10240x128xf32, #tpu.memory_space<vmem_shared>> -> memref<10240x128xf32, #tpu.memory_space<vmem_shared>>
        tpu.enqueue_indirect_dma source(%arg18 : memref<64x128xf32, #tpu.memory_space<vmem>>) target(%dma_start3A_352 : memref<10240x128xf32, #tpu.memory_space<vmem_shared>>) offsets(%arg14 : memref<64xi32, #tpu.memory_space<vmem>>) semaphore(%run_scoped3A : memref<!tpu.dma_semaphore, #tpu.memory_space<semaphore_mem>>) {add = true}
        %dma_wait3A_353 = arith.constant 0 : i32
        %dma_wait3A_354 = arith.constant 0 : i32
        %dma_wait3A_355 = tpu.memref_slice %arg19[%dma_wait3A_353, %dma_wait3A_354] : memref<10240x128xf32, #tpu.memory_space<vmem_shared>> -> memref<10240x128xf32, #tpu.memory_space<vmem_shared>>
        tpu.wait_indirect_dma semaphore(%run_scoped3A : memref<!tpu.dma_semaphore, #tpu.memory_space<semaphore_mem>>) src(%arg18 : memref<64x128xf32, #tpu.memory_space<vmem>>) dst(%dma_wait3A_355 : memref<10240x128xf32, #tpu.memory_space<vmem_shared>>)
        tpu.yield
      }) : () -> ()
      %add3A_341 = arith.constant 4 : i32
      %add3A_342 = arith.addi %add3A_323, %add3A_341 : i32
      %mul3A_343 = arith.constant 64 : i32
      %mul3A_344 = arith.muli %add3A_342, %mul3A_343 : i32
      %add3A_345 = arith.addi %mul3A_4, %mul3A_344 : i32
      %dma_start3A_346 = tpu.memref_slice %arg3[%add3A_345] : memref<327680xi32, #tpu.memory_space<hbm>> -> memref<64xi32, #tpu.memory_space<hbm>>
      %dma_start3A_347 = tpu.memref_slice %arg3[%add3A_345] : memref<327680xi32, #tpu.memory_space<hbm>> -> memref<64xi32, #tpu.memory_space<hbm>>
      tpu.enqueue_dma source(%dma_start3A_347 : memref<64xi32, #tpu.memory_space<hbm>>) target(%arg10 : memref<64xi32, #tpu.memory_space<vmem>>) target_semaphore(%arg23 : memref<!tpu.dma_semaphore, #tpu.memory_space<semaphore_mem>>)
      %dma_start3A_348 = tpu.memref_slice %arg4[%add3A_345] : memref<327680xi32, #tpu.memory_space<hbm>> -> memref<64xi32, #tpu.memory_space<hbm>>
      %dma_start3A_349 = tpu.memref_slice %arg4[%add3A_345] : memref<327680xi32, #tpu.memory_space<hbm>> -> memref<64xi32, #tpu.memory_space<hbm>>
      tpu.enqueue_dma source(%dma_start3A_349 : memref<64xi32, #tpu.memory_space<hbm>>) target(%arg14 : memref<64xi32, #tpu.memory_space<vmem>>) target_semaphore(%arg23 : memref<!tpu.dma_semaphore, #tpu.memory_space<semaphore_mem>>)
    }
    %scan3A_64 = arith.constant 39 : i32
    %dma_wait3A_65 = arith.constant 0 : i32
    %dma_wait3A_66 = arith.constant 0 : i32
    %dma_wait3A_67 = tpu.memref_slice %arg2[%dma_wait3A_65, %dma_wait3A_66] : memref<10240x128xf32, #tpu.memory_space<hbm>> -> memref<10240x128xf32, #tpu.memory_space<hbm>>
    tpu.wait_indirect_dma semaphore(%arg24 : memref<!tpu.dma_semaphore, #tpu.memory_space<semaphore_mem>>) src(%dma_wait3A_67 : memref<10240x128xf32, #tpu.memory_space<hbm>>) dst(%arg15 : memref<64x128xf32, #tpu.memory_space<vmem>>)
    %add3A_68 = arith.constant 10176 : i32
    %add3A_69 = arith.addi %mul3A_4, %add3A_68 : i32
    %dma_wait3A_70 = tpu.memref_slice %arg3[%add3A_69] : memref<327680xi32, #tpu.memory_space<hbm>> -> memref<64xi32, #tpu.memory_space<hbm>>
    %dma_wait3A_71 = tpu.memref_slice %arg3[%add3A_69] : memref<327680xi32, #tpu.memory_space<hbm>> -> memref<64xi32, #tpu.memory_space<hbm>>
    tpu.wait_dma2 semaphore(%arg23 : memref<!tpu.dma_semaphore, #tpu.memory_space<semaphore_mem>>) src(%dma_wait3A_71 : memref<64xi32, #tpu.memory_space<hbm>>) dst(%arg10 : memref<64xi32, #tpu.memory_space<vmem>>)
    %dma_wait3A_72 = tpu.memref_slice %arg4[%add3A_69] : memref<327680xi32, #tpu.memory_space<hbm>> -> memref<64xi32, #tpu.memory_space<hbm>>
    %dma_wait3A_73 = tpu.memref_slice %arg4[%add3A_69] : memref<327680xi32, #tpu.memory_space<hbm>> -> memref<64xi32, #tpu.memory_space<hbm>>
    tpu.wait_dma2 semaphore(%arg23 : memref<!tpu.dma_semaphore, #tpu.memory_space<semaphore_mem>>) src(%dma_wait3A_73 : memref<64xi32, #tpu.memory_space<hbm>>) dst(%arg14 : memref<64xi32, #tpu.memory_space<vmem>>)
    %dma_start3A_74 = arith.constant 0 : i32
    %dma_start3A_75 = arith.constant 0 : i32
    %dma_start3A_76 = tpu.memref_slice %arg2[%dma_start3A_74, %dma_start3A_75] : memref<10240x128xf32, #tpu.memory_space<hbm>> -> memref<10240x128xf32, #tpu.memory_space<hbm>>
    tpu.enqueue_indirect_dma source(%dma_start3A_76 : memref<10240x128xf32, #tpu.memory_space<hbm>>) target(%arg18 : memref<64x128xf32, #tpu.memory_space<vmem>>) offsets(%arg10 : memref<64xi32, #tpu.memory_space<vmem>>) semaphore(%arg27 : memref<!tpu.dma_semaphore, #tpu.memory_space<semaphore_mem>>)
    "tpu.region"() ({
      %run_scoped3A = tpu.sem_alloc : memref<!tpu.dma_semaphore, #tpu.memory_space<semaphore_mem>>
      %dma_start3A_230 = arith.constant 0 : i32
      %dma_start3A_231 = arith.constant 0 : i32
      %dma_start3A_232 = tpu.memref_slice %arg19[%dma_start3A_230, %dma_start3A_231] : memref<10240x128xf32, #tpu.memory_space<vmem_shared>> -> memref<10240x128xf32, #tpu.memory_space<vmem_shared>>
      tpu.enqueue_indirect_dma source(%arg15 : memref<64x128xf32, #tpu.memory_space<vmem>>) target(%dma_start3A_232 : memref<10240x128xf32, #tpu.memory_space<vmem_shared>>) offsets(%arg11 : memref<64xi32, #tpu.memory_space<vmem>>) semaphore(%run_scoped3A : memref<!tpu.dma_semaphore, #tpu.memory_space<semaphore_mem>>) {add = true}
      %dma_wait3A_233 = arith.constant 0 : i32
      %dma_wait3A_234 = arith.constant 0 : i32
      %dma_wait3A_235 = tpu.memref_slice %arg19[%dma_wait3A_233, %dma_wait3A_234] : memref<10240x128xf32, #tpu.memory_space<vmem_shared>> -> memref<10240x128xf32, #tpu.memory_space<vmem_shared>>
      tpu.wait_indirect_dma semaphore(%run_scoped3A : memref<!tpu.dma_semaphore, #tpu.memory_space<semaphore_mem>>) src(%arg15 : memref<64x128xf32, #tpu.memory_space<vmem>>) dst(%dma_wait3A_235 : memref<10240x128xf32, #tpu.memory_space<vmem_shared>>)
      tpu.yield
    }) : () -> ()
    %dma_wait3A_77 = arith.constant 0 : i32
    %dma_wait3A_78 = arith.constant 0 : i32
    %dma_wait3A_79 = tpu.memref_slice %arg2[%dma_wait3A_77, %dma_wait3A_78] : memref<10240x128xf32, #tpu.memory_space<hbm>> -> memref<10240x128xf32, #tpu.memory_space<hbm>>
    tpu.wait_indirect_dma semaphore(%arg25 : memref<!tpu.dma_semaphore, #tpu.memory_space<semaphore_mem>>) src(%dma_wait3A_79 : memref<10240x128xf32, #tpu.memory_space<hbm>>) dst(%arg16 : memref<64x128xf32, #tpu.memory_space<vmem>>)
    "tpu.region"() ({
      %run_scoped3A = tpu.sem_alloc : memref<!tpu.dma_semaphore, #tpu.memory_space<semaphore_mem>>
      %dma_start3A_230 = arith.constant 0 : i32
      %dma_start3A_231 = arith.constant 0 : i32
      %dma_start3A_232 = tpu.memref_slice %arg19[%dma_start3A_230, %dma_start3A_231] : memref<10240x128xf32, #tpu.memory_space<vmem_shared>> -> memref<10240x128xf32, #tpu.memory_space<vmem_shared>>
      tpu.enqueue_indirect_dma source(%arg16 : memref<64x128xf32, #tpu.memory_space<vmem>>) target(%dma_start3A_232 : memref<10240x128xf32, #tpu.memory_space<vmem_shared>>) offsets(%arg12 : memref<64xi32, #tpu.memory_space<vmem>>) semaphore(%run_scoped3A : memref<!tpu.dma_semaphore, #tpu.memory_space<semaphore_mem>>) {add = true}
      %dma_wait3A_233 = arith.constant 0 : i32
      %dma_wait3A_234 = arith.constant 0 : i32
      %dma_wait3A_235 = tpu.memref_slice %arg19[%dma_wait3A_233, %dma_wait3A_234] : memref<10240x128xf32, #tpu.memory_space<vmem_shared>> -> memref<10240x128xf32, #tpu.memory_space<vmem_shared>>
      tpu.wait_indirect_dma semaphore(%run_scoped3A : memref<!tpu.dma_semaphore, #tpu.memory_space<semaphore_mem>>) src(%arg16 : memref<64x128xf32, #tpu.memory_space<vmem>>) dst(%dma_wait3A_235 : memref<10240x128xf32, #tpu.memory_space<vmem_shared>>)
      tpu.yield
    }) : () -> ()
    %dma_wait3A_80 = arith.constant 0 : i32
    %dma_wait3A_81 = arith.constant 0 : i32
    %dma_wait3A_82 = tpu.memref_slice %arg2[%dma_wait3A_80, %dma_wait3A_81] : memref<10240x128xf32, #tpu.memory_space<hbm>> -> memref<10240x128xf32, #tpu.memory_space<hbm>>
    tpu.wait_indirect_dma semaphore(%arg26 : memref<!tpu.dma_semaphore, #tpu.memory_space<semaphore_mem>>) src(%dma_wait3A_82 : memref<10240x128xf32, #tpu.memory_space<hbm>>) dst(%arg17 : memref<64x128xf32, #tpu.memory_space<vmem>>)
    "tpu.region"() ({
      %run_scoped3A = tpu.sem_alloc : memref<!tpu.dma_semaphore, #tpu.memory_space<semaphore_mem>>
      %dma_start3A_230 = arith.constant 0 : i32
      %dma_start3A_231 = arith.constant 0 : i32
      %dma_start3A_232 = tpu.memref_slice %arg19[%dma_start3A_230, %dma_start3A_231] : memref<10240x128xf32, #tpu.memory_space<vmem_shared>> -> memref<10240x128xf32, #tpu.memory_space<vmem_shared>>
      tpu.enqueue_indirect_dma source(%arg17 : memref<64x128xf32, #tpu.memory_space<vmem>>) target(%dma_start3A_232 : memref<10240x128xf32, #tpu.memory_space<vmem_shared>>) offsets(%arg13 : memref<64xi32, #tpu.memory_space<vmem>>) semaphore(%run_scoped3A : memref<!tpu.dma_semaphore, #tpu.memory_space<semaphore_mem>>) {add = true}
      %dma_wait3A_233 = arith.constant 0 : i32
      %dma_wait3A_234 = arith.constant 0 : i32
      %dma_wait3A_235 = tpu.memref_slice %arg19[%dma_wait3A_233, %dma_wait3A_234] : memref<10240x128xf32, #tpu.memory_space<vmem_shared>> -> memref<10240x128xf32, #tpu.memory_space<vmem_shared>>
      tpu.wait_indirect_dma semaphore(%run_scoped3A : memref<!tpu.dma_semaphore, #tpu.memory_space<semaphore_mem>>) src(%arg17 : memref<64x128xf32, #tpu.memory_space<vmem>>) dst(%dma_wait3A_235 : memref<10240x128xf32, #tpu.memory_space<vmem_shared>>)
      tpu.yield
    }) : () -> ()
    %dma_wait3A_83 = arith.constant 0 : i32
    %dma_wait3A_84 = arith.constant 0 : i32
    %dma_wait3A_85 = tpu.memref_slice %arg2[%dma_wait3A_83, %dma_wait3A_84] : memref<10240x128xf32, #tpu.memory_space<hbm>> -> memref<10240x128xf32, #tpu.memory_space<hbm>>
    tpu.wait_indirect_dma semaphore(%arg27 : memref<!tpu.dma_semaphore, #tpu.memory_space<semaphore_mem>>) src(%dma_wait3A_85 : memref<10240x128xf32, #tpu.memory_space<hbm>>) dst(%arg18 : memref<64x128xf32, #tpu.memory_space<vmem>>)
    "tpu.region"() ({
      %run_scoped3A = tpu.sem_alloc : memref<!tpu.dma_semaphore, #tpu.memory_space<semaphore_mem>>
      %dma_start3A_230 = arith.constant 0 : i32
      %dma_start3A_231 = arith.constant 0 : i32
      %dma_start3A_232 = tpu.memref_slice %arg19[%dma_start3A_230, %dma_start3A_231] : memref<10240x128xf32, #tpu.memory_space<vmem_shared>> -> memref<10240x128xf32, #tpu.memory_space<vmem_shared>>
      tpu.enqueue_indirect_dma source(%arg18 : memref<64x128xf32, #tpu.memory_space<vmem>>) target(%dma_start3A_232 : memref<10240x128xf32, #tpu.memory_space<vmem_shared>>) offsets(%arg14 : memref<64xi32, #tpu.memory_space<vmem>>) semaphore(%run_scoped3A : memref<!tpu.dma_semaphore, #tpu.memory_space<semaphore_mem>>) {add = true}
      %dma_wait3A_233 = arith.constant 0 : i32
      %dma_wait3A_234 = arith.constant 0 : i32
      %dma_wait3A_235 = tpu.memref_slice %arg19[%dma_wait3A_233, %dma_wait3A_234] : memref<10240x128xf32, #tpu.memory_space<vmem_shared>> -> memref<10240x128xf32, #tpu.memory_space<vmem_shared>>
      tpu.wait_indirect_dma semaphore(%run_scoped3A : memref<!tpu.dma_semaphore, #tpu.memory_space<semaphore_mem>>) src(%arg18 : memref<64x128xf32, #tpu.memory_space<vmem>>) dst(%dma_wait3A_235 : memref<10240x128xf32, #tpu.memory_space<vmem_shared>>)
      tpu.yield
    }) : () -> ()
    %barrier3A_86 = arith.constant 0 : index
    tpu.barrier barrier_id(%barrier3A_86)
    %mul3A_87 = arith.constant 10240 : i32
    %mul3A_88 = arith.muli %arg0, %mul3A_87 : i32
    %add3A_89 = arith.addi %mul3A_88, %mul3A_2 : i32
    %add3A_90 = arith.constant 0 : i32
    %add3A_91 = arith.addi %mul3A_2, %add3A_90 : i32
    "tpu.region"() ({
      %run_scoped3A = tpu.sem_alloc : memref<!tpu.dma_semaphore, #tpu.memory_space<semaphore_mem>>
      %dma_start3A_230 = arith.constant 0 : i32
      %dma_start3A_231 = tpu.memref_slice %arg19[%add3A_91, %dma_start3A_230] : memref<10240x128xf32, #tpu.memory_space<vmem_shared>> -> memref<64x128xf32, #tpu.memory_space<vmem_shared>>
      %dma_start3A_232 = arith.constant 0 : i32
      %dma_start3A_233 = tpu.memref_slice %arg19[%add3A_91, %dma_start3A_232] : memref<10240x128xf32, #tpu.memory_space<vmem_shared>> -> memref<64x128xf32, #tpu.memory_space<vmem_shared>>
      tpu.enqueue_dma source(%dma_start3A_233 : memref<64x128xf32, #tpu.memory_space<vmem_shared>>) target(%arg15 : memref<64x128xf32, #tpu.memory_space<vmem>>) target_semaphore(%run_scoped3A : memref<!tpu.dma_semaphore, #tpu.memory_space<semaphore_mem>>)
      %dma_wait3A_234 = arith.constant 0 : i32
      %dma_wait3A_235 = tpu.memref_slice %arg19[%add3A_91, %dma_wait3A_234] : memref<10240x128xf32, #tpu.memory_space<vmem_shared>> -> memref<64x128xf32, #tpu.memory_space<vmem_shared>>
      %dma_wait3A_236 = arith.constant 0 : i32
      %dma_wait3A_237 = tpu.memref_slice %arg19[%add3A_91, %dma_wait3A_236] : memref<10240x128xf32, #tpu.memory_space<vmem_shared>> -> memref<64x128xf32, #tpu.memory_space<vmem_shared>>
      tpu.wait_dma2 semaphore(%run_scoped3A : memref<!tpu.dma_semaphore, #tpu.memory_space<semaphore_mem>>) src(%dma_wait3A_237 : memref<64x128xf32, #tpu.memory_space<vmem_shared>>) dst(%arg15 : memref<64x128xf32, #tpu.memory_space<vmem>>)
      tpu.yield
    }) : () -> ()
    %add3A_92 = arith.constant 0 : i32
    %add3A_93 = arith.addi %add3A_89, %add3A_92 : i32
    %dma_start3A_94 = arith.constant 0 : i32
    %dma_start3A_95 = tpu.memref_slice %arg6[%add3A_93, %dma_start3A_94] : memref<20480x128xf32, #tpu.memory_space<hbm>> -> memref<64x128xf32, #tpu.memory_space<hbm>>
    %dma_start3A_96 = arith.constant 0 : i32
    %dma_start3A_97 = tpu.memref_slice %arg6[%add3A_93, %dma_start3A_96] : memref<20480x128xf32, #tpu.memory_space<hbm>> -> memref<64x128xf32, #tpu.memory_space<hbm>>
    tpu.enqueue_dma source(%arg15 : memref<64x128xf32, #tpu.memory_space<vmem>>) target(%dma_start3A_97 : memref<64x128xf32, #tpu.memory_space<hbm>>) target_semaphore(%arg24 : memref<!tpu.dma_semaphore, #tpu.memory_space<semaphore_mem>>)
    %add3A_98 = arith.constant 64 : i32
    %add3A_99 = arith.addi %mul3A_2, %add3A_98 : i32
    "tpu.region"() ({
      %run_scoped3A = tpu.sem_alloc : memref<!tpu.dma_semaphore, #tpu.memory_space<semaphore_mem>>
      %dma_start3A_230 = arith.constant 0 : i32
      %dma_start3A_231 = tpu.memref_slice %arg19[%add3A_99, %dma_start3A_230] : memref<10240x128xf32, #tpu.memory_space<vmem_shared>> -> memref<64x128xf32, #tpu.memory_space<vmem_shared>>
      %dma_start3A_232 = arith.constant 0 : i32
      %dma_start3A_233 = tpu.memref_slice %arg19[%add3A_99, %dma_start3A_232] : memref<10240x128xf32, #tpu.memory_space<vmem_shared>> -> memref<64x128xf32, #tpu.memory_space<vmem_shared>>
      tpu.enqueue_dma source(%dma_start3A_233 : memref<64x128xf32, #tpu.memory_space<vmem_shared>>) target(%arg16 : memref<64x128xf32, #tpu.memory_space<vmem>>) target_semaphore(%run_scoped3A : memref<!tpu.dma_semaphore, #tpu.memory_space<semaphore_mem>>)
      %dma_wait3A_234 = arith.constant 0 : i32
      %dma_wait3A_235 = tpu.memref_slice %arg19[%add3A_99, %dma_wait3A_234] : memref<10240x128xf32, #tpu.memory_space<vmem_shared>> -> memref<64x128xf32, #tpu.memory_space<vmem_shared>>
      %dma_wait3A_236 = arith.constant 0 : i32
      %dma_wait3A_237 = tpu.memref_slice %arg19[%add3A_99, %dma_wait3A_236] : memref<10240x128xf32, #tpu.memory_space<vmem_shared>> -> memref<64x128xf32, #tpu.memory_space<vmem_shared>>
      tpu.wait_dma2 semaphore(%run_scoped3A : memref<!tpu.dma_semaphore, #tpu.memory_space<semaphore_mem>>) src(%dma_wait3A_237 : memref<64x128xf32, #tpu.memory_space<vmem_shared>>) dst(%arg16 : memref<64x128xf32, #tpu.memory_space<vmem>>)
      tpu.yield
    }) : () -> ()
    %add3A_100 = arith.constant 64 : i32
    %add3A_101 = arith.addi %add3A_89, %add3A_100 : i32
    %dma_start3A_102 = arith.constant 0 : i32
    %dma_start3A_103 = tpu.memref_slice %arg6[%add3A_101, %dma_start3A_102] : memref<20480x128xf32, #tpu.memory_space<hbm>> -> memref<64x128xf32, #tpu.memory_space<hbm>>
    %dma_start3A_104 = arith.constant 0 : i32
    %dma_start3A_105 = tpu.memref_slice %arg6[%add3A_101, %dma_start3A_104] : memref<20480x128xf32, #tpu.memory_space<hbm>> -> memref<64x128xf32, #tpu.memory_space<hbm>>
    tpu.enqueue_dma source(%arg16 : memref<64x128xf32, #tpu.memory_space<vmem>>) target(%dma_start3A_105 : memref<64x128xf32, #tpu.memory_space<hbm>>) target_semaphore(%arg25 : memref<!tpu.dma_semaphore, #tpu.memory_space<semaphore_mem>>)
    %add3A_106 = arith.constant 0 : i32
    %add3A_107 = arith.addi %add3A_89, %add3A_106 : i32
    %dma_wait3A_108 = arith.constant 0 : i32
    %dma_wait3A_109 = tpu.memref_slice %arg6[%add3A_107, %dma_wait3A_108] : memref<20480x128xf32, #tpu.memory_space<hbm>> -> memref<64x128xf32, #tpu.memory_space<hbm>>
    %dma_wait3A_110 = arith.constant 0 : i32
    %dma_wait3A_111 = tpu.memref_slice %arg6[%add3A_107, %dma_wait3A_110] : memref<20480x128xf32, #tpu.memory_space<hbm>> -> memref<64x128xf32, #tpu.memory_space<hbm>>
    tpu.wait_dma2 semaphore(%arg24 : memref<!tpu.dma_semaphore, #tpu.memory_space<semaphore_mem>>) src(%arg15 : memref<64x128xf32, #tpu.memory_space<vmem>>) dst(%dma_wait3A_111 : memref<64x128xf32, #tpu.memory_space<hbm>>)
    %add3A_112 = arith.constant 128 : i32
    %add3A_113 = arith.addi %mul3A_2, %add3A_112 : i32
    "tpu.region"() ({
      %run_scoped3A = tpu.sem_alloc : memref<!tpu.dma_semaphore, #tpu.memory_space<semaphore_mem>>
      %dma_start3A_230 = arith.constant 0 : i32
      %dma_start3A_231 = tpu.memref_slice %arg19[%add3A_113, %dma_start3A_230] : memref<10240x128xf32, #tpu.memory_space<vmem_shared>> -> memref<64x128xf32, #tpu.memory_space<vmem_shared>>
      %dma_start3A_232 = arith.constant 0 : i32
      %dma_start3A_233 = tpu.memref_slice %arg19[%add3A_113, %dma_start3A_232] : memref<10240x128xf32, #tpu.memory_space<vmem_shared>> -> memref<64x128xf32, #tpu.memory_space<vmem_shared>>
      tpu.enqueue_dma source(%dma_start3A_233 : memref<64x128xf32, #tpu.memory_space<vmem_shared>>) target(%arg15 : memref<64x128xf32, #tpu.memory_space<vmem>>) target_semaphore(%run_scoped3A : memref<!tpu.dma_semaphore, #tpu.memory_space<semaphore_mem>>)
      %dma_wait3A_234 = arith.constant 0 : i32
      %dma_wait3A_235 = tpu.memref_slice %arg19[%add3A_113, %dma_wait3A_234] : memref<10240x128xf32, #tpu.memory_space<vmem_shared>> -> memref<64x128xf32, #tpu.memory_space<vmem_shared>>
      %dma_wait3A_236 = arith.constant 0 : i32
      %dma_wait3A_237 = tpu.memref_slice %arg19[%add3A_113, %dma_wait3A_236] : memref<10240x128xf32, #tpu.memory_space<vmem_shared>> -> memref<64x128xf32, #tpu.memory_space<vmem_shared>>
      tpu.wait_dma2 semaphore(%run_scoped3A : memref<!tpu.dma_semaphore, #tpu.memory_space<semaphore_mem>>) src(%dma_wait3A_237 : memref<64x128xf32, #tpu.memory_space<vmem_shared>>) dst(%arg15 : memref<64x128xf32, #tpu.memory_space<vmem>>)
      tpu.yield
    }) : () -> ()
    %add3A_114 = arith.constant 128 : i32
    %add3A_115 = arith.addi %add3A_89, %add3A_114 : i32
    %dma_start3A_116 = arith.constant 0 : i32
    %dma_start3A_117 = tpu.memref_slice %arg6[%add3A_115, %dma_start3A_116] : memref<20480x128xf32, #tpu.memory_space<hbm>> -> memref<64x128xf32, #tpu.memory_space<hbm>>
    %dma_start3A_118 = arith.constant 0 : i32
    %dma_start3A_119 = tpu.memref_slice %arg6[%add3A_115, %dma_start3A_118] : memref<20480x128xf32, #tpu.memory_space<hbm>> -> memref<64x128xf32, #tpu.memory_space<hbm>>
    tpu.enqueue_dma source(%arg15 : memref<64x128xf32, #tpu.memory_space<vmem>>) target(%dma_start3A_119 : memref<64x128xf32, #tpu.memory_space<hbm>>) target_semaphore(%arg24 : memref<!tpu.dma_semaphore, #tpu.memory_space<semaphore_mem>>)
    %add3A_120 = arith.constant 64 : i32
    %add3A_121 = arith.addi %add3A_89, %add3A_120 : i32
    %dma_wait3A_122 = arith.constant 0 : i32
    %dma_wait3A_123 = tpu.memref_slice %arg6[%add3A_121, %dma_wait3A_122] : memref<20480x128xf32, #tpu.memory_space<hbm>> -> memref<64x128xf32, #tpu.memory_space<hbm>>
    %dma_wait3A_124 = arith.constant 0 : i32
    %dma_wait3A_125 = tpu.memref_slice %arg6[%add3A_121, %dma_wait3A_124] : memref<20480x128xf32, #tpu.memory_space<hbm>> -> memref<64x128xf32, #tpu.memory_space<hbm>>
    tpu.wait_dma2 semaphore(%arg25 : memref<!tpu.dma_semaphore, #tpu.memory_space<semaphore_mem>>) src(%arg16 : memref<64x128xf32, #tpu.memory_space<vmem>>) dst(%dma_wait3A_125 : memref<64x128xf32, #tpu.memory_space<hbm>>)
    %add3A_126 = arith.constant 192 : i32
    %add3A_127 = arith.addi %mul3A_2, %add3A_126 : i32
    "tpu.region"() ({
      %run_scoped3A = tpu.sem_alloc : memref<!tpu.dma_semaphore, #tpu.memory_space<semaphore_mem>>
      %dma_start3A_230 = arith.constant 0 : i32
      %dma_start3A_231 = tpu.memref_slice %arg19[%add3A_127, %dma_start3A_230] : memref<10240x128xf32, #tpu.memory_space<vmem_shared>> -> memref<64x128xf32, #tpu.memory_space<vmem_shared>>
      %dma_start3A_232 = arith.constant 0 : i32
      %dma_start3A_233 = tpu.memref_slice %arg19[%add3A_127, %dma_start3A_232] : memref<10240x128xf32, #tpu.memory_space<vmem_shared>> -> memref<64x128xf32, #tpu.memory_space<vmem_shared>>
      tpu.enqueue_dma source(%dma_start3A_233 : memref<64x128xf32, #tpu.memory_space<vmem_shared>>) target(%arg16 : memref<64x128xf32, #tpu.memory_space<vmem>>) target_semaphore(%run_scoped3A : memref<!tpu.dma_semaphore, #tpu.memory_space<semaphore_mem>>)
      %dma_wait3A_234 = arith.constant 0 : i32
      %dma_wait3A_235 = tpu.memref_slice %arg19[%add3A_127, %dma_wait3A_234] : memref<10240x128xf32, #tpu.memory_space<vmem_shared>> -> memref<64x128xf32, #tpu.memory_space<vmem_shared>>
      %dma_wait3A_236 = arith.constant 0 : i32
      %dma_wait3A_237 = tpu.memref_slice %arg19[%add3A_127, %dma_wait3A_236] : memref<10240x128xf32, #tpu.memory_space<vmem_shared>> -> memref<64x128xf32, #tpu.memory_space<vmem_shared>>
      tpu.wait_dma2 semaphore(%run_scoped3A : memref<!tpu.dma_semaphore, #tpu.memory_space<semaphore_mem>>) src(%dma_wait3A_237 : memref<64x128xf32, #tpu.memory_space<vmem_shared>>) dst(%arg16 : memref<64x128xf32, #tpu.memory_space<vmem>>)
      tpu.yield
    }) : () -> ()
    %add3A_128 = arith.constant 192 : i32
    %add3A_129 = arith.addi %add3A_89, %add3A_128 : i32
    %dma_start3A_130 = arith.constant 0 : i32
    %dma_start3A_131 = tpu.memref_slice %arg6[%add3A_129, %dma_start3A_130] : memref<20480x128xf32, #tpu.memory_space<hbm>> -> memref<64x128xf32, #tpu.memory_space<hbm>>
    %dma_start3A_132 = arith.constant 0 : i32
    %dma_start3A_133 = tpu.memref_slice %arg6[%add3A_129, %dma_start3A_132] : memref<20480x128xf32, #tpu.memory_space<hbm>> -> memref<64x128xf32, #tpu.memory_space<hbm>>
    tpu.enqueue_dma source(%arg16 : memref<64x128xf32, #tpu.memory_space<vmem>>) target(%dma_start3A_133 : memref<64x128xf32, #tpu.memory_space<hbm>>) target_semaphore(%arg25 : memref<!tpu.dma_semaphore, #tpu.memory_space<semaphore_mem>>)
    %add3A_134 = arith.constant 128 : i32
    %add3A_135 = arith.addi %add3A_89, %add3A_134 : i32
    %dma_wait3A_136 = arith.constant 0 : i32
    %dma_wait3A_137 = tpu.memref_slice %arg6[%add3A_135, %dma_wait3A_136] : memref<20480x128xf32, #tpu.memory_space<hbm>> -> memref<64x128xf32, #tpu.memory_space<hbm>>
    %dma_wait3A_138 = arith.constant 0 : i32
    %dma_wait3A_139 = tpu.memref_slice %arg6[%add3A_135, %dma_wait3A_138] : memref<20480x128xf32, #tpu.memory_space<hbm>> -> memref<64x128xf32, #tpu.memory_space<hbm>>
    tpu.wait_dma2 semaphore(%arg24 : memref<!tpu.dma_semaphore, #tpu.memory_space<semaphore_mem>>) src(%arg15 : memref<64x128xf32, #tpu.memory_space<vmem>>) dst(%dma_wait3A_139 : memref<64x128xf32, #tpu.memory_space<hbm>>)
    %add3A_140 = arith.constant 256 : i32
    %add3A_141 = arith.addi %mul3A_2, %add3A_140 : i32
    "tpu.region"() ({
      %run_scoped3A = tpu.sem_alloc : memref<!tpu.dma_semaphore, #tpu.memory_space<semaphore_mem>>
      %dma_start3A_230 = arith.constant 0 : i32
      %dma_start3A_231 = tpu.memref_slice %arg19[%add3A_141, %dma_start3A_230] : memref<10240x128xf32, #tpu.memory_space<vmem_shared>> -> memref<64x128xf32, #tpu.memory_space<vmem_shared>>
      %dma_start3A_232 = arith.constant 0 : i32
      %dma_start3A_233 = tpu.memref_slice %arg19[%add3A_141, %dma_start3A_232] : memref<10240x128xf32, #tpu.memory_space<vmem_shared>> -> memref<64x128xf32, #tpu.memory_space<vmem_shared>>
      tpu.enqueue_dma source(%dma_start3A_233 : memref<64x128xf32, #tpu.memory_space<vmem_shared>>) target(%arg15 : memref<64x128xf32, #tpu.memory_space<vmem>>) target_semaphore(%run_scoped3A : memref<!tpu.dma_semaphore, #tpu.memory_space<semaphore_mem>>)
      %dma_wait3A_234 = arith.constant 0 : i32
      %dma_wait3A_235 = tpu.memref_slice %arg19[%add3A_141, %dma_wait3A_234] : memref<10240x128xf32, #tpu.memory_space<vmem_shared>> -> memref<64x128xf32, #tpu.memory_space<vmem_shared>>
      %dma_wait3A_236 = arith.constant 0 : i32
      %dma_wait3A_237 = tpu.memref_slice %arg19[%add3A_141, %dma_wait3A_236] : memref<10240x128xf32, #tpu.memory_space<vmem_shared>> -> memref<64x128xf32, #tpu.memory_space<vmem_shared>>
      tpu.wait_dma2 semaphore(%run_scoped3A : memref<!tpu.dma_semaphore, #tpu.memory_space<semaphore_mem>>) src(%dma_wait3A_237 : memref<64x128xf32, #tpu.memory_space<vmem_shared>>) dst(%arg15 : memref<64x128xf32, #tpu.memory_space<vmem>>)
      tpu.yield
    }) : () -> ()
    %add3A_142 = arith.constant 256 : i32
    %add3A_143 = arith.addi %add3A_89, %add3A_142 : i32
    %dma_start3A_144 = arith.constant 0 : i32
    %dma_start3A_145 = tpu.memref_slice %arg6[%add3A_143, %dma_start3A_144] : memref<20480x128xf32, #tpu.memory_space<hbm>> -> memref<64x128xf32, #tpu.memory_space<hbm>>
    %dma_start3A_146 = arith.constant 0 : i32
    %dma_start3A_147 = tpu.memref_slice %arg6[%add3A_143, %dma_start3A_146] : memref<20480x128xf32, #tpu.memory_space<hbm>> -> memref<64x128xf32, #tpu.memory_space<hbm>>
    tpu.enqueue_dma source(%arg15 : memref<64x128xf32, #tpu.memory_space<vmem>>) target(%dma_start3A_147 : memref<64x128xf32, #tpu.memory_space<hbm>>) target_semaphore(%arg24 : memref<!tpu.dma_semaphore, #tpu.memory_space<semaphore_mem>>)
    %add3A_148 = arith.constant 192 : i32
    %add3A_149 = arith.addi %add3A_89, %add3A_148 : i32
    %dma_wait3A_150 = arith.constant 0 : i32
    %dma_wait3A_151 = tpu.memref_slice %arg6[%add3A_149, %dma_wait3A_150] : memref<20480x128xf32, #tpu.memory_space<hbm>> -> memref<64x128xf32, #tpu.memory_space<hbm>>
    %dma_wait3A_152 = arith.constant 0 : i32
    %dma_wait3A_153 = tpu.memref_slice %arg6[%add3A_149, %dma_wait3A_152] : memref<20480x128xf32, #tpu.memory_space<hbm>> -> memref<64x128xf32, #tpu.memory_space<hbm>>
    tpu.wait_dma2 semaphore(%arg25 : memref<!tpu.dma_semaphore, #tpu.memory_space<semaphore_mem>>) src(%arg16 : memref<64x128xf32, #tpu.memory_space<vmem>>) dst(%dma_wait3A_153 : memref<64x128xf32, #tpu.memory_space<hbm>>)
    %add3A_154 = arith.constant 320 : i32
    %add3A_155 = arith.addi %mul3A_2, %add3A_154 : i32
    "tpu.region"() ({
      %run_scoped3A = tpu.sem_alloc : memref<!tpu.dma_semaphore, #tpu.memory_space<semaphore_mem>>
      %dma_start3A_230 = arith.constant 0 : i32
      %dma_start3A_231 = tpu.memref_slice %arg19[%add3A_155, %dma_start3A_230] : memref<10240x128xf32, #tpu.memory_space<vmem_shared>> -> memref<64x128xf32, #tpu.memory_space<vmem_shared>>
      %dma_start3A_232 = arith.constant 0 : i32
      %dma_start3A_233 = tpu.memref_slice %arg19[%add3A_155, %dma_start3A_232] : memref<10240x128xf32, #tpu.memory_space<vmem_shared>> -> memref<64x128xf32, #tpu.memory_space<vmem_shared>>
      tpu.enqueue_dma source(%dma_start3A_233 : memref<64x128xf32, #tpu.memory_space<vmem_shared>>) target(%arg16 : memref<64x128xf32, #tpu.memory_space<vmem>>) target_semaphore(%run_scoped3A : memref<!tpu.dma_semaphore, #tpu.memory_space<semaphore_mem>>)
      %dma_wait3A_234 = arith.constant 0 : i32
      %dma_wait3A_235 = tpu.memref_slice %arg19[%add3A_155, %dma_wait3A_234] : memref<10240x128xf32, #tpu.memory_space<vmem_shared>> -> memref<64x128xf32, #tpu.memory_space<vmem_shared>>
      %dma_wait3A_236 = arith.constant 0 : i32
      %dma_wait3A_237 = tpu.memref_slice %arg19[%add3A_155, %dma_wait3A_236] : memref<10240x128xf32, #tpu.memory_space<vmem_shared>> -> memref<64x128xf32, #tpu.memory_space<vmem_shared>>
      tpu.wait_dma2 semaphore(%run_scoped3A : memref<!tpu.dma_semaphore, #tpu.memory_space<semaphore_mem>>) src(%dma_wait3A_237 : memref<64x128xf32, #tpu.memory_space<vmem_shared>>) dst(%arg16 : memref<64x128xf32, #tpu.memory_space<vmem>>)
      tpu.yield
    }) : () -> ()
    %add3A_156 = arith.constant 320 : i32
    %add3A_157 = arith.addi %add3A_89, %add3A_156 : i32
    %dma_start3A_158 = arith.constant 0 : i32
    %dma_start3A_159 = tpu.memref_slice %arg6[%add3A_157, %dma_start3A_158] : memref<20480x128xf32, #tpu.memory_space<hbm>> -> memref<64x128xf32, #tpu.memory_space<hbm>>
    %dma_start3A_160 = arith.constant 0 : i32
    %dma_start3A_161 = tpu.memref_slice %arg6[%add3A_157, %dma_start3A_160] : memref<20480x128xf32, #tpu.memory_space<hbm>> -> memref<64x128xf32, #tpu.memory_space<hbm>>
    tpu.enqueue_dma source(%arg16 : memref<64x128xf32, #tpu.memory_space<vmem>>) target(%dma_start3A_161 : memref<64x128xf32, #tpu.memory_space<hbm>>) target_semaphore(%arg25 : memref<!tpu.dma_semaphore, #tpu.memory_space<semaphore_mem>>)
    %add3A_162 = arith.constant 256 : i32
    %add3A_163 = arith.addi %add3A_89, %add3A_162 : i32
    %dma_wait3A_164 = arith.constant 0 : i32
    %dma_wait3A_165 = tpu.memref_slice %arg6[%add3A_163, %dma_wait3A_164] : memref<20480x128xf32, #tpu.memory_space<hbm>> -> memref<64x128xf32, #tpu.memory_space<hbm>>
    %dma_wait3A_166 = arith.constant 0 : i32
    %dma_wait3A_167 = tpu.memref_slice %arg6[%add3A_163, %dma_wait3A_166] : memref<20480x128xf32, #tpu.memory_space<hbm>> -> memref<64x128xf32, #tpu.memory_space<hbm>>
    tpu.wait_dma2 semaphore(%arg24 : memref<!tpu.dma_semaphore, #tpu.memory_space<semaphore_mem>>) src(%arg15 : memref<64x128xf32, #tpu.memory_space<vmem>>) dst(%dma_wait3A_167 : memref<64x128xf32, #tpu.memory_space<hbm>>)
    %add3A_168 = arith.constant 384 : i32
    %add3A_169 = arith.addi %mul3A_2, %add3A_168 : i32
    "tpu.region"() ({
      %run_scoped3A = tpu.sem_alloc : memref<!tpu.dma_semaphore, #tpu.memory_space<semaphore_mem>>
      %dma_start3A_230 = arith.constant 0 : i32
      %dma_start3A_231 = tpu.memref_slice %arg19[%add3A_169, %dma_start3A_230] : memref<10240x128xf32, #tpu.memory_space<vmem_shared>> -> memref<64x128xf32, #tpu.memory_space<vmem_shared>>
      %dma_start3A_232 = arith.constant 0 : i32
      %dma_start3A_233 = tpu.memref_slice %arg19[%add3A_169, %dma_start3A_232] : memref<10240x128xf32, #tpu.memory_space<vmem_shared>> -> memref<64x128xf32, #tpu.memory_space<vmem_shared>>
      tpu.enqueue_dma source(%dma_start3A_233 : memref<64x128xf32, #tpu.memory_space<vmem_shared>>) target(%arg15 : memref<64x128xf32, #tpu.memory_space<vmem>>) target_semaphore(%run_scoped3A : memref<!tpu.dma_semaphore, #tpu.memory_space<semaphore_mem>>)
      %dma_wait3A_234 = arith.constant 0 : i32
      %dma_wait3A_235 = tpu.memref_slice %arg19[%add3A_169, %dma_wait3A_234] : memref<10240x128xf32, #tpu.memory_space<vmem_shared>> -> memref<64x128xf32, #tpu.memory_space<vmem_shared>>
      %dma_wait3A_236 = arith.constant 0 : i32
      %dma_wait3A_237 = tpu.memref_slice %arg19[%add3A_169, %dma_wait3A_236] : memref<10240x128xf32, #tpu.memory_space<vmem_shared>> -> memref<64x128xf32, #tpu.memory_space<vmem_shared>>
      tpu.wait_dma2 semaphore(%run_scoped3A : memref<!tpu.dma_semaphore, #tpu.memory_space<semaphore_mem>>) src(%dma_wait3A_237 : memref<64x128xf32, #tpu.memory_space<vmem_shared>>) dst(%arg15 : memref<64x128xf32, #tpu.memory_space<vmem>>)
      tpu.yield
    }) : () -> ()
    %add3A_170 = arith.constant 384 : i32
    %add3A_171 = arith.addi %add3A_89, %add3A_170 : i32
    %dma_start3A_172 = arith.constant 0 : i32
    %dma_start3A_173 = tpu.memref_slice %arg6[%add3A_171, %dma_start3A_172] : memref<20480x128xf32, #tpu.memory_space<hbm>> -> memref<64x128xf32, #tpu.memory_space<hbm>>
    %dma_start3A_174 = arith.constant 0 : i32
    %dma_start3A_175 = tpu.memref_slice %arg6[%add3A_171, %dma_start3A_174] : memref<20480x128xf32, #tpu.memory_space<hbm>> -> memref<64x128xf32, #tpu.memory_space<hbm>>
    tpu.enqueue_dma source(%arg15 : memref<64x128xf32, #tpu.memory_space<vmem>>) target(%dma_start3A_175 : memref<64x128xf32, #tpu.memory_space<hbm>>) target_semaphore(%arg24 : memref<!tpu.dma_semaphore, #tpu.memory_space<semaphore_mem>>)
    %add3A_176 = arith.constant 320 : i32
    %add3A_177 = arith.addi %add3A_89, %add3A_176 : i32
    %dma_wait3A_178 = arith.constant 0 : i32
    %dma_wait3A_179 = tpu.memref_slice %arg6[%add3A_177, %dma_wait3A_178] : memref<20480x128xf32, #tpu.memory_space<hbm>> -> memref<64x128xf32, #tpu.memory_space<hbm>>
    %dma_wait3A_180 = arith.constant 0 : i32
    %dma_wait3A_181 = tpu.memref_slice %arg6[%add3A_177, %dma_wait3A_180] : memref<20480x128xf32, #tpu.memory_space<hbm>> -> memref<64x128xf32, #tpu.memory_space<hbm>>
    tpu.wait_dma2 semaphore(%arg25 : memref<!tpu.dma_semaphore, #tpu.memory_space<semaphore_mem>>) src(%arg16 : memref<64x128xf32, #tpu.memory_space<vmem>>) dst(%dma_wait3A_181 : memref<64x128xf32, #tpu.memory_space<hbm>>)
    %add3A_182 = arith.constant 448 : i32
    %add3A_183 = arith.addi %mul3A_2, %add3A_182 : i32
    "tpu.region"() ({
      %run_scoped3A = tpu.sem_alloc : memref<!tpu.dma_semaphore, #tpu.memory_space<semaphore_mem>>
      %dma_start3A_230 = arith.constant 0 : i32
      %dma_start3A_231 = tpu.memref_slice %arg19[%add3A_183, %dma_start3A_230] : memref<10240x128xf32, #tpu.memory_space<vmem_shared>> -> memref<64x128xf32, #tpu.memory_space<vmem_shared>>
      %dma_start3A_232 = arith.constant 0 : i32
      %dma_start3A_233 = tpu.memref_slice %arg19[%add3A_183, %dma_start3A_232] : memref<10240x128xf32, #tpu.memory_space<vmem_shared>> -> memref<64x128xf32, #tpu.memory_space<vmem_shared>>
      tpu.enqueue_dma source(%dma_start3A_233 : memref<64x128xf32, #tpu.memory_space<vmem_shared>>) target(%arg16 : memref<64x128xf32, #tpu.memory_space<vmem>>) target_semaphore(%run_scoped3A : memref<!tpu.dma_semaphore, #tpu.memory_space<semaphore_mem>>)
      %dma_wait3A_234 = arith.constant 0 : i32
      %dma_wait3A_235 = tpu.memref_slice %arg19[%add3A_183, %dma_wait3A_234] : memref<10240x128xf32, #tpu.memory_space<vmem_shared>> -> memref<64x128xf32, #tpu.memory_space<vmem_shared>>
      %dma_wait3A_236 = arith.constant 0 : i32
      %dma_wait3A_237 = tpu.memref_slice %arg19[%add3A_183, %dma_wait3A_236] : memref<10240x128xf32, #tpu.memory_space<vmem_shared>> -> memref<64x128xf32, #tpu.memory_space<vmem_shared>>
      tpu.wait_dma2 semaphore(%run_scoped3A : memref<!tpu.dma_semaphore, #tpu.memory_space<semaphore_mem>>) src(%dma_wait3A_237 : memref<64x128xf32, #tpu.memory_space<vmem_shared>>) dst(%arg16 : memref<64x128xf32, #tpu.memory_space<vmem>>)
      tpu.yield
    }) : () -> ()
    %add3A_184 = arith.constant 448 : i32
    %add3A_185 = arith.addi %add3A_89, %add3A_184 : i32
    %dma_start3A_186 = arith.constant 0 : i32
    %dma_start3A_187 = tpu.memref_slice %arg6[%add3A_185, %dma_start3A_186] : memref<20480x128xf32, #tpu.memory_space<hbm>> -> memref<64x128xf32, #tpu.memory_space<hbm>>
    %dma_start3A_188 = arith.constant 0 : i32
    %dma_start3A_189 = tpu.memref_slice %arg6[%add3A_185, %dma_start3A_188] : memref<20480x128xf32, #tpu.memory_space<hbm>> -> memref<64x128xf32, #tpu.memory_space<hbm>>
    tpu.enqueue_dma source(%arg16 : memref<64x128xf32, #tpu.memory_space<vmem>>) target(%dma_start3A_189 : memref<64x128xf32, #tpu.memory_space<hbm>>) target_semaphore(%arg25 : memref<!tpu.dma_semaphore, #tpu.memory_space<semaphore_mem>>)
    %add3A_190 = arith.constant 384 : i32
    %add3A_191 = arith.addi %add3A_89, %add3A_190 : i32
    %dma_wait3A_192 = arith.constant 0 : i32
    %dma_wait3A_193 = tpu.memref_slice %arg6[%add3A_191, %dma_wait3A_192] : memref<20480x128xf32, #tpu.memory_space<hbm>> -> memref<64x128xf32, #tpu.memory_space<hbm>>
    %dma_wait3A_194 = arith.constant 0 : i32
    %dma_wait3A_195 = tpu.memref_slice %arg6[%add3A_191, %dma_wait3A_194] : memref<20480x128xf32, #tpu.memory_space<hbm>> -> memref<64x128xf32, #tpu.memory_space<hbm>>
    tpu.wait_dma2 semaphore(%arg24 : memref<!tpu.dma_semaphore, #tpu.memory_space<semaphore_mem>>) src(%arg15 : memref<64x128xf32, #tpu.memory_space<vmem>>) dst(%dma_wait3A_195 : memref<64x128xf32, #tpu.memory_space<hbm>>)
    %add3A_196 = arith.constant 512 : i32
    %add3A_197 = arith.addi %mul3A_2, %add3A_196 : i32
    "tpu.region"() ({
      %run_scoped3A = tpu.sem_alloc : memref<!tpu.dma_semaphore, #tpu.memory_space<semaphore_mem>>
      %dma_start3A_230 = arith.constant 0 : i32
      %dma_start3A_231 = tpu.memref_slice %arg19[%add3A_197, %dma_start3A_230] : memref<10240x128xf32, #tpu.memory_space<vmem_shared>> -> memref<64x128xf32, #tpu.memory_space<vmem_shared>>
      %dma_start3A_232 = arith.constant 0 : i32
      %dma_start3A_233 = tpu.memref_slice %arg19[%add3A_197, %dma_start3A_232] : memref<10240x128xf32, #tpu.memory_space<vmem_shared>> -> memref<64x128xf32, #tpu.memory_space<vmem_shared>>
      tpu.enqueue_dma source(%dma_start3A_233 : memref<64x128xf32, #tpu.memory_space<vmem_shared>>) target(%arg15 : memref<64x128xf32, #tpu.memory_space<vmem>>) target_semaphore(%run_scoped3A : memref<!tpu.dma_semaphore, #tpu.memory_space<semaphore_mem>>)
      %dma_wait3A_234 = arith.constant 0 : i32
      %dma_wait3A_235 = tpu.memref_slice %arg19[%add3A_197, %dma_wait3A_234] : memref<10240x128xf32, #tpu.memory_space<vmem_shared>> -> memref<64x128xf32, #tpu.memory_space<vmem_shared>>
      %dma_wait3A_236 = arith.constant 0 : i32
      %dma_wait3A_237 = tpu.memref_slice %arg19[%add3A_197, %dma_wait3A_236] : memref<10240x128xf32, #tpu.memory_space<vmem_shared>> -> memref<64x128xf32, #tpu.memory_space<vmem_shared>>
      tpu.wait_dma2 semaphore(%run_scoped3A : memref<!tpu.dma_semaphore, #tpu.memory_space<semaphore_mem>>) src(%dma_wait3A_237 : memref<64x128xf32, #tpu.memory_space<vmem_shared>>) dst(%arg15 : memref<64x128xf32, #tpu.memory_space<vmem>>)
      tpu.yield
    }) : () -> ()
    %add3A_198 = arith.constant 512 : i32
    %add3A_199 = arith.addi %add3A_89, %add3A_198 : i32
    %dma_start3A_200 = arith.constant 0 : i32
    %dma_start3A_201 = tpu.memref_slice %arg6[%add3A_199, %dma_start3A_200] : memref<20480x128xf32, #tpu.memory_space<hbm>> -> memref<64x128xf32, #tpu.memory_space<hbm>>
    %dma_start3A_202 = arith.constant 0 : i32
    %dma_start3A_203 = tpu.memref_slice %arg6[%add3A_199, %dma_start3A_202] : memref<20480x128xf32, #tpu.memory_space<hbm>> -> memref<64x128xf32, #tpu.memory_space<hbm>>
    tpu.enqueue_dma source(%arg15 : memref<64x128xf32, #tpu.memory_space<vmem>>) target(%dma_start3A_203 : memref<64x128xf32, #tpu.memory_space<hbm>>) target_semaphore(%arg24 : memref<!tpu.dma_semaphore, #tpu.memory_space<semaphore_mem>>)
    %add3A_204 = arith.constant 448 : i32
    %add3A_205 = arith.addi %add3A_89, %add3A_204 : i32
    %dma_wait3A_206 = arith.constant 0 : i32
    %dma_wait3A_207 = tpu.memref_slice %arg6[%add3A_205, %dma_wait3A_206] : memref<20480x128xf32, #tpu.memory_space<hbm>> -> memref<64x128xf32, #tpu.memory_space<hbm>>
    %dma_wait3A_208 = arith.constant 0 : i32
    %dma_wait3A_209 = tpu.memref_slice %arg6[%add3A_205, %dma_wait3A_208] : memref<20480x128xf32, #tpu.memory_space<hbm>> -> memref<64x128xf32, #tpu.memory_space<hbm>>
    tpu.wait_dma2 semaphore(%arg25 : memref<!tpu.dma_semaphore, #tpu.memory_space<semaphore_mem>>) src(%arg16 : memref<64x128xf32, #tpu.memory_space<vmem>>) dst(%dma_wait3A_209 : memref<64x128xf32, #tpu.memory_space<hbm>>)
    %add3A_210 = arith.constant 576 : i32
    %add3A_211 = arith.addi %mul3A_2, %add3A_210 : i32
    "tpu.region"() ({
      %run_scoped3A = tpu.sem_alloc : memref<!tpu.dma_semaphore, #tpu.memory_space<semaphore_mem>>
      %dma_start3A_230 = arith.constant 0 : i32
      %dma_start3A_231 = tpu.memref_slice %arg19[%add3A_211, %dma_start3A_230] : memref<10240x128xf32, #tpu.memory_space<vmem_shared>> -> memref<64x128xf32, #tpu.memory_space<vmem_shared>>
      %dma_start3A_232 = arith.constant 0 : i32
      %dma_start3A_233 = tpu.memref_slice %arg19[%add3A_211, %dma_start3A_232] : memref<10240x128xf32, #tpu.memory_space<vmem_shared>> -> memref<64x128xf32, #tpu.memory_space<vmem_shared>>
      tpu.enqueue_dma source(%dma_start3A_233 : memref<64x128xf32, #tpu.memory_space<vmem_shared>>) target(%arg16 : memref<64x128xf32, #tpu.memory_space<vmem>>) target_semaphore(%run_scoped3A : memref<!tpu.dma_semaphore, #tpu.memory_space<semaphore_mem>>)
      %dma_wait3A_234 = arith.constant 0 : i32
      %dma_wait3A_235 = tpu.memref_slice %arg19[%add3A_211, %dma_wait3A_234] : memref<10240x128xf32, #tpu.memory_space<vmem_shared>> -> memref<64x128xf32, #tpu.memory_space<vmem_shared>>
      %dma_wait3A_236 = arith.constant 0 : i32
      %dma_wait3A_237 = tpu.memref_slice %arg19[%add3A_211, %dma_wait3A_236] : memref<10240x128xf32, #tpu.memory_space<vmem_shared>> -> memref<64x128xf32, #tpu.memory_space<vmem_shared>>
      tpu.wait_dma2 semaphore(%run_scoped3A : memref<!tpu.dma_semaphore, #tpu.memory_space<semaphore_mem>>) src(%dma_wait3A_237 : memref<64x128xf32, #tpu.memory_space<vmem_shared>>) dst(%arg16 : memref<64x128xf32, #tpu.memory_space<vmem>>)
      tpu.yield
    }) : () -> ()
    %add3A_212 = arith.constant 576 : i32
    %add3A_213 = arith.addi %add3A_89, %add3A_212 : i32
    %dma_start3A_214 = arith.constant 0 : i32
    %dma_start3A_215 = tpu.memref_slice %arg6[%add3A_213, %dma_start3A_214] : memref<20480x128xf32, #tpu.memory_space<hbm>> -> memref<64x128xf32, #tpu.memory_space<hbm>>
    %dma_start3A_216 = arith.constant 0 : i32
    %dma_start3A_217 = tpu.memref_slice %arg6[%add3A_213, %dma_start3A_216] : memref<20480x128xf32, #tpu.memory_space<hbm>> -> memref<64x128xf32, #tpu.memory_space<hbm>>
    tpu.enqueue_dma source(%arg16 : memref<64x128xf32, #tpu.memory_space<vmem>>) target(%dma_start3A_217 : memref<64x128xf32, #tpu.memory_space<hbm>>) target_semaphore(%arg25 : memref<!tpu.dma_semaphore, #tpu.memory_space<semaphore_mem>>)
    %add3A_218 = arith.constant 512 : i32
    %add3A_219 = arith.addi %add3A_89, %add3A_218 : i32
    %dma_wait3A_220 = arith.constant 0 : i32
    %dma_wait3A_221 = tpu.memref_slice %arg6[%add3A_219, %dma_wait3A_220] : memref<20480x128xf32, #tpu.memory_space<hbm>> -> memref<64x128xf32, #tpu.memory_space<hbm>>
    %dma_wait3A_222 = arith.constant 0 : i32
    %dma_wait3A_223 = tpu.memref_slice %arg6[%add3A_219, %dma_wait3A_222] : memref<20480x128xf32, #tpu.memory_space<hbm>> -> memref<64x128xf32, #tpu.memory_space<hbm>>
    tpu.wait_dma2 semaphore(%arg24 : memref<!tpu.dma_semaphore, #tpu.memory_space<semaphore_mem>>) src(%arg15 : memref<64x128xf32, #tpu.memory_space<vmem>>) dst(%dma_wait3A_223 : memref<64x128xf32, #tpu.memory_space<hbm>>)
    %add3A_224 = arith.constant 576 : i32
    %add3A_225 = arith.addi %add3A_89, %add3A_224 : i32
    %dma_wait3A_226 = arith.constant 0 : i32
    %dma_wait3A_227 = tpu.memref_slice %arg6[%add3A_225, %dma_wait3A_226] : memref<20480x128xf32, #tpu.memory_space<hbm>> -> memref<64x128xf32, #tpu.memory_space<hbm>>
    %dma_wait3A_228 = arith.constant 0 : i32
    %dma_wait3A_229 = tpu.memref_slice %arg6[%add3A_225, %dma_wait3A_228] : memref<20480x128xf32, #tpu.memory_space<hbm>> -> memref<64x128xf32, #tpu.memory_space<hbm>>
    tpu.wait_dma2 semaphore(%arg25 : memref<!tpu.dma_semaphore, #tpu.memory_space<semaphore_mem>>) src(%arg16 : memref<64x128xf32, #tpu.memory_space<vmem>>) dst(%dma_wait3A_229 : memref<64x128xf32, #tpu.memory_space<hbm>>)
    return
  }
}

#map = affine_map<(d0, d1) -> (0, 0)>
#map1 = affine_map<(d0, d1) -> (0)>
module attributes {stable_mosaic.version = 14 : i64} {
  func.func @_seg_sum_body(%arg0: i32, %arg1: i32, %arg2: memref<10240x128xf32, #tpu.memory_space<hbm>>, %arg3: memref<327680xi32, #tpu.memory_space<hbm>>, %arg4: memref<327680xi32, #tpu.memory_space<hbm>>, %arg5: memref<64x128xf32, #tpu.memory_space<hbm>>, %arg6: memref<20480x128xf32, #tpu.memory_space<hbm>>, %arg7: memref<64xi32, #tpu.memory_space<vmem>>, %arg8: memref<64xi32, #tpu.memory_space<vmem>>, %arg9: memref<64xi32, #tpu.memory_space<vmem>>, %arg10: memref<64xi32, #tpu.memory_space<vmem>>, %arg11: memref<64xi32, #tpu.memory_space<vmem>>, %arg12: memref<64xi32, #tpu.memory_space<vmem>>, %arg13: memref<64xi32, #tpu.memory_space<vmem>>, %arg14: memref<64xi32, #tpu.memory_space<vmem>>, %arg15: memref<64x128xf32, #tpu.memory_space<vmem>>, %arg16: memref<64x128xf32, #tpu.memory_space<vmem>>, %arg17: memref<64x128xf32, #tpu.memory_space<vmem>>, %arg18: memref<64x128xf32, #tpu.memory_space<vmem>>, %arg19: memref<10240x128xf32, #tpu.memory_space<vmem_shared>>, %arg20: memref<!tpu.dma_semaphore, #tpu.memory_space<semaphore_mem>>, %arg21: memref<!tpu.dma_semaphore, #tpu.memory_space<semaphore_mem>>, %arg22: memref<!tpu.dma_semaphore, #tpu.memory_space<semaphore_mem>>, %arg23: memref<!tpu.dma_semaphore, #tpu.memory_space<semaphore_mem>>, %arg24: memref<!tpu.dma_semaphore, #tpu.memory_space<semaphore_mem>>, %arg25: memref<!tpu.dma_semaphore, #tpu.memory_space<semaphore_mem>>, %arg26: memref<!tpu.dma_semaphore, #tpu.memory_space<semaphore_mem>>, %arg27: memref<!tpu.dma_semaphore, #tpu.memory_space<semaphore_mem>>) attributes {dimension_semantics = [#tpu.dimension_semantics<core_parallel>, #tpu.dimension_semantics<subcore_parallel>], iteration_bounds = array<i64: 2, 16>, scalar_prefetch = 0 : i64, scratch_operands = 21 : i64, tpu.core_type = #tpu.core_type<sc_vector_subcore>, window_params = [{transform_indices = #map}, {transform_indices = #map1}, {transform_indices = #map1}, {transform_indices = #map}, {transform_indices = #map}]} {
    %mul3A = arith.constant 2 : i32
    %mul3A_0 = arith.muli %arg1, %mul3A : i32
    %add3A = arith.addi %mul3A_0, %arg0 : i32
    %mul3A_1 = arith.constant 640 : i32
    %mul3A_2 = arith.muli %arg1, %mul3A_1 : i32
    %mul3A_3 = arith.constant 10240 : i32
    %mul3A_4 = arith.muli %add3A, %mul3A_3 : i32
    %add3A_5 = arith.constant 0 : i32
    %add3A_6 = arith.addi %mul3A_4, %add3A_5 : i32
    %dma_start3A = tpu.memref_slice %arg3[%add3A_6] : memref<327680xi32, #tpu.memory_space<hbm>> -> memref<64xi32, #tpu.memory_space<hbm>>
    %dma_start3A_7 = tpu.memref_slice %arg3[%add3A_6] : memref<327680xi32, #tpu.memory_space<hbm>> -> memref<64xi32, #tpu.memory_space<hbm>>
    tpu.enqueue_dma source(%dma_start3A_7 : memref<64xi32, #tpu.memory_space<hbm>>) target(%arg7 : memref<64xi32, #tpu.memory_space<vmem>>) target_semaphore(%arg20 : memref<!tpu.dma_semaphore, #tpu.memory_space<semaphore_mem>>)
    %dma_start3A_8 = tpu.memref_slice %arg4[%add3A_6] : memref<327680xi32, #tpu.memory_space<hbm>> -> memref<64xi32, #tpu.memory_space<hbm>>
    %dma_start3A_9 = tpu.memref_slice %arg4[%add3A_6] : memref<327680xi32, #tpu.memory_space<hbm>> -> memref<64xi32, #tpu.memory_space<hbm>>
    tpu.enqueue_dma source(%dma_start3A_9 : memref<64xi32, #tpu.memory_space<hbm>>) target(%arg11 : memref<64xi32, #tpu.memory_space<vmem>>) target_semaphore(%arg20 : memref<!tpu.dma_semaphore, #tpu.memory_space<semaphore_mem>>)
    %add3A_10 = arith.constant 64 : i32
    %add3A_11 = arith.addi %mul3A_4, %add3A_10 : i32
    %dma_start3A_12 = tpu.memref_slice %arg3[%add3A_11] : memref<327680xi32, #tpu.memory_space<hbm>> -> memref<64xi32, #tpu.memory_space<hbm>>
    %dma_start3A_13 = tpu.memref_slice %arg3[%add3A_11] : memref<327680xi32, #tpu.memory_space<hbm>> -> memref<64xi32, #tpu.memory_space<hbm>>
    tpu.enqueue_dma source(%dma_start3A_13 : memref<64xi32, #tpu.memory_space<hbm>>) target(%arg8 : memref<64xi32, #tpu.memory_space<vmem>>) target_semaphore(%arg21 : memref<!tpu.dma_semaphore, #tpu.memory_space<semaphore_mem>>)
    %dma_start3A_14 = tpu.memref_slice %arg4[%add3A_11] : memref<327680xi32, #tpu.memory_space<hbm>> -> memref<64xi32, #tpu.memory_space<hbm>>
    %dma_start3A_15 = tpu.memref_slice %arg4[%add3A_11] : memref<327680xi32, #tpu.memory_space<hbm>> -> memref<64xi32, #tpu.memory_space<hbm>>
    tpu.enqueue_dma source(%dma_start3A_15 : memref<64xi32, #tpu.memory_space<hbm>>) target(%arg12 : memref<64xi32, #tpu.memory_space<vmem>>) target_semaphore(%arg21 : memref<!tpu.dma_semaphore, #tpu.memory_space<semaphore_mem>>)
    %add3A_16 = arith.constant 128 : i32
    %add3A_17 = arith.addi %mul3A_4, %add3A_16 : i32
    %dma_start3A_18 = tpu.memref_slice %arg3[%add3A_17] : memref<327680xi32, #tpu.memory_space<hbm>> -> memref<64xi32, #tpu.memory_space<hbm>>
    %dma_start3A_19 = tpu.memref_slice %arg3[%add3A_17] : memref<327680xi32, #tpu.memory_space<hbm>> -> memref<64xi32, #tpu.memory_space<hbm>>
    tpu.enqueue_dma source(%dma_start3A_19 : memref<64xi32, #tpu.memory_space<hbm>>) target(%arg9 : memref<64xi32, #tpu.memory_space<vmem>>) target_semaphore(%arg22 : memref<!tpu.dma_semaphore, #tpu.memory_space<semaphore_mem>>)
    %dma_start3A_20 = tpu.memref_slice %arg4[%add3A_17] : memref<327680xi32, #tpu.memory_space<hbm>> -> memref<64xi32, #tpu.memory_space<hbm>>
    %dma_start3A_21 = tpu.memref_slice %arg4[%add3A_17] : memref<327680xi32, #tpu.memory_space<hbm>> -> memref<64xi32, #tpu.memory_space<hbm>>
    tpu.enqueue_dma source(%dma_start3A_21 : memref<64xi32, #tpu.memory_space<hbm>>) target(%arg13 : memref<64xi32, #tpu.memory_space<vmem>>) target_semaphore(%arg22 : memref<!tpu.dma_semaphore, #tpu.memory_space<semaphore_mem>>)
    %add3A_22 = arith.constant 192 : i32
    %add3A_23 = arith.addi %mul3A_4, %add3A_22 : i32
    %dma_start3A_24 = tpu.memref_slice %arg3[%add3A_23] : memref<327680xi32, #tpu.memory_space<hbm>> -> memref<64xi32, #tpu.memory_space<hbm>>
    %dma_start3A_25 = tpu.memref_slice %arg3[%add3A_23] : memref<327680xi32, #tpu.memory_space<hbm>> -> memref<64xi32, #tpu.memory_space<hbm>>
    tpu.enqueue_dma source(%dma_start3A_25 : memref<64xi32, #tpu.memory_space<hbm>>) target(%arg10 : memref<64xi32, #tpu.memory_space<vmem>>) target_semaphore(%arg23 : memref<!tpu.dma_semaphore, #tpu.memory_space<semaphore_mem>>)
    %dma_start3A_26 = tpu.memref_slice %arg4[%add3A_23] : memref<327680xi32, #tpu.memory_space<hbm>> -> memref<64xi32, #tpu.memory_space<hbm>>
    %dma_start3A_27 = tpu.memref_slice %arg4[%add3A_23] : memref<327680xi32, #tpu.memory_space<hbm>> -> memref<64xi32, #tpu.memory_space<hbm>>
    tpu.enqueue_dma source(%dma_start3A_27 : memref<64xi32, #tpu.memory_space<hbm>>) target(%arg14 : memref<64xi32, #tpu.memory_space<vmem>>) target_semaphore(%arg23 : memref<!tpu.dma_semaphore, #tpu.memory_space<semaphore_mem>>)
    %add3A_28 = arith.constant 0 : i32
    %add3A_29 = arith.addi %mul3A_4, %add3A_28 : i32
    %dma_wait3A = tpu.memref_slice %arg3[%add3A_29] : memref<327680xi32, #tpu.memory_space<hbm>> -> memref<64xi32, #tpu.memory_space<hbm>>
    %dma_wait3A_30 = tpu.memref_slice %arg3[%add3A_29] : memref<327680xi32, #tpu.memory_space<hbm>> -> memref<64xi32, #tpu.memory_space<hbm>>
    tpu.wait_dma2 semaphore(%arg20 : memref<!tpu.dma_semaphore, #tpu.memory_space<semaphore_mem>>) src(%dma_wait3A_30 : memref<64xi32, #tpu.memory_space<hbm>>) dst(%arg7 : memref<64xi32, #tpu.memory_space<vmem>>)
    %dma_wait3A_31 = tpu.memref_slice %arg4[%add3A_29] : memref<327680xi32, #tpu.memory_space<hbm>> -> memref<64xi32, #tpu.memory_space<hbm>>
    %dma_wait3A_32 = tpu.memref_slice %arg4[%add3A_29] : memref<327680xi32, #tpu.memory_space<hbm>> -> memref<64xi32, #tpu.memory_space<hbm>>
    tpu.wait_dma2 semaphore(%arg20 : memref<!tpu.dma_semaphore, #tpu.memory_space<semaphore_mem>>) src(%dma_wait3A_32 : memref<64xi32, #tpu.memory_space<hbm>>) dst(%arg11 : memref<64xi32, #tpu.memory_space<vmem>>)
    %dma_start3A_33 = arith.constant 0 : i32
    %dma_start3A_34 = arith.constant 0 : i32
    %dma_start3A_35 = tpu.memref_slice %arg2[%dma_start3A_33, %dma_start3A_34] : memref<10240x128xf32, #tpu.memory_space<hbm>> -> memref<10240x128xf32, #tpu.memory_space<hbm>>
    tpu.enqueue_indirect_dma source(%dma_start3A_35 : memref<10240x128xf32, #tpu.memory_space<hbm>>) target(%arg15 : memref<64x128xf32, #tpu.memory_space<vmem>>) offsets(%arg7 : memref<64xi32, #tpu.memory_space<vmem>>) semaphore(%arg24 : memref<!tpu.dma_semaphore, #tpu.memory_space<semaphore_mem>>)
    %add3A_36 = arith.constant 64 : i32
    %add3A_37 = arith.addi %mul3A_4, %add3A_36 : i32
    %dma_wait3A_38 = tpu.memref_slice %arg3[%add3A_37] : memref<327680xi32, #tpu.memory_space<hbm>> -> memref<64xi32, #tpu.memory_space<hbm>>
    %dma_wait3A_39 = tpu.memref_slice %arg3[%add3A_37] : memref<327680xi32, #tpu.memory_space<hbm>> -> memref<64xi32, #tpu.memory_space<hbm>>
    tpu.wait_dma2 semaphore(%arg21 : memref<!tpu.dma_semaphore, #tpu.memory_space<semaphore_mem>>) src(%dma_wait3A_39 : memref<64xi32, #tpu.memory_space<hbm>>) dst(%arg8 : memref<64xi32, #tpu.memory_space<vmem>>)
    %dma_wait3A_40 = tpu.memref_slice %arg4[%add3A_37] : memref<327680xi32, #tpu.memory_space<hbm>> -> memref<64xi32, #tpu.memory_space<hbm>>
    %dma_wait3A_41 = tpu.memref_slice %arg4[%add3A_37] : memref<327680xi32, #tpu.memory_space<hbm>> -> memref<64xi32, #tpu.memory_space<hbm>>
    tpu.wait_dma2 semaphore(%arg21 : memref<!tpu.dma_semaphore, #tpu.memory_space<semaphore_mem>>) src(%dma_wait3A_41 : memref<64xi32, #tpu.memory_space<hbm>>) dst(%arg12 : memref<64xi32, #tpu.memory_space<vmem>>)
    %dma_start3A_42 = arith.constant 0 : i32
    %dma_start3A_43 = arith.constant 0 : i32
    %dma_start3A_44 = tpu.memref_slice %arg2[%dma_start3A_42, %dma_start3A_43] : memref<10240x128xf32, #tpu.memory_space<hbm>> -> memref<10240x128xf32, #tpu.memory_space<hbm>>
    tpu.enqueue_indirect_dma source(%dma_start3A_44 : memref<10240x128xf32, #tpu.memory_space<hbm>>) target(%arg16 : memref<64x128xf32, #tpu.memory_space<vmem>>) offsets(%arg8 : memref<64xi32, #tpu.memory_space<vmem>>) semaphore(%arg25 : memref<!tpu.dma_semaphore, #tpu.memory_space<semaphore_mem>>)
    %add3A_45 = arith.constant 128 : i32
    %add3A_46 = arith.addi %mul3A_4, %add3A_45 : i32
    %dma_wait3A_47 = tpu.memref_slice %arg3[%add3A_46] : memref<327680xi32, #tpu.memory_space<hbm>> -> memref<64xi32, #tpu.memory_space<hbm>>
    %dma_wait3A_48 = tpu.memref_slice %arg3[%add3A_46] : memref<327680xi32, #tpu.memory_space<hbm>> -> memref<64xi32, #tpu.memory_space<hbm>>
    tpu.wait_dma2 semaphore(%arg22 : memref<!tpu.dma_semaphore, #tpu.memory_space<semaphore_mem>>) src(%dma_wait3A_48 : memref<64xi32, #tpu.memory_space<hbm>>) dst(%arg9 : memref<64xi32, #tpu.memory_space<vmem>>)
    %dma_wait3A_49 = tpu.memref_slice %arg4[%add3A_46] : memref<327680xi32, #tpu.memory_space<hbm>> -> memref<64xi32, #tpu.memory_space<hbm>>
    %dma_wait3A_50 = tpu.memref_slice %arg4[%add3A_46] : memref<327680xi32, #tpu.memory_space<hbm>> -> memref<64xi32, #tpu.memory_space<hbm>>
    tpu.wait_dma2 semaphore(%arg22 : memref<!tpu.dma_semaphore, #tpu.memory_space<semaphore_mem>>) src(%dma_wait3A_50 : memref<64xi32, #tpu.memory_space<hbm>>) dst(%arg13 : memref<64xi32, #tpu.memory_space<vmem>>)
    %dma_start3A_51 = arith.constant 0 : i32
    %dma_start3A_52 = arith.constant 0 : i32
    %dma_start3A_53 = tpu.memref_slice %arg2[%dma_start3A_51, %dma_start3A_52] : memref<10240x128xf32, #tpu.memory_space<hbm>> -> memref<10240x128xf32, #tpu.memory_space<hbm>>
    tpu.enqueue_indirect_dma source(%dma_start3A_53 : memref<10240x128xf32, #tpu.memory_space<hbm>>) target(%arg17 : memref<64x128xf32, #tpu.memory_space<vmem>>) offsets(%arg9 : memref<64xi32, #tpu.memory_space<vmem>>) semaphore(%arg26 : memref<!tpu.dma_semaphore, #tpu.memory_space<semaphore_mem>>)
    "tpu.region"() ({
      %run_scoped3A = tpu.sem_alloc : memref<!tpu.dma_semaphore, #tpu.memory_space<semaphore_mem>>
      tpu.enqueue_dma source(%arg5 : memref<64x128xf32, #tpu.memory_space<hbm>>) target(%arg18 : memref<64x128xf32, #tpu.memory_space<vmem>>) target_semaphore(%run_scoped3A : memref<!tpu.dma_semaphore, #tpu.memory_space<semaphore_mem>>)
      tpu.wait_dma2 semaphore(%run_scoped3A : memref<!tpu.dma_semaphore, #tpu.memory_space<semaphore_mem>>) src(%arg5 : memref<64x128xf32, #tpu.memory_space<hbm>>) dst(%arg18 : memref<64x128xf32, #tpu.memory_space<vmem>>)
      tpu.yield
    }) : () -> ()
    %scan3A = arith.constant 0 : i32
    %scan3A_54 = arith.constant 0 : i32
    %scan3A_55 = arith.constant 10 : i32
    %scan3A_56 = arith.addi %scan3A_54, %scan3A_55 : i32
    %scan3A_57 = arith.constant 1 : i32
    scf.for %scan3A_230 = %scan3A_54 to %scan3A_56 step %scan3A_57  : i32 {
      %mul3A_231 = arith.constant 64 : i32
      %mul3A_232 = arith.muli %scan3A_230, %mul3A_231 : i32
      %add3A_233 = arith.addi %mul3A_2, %mul3A_232 : i32
      "tpu.region"() ({
        %run_scoped3A = tpu.sem_alloc : memref<!tpu.dma_semaphore, #tpu.memory_space<semaphore_mem>>
        %dma_start3A_234 = arith.constant 0 : i32
        %dma_start3A_235 = tpu.memref_slice %arg19[%add3A_233, %dma_start3A_234] : memref<10240x128xf32, #tpu.memory_space<vmem_shared>> -> memref<64x128xf32, #tpu.memory_space<vmem_shared>>
        %dma_start3A_236 = arith.constant 0 : i32
        %dma_start3A_237 = tpu.memref_slice %arg19[%add3A_233, %dma_start3A_236] : memref<10240x128xf32, #tpu.memory_space<vmem_shared>> -> memref<64x128xf32, #tpu.memory_space<vmem_shared>>
        tpu.enqueue_dma source(%arg18 : memref<64x128xf32, #tpu.memory_space<vmem>>) target(%dma_start3A_237 : memref<64x128xf32, #tpu.memory_space<vmem_shared>>) target_semaphore(%run_scoped3A : memref<!tpu.dma_semaphore, #tpu.memory_space<semaphore_mem>>)
        %dma_wait3A_238 = arith.constant 0 : i32
        %dma_wait3A_239 = tpu.memref_slice %arg19[%add3A_233, %dma_wait3A_238] : memref<10240x128xf32, #tpu.memory_space<vmem_shared>> -> memref<64x128xf32, #tpu.memory_space<vmem_shared>>
        %dma_wait3A_240 = arith.constant 0 : i32
        %dma_wait3A_241 = tpu.memref_slice %arg19[%add3A_233, %dma_wait3A_240] : memref<10240x128xf32, #tpu.memory_space<vmem_shared>> -> memref<64x128xf32, #tpu.memory_space<vmem_shared>>
        tpu.wait_dma2 semaphore(%run_scoped3A : memref<!tpu.dma_semaphore, #tpu.memory_space<semaphore_mem>>) src(%arg18 : memref<64x128xf32, #tpu.memory_space<vmem>>) dst(%dma_wait3A_241 : memref<64x128xf32, #tpu.memory_space<vmem_shared>>)
        tpu.yield
      }) : () -> ()
    }
    %scan3A_58 = arith.constant 10 : i32
    %barrier3A = arith.constant 0 : index
    tpu.barrier barrier_id(%barrier3A)
    %scan3A_59 = arith.constant 0 : i32
    %scan3A_60 = arith.constant 0 : i32
    %scan3A_61 = arith.constant 39 : i32
    %scan3A_62 = arith.addi %scan3A_60, %scan3A_61 : i32
    %scan3A_63 = arith.constant 1 : i32
    scf.for %scan3A_230 = %scan3A_60 to %scan3A_62 step %scan3A_63  : i32 {
      %mul3A_231 = arith.constant 4 : i32
      %mul3A_232 = arith.muli %mul3A_231, %scan3A_230 : i32
      %add3A_233 = arith.constant 0 : i32
      %add3A_234 = arith.addi %mul3A_232, %add3A_233 : i32
      %dma_wait3A_235 = arith.constant 0 : i32
      %dma_wait3A_236 = arith.constant 0 : i32
      %dma_wait3A_237 = tpu.memref_slice %arg2[%dma_wait3A_235, %dma_wait3A_236] : memref<10240x128xf32, #tpu.memory_space<hbm>> -> memref<10240x128xf32, #tpu.memory_space<hbm>>
      tpu.wait_indirect_dma semaphore(%arg24 : memref<!tpu.dma_semaphore, #tpu.memory_space<semaphore_mem>>) src(%dma_wait3A_237 : memref<10240x128xf32, #tpu.memory_space<hbm>>) dst(%arg15 : memref<64x128xf32, #tpu.memory_space<vmem>>)
      %add3A_238 = arith.constant 4 : i32
      %add3A_239 = arith.addi %add3A_234, %add3A_238 : i32
      %sub3A = arith.constant 1 : i32
      %sub3A_240 = arith.subi %add3A_239, %sub3A : i32
      %mul3A_241 = arith.constant 64 : i32
      %mul3A_242 = arith.muli %sub3A_240, %mul3A_241 : i32
      %add3A_243 = arith.addi %mul3A_4, %mul3A_242 : i32
      %dma_wait3A_244 = tpu.memref_slice %arg3[%add3A_243] : memref<327680xi32, #tpu.memory_space<hbm>> -> memref<64xi32, #tpu.memory_space<hbm>>
      %dma_wait3A_245 = tpu.memref_slice %arg3[%add3A_243] : memref<327680xi32, #tpu.memory_space<hbm>> -> memref<64xi32, #tpu.memory_space<hbm>>
      tpu.wait_dma2 semaphore(%arg23 : memref<!tpu.dma_semaphore, #tpu.memory_space<semaphore_mem>>) src(%dma_wait3A_245 : memref<64xi32, #tpu.memory_space<hbm>>) dst(%arg10 : memref<64xi32, #tpu.memory_space<vmem>>)
      %dma_wait3A_246 = tpu.memref_slice %arg4[%add3A_243] : memref<327680xi32, #tpu.memory_space<hbm>> -> memref<64xi32, #tpu.memory_space<hbm>>
      %dma_wait3A_247 = tpu.memref_slice %arg4[%add3A_243] : memref<327680xi32, #tpu.memory_space<hbm>> -> memref<64xi32, #tpu.memory_space<hbm>>
      tpu.wait_dma2 semaphore(%arg23 : memref<!tpu.dma_semaphore, #tpu.memory_space<semaphore_mem>>) src(%dma_wait3A_247 : memref<64xi32, #tpu.memory_space<hbm>>) dst(%arg14 : memref<64xi32, #tpu.memory_space<vmem>>)
      %dma_start3A_248 = arith.constant 0 : i32
      %dma_start3A_249 = arith.constant 0 : i32
      %dma_start3A_250 = tpu.memref_slice %arg2[%dma_start3A_248, %dma_start3A_249] : memref<10240x128xf32, #tpu.memory_space<hbm>> -> memref<10240x128xf32, #tpu.memory_space<hbm>>
      tpu.enqueue_indirect_dma source(%dma_start3A_250 : memref<10240x128xf32, #tpu.memory_space<hbm>>) target(%arg18 : memref<64x128xf32, #tpu.memory_space<vmem>>) offsets(%arg10 : memref<64xi32, #tpu.memory_space<vmem>>) semaphore(%arg27 : memref<!tpu.dma_semaphore, #tpu.memory_space<semaphore_mem>>)
      "tpu.region"() ({
        %run_scoped3A = tpu.sem_alloc : memref<!tpu.dma_semaphore, #tpu.memory_space<semaphore_mem>>
        %dma_start3A_350 = arith.constant 0 : i32
        %dma_start3A_351 = arith.constant 0 : i32
        %dma_start3A_352 = tpu.memref_slice %arg19[%dma_start3A_350, %dma_start3A_351] : memref<10240x128xf32, #tpu.memory_space<vmem_shared>> -> memref<10240x128xf32, #tpu.memory_space<vmem_shared>>
        tpu.enqueue_indirect_dma source(%arg15 : memref<64x128xf32, #tpu.memory_space<vmem>>) target(%dma_start3A_352 : memref<10240x128xf32, #tpu.memory_space<vmem_shared>>) offsets(%arg11 : memref<64xi32, #tpu.memory_space<vmem>>) semaphore(%run_scoped3A : memref<!tpu.dma_semaphore, #tpu.memory_space<semaphore_mem>>) {add = true}
        %dma_wait3A_353 = arith.constant 0 : i32
        %dma_wait3A_354 = arith.constant 0 : i32
        %dma_wait3A_355 = tpu.memref_slice %arg19[%dma_wait3A_353, %dma_wait3A_354] : memref<10240x128xf32, #tpu.memory_space<vmem_shared>> -> memref<10240x128xf32, #tpu.memory_space<vmem_shared>>
        tpu.wait_indirect_dma semaphore(%run_scoped3A : memref<!tpu.dma_semaphore, #tpu.memory_space<semaphore_mem>>) src(%arg15 : memref<64x128xf32, #tpu.memory_space<vmem>>) dst(%dma_wait3A_355 : memref<10240x128xf32, #tpu.memory_space<vmem_shared>>)
        tpu.yield
      }) : () -> ()
      %add3A_251 = arith.constant 4 : i32
      %add3A_252 = arith.addi %add3A_234, %add3A_251 : i32
      %mul3A_253 = arith.constant 64 : i32
      %mul3A_254 = arith.muli %add3A_252, %mul3A_253 : i32
      %add3A_255 = arith.addi %mul3A_4, %mul3A_254 : i32
      %dma_start3A_256 = tpu.memref_slice %arg3[%add3A_255] : memref<327680xi32, #tpu.memory_space<hbm>> -> memref<64xi32, #tpu.memory_space<hbm>>
      %dma_start3A_257 = tpu.memref_slice %arg3[%add3A_255] : memref<327680xi32, #tpu.memory_space<hbm>> -> memref<64xi32, #tpu.memory_space<hbm>>
      tpu.enqueue_dma source(%dma_start3A_257 : memref<64xi32, #tpu.memory_space<hbm>>) target(%arg7 : memref<64xi32, #tpu.memory_space<vmem>>) target_semaphore(%arg20 : memref<!tpu.dma_semaphore, #tpu.memory_space<semaphore_mem>>)
      %dma_start3A_258 = tpu.memref_slice %arg4[%add3A_255] : memref<327680xi32, #tpu.memory_space<hbm>> -> memref<64xi32, #tpu.memory_space<hbm>>
      %dma_start3A_259 = tpu.memref_slice %arg4[%add3A_255] : memref<327680xi32, #tpu.memory_space<hbm>> -> memref<64xi32, #tpu.memory_space<hbm>>
      tpu.enqueue_dma source(%dma_start3A_259 : memref<64xi32, #tpu.memory_space<hbm>>) target(%arg11 : memref<64xi32, #tpu.memory_space<vmem>>) target_semaphore(%arg20 : memref<!tpu.dma_semaphore, #tpu.memory_space<semaphore_mem>>)
      %mul3A_260 = arith.constant 4 : i32
      %mul3A_261 = arith.muli %mul3A_260, %scan3A_230 : i32
      %add3A_262 = arith.constant 1 : i32
      %add3A_263 = arith.addi %mul3A_261, %add3A_262 : i32
      %dma_wait3A_264 = arith.constant 0 : i32
      %dma_wait3A_265 = arith.constant 0 : i32
      %dma_wait3A_266 = tpu.memref_slice %arg2[%dma_wait3A_264, %dma_wait3A_265] : memref<10240x128xf32, #tpu.memory_space<hbm>> -> memref<10240x128xf32, #tpu.memory_space<hbm>>
      tpu.wait_indirect_dma semaphore(%arg25 : memref<!tpu.dma_semaphore, #tpu.memory_space<semaphore_mem>>) src(%dma_wait3A_266 : memref<10240x128xf32, #tpu.memory_space<hbm>>) dst(%arg16 : memref<64x128xf32, #tpu.memory_space<vmem>>)
      %add3A_267 = arith.constant 4 : i32
      %add3A_268 = arith.addi %add3A_263, %add3A_267 : i32
      %sub3A_269 = arith.constant 1 : i32
      %sub3A_270 = arith.subi %add3A_268, %sub3A_269 : i32
      %mul3A_271 = arith.constant 64 : i32
      %mul3A_272 = arith.muli %sub3A_270, %mul3A_271 : i32
      %add3A_273 = arith.addi %mul3A_4, %mul3A_272 : i32
      %dma_wait3A_274 = tpu.memref_slice %arg3[%add3A_273] : memref<327680xi32, #tpu.memory_space<hbm>> -> memref<64xi32, #tpu.memory_space<hbm>>
      %dma_wait3A_275 = tpu.memref_slice %arg3[%add3A_273] : memref<327680xi32, #tpu.memory_space<hbm>> -> memref<64xi32, #tpu.memory_space<hbm>>
      tpu.wait_dma2 semaphore(%arg20 : memref<!tpu.dma_semaphore, #tpu.memory_space<semaphore_mem>>) src(%dma_wait3A_275 : memref<64xi32, #tpu.memory_space<hbm>>) dst(%arg7 : memref<64xi32, #tpu.memory_space<vmem>>)
      %dma_wait3A_276 = tpu.memref_slice %arg4[%add3A_273] : memref<327680xi32, #tpu.memory_space<hbm>> -> memref<64xi32, #tpu.memory_space<hbm>>
      %dma_wait3A_277 = tpu.memref_slice %arg4[%add3A_273] : memref<327680xi32, #tpu.memory_space<hbm>> -> memref<64xi32, #tpu.memory_space<hbm>>
      tpu.wait_dma2 semaphore(%arg20 : memref<!tpu.dma_semaphore, #tpu.memory_space<semaphore_mem>>) src(%dma_wait3A_277 : memref<64xi32, #tpu.memory_space<hbm>>) dst(%arg11 : memref<64xi32, #tpu.memory_space<vmem>>)
      %dma_start3A_278 = arith.constant 0 : i32
      %dma_start3A_279 = arith.constant 0 : i32
      %dma_start3A_280 = tpu.memref_slice %arg2[%dma_start3A_278, %dma_start3A_279] : memref<10240x128xf32, #tpu.memory_space<hbm>> -> memref<10240x128xf32, #tpu.memory_space<hbm>>
      tpu.enqueue_indirect_dma source(%dma_start3A_280 : memref<10240x128xf32, #tpu.memory_space<hbm>>) target(%arg15 : memref<64x128xf32, #tpu.memory_space<vmem>>) offsets(%arg7 : memref<64xi32, #tpu.memory_space<vmem>>) semaphore(%arg24 : memref<!tpu.dma_semaphore, #tpu.memory_space<semaphore_mem>>)
      "tpu.region"() ({
        %run_scoped3A = tpu.sem_alloc : memref<!tpu.dma_semaphore, #tpu.memory_space<semaphore_mem>>
        %dma_start3A_350 = arith.constant 0 : i32
        %dma_start3A_351 = arith.constant 0 : i32
        %dma_start3A_352 = tpu.memref_slice %arg19[%dma_start3A_350, %dma_start3A_351] : memref<10240x128xf32, #tpu.memory_space<vmem_shared>> -> memref<10240x128xf32, #tpu.memory_space<vmem_shared>>
        tpu.enqueue_indirect_dma source(%arg16 : memref<64x128xf32, #tpu.memory_space<vmem>>) target(%dma_start3A_352 : memref<10240x128xf32, #tpu.memory_space<vmem_shared>>) offsets(%arg12 : memref<64xi32, #tpu.memory_space<vmem>>) semaphore(%run_scoped3A : memref<!tpu.dma_semaphore, #tpu.memory_space<semaphore_mem>>) {add = true}
        %dma_wait3A_353 = arith.constant 0 : i32
        %dma_wait3A_354 = arith.constant 0 : i32
        %dma_wait3A_355 = tpu.memref_slice %arg19[%dma_wait3A_353, %dma_wait3A_354] : memref<10240x128xf32, #tpu.memory_space<vmem_shared>> -> memref<10240x128xf32, #tpu.memory_space<vmem_shared>>
        tpu.wait_indirect_dma semaphore(%run_scoped3A : memref<!tpu.dma_semaphore, #tpu.memory_space<semaphore_mem>>) src(%arg16 : memref<64x128xf32, #tpu.memory_space<vmem>>) dst(%dma_wait3A_355 : memref<10240x128xf32, #tpu.memory_space<vmem_shared>>)
        tpu.yield
      }) : () -> ()
      %add3A_281 = arith.constant 4 : i32
      %add3A_282 = arith.addi %add3A_263, %add3A_281 : i32
      %mul3A_283 = arith.constant 64 : i32
      %mul3A_284 = arith.muli %add3A_282, %mul3A_283 : i32
      %add3A_285 = arith.addi %mul3A_4, %mul3A_284 : i32
      %dma_start3A_286 = tpu.memref_slice %arg3[%add3A_285] : memref<327680xi32, #tpu.memory_space<hbm>> -> memref<64xi32, #tpu.memory_space<hbm>>
      %dma_start3A_287 = tpu.memref_slice %arg3[%add3A_285] : memref<327680xi32, #tpu.memory_space<hbm>> -> memref<64xi32, #tpu.memory_space<hbm>>
      tpu.enqueue_dma source(%dma_start3A_287 : memref<64xi32, #tpu.memory_space<hbm>>) target(%arg8 : memref<64xi32, #tpu.memory_space<vmem>>) target_semaphore(%arg21 : memref<!tpu.dma_semaphore, #tpu.memory_space<semaphore_mem>>)
      %dma_start3A_288 = tpu.memref_slice %arg4[%add3A_285] : memref<327680xi32, #tpu.memory_space<hbm>> -> memref<64xi32, #tpu.memory_space<hbm>>
      %dma_start3A_289 = tpu.memref_slice %arg4[%add3A_285] : memref<327680xi32, #tpu.memory_space<hbm>> -> memref<64xi32, #tpu.memory_space<hbm>>
      tpu.enqueue_dma source(%dma_start3A_289 : memref<64xi32, #tpu.memory_space<hbm>>) target(%arg12 : memref<64xi32, #tpu.memory_space<vmem>>) target_semaphore(%arg21 : memref<!tpu.dma_semaphore, #tpu.memory_space<semaphore_mem>>)
      %mul3A_290 = arith.constant 4 : i32
      %mul3A_291 = arith.muli %mul3A_290, %scan3A_230 : i32
      %add3A_292 = arith.constant 2 : i32
      %add3A_293 = arith.addi %mul3A_291, %add3A_292 : i32
      %dma_wait3A_294 = arith.constant 0 : i32
      %dma_wait3A_295 = arith.constant 0 : i32
      %dma_wait3A_296 = tpu.memref_slice %arg2[%dma_wait3A_294, %dma_wait3A_295] : memref<10240x128xf32, #tpu.memory_space<hbm>> -> memref<10240x128xf32, #tpu.memory_space<hbm>>
      tpu.wait_indirect_dma semaphore(%arg26 : memref<!tpu.dma_semaphore, #tpu.memory_space<semaphore_mem>>) src(%dma_wait3A_296 : memref<10240x128xf32, #tpu.memory_space<hbm>>) dst(%arg17 : memref<64x128xf32, #tpu.memory_space<vmem>>)
      %add3A_297 = arith.constant 4 : i32
      %add3A_298 = arith.addi %add3A_293, %add3A_297 : i32
      %sub3A_299 = arith.constant 1 : i32
      %sub3A_300 = arith.subi %add3A_298, %sub3A_299 : i32
      %mul3A_301 = arith.constant 64 : i32
      %mul3A_302 = arith.muli %sub3A_300, %mul3A_301 : i32
      %add3A_303 = arith.addi %mul3A_4, %mul3A_302 : i32
      %dma_wait3A_304 = tpu.memref_slice %arg3[%add3A_303] : memref<327680xi32, #tpu.memory_space<hbm>> -> memref<64xi32, #tpu.memory_space<hbm>>
      %dma_wait3A_305 = tpu.memref_slice %arg3[%add3A_303] : memref<327680xi32, #tpu.memory_space<hbm>> -> memref<64xi32, #tpu.memory_space<hbm>>
      tpu.wait_dma2 semaphore(%arg21 : memref<!tpu.dma_semaphore, #tpu.memory_space<semaphore_mem>>) src(%dma_wait3A_305 : memref<64xi32, #tpu.memory_space<hbm>>) dst(%arg8 : memref<64xi32, #tpu.memory_space<vmem>>)
      %dma_wait3A_306 = tpu.memref_slice %arg4[%add3A_303] : memref<327680xi32, #tpu.memory_space<hbm>> -> memref<64xi32, #tpu.memory_space<hbm>>
      %dma_wait3A_307 = tpu.memref_slice %arg4[%add3A_303] : memref<327680xi32, #tpu.memory_space<hbm>> -> memref<64xi32, #tpu.memory_space<hbm>>
      tpu.wait_dma2 semaphore(%arg21 : memref<!tpu.dma_semaphore, #tpu.memory_space<semaphore_mem>>) src(%dma_wait3A_307 : memref<64xi32, #tpu.memory_space<hbm>>) dst(%arg12 : memref<64xi32, #tpu.memory_space<vmem>>)
      %dma_start3A_308 = arith.constant 0 : i32
      %dma_start3A_309 = arith.constant 0 : i32
      %dma_start3A_310 = tpu.memref_slice %arg2[%dma_start3A_308, %dma_start3A_309] : memref<10240x128xf32, #tpu.memory_space<hbm>> -> memref<10240x128xf32, #tpu.memory_space<hbm>>
      tpu.enqueue_indirect_dma source(%dma_start3A_310 : memref<10240x128xf32, #tpu.memory_space<hbm>>) target(%arg16 : memref<64x128xf32, #tpu.memory_space<vmem>>) offsets(%arg8 : memref<64xi32, #tpu.memory_space<vmem>>) semaphore(%arg25 : memref<!tpu.dma_semaphore, #tpu.memory_space<semaphore_mem>>)
      "tpu.region"() ({
        %run_scoped3A = tpu.sem_alloc : memref<!tpu.dma_semaphore, #tpu.memory_space<semaphore_mem>>
        %dma_start3A_350 = arith.constant 0 : i32
        %dma_start3A_351 = arith.constant 0 : i32
        %dma_start3A_352 = tpu.memref_slice %arg19[%dma_start3A_350, %dma_start3A_351] : memref<10240x128xf32, #tpu.memory_space<vmem_shared>> -> memref<10240x128xf32, #tpu.memory_space<vmem_shared>>
        tpu.enqueue_indirect_dma source(%arg17 : memref<64x128xf32, #tpu.memory_space<vmem>>) target(%dma_start3A_352 : memref<10240x128xf32, #tpu.memory_space<vmem_shared>>) offsets(%arg13 : memref<64xi32, #tpu.memory_space<vmem>>) semaphore(%run_scoped3A : memref<!tpu.dma_semaphore, #tpu.memory_space<semaphore_mem>>) {add = true}
        %dma_wait3A_353 = arith.constant 0 : i32
        %dma_wait3A_354 = arith.constant 0 : i32
        %dma_wait3A_355 = tpu.memref_slice %arg19[%dma_wait3A_353, %dma_wait3A_354] : memref<10240x128xf32, #tpu.memory_space<vmem_shared>> -> memref<10240x128xf32, #tpu.memory_space<vmem_shared>>
        tpu.wait_indirect_dma semaphore(%run_scoped3A : memref<!tpu.dma_semaphore, #tpu.memory_space<semaphore_mem>>) src(%arg17 : memref<64x128xf32, #tpu.memory_space<vmem>>) dst(%dma_wait3A_355 : memref<10240x128xf32, #tpu.memory_space<vmem_shared>>)
        tpu.yield
      }) : () -> ()
      %add3A_311 = arith.constant 4 : i32
      %add3A_312 = arith.addi %add3A_293, %add3A_311 : i32
      %mul3A_313 = arith.constant 64 : i32
      %mul3A_314 = arith.muli %add3A_312, %mul3A_313 : i32
      %add3A_315 = arith.addi %mul3A_4, %mul3A_314 : i32
      %dma_start3A_316 = tpu.memref_slice %arg3[%add3A_315] : memref<327680xi32, #tpu.memory_space<hbm>> -> memref<64xi32, #tpu.memory_space<hbm>>
      %dma_start3A_317 = tpu.memref_slice %arg3[%add3A_315] : memref<327680xi32, #tpu.memory_space<hbm>> -> memref<64xi32, #tpu.memory_space<hbm>>
      tpu.enqueue_dma source(%dma_start3A_317 : memref<64xi32, #tpu.memory_space<hbm>>) target(%arg9 : memref<64xi32, #tpu.memory_space<vmem>>) target_semaphore(%arg22 : memref<!tpu.dma_semaphore, #tpu.memory_space<semaphore_mem>>)
      %dma_start3A_318 = tpu.memref_slice %arg4[%add3A_315] : memref<327680xi32, #tpu.memory_space<hbm>> -> memref<64xi32, #tpu.memory_space<hbm>>
      %dma_start3A_319 = tpu.memref_slice %arg4[%add3A_315] : memref<327680xi32, #tpu.memory_space<hbm>> -> memref<64xi32, #tpu.memory_space<hbm>>
      tpu.enqueue_dma source(%dma_start3A_319 : memref<64xi32, #tpu.memory_space<hbm>>) target(%arg13 : memref<64xi32, #tpu.memory_space<vmem>>) target_semaphore(%arg22 : memref<!tpu.dma_semaphore, #tpu.memory_space<semaphore_mem>>)
      %mul3A_320 = arith.constant 4 : i32
      %mul3A_321 = arith.muli %mul3A_320, %scan3A_230 : i32
      %add3A_322 = arith.constant 3 : i32
      %add3A_323 = arith.addi %mul3A_321, %add3A_322 : i32
      %dma_wait3A_324 = arith.constant 0 : i32
      %dma_wait3A_325 = arith.constant 0 : i32
      %dma_wait3A_326 = tpu.memref_slice %arg2[%dma_wait3A_324, %dma_wait3A_325] : memref<10240x128xf32, #tpu.memory_space<hbm>> -> memref<10240x128xf32, #tpu.memory_space<hbm>>
      tpu.wait_indirect_dma semaphore(%arg27 : memref<!tpu.dma_semaphore, #tpu.memory_space<semaphore_mem>>) src(%dma_wait3A_326 : memref<10240x128xf32, #tpu.memory_space<hbm>>) dst(%arg18 : memref<64x128xf32, #tpu.memory_space<vmem>>)
      %add3A_327 = arith.constant 4 : i32
      %add3A_328 = arith.addi %add3A_323, %add3A_327 : i32
      %sub3A_329 = arith.constant 1 : i32
      %sub3A_330 = arith.subi %add3A_328, %sub3A_329 : i32
      %mul3A_331 = arith.constant 64 : i32
      %mul3A_332 = arith.muli %sub3A_330, %mul3A_331 : i32
      %add3A_333 = arith.addi %mul3A_4, %mul3A_332 : i32
      %dma_wait3A_334 = tpu.memref_slice %arg3[%add3A_333] : memref<327680xi32, #tpu.memory_space<hbm>> -> memref<64xi32, #tpu.memory_space<hbm>>
      %dma_wait3A_335 = tpu.memref_slice %arg3[%add3A_333] : memref<327680xi32, #tpu.memory_space<hbm>> -> memref<64xi32, #tpu.memory_space<hbm>>
      tpu.wait_dma2 semaphore(%arg22 : memref<!tpu.dma_semaphore, #tpu.memory_space<semaphore_mem>>) src(%dma_wait3A_335 : memref<64xi32, #tpu.memory_space<hbm>>) dst(%arg9 : memref<64xi32, #tpu.memory_space<vmem>>)
      %dma_wait3A_336 = tpu.memref_slice %arg4[%add3A_333] : memref<327680xi32, #tpu.memory_space<hbm>> -> memref<64xi32, #tpu.memory_space<hbm>>
      %dma_wait3A_337 = tpu.memref_slice %arg4[%add3A_333] : memref<327680xi32, #tpu.memory_space<hbm>> -> memref<64xi32, #tpu.memory_space<hbm>>
      tpu.wait_dma2 semaphore(%arg22 : memref<!tpu.dma_semaphore, #tpu.memory_space<semaphore_mem>>) src(%dma_wait3A_337 : memref<64xi32, #tpu.memory_space<hbm>>) dst(%arg13 : memref<64xi32, #tpu.memory_space<vmem>>)
      %dma_start3A_338 = arith.constant 0 : i32
      %dma_start3A_339 = arith.constant 0 : i32
      %dma_start3A_340 = tpu.memref_slice %arg2[%dma_start3A_338, %dma_start3A_339] : memref<10240x128xf32, #tpu.memory_space<hbm>> -> memref<10240x128xf32, #tpu.memory_space<hbm>>
      tpu.enqueue_indirect_dma source(%dma_start3A_340 : memref<10240x128xf32, #tpu.memory_space<hbm>>) target(%arg17 : memref<64x128xf32, #tpu.memory_space<vmem>>) offsets(%arg9 : memref<64xi32, #tpu.memory_space<vmem>>) semaphore(%arg26 : memref<!tpu.dma_semaphore, #tpu.memory_space<semaphore_mem>>)
      "tpu.region"() ({
        %run_scoped3A = tpu.sem_alloc : memref<!tpu.dma_semaphore, #tpu.memory_space<semaphore_mem>>
        %dma_start3A_350 = arith.constant 0 : i32
        %dma_start3A_351 = arith.constant 0 : i32
        %dma_start3A_352 = tpu.memref_slice %arg19[%dma_start3A_350, %dma_start3A_351] : memref<10240x128xf32, #tpu.memory_space<vmem_shared>> -> memref<10240x128xf32, #tpu.memory_space<vmem_shared>>
        tpu.enqueue_indirect_dma source(%arg18 : memref<64x128xf32, #tpu.memory_space<vmem>>) target(%dma_start3A_352 : memref<10240x128xf32, #tpu.memory_space<vmem_shared>>) offsets(%arg14 : memref<64xi32, #tpu.memory_space<vmem>>) semaphore(%run_scoped3A : memref<!tpu.dma_semaphore, #tpu.memory_space<semaphore_mem>>) {add = true}
        %dma_wait3A_353 = arith.constant 0 : i32
        %dma_wait3A_354 = arith.constant 0 : i32
        %dma_wait3A_355 = tpu.memref_slice %arg19[%dma_wait3A_353, %dma_wait3A_354] : memref<10240x128xf32, #tpu.memory_space<vmem_shared>> -> memref<10240x128xf32, #tpu.memory_space<vmem_shared>>
        tpu.wait_indirect_dma semaphore(%run_scoped3A : memref<!tpu.dma_semaphore, #tpu.memory_space<semaphore_mem>>) src(%arg18 : memref<64x128xf32, #tpu.memory_space<vmem>>) dst(%dma_wait3A_355 : memref<10240x128xf32, #tpu.memory_space<vmem_shared>>)
        tpu.yield
      }) : () -> ()
      %add3A_341 = arith.constant 4 : i32
      %add3A_342 = arith.addi %add3A_323, %add3A_341 : i32
      %mul3A_343 = arith.constant 64 : i32
      %mul3A_344 = arith.muli %add3A_342, %mul3A_343 : i32
      %add3A_345 = arith.addi %mul3A_4, %mul3A_344 : i32
      %dma_start3A_346 = tpu.memref_slice %arg3[%add3A_345] : memref<327680xi32, #tpu.memory_space<hbm>> -> memref<64xi32, #tpu.memory_space<hbm>>
      %dma_start3A_347 = tpu.memref_slice %arg3[%add3A_345] : memref<327680xi32, #tpu.memory_space<hbm>> -> memref<64xi32, #tpu.memory_space<hbm>>
      tpu.enqueue_dma source(%dma_start3A_347 : memref<64xi32, #tpu.memory_space<hbm>>) target(%arg10 : memref<64xi32, #tpu.memory_space<vmem>>) target_semaphore(%arg23 : memref<!tpu.dma_semaphore, #tpu.memory_space<semaphore_mem>>)
      %dma_start3A_348 = tpu.memref_slice %arg4[%add3A_345] : memref<327680xi32, #tpu.memory_space<hbm>> -> memref<64xi32, #tpu.memory_space<hbm>>
      %dma_start3A_349 = tpu.memref_slice %arg4[%add3A_345] : memref<327680xi32, #tpu.memory_space<hbm>> -> memref<64xi32, #tpu.memory_space<hbm>>
      tpu.enqueue_dma source(%dma_start3A_349 : memref<64xi32, #tpu.memory_space<hbm>>) target(%arg14 : memref<64xi32, #tpu.memory_space<vmem>>) target_semaphore(%arg23 : memref<!tpu.dma_semaphore, #tpu.memory_space<semaphore_mem>>)
    }
    %scan3A_64 = arith.constant 39 : i32
    %dma_wait3A_65 = arith.constant 0 : i32
    %dma_wait3A_66 = arith.constant 0 : i32
    %dma_wait3A_67 = tpu.memref_slice %arg2[%dma_wait3A_65, %dma_wait3A_66] : memref<10240x128xf32, #tpu.memory_space<hbm>> -> memref<10240x128xf32, #tpu.memory_space<hbm>>
    tpu.wait_indirect_dma semaphore(%arg24 : memref<!tpu.dma_semaphore, #tpu.memory_space<semaphore_mem>>) src(%dma_wait3A_67 : memref<10240x128xf32, #tpu.memory_space<hbm>>) dst(%arg15 : memref<64x128xf32, #tpu.memory_space<vmem>>)
    %add3A_68 = arith.constant 10176 : i32
    %add3A_69 = arith.addi %mul3A_4, %add3A_68 : i32
    %dma_wait3A_70 = tpu.memref_slice %arg3[%add3A_69] : memref<327680xi32, #tpu.memory_space<hbm>> -> memref<64xi32, #tpu.memory_space<hbm>>
    %dma_wait3A_71 = tpu.memref_slice %arg3[%add3A_69] : memref<327680xi32, #tpu.memory_space<hbm>> -> memref<64xi32, #tpu.memory_space<hbm>>
    tpu.wait_dma2 semaphore(%arg23 : memref<!tpu.dma_semaphore, #tpu.memory_space<semaphore_mem>>) src(%dma_wait3A_71 : memref<64xi32, #tpu.memory_space<hbm>>) dst(%arg10 : memref<64xi32, #tpu.memory_space<vmem>>)
    %dma_wait3A_72 = tpu.memref_slice %arg4[%add3A_69] : memref<327680xi32, #tpu.memory_space<hbm>> -> memref<64xi32, #tpu.memory_space<hbm>>
    %dma_wait3A_73 = tpu.memref_slice %arg4[%add3A_69] : memref<327680xi32, #tpu.memory_space<hbm>> -> memref<64xi32, #tpu.memory_space<hbm>>
    tpu.wait_dma2 semaphore(%arg23 : memref<!tpu.dma_semaphore, #tpu.memory_space<semaphore_mem>>) src(%dma_wait3A_73 : memref<64xi32, #tpu.memory_space<hbm>>) dst(%arg14 : memref<64xi32, #tpu.memory_space<vmem>>)
    %dma_start3A_74 = arith.constant 0 : i32
    %dma_start3A_75 = arith.constant 0 : i32
    %dma_start3A_76 = tpu.memref_slice %arg2[%dma_start3A_74, %dma_start3A_75] : memref<10240x128xf32, #tpu.memory_space<hbm>> -> memref<10240x128xf32, #tpu.memory_space<hbm>>
    tpu.enqueue_indirect_dma source(%dma_start3A_76 : memref<10240x128xf32, #tpu.memory_space<hbm>>) target(%arg18 : memref<64x128xf32, #tpu.memory_space<vmem>>) offsets(%arg10 : memref<64xi32, #tpu.memory_space<vmem>>) semaphore(%arg27 : memref<!tpu.dma_semaphore, #tpu.memory_space<semaphore_mem>>)
    "tpu.region"() ({
      %run_scoped3A = tpu.sem_alloc : memref<!tpu.dma_semaphore, #tpu.memory_space<semaphore_mem>>
      %dma_start3A_230 = arith.constant 0 : i32
      %dma_start3A_231 = arith.constant 0 : i32
      %dma_start3A_232 = tpu.memref_slice %arg19[%dma_start3A_230, %dma_start3A_231] : memref<10240x128xf32, #tpu.memory_space<vmem_shared>> -> memref<10240x128xf32, #tpu.memory_space<vmem_shared>>
      tpu.enqueue_indirect_dma source(%arg15 : memref<64x128xf32, #tpu.memory_space<vmem>>) target(%dma_start3A_232 : memref<10240x128xf32, #tpu.memory_space<vmem_shared>>) offsets(%arg11 : memref<64xi32, #tpu.memory_space<vmem>>) semaphore(%run_scoped3A : memref<!tpu.dma_semaphore, #tpu.memory_space<semaphore_mem>>) {add = true}
      %dma_wait3A_233 = arith.constant 0 : i32
      %dma_wait3A_234 = arith.constant 0 : i32
      %dma_wait3A_235 = tpu.memref_slice %arg19[%dma_wait3A_233, %dma_wait3A_234] : memref<10240x128xf32, #tpu.memory_space<vmem_shared>> -> memref<10240x128xf32, #tpu.memory_space<vmem_shared>>
      tpu.wait_indirect_dma semaphore(%run_scoped3A : memref<!tpu.dma_semaphore, #tpu.memory_space<semaphore_mem>>) src(%arg15 : memref<64x128xf32, #tpu.memory_space<vmem>>) dst(%dma_wait3A_235 : memref<10240x128xf32, #tpu.memory_space<vmem_shared>>)
      tpu.yield
    }) : () -> ()
    %dma_wait3A_77 = arith.constant 0 : i32
    %dma_wait3A_78 = arith.constant 0 : i32
    %dma_wait3A_79 = tpu.memref_slice %arg2[%dma_wait3A_77, %dma_wait3A_78] : memref<10240x128xf32, #tpu.memory_space<hbm>> -> memref<10240x128xf32, #tpu.memory_space<hbm>>
    tpu.wait_indirect_dma semaphore(%arg25 : memref<!tpu.dma_semaphore, #tpu.memory_space<semaphore_mem>>) src(%dma_wait3A_79 : memref<10240x128xf32, #tpu.memory_space<hbm>>) dst(%arg16 : memref<64x128xf32, #tpu.memory_space<vmem>>)
    "tpu.region"() ({
      %run_scoped3A = tpu.sem_alloc : memref<!tpu.dma_semaphore, #tpu.memory_space<semaphore_mem>>
      %dma_start3A_230 = arith.constant 0 : i32
      %dma_start3A_231 = arith.constant 0 : i32
      %dma_start3A_232 = tpu.memref_slice %arg19[%dma_start3A_230, %dma_start3A_231] : memref<10240x128xf32, #tpu.memory_space<vmem_shared>> -> memref<10240x128xf32, #tpu.memory_space<vmem_shared>>
      tpu.enqueue_indirect_dma source(%arg16 : memref<64x128xf32, #tpu.memory_space<vmem>>) target(%dma_start3A_232 : memref<10240x128xf32, #tpu.memory_space<vmem_shared>>) offsets(%arg12 : memref<64xi32, #tpu.memory_space<vmem>>) semaphore(%run_scoped3A : memref<!tpu.dma_semaphore, #tpu.memory_space<semaphore_mem>>) {add = true}
      %dma_wait3A_233 = arith.constant 0 : i32
      %dma_wait3A_234 = arith.constant 0 : i32
      %dma_wait3A_235 = tpu.memref_slice %arg19[%dma_wait3A_233, %dma_wait3A_234] : memref<10240x128xf32, #tpu.memory_space<vmem_shared>> -> memref<10240x128xf32, #tpu.memory_space<vmem_shared>>
      tpu.wait_indirect_dma semaphore(%run_scoped3A : memref<!tpu.dma_semaphore, #tpu.memory_space<semaphore_mem>>) src(%arg16 : memref<64x128xf32, #tpu.memory_space<vmem>>) dst(%dma_wait3A_235 : memref<10240x128xf32, #tpu.memory_space<vmem_shared>>)
      tpu.yield
    }) : () -> ()
    %dma_wait3A_80 = arith.constant 0 : i32
    %dma_wait3A_81 = arith.constant 0 : i32
    %dma_wait3A_82 = tpu.memref_slice %arg2[%dma_wait3A_80, %dma_wait3A_81] : memref<10240x128xf32, #tpu.memory_space<hbm>> -> memref<10240x128xf32, #tpu.memory_space<hbm>>
    tpu.wait_indirect_dma semaphore(%arg26 : memref<!tpu.dma_semaphore, #tpu.memory_space<semaphore_mem>>) src(%dma_wait3A_82 : memref<10240x128xf32, #tpu.memory_space<hbm>>) dst(%arg17 : memref<64x128xf32, #tpu.memory_space<vmem>>)
    "tpu.region"() ({
      %run_scoped3A = tpu.sem_alloc : memref<!tpu.dma_semaphore, #tpu.memory_space<semaphore_mem>>
      %dma_start3A_230 = arith.constant 0 : i32
      %dma_start3A_231 = arith.constant 0 : i32
      %dma_start3A_232 = tpu.memref_slice %arg19[%dma_start3A_230, %dma_start3A_231] : memref<10240x128xf32, #tpu.memory_space<vmem_shared>> -> memref<10240x128xf32, #tpu.memory_space<vmem_shared>>
      tpu.enqueue_indirect_dma source(%arg17 : memref<64x128xf32, #tpu.memory_space<vmem>>) target(%dma_start3A_232 : memref<10240x128xf32, #tpu.memory_space<vmem_shared>>) offsets(%arg13 : memref<64xi32, #tpu.memory_space<vmem>>) semaphore(%run_scoped3A : memref<!tpu.dma_semaphore, #tpu.memory_space<semaphore_mem>>) {add = true}
      %dma_wait3A_233 = arith.constant 0 : i32
      %dma_wait3A_234 = arith.constant 0 : i32
      %dma_wait3A_235 = tpu.memref_slice %arg19[%dma_wait3A_233, %dma_wait3A_234] : memref<10240x128xf32, #tpu.memory_space<vmem_shared>> -> memref<10240x128xf32, #tpu.memory_space<vmem_shared>>
      tpu.wait_indirect_dma semaphore(%run_scoped3A : memref<!tpu.dma_semaphore, #tpu.memory_space<semaphore_mem>>) src(%arg17 : memref<64x128xf32, #tpu.memory_space<vmem>>) dst(%dma_wait3A_235 : memref<10240x128xf32, #tpu.memory_space<vmem_shared>>)
      tpu.yield
    }) : () -> ()
    %dma_wait3A_83 = arith.constant 0 : i32
    %dma_wait3A_84 = arith.constant 0 : i32
    %dma_wait3A_85 = tpu.memref_slice %arg2[%dma_wait3A_83, %dma_wait3A_84] : memref<10240x128xf32, #tpu.memory_space<hbm>> -> memref<10240x128xf32, #tpu.memory_space<hbm>>
    tpu.wait_indirect_dma semaphore(%arg27 : memref<!tpu.dma_semaphore, #tpu.memory_space<semaphore_mem>>) src(%dma_wait3A_85 : memref<10240x128xf32, #tpu.memory_space<hbm>>) dst(%arg18 : memref<64x128xf32, #tpu.memory_space<vmem>>)
    "tpu.region"() ({
      %run_scoped3A = tpu.sem_alloc : memref<!tpu.dma_semaphore, #tpu.memory_space<semaphore_mem>>
      %dma_start3A_230 = arith.constant 0 : i32
      %dma_start3A_231 = arith.constant 0 : i32
      %dma_start3A_232 = tpu.memref_slice %arg19[%dma_start3A_230, %dma_start3A_231] : memref<10240x128xf32, #tpu.memory_space<vmem_shared>> -> memref<10240x128xf32, #tpu.memory_space<vmem_shared>>
      tpu.enqueue_indirect_dma source(%arg18 : memref<64x128xf32, #tpu.memory_space<vmem>>) target(%dma_start3A_232 : memref<10240x128xf32, #tpu.memory_space<vmem_shared>>) offsets(%arg14 : memref<64xi32, #tpu.memory_space<vmem>>) semaphore(%run_scoped3A : memref<!tpu.dma_semaphore, #tpu.memory_space<semaphore_mem>>) {add = true}
      %dma_wait3A_233 = arith.constant 0 : i32
      %dma_wait3A_234 = arith.constant 0 : i32
      %dma_wait3A_235 = tpu.memref_slice %arg19[%dma_wait3A_233, %dma_wait3A_234] : memref<10240x128xf32, #tpu.memory_space<vmem_shared>> -> memref<10240x128xf32, #tpu.memory_space<vmem_shared>>
      tpu.wait_indirect_dma semaphore(%run_scoped3A : memref<!tpu.dma_semaphore, #tpu.memory_space<semaphore_mem>>) src(%arg18 : memref<64x128xf32, #tpu.memory_space<vmem>>) dst(%dma_wait3A_235 : memref<10240x128xf32, #tpu.memory_space<vmem_shared>>)
      tpu.yield
    }) : () -> ()
    %barrier3A_86 = arith.constant 0 : index
    tpu.barrier barrier_id(%barrier3A_86)
    %mul3A_87 = arith.constant 10240 : i32
    %mul3A_88 = arith.muli %arg0, %mul3A_87 : i32
    %add3A_89 = arith.addi %mul3A_88, %mul3A_2 : i32
    %add3A_90 = arith.constant 0 : i32
    %add3A_91 = arith.addi %mul3A_2, %add3A_90 : i32
    "tpu.region"() ({
      %run_scoped3A = tpu.sem_alloc : memref<!tpu.dma_semaphore, #tpu.memory_space<semaphore_mem>>
      %dma_start3A_230 = arith.constant 0 : i32
      %dma_start3A_231 = tpu.memref_slice %arg19[%add3A_91, %dma_start3A_230] : memref<10240x128xf32, #tpu.memory_space<vmem_shared>> -> memref<64x128xf32, #tpu.memory_space<vmem_shared>>
      %dma_start3A_232 = arith.constant 0 : i32
      %dma_start3A_233 = tpu.memref_slice %arg19[%add3A_91, %dma_start3A_232] : memref<10240x128xf32, #tpu.memory_space<vmem_shared>> -> memref<64x128xf32, #tpu.memory_space<vmem_shared>>
      tpu.enqueue_dma source(%dma_start3A_233 : memref<64x128xf32, #tpu.memory_space<vmem_shared>>) target(%arg15 : memref<64x128xf32, #tpu.memory_space<vmem>>) target_semaphore(%run_scoped3A : memref<!tpu.dma_semaphore, #tpu.memory_space<semaphore_mem>>)
      %dma_wait3A_234 = arith.constant 0 : i32
      %dma_wait3A_235 = tpu.memref_slice %arg19[%add3A_91, %dma_wait3A_234] : memref<10240x128xf32, #tpu.memory_space<vmem_shared>> -> memref<64x128xf32, #tpu.memory_space<vmem_shared>>
      %dma_wait3A_236 = arith.constant 0 : i32
      %dma_wait3A_237 = tpu.memref_slice %arg19[%add3A_91, %dma_wait3A_236] : memref<10240x128xf32, #tpu.memory_space<vmem_shared>> -> memref<64x128xf32, #tpu.memory_space<vmem_shared>>
      tpu.wait_dma2 semaphore(%run_scoped3A : memref<!tpu.dma_semaphore, #tpu.memory_space<semaphore_mem>>) src(%dma_wait3A_237 : memref<64x128xf32, #tpu.memory_space<vmem_shared>>) dst(%arg15 : memref<64x128xf32, #tpu.memory_space<vmem>>)
      tpu.yield
    }) : () -> ()
    %add3A_92 = arith.constant 0 : i32
    %add3A_93 = arith.addi %add3A_89, %add3A_92 : i32
    %dma_start3A_94 = arith.constant 0 : i32
    %dma_start3A_95 = tpu.memref_slice %arg6[%add3A_93, %dma_start3A_94] : memref<20480x128xf32, #tpu.memory_space<hbm>> -> memref<64x128xf32, #tpu.memory_space<hbm>>
    %dma_start3A_96 = arith.constant 0 : i32
    %dma_start3A_97 = tpu.memref_slice %arg6[%add3A_93, %dma_start3A_96] : memref<20480x128xf32, #tpu.memory_space<hbm>> -> memref<64x128xf32, #tpu.memory_space<hbm>>
    tpu.enqueue_dma source(%arg15 : memref<64x128xf32, #tpu.memory_space<vmem>>) target(%dma_start3A_97 : memref<64x128xf32, #tpu.memory_space<hbm>>) target_semaphore(%arg24 : memref<!tpu.dma_semaphore, #tpu.memory_space<semaphore_mem>>)
    %add3A_98 = arith.constant 64 : i32
    %add3A_99 = arith.addi %mul3A_2, %add3A_98 : i32
    "tpu.region"() ({
      %run_scoped3A = tpu.sem_alloc : memref<!tpu.dma_semaphore, #tpu.memory_space<semaphore_mem>>
      %dma_start3A_230 = arith.constant 0 : i32
      %dma_start3A_231 = tpu.memref_slice %arg19[%add3A_99, %dma_start3A_230] : memref<10240x128xf32, #tpu.memory_space<vmem_shared>> -> memref<64x128xf32, #tpu.memory_space<vmem_shared>>
      %dma_start3A_232 = arith.constant 0 : i32
      %dma_start3A_233 = tpu.memref_slice %arg19[%add3A_99, %dma_start3A_232] : memref<10240x128xf32, #tpu.memory_space<vmem_shared>> -> memref<64x128xf32, #tpu.memory_space<vmem_shared>>
      tpu.enqueue_dma source(%dma_start3A_233 : memref<64x128xf32, #tpu.memory_space<vmem_shared>>) target(%arg16 : memref<64x128xf32, #tpu.memory_space<vmem>>) target_semaphore(%run_scoped3A : memref<!tpu.dma_semaphore, #tpu.memory_space<semaphore_mem>>)
      %dma_wait3A_234 = arith.constant 0 : i32
      %dma_wait3A_235 = tpu.memref_slice %arg19[%add3A_99, %dma_wait3A_234] : memref<10240x128xf32, #tpu.memory_space<vmem_shared>> -> memref<64x128xf32, #tpu.memory_space<vmem_shared>>
      %dma_wait3A_236 = arith.constant 0 : i32
      %dma_wait3A_237 = tpu.memref_slice %arg19[%add3A_99, %dma_wait3A_236] : memref<10240x128xf32, #tpu.memory_space<vmem_shared>> -> memref<64x128xf32, #tpu.memory_space<vmem_shared>>
      tpu.wait_dma2 semaphore(%run_scoped3A : memref<!tpu.dma_semaphore, #tpu.memory_space<semaphore_mem>>) src(%dma_wait3A_237 : memref<64x128xf32, #tpu.memory_space<vmem_shared>>) dst(%arg16 : memref<64x128xf32, #tpu.memory_space<vmem>>)
      tpu.yield
    }) : () -> ()
    %add3A_100 = arith.constant 64 : i32
    %add3A_101 = arith.addi %add3A_89, %add3A_100 : i32
    %dma_start3A_102 = arith.constant 0 : i32
    %dma_start3A_103 = tpu.memref_slice %arg6[%add3A_101, %dma_start3A_102] : memref<20480x128xf32, #tpu.memory_space<hbm>> -> memref<64x128xf32, #tpu.memory_space<hbm>>
    %dma_start3A_104 = arith.constant 0 : i32
    %dma_start3A_105 = tpu.memref_slice %arg6[%add3A_101, %dma_start3A_104] : memref<20480x128xf32, #tpu.memory_space<hbm>> -> memref<64x128xf32, #tpu.memory_space<hbm>>
    tpu.enqueue_dma source(%arg16 : memref<64x128xf32, #tpu.memory_space<vmem>>) target(%dma_start3A_105 : memref<64x128xf32, #tpu.memory_space<hbm>>) target_semaphore(%arg25 : memref<!tpu.dma_semaphore, #tpu.memory_space<semaphore_mem>>)
    %add3A_106 = arith.constant 0 : i32
    %add3A_107 = arith.addi %add3A_89, %add3A_106 : i32
    %dma_wait3A_108 = arith.constant 0 : i32
    %dma_wait3A_109 = tpu.memref_slice %arg6[%add3A_107, %dma_wait3A_108] : memref<20480x128xf32, #tpu.memory_space<hbm>> -> memref<64x128xf32, #tpu.memory_space<hbm>>
    %dma_wait3A_110 = arith.constant 0 : i32
    %dma_wait3A_111 = tpu.memref_slice %arg6[%add3A_107, %dma_wait3A_110] : memref<20480x128xf32, #tpu.memory_space<hbm>> -> memref<64x128xf32, #tpu.memory_space<hbm>>
    tpu.wait_dma2 semaphore(%arg24 : memref<!tpu.dma_semaphore, #tpu.memory_space<semaphore_mem>>) src(%arg15 : memref<64x128xf32, #tpu.memory_space<vmem>>) dst(%dma_wait3A_111 : memref<64x128xf32, #tpu.memory_space<hbm>>)
    %add3A_112 = arith.constant 128 : i32
    %add3A_113 = arith.addi %mul3A_2, %add3A_112 : i32
    "tpu.region"() ({
      %run_scoped3A = tpu.sem_alloc : memref<!tpu.dma_semaphore, #tpu.memory_space<semaphore_mem>>
      %dma_start3A_230 = arith.constant 0 : i32
      %dma_start3A_231 = tpu.memref_slice %arg19[%add3A_113, %dma_start3A_230] : memref<10240x128xf32, #tpu.memory_space<vmem_shared>> -> memref<64x128xf32, #tpu.memory_space<vmem_shared>>
      %dma_start3A_232 = arith.constant 0 : i32
      %dma_start3A_233 = tpu.memref_slice %arg19[%add3A_113, %dma_start3A_232] : memref<10240x128xf32, #tpu.memory_space<vmem_shared>> -> memref<64x128xf32, #tpu.memory_space<vmem_shared>>
      tpu.enqueue_dma source(%dma_start3A_233 : memref<64x128xf32, #tpu.memory_space<vmem_shared>>) target(%arg15 : memref<64x128xf32, #tpu.memory_space<vmem>>) target_semaphore(%run_scoped3A : memref<!tpu.dma_semaphore, #tpu.memory_space<semaphore_mem>>)
      %dma_wait3A_234 = arith.constant 0 : i32
      %dma_wait3A_235 = tpu.memref_slice %arg19[%add3A_113, %dma_wait3A_234] : memref<10240x128xf32, #tpu.memory_space<vmem_shared>> -> memref<64x128xf32, #tpu.memory_space<vmem_shared>>
      %dma_wait3A_236 = arith.constant 0 : i32
      %dma_wait3A_237 = tpu.memref_slice %arg19[%add3A_113, %dma_wait3A_236] : memref<10240x128xf32, #tpu.memory_space<vmem_shared>> -> memref<64x128xf32, #tpu.memory_space<vmem_shared>>
      tpu.wait_dma2 semaphore(%run_scoped3A : memref<!tpu.dma_semaphore, #tpu.memory_space<semaphore_mem>>) src(%dma_wait3A_237 : memref<64x128xf32, #tpu.memory_space<vmem_shared>>) dst(%arg15 : memref<64x128xf32, #tpu.memory_space<vmem>>)
      tpu.yield
    }) : () -> ()
    %add3A_114 = arith.constant 128 : i32
    %add3A_115 = arith.addi %add3A_89, %add3A_114 : i32
    %dma_start3A_116 = arith.constant 0 : i32
    %dma_start3A_117 = tpu.memref_slice %arg6[%add3A_115, %dma_start3A_116] : memref<20480x128xf32, #tpu.memory_space<hbm>> -> memref<64x128xf32, #tpu.memory_space<hbm>>
    %dma_start3A_118 = arith.constant 0 : i32
    %dma_start3A_119 = tpu.memref_slice %arg6[%add3A_115, %dma_start3A_118] : memref<20480x128xf32, #tpu.memory_space<hbm>> -> memref<64x128xf32, #tpu.memory_space<hbm>>
    tpu.enqueue_dma source(%arg15 : memref<64x128xf32, #tpu.memory_space<vmem>>) target(%dma_start3A_119 : memref<64x128xf32, #tpu.memory_space<hbm>>) target_semaphore(%arg24 : memref<!tpu.dma_semaphore, #tpu.memory_space<semaphore_mem>>)
    %add3A_120 = arith.constant 64 : i32
    %add3A_121 = arith.addi %add3A_89, %add3A_120 : i32
    %dma_wait3A_122 = arith.constant 0 : i32
    %dma_wait3A_123 = tpu.memref_slice %arg6[%add3A_121, %dma_wait3A_122] : memref<20480x128xf32, #tpu.memory_space<hbm>> -> memref<64x128xf32, #tpu.memory_space<hbm>>
    %dma_wait3A_124 = arith.constant 0 : i32
    %dma_wait3A_125 = tpu.memref_slice %arg6[%add3A_121, %dma_wait3A_124] : memref<20480x128xf32, #tpu.memory_space<hbm>> -> memref<64x128xf32, #tpu.memory_space<hbm>>
    tpu.wait_dma2 semaphore(%arg25 : memref<!tpu.dma_semaphore, #tpu.memory_space<semaphore_mem>>) src(%arg16 : memref<64x128xf32, #tpu.memory_space<vmem>>) dst(%dma_wait3A_125 : memref<64x128xf32, #tpu.memory_space<hbm>>)
    %add3A_126 = arith.constant 192 : i32
    %add3A_127 = arith.addi %mul3A_2, %add3A_126 : i32
    "tpu.region"() ({
      %run_scoped3A = tpu.sem_alloc : memref<!tpu.dma_semaphore, #tpu.memory_space<semaphore_mem>>
      %dma_start3A_230 = arith.constant 0 : i32
      %dma_start3A_231 = tpu.memref_slice %arg19[%add3A_127, %dma_start3A_230] : memref<10240x128xf32, #tpu.memory_space<vmem_shared>> -> memref<64x128xf32, #tpu.memory_space<vmem_shared>>
      %dma_start3A_232 = arith.constant 0 : i32
      %dma_start3A_233 = tpu.memref_slice %arg19[%add3A_127, %dma_start3A_232] : memref<10240x128xf32, #tpu.memory_space<vmem_shared>> -> memref<64x128xf32, #tpu.memory_space<vmem_shared>>
      tpu.enqueue_dma source(%dma_start3A_233 : memref<64x128xf32, #tpu.memory_space<vmem_shared>>) target(%arg16 : memref<64x128xf32, #tpu.memory_space<vmem>>) target_semaphore(%run_scoped3A : memref<!tpu.dma_semaphore, #tpu.memory_space<semaphore_mem>>)
      %dma_wait3A_234 = arith.constant 0 : i32
      %dma_wait3A_235 = tpu.memref_slice %arg19[%add3A_127, %dma_wait3A_234] : memref<10240x128xf32, #tpu.memory_space<vmem_shared>> -> memref<64x128xf32, #tpu.memory_space<vmem_shared>>
      %dma_wait3A_236 = arith.constant 0 : i32
      %dma_wait3A_237 = tpu.memref_slice %arg19[%add3A_127, %dma_wait3A_236] : memref<10240x128xf32, #tpu.memory_space<vmem_shared>> -> memref<64x128xf32, #tpu.memory_space<vmem_shared>>
      tpu.wait_dma2 semaphore(%run_scoped3A : memref<!tpu.dma_semaphore, #tpu.memory_space<semaphore_mem>>) src(%dma_wait3A_237 : memref<64x128xf32, #tpu.memory_space<vmem_shared>>) dst(%arg16 : memref<64x128xf32, #tpu.memory_space<vmem>>)
      tpu.yield
    }) : () -> ()
    %add3A_128 = arith.constant 192 : i32
    %add3A_129 = arith.addi %add3A_89, %add3A_128 : i32
    %dma_start3A_130 = arith.constant 0 : i32
    %dma_start3A_131 = tpu.memref_slice %arg6[%add3A_129, %dma_start3A_130] : memref<20480x128xf32, #tpu.memory_space<hbm>> -> memref<64x128xf32, #tpu.memory_space<hbm>>
    %dma_start3A_132 = arith.constant 0 : i32
    %dma_start3A_133 = tpu.memref_slice %arg6[%add3A_129, %dma_start3A_132] : memref<20480x128xf32, #tpu.memory_space<hbm>> -> memref<64x128xf32, #tpu.memory_space<hbm>>
    tpu.enqueue_dma source(%arg16 : memref<64x128xf32, #tpu.memory_space<vmem>>) target(%dma_start3A_133 : memref<64x128xf32, #tpu.memory_space<hbm>>) target_semaphore(%arg25 : memref<!tpu.dma_semaphore, #tpu.memory_space<semaphore_mem>>)
    %add3A_134 = arith.constant 128 : i32
    %add3A_135 = arith.addi %add3A_89, %add3A_134 : i32
    %dma_wait3A_136 = arith.constant 0 : i32
    %dma_wait3A_137 = tpu.memref_slice %arg6[%add3A_135, %dma_wait3A_136] : memref<20480x128xf32, #tpu.memory_space<hbm>> -> memref<64x128xf32, #tpu.memory_space<hbm>>
    %dma_wait3A_138 = arith.constant 0 : i32
    %dma_wait3A_139 = tpu.memref_slice %arg6[%add3A_135, %dma_wait3A_138] : memref<20480x128xf32, #tpu.memory_space<hbm>> -> memref<64x128xf32, #tpu.memory_space<hbm>>
    tpu.wait_dma2 semaphore(%arg24 : memref<!tpu.dma_semaphore, #tpu.memory_space<semaphore_mem>>) src(%arg15 : memref<64x128xf32, #tpu.memory_space<vmem>>) dst(%dma_wait3A_139 : memref<64x128xf32, #tpu.memory_space<hbm>>)
    %add3A_140 = arith.constant 256 : i32
    %add3A_141 = arith.addi %mul3A_2, %add3A_140 : i32
    "tpu.region"() ({
      %run_scoped3A = tpu.sem_alloc : memref<!tpu.dma_semaphore, #tpu.memory_space<semaphore_mem>>
      %dma_start3A_230 = arith.constant 0 : i32
      %dma_start3A_231 = tpu.memref_slice %arg19[%add3A_141, %dma_start3A_230] : memref<10240x128xf32, #tpu.memory_space<vmem_shared>> -> memref<64x128xf32, #tpu.memory_space<vmem_shared>>
      %dma_start3A_232 = arith.constant 0 : i32
      %dma_start3A_233 = tpu.memref_slice %arg19[%add3A_141, %dma_start3A_232] : memref<10240x128xf32, #tpu.memory_space<vmem_shared>> -> memref<64x128xf32, #tpu.memory_space<vmem_shared>>
      tpu.enqueue_dma source(%dma_start3A_233 : memref<64x128xf32, #tpu.memory_space<vmem_shared>>) target(%arg15 : memref<64x128xf32, #tpu.memory_space<vmem>>) target_semaphore(%run_scoped3A : memref<!tpu.dma_semaphore, #tpu.memory_space<semaphore_mem>>)
      %dma_wait3A_234 = arith.constant 0 : i32
      %dma_wait3A_235 = tpu.memref_slice %arg19[%add3A_141, %dma_wait3A_234] : memref<10240x128xf32, #tpu.memory_space<vmem_shared>> -> memref<64x128xf32, #tpu.memory_space<vmem_shared>>
      %dma_wait3A_236 = arith.constant 0 : i32
      %dma_wait3A_237 = tpu.memref_slice %arg19[%add3A_141, %dma_wait3A_236] : memref<10240x128xf32, #tpu.memory_space<vmem_shared>> -> memref<64x128xf32, #tpu.memory_space<vmem_shared>>
      tpu.wait_dma2 semaphore(%run_scoped3A : memref<!tpu.dma_semaphore, #tpu.memory_space<semaphore_mem>>) src(%dma_wait3A_237 : memref<64x128xf32, #tpu.memory_space<vmem_shared>>) dst(%arg15 : memref<64x128xf32, #tpu.memory_space<vmem>>)
      tpu.yield
    }) : () -> ()
    %add3A_142 = arith.constant 256 : i32
    %add3A_143 = arith.addi %add3A_89, %add3A_142 : i32
    %dma_start3A_144 = arith.constant 0 : i32
    %dma_start3A_145 = tpu.memref_slice %arg6[%add3A_143, %dma_start3A_144] : memref<20480x128xf32, #tpu.memory_space<hbm>> -> memref<64x128xf32, #tpu.memory_space<hbm>>
    %dma_start3A_146 = arith.constant 0 : i32
    %dma_start3A_147 = tpu.memref_slice %arg6[%add3A_143, %dma_start3A_146] : memref<20480x128xf32, #tpu.memory_space<hbm>> -> memref<64x128xf32, #tpu.memory_space<hbm>>
    tpu.enqueue_dma source(%arg15 : memref<64x128xf32, #tpu.memory_space<vmem>>) target(%dma_start3A_147 : memref<64x128xf32, #tpu.memory_space<hbm>>) target_semaphore(%arg24 : memref<!tpu.dma_semaphore, #tpu.memory_space<semaphore_mem>>)
    %add3A_148 = arith.constant 192 : i32
    %add3A_149 = arith.addi %add3A_89, %add3A_148 : i32
    %dma_wait3A_150 = arith.constant 0 : i32
    %dma_wait3A_151 = tpu.memref_slice %arg6[%add3A_149, %dma_wait3A_150] : memref<20480x128xf32, #tpu.memory_space<hbm>> -> memref<64x128xf32, #tpu.memory_space<hbm>>
    %dma_wait3A_152 = arith.constant 0 : i32
    %dma_wait3A_153 = tpu.memref_slice %arg6[%add3A_149, %dma_wait3A_152] : memref<20480x128xf32, #tpu.memory_space<hbm>> -> memref<64x128xf32, #tpu.memory_space<hbm>>
    tpu.wait_dma2 semaphore(%arg25 : memref<!tpu.dma_semaphore, #tpu.memory_space<semaphore_mem>>) src(%arg16 : memref<64x128xf32, #tpu.memory_space<vmem>>) dst(%dma_wait3A_153 : memref<64x128xf32, #tpu.memory_space<hbm>>)
    %add3A_154 = arith.constant 320 : i32
    %add3A_155 = arith.addi %mul3A_2, %add3A_154 : i32
    "tpu.region"() ({
      %run_scoped3A = tpu.sem_alloc : memref<!tpu.dma_semaphore, #tpu.memory_space<semaphore_mem>>
      %dma_start3A_230 = arith.constant 0 : i32
      %dma_start3A_231 = tpu.memref_slice %arg19[%add3A_155, %dma_start3A_230] : memref<10240x128xf32, #tpu.memory_space<vmem_shared>> -> memref<64x128xf32, #tpu.memory_space<vmem_shared>>
      %dma_start3A_232 = arith.constant 0 : i32
      %dma_start3A_233 = tpu.memref_slice %arg19[%add3A_155, %dma_start3A_232] : memref<10240x128xf32, #tpu.memory_space<vmem_shared>> -> memref<64x128xf32, #tpu.memory_space<vmem_shared>>
      tpu.enqueue_dma source(%dma_start3A_233 : memref<64x128xf32, #tpu.memory_space<vmem_shared>>) target(%arg16 : memref<64x128xf32, #tpu.memory_space<vmem>>) target_semaphore(%run_scoped3A : memref<!tpu.dma_semaphore, #tpu.memory_space<semaphore_mem>>)
      %dma_wait3A_234 = arith.constant 0 : i32
      %dma_wait3A_235 = tpu.memref_slice %arg19[%add3A_155, %dma_wait3A_234] : memref<10240x128xf32, #tpu.memory_space<vmem_shared>> -> memref<64x128xf32, #tpu.memory_space<vmem_shared>>
      %dma_wait3A_236 = arith.constant 0 : i32
      %dma_wait3A_237 = tpu.memref_slice %arg19[%add3A_155, %dma_wait3A_236] : memref<10240x128xf32, #tpu.memory_space<vmem_shared>> -> memref<64x128xf32, #tpu.memory_space<vmem_shared>>
      tpu.wait_dma2 semaphore(%run_scoped3A : memref<!tpu.dma_semaphore, #tpu.memory_space<semaphore_mem>>) src(%dma_wait3A_237 : memref<64x128xf32, #tpu.memory_space<vmem_shared>>) dst(%arg16 : memref<64x128xf32, #tpu.memory_space<vmem>>)
      tpu.yield
    }) : () -> ()
    %add3A_156 = arith.constant 320 : i32
    %add3A_157 = arith.addi %add3A_89, %add3A_156 : i32
    %dma_start3A_158 = arith.constant 0 : i32
    %dma_start3A_159 = tpu.memref_slice %arg6[%add3A_157, %dma_start3A_158] : memref<20480x128xf32, #tpu.memory_space<hbm>> -> memref<64x128xf32, #tpu.memory_space<hbm>>
    %dma_start3A_160 = arith.constant 0 : i32
    %dma_start3A_161 = tpu.memref_slice %arg6[%add3A_157, %dma_start3A_160] : memref<20480x128xf32, #tpu.memory_space<hbm>> -> memref<64x128xf32, #tpu.memory_space<hbm>>
    tpu.enqueue_dma source(%arg16 : memref<64x128xf32, #tpu.memory_space<vmem>>) target(%dma_start3A_161 : memref<64x128xf32, #tpu.memory_space<hbm>>) target_semaphore(%arg25 : memref<!tpu.dma_semaphore, #tpu.memory_space<semaphore_mem>>)
    %add3A_162 = arith.constant 256 : i32
    %add3A_163 = arith.addi %add3A_89, %add3A_162 : i32
    %dma_wait3A_164 = arith.constant 0 : i32
    %dma_wait3A_165 = tpu.memref_slice %arg6[%add3A_163, %dma_wait3A_164] : memref<20480x128xf32, #tpu.memory_space<hbm>> -> memref<64x128xf32, #tpu.memory_space<hbm>>
    %dma_wait3A_166 = arith.constant 0 : i32
    %dma_wait3A_167 = tpu.memref_slice %arg6[%add3A_163, %dma_wait3A_166] : memref<20480x128xf32, #tpu.memory_space<hbm>> -> memref<64x128xf32, #tpu.memory_space<hbm>>
    tpu.wait_dma2 semaphore(%arg24 : memref<!tpu.dma_semaphore, #tpu.memory_space<semaphore_mem>>) src(%arg15 : memref<64x128xf32, #tpu.memory_space<vmem>>) dst(%dma_wait3A_167 : memref<64x128xf32, #tpu.memory_space<hbm>>)
    %add3A_168 = arith.constant 384 : i32
    %add3A_169 = arith.addi %mul3A_2, %add3A_168 : i32
    "tpu.region"() ({
      %run_scoped3A = tpu.sem_alloc : memref<!tpu.dma_semaphore, #tpu.memory_space<semaphore_mem>>
      %dma_start3A_230 = arith.constant 0 : i32
      %dma_start3A_231 = tpu.memref_slice %arg19[%add3A_169, %dma_start3A_230] : memref<10240x128xf32, #tpu.memory_space<vmem_shared>> -> memref<64x128xf32, #tpu.memory_space<vmem_shared>>
      %dma_start3A_232 = arith.constant 0 : i32
      %dma_start3A_233 = tpu.memref_slice %arg19[%add3A_169, %dma_start3A_232] : memref<10240x128xf32, #tpu.memory_space<vmem_shared>> -> memref<64x128xf32, #tpu.memory_space<vmem_shared>>
      tpu.enqueue_dma source(%dma_start3A_233 : memref<64x128xf32, #tpu.memory_space<vmem_shared>>) target(%arg15 : memref<64x128xf32, #tpu.memory_space<vmem>>) target_semaphore(%run_scoped3A : memref<!tpu.dma_semaphore, #tpu.memory_space<semaphore_mem>>)
      %dma_wait3A_234 = arith.constant 0 : i32
      %dma_wait3A_235 = tpu.memref_slice %arg19[%add3A_169, %dma_wait3A_234] : memref<10240x128xf32, #tpu.memory_space<vmem_shared>> -> memref<64x128xf32, #tpu.memory_space<vmem_shared>>
      %dma_wait3A_236 = arith.constant 0 : i32
      %dma_wait3A_237 = tpu.memref_slice %arg19[%add3A_169, %dma_wait3A_236] : memref<10240x128xf32, #tpu.memory_space<vmem_shared>> -> memref<64x128xf32, #tpu.memory_space<vmem_shared>>
      tpu.wait_dma2 semaphore(%run_scoped3A : memref<!tpu.dma_semaphore, #tpu.memory_space<semaphore_mem>>) src(%dma_wait3A_237 : memref<64x128xf32, #tpu.memory_space<vmem_shared>>) dst(%arg15 : memref<64x128xf32, #tpu.memory_space<vmem>>)
      tpu.yield
    }) : () -> ()
    %add3A_170 = arith.constant 384 : i32
    %add3A_171 = arith.addi %add3A_89, %add3A_170 : i32
    %dma_start3A_172 = arith.constant 0 : i32
    %dma_start3A_173 = tpu.memref_slice %arg6[%add3A_171, %dma_start3A_172] : memref<20480x128xf32, #tpu.memory_space<hbm>> -> memref<64x128xf32, #tpu.memory_space<hbm>>
    %dma_start3A_174 = arith.constant 0 : i32
    %dma_start3A_175 = tpu.memref_slice %arg6[%add3A_171, %dma_start3A_174] : memref<20480x128xf32, #tpu.memory_space<hbm>> -> memref<64x128xf32, #tpu.memory_space<hbm>>
    tpu.enqueue_dma source(%arg15 : memref<64x128xf32, #tpu.memory_space<vmem>>) target(%dma_start3A_175 : memref<64x128xf32, #tpu.memory_space<hbm>>) target_semaphore(%arg24 : memref<!tpu.dma_semaphore, #tpu.memory_space<semaphore_mem>>)
    %add3A_176 = arith.constant 320 : i32
    %add3A_177 = arith.addi %add3A_89, %add3A_176 : i32
    %dma_wait3A_178 = arith.constant 0 : i32
    %dma_wait3A_179 = tpu.memref_slice %arg6[%add3A_177, %dma_wait3A_178] : memref<20480x128xf32, #tpu.memory_space<hbm>> -> memref<64x128xf32, #tpu.memory_space<hbm>>
    %dma_wait3A_180 = arith.constant 0 : i32
    %dma_wait3A_181 = tpu.memref_slice %arg6[%add3A_177, %dma_wait3A_180] : memref<20480x128xf32, #tpu.memory_space<hbm>> -> memref<64x128xf32, #tpu.memory_space<hbm>>
    tpu.wait_dma2 semaphore(%arg25 : memref<!tpu.dma_semaphore, #tpu.memory_space<semaphore_mem>>) src(%arg16 : memref<64x128xf32, #tpu.memory_space<vmem>>) dst(%dma_wait3A_181 : memref<64x128xf32, #tpu.memory_space<hbm>>)
    %add3A_182 = arith.constant 448 : i32
    %add3A_183 = arith.addi %mul3A_2, %add3A_182 : i32
    "tpu.region"() ({
      %run_scoped3A = tpu.sem_alloc : memref<!tpu.dma_semaphore, #tpu.memory_space<semaphore_mem>>
      %dma_start3A_230 = arith.constant 0 : i32
      %dma_start3A_231 = tpu.memref_slice %arg19[%add3A_183, %dma_start3A_230] : memref<10240x128xf32, #tpu.memory_space<vmem_shared>> -> memref<64x128xf32, #tpu.memory_space<vmem_shared>>
      %dma_start3A_232 = arith.constant 0 : i32
      %dma_start3A_233 = tpu.memref_slice %arg19[%add3A_183, %dma_start3A_232] : memref<10240x128xf32, #tpu.memory_space<vmem_shared>> -> memref<64x128xf32, #tpu.memory_space<vmem_shared>>
      tpu.enqueue_dma source(%dma_start3A_233 : memref<64x128xf32, #tpu.memory_space<vmem_shared>>) target(%arg16 : memref<64x128xf32, #tpu.memory_space<vmem>>) target_semaphore(%run_scoped3A : memref<!tpu.dma_semaphore, #tpu.memory_space<semaphore_mem>>)
      %dma_wait3A_234 = arith.constant 0 : i32
      %dma_wait3A_235 = tpu.memref_slice %arg19[%add3A_183, %dma_wait3A_234] : memref<10240x128xf32, #tpu.memory_space<vmem_shared>> -> memref<64x128xf32, #tpu.memory_space<vmem_shared>>
      %dma_wait3A_236 = arith.constant 0 : i32
      %dma_wait3A_237 = tpu.memref_slice %arg19[%add3A_183, %dma_wait3A_236] : memref<10240x128xf32, #tpu.memory_space<vmem_shared>> -> memref<64x128xf32, #tpu.memory_space<vmem_shared>>
      tpu.wait_dma2 semaphore(%run_scoped3A : memref<!tpu.dma_semaphore, #tpu.memory_space<semaphore_mem>>) src(%dma_wait3A_237 : memref<64x128xf32, #tpu.memory_space<vmem_shared>>) dst(%arg16 : memref<64x128xf32, #tpu.memory_space<vmem>>)
      tpu.yield
    }) : () -> ()
    %add3A_184 = arith.constant 448 : i32
    %add3A_185 = arith.addi %add3A_89, %add3A_184 : i32
    %dma_start3A_186 = arith.constant 0 : i32
    %dma_start3A_187 = tpu.memref_slice %arg6[%add3A_185, %dma_start3A_186] : memref<20480x128xf32, #tpu.memory_space<hbm>> -> memref<64x128xf32, #tpu.memory_space<hbm>>
    %dma_start3A_188 = arith.constant 0 : i32
    %dma_start3A_189 = tpu.memref_slice %arg6[%add3A_185, %dma_start3A_188] : memref<20480x128xf32, #tpu.memory_space<hbm>> -> memref<64x128xf32, #tpu.memory_space<hbm>>
    tpu.enqueue_dma source(%arg16 : memref<64x128xf32, #tpu.memory_space<vmem>>) target(%dma_start3A_189 : memref<64x128xf32, #tpu.memory_space<hbm>>) target_semaphore(%arg25 : memref<!tpu.dma_semaphore, #tpu.memory_space<semaphore_mem>>)
    %add3A_190 = arith.constant 384 : i32
    %add3A_191 = arith.addi %add3A_89, %add3A_190 : i32
    %dma_wait3A_192 = arith.constant 0 : i32
    %dma_wait3A_193 = tpu.memref_slice %arg6[%add3A_191, %dma_wait3A_192] : memref<20480x128xf32, #tpu.memory_space<hbm>> -> memref<64x128xf32, #tpu.memory_space<hbm>>
    %dma_wait3A_194 = arith.constant 0 : i32
    %dma_wait3A_195 = tpu.memref_slice %arg6[%add3A_191, %dma_wait3A_194] : memref<20480x128xf32, #tpu.memory_space<hbm>> -> memref<64x128xf32, #tpu.memory_space<hbm>>
    tpu.wait_dma2 semaphore(%arg24 : memref<!tpu.dma_semaphore, #tpu.memory_space<semaphore_mem>>) src(%arg15 : memref<64x128xf32, #tpu.memory_space<vmem>>) dst(%dma_wait3A_195 : memref<64x128xf32, #tpu.memory_space<hbm>>)
    %add3A_196 = arith.constant 512 : i32
    %add3A_197 = arith.addi %mul3A_2, %add3A_196 : i32
    "tpu.region"() ({
      %run_scoped3A = tpu.sem_alloc : memref<!tpu.dma_semaphore, #tpu.memory_space<semaphore_mem>>
      %dma_start3A_230 = arith.constant 0 : i32
      %dma_start3A_231 = tpu.memref_slice %arg19[%add3A_197, %dma_start3A_230] : memref<10240x128xf32, #tpu.memory_space<vmem_shared>> -> memref<64x128xf32, #tpu.memory_space<vmem_shared>>
      %dma_start3A_232 = arith.constant 0 : i32
      %dma_start3A_233 = tpu.memref_slice %arg19[%add3A_197, %dma_start3A_232] : memref<10240x128xf32, #tpu.memory_space<vmem_shared>> -> memref<64x128xf32, #tpu.memory_space<vmem_shared>>
      tpu.enqueue_dma source(%dma_start3A_233 : memref<64x128xf32, #tpu.memory_space<vmem_shared>>) target(%arg15 : memref<64x128xf32, #tpu.memory_space<vmem>>) target_semaphore(%run_scoped3A : memref<!tpu.dma_semaphore, #tpu.memory_space<semaphore_mem>>)
      %dma_wait3A_234 = arith.constant 0 : i32
      %dma_wait3A_235 = tpu.memref_slice %arg19[%add3A_197, %dma_wait3A_234] : memref<10240x128xf32, #tpu.memory_space<vmem_shared>> -> memref<64x128xf32, #tpu.memory_space<vmem_shared>>
      %dma_wait3A_236 = arith.constant 0 : i32
      %dma_wait3A_237 = tpu.memref_slice %arg19[%add3A_197, %dma_wait3A_236] : memref<10240x128xf32, #tpu.memory_space<vmem_shared>> -> memref<64x128xf32, #tpu.memory_space<vmem_shared>>
      tpu.wait_dma2 semaphore(%run_scoped3A : memref<!tpu.dma_semaphore, #tpu.memory_space<semaphore_mem>>) src(%dma_wait3A_237 : memref<64x128xf32, #tpu.memory_space<vmem_shared>>) dst(%arg15 : memref<64x128xf32, #tpu.memory_space<vmem>>)
      tpu.yield
    }) : () -> ()
    %add3A_198 = arith.constant 512 : i32
    %add3A_199 = arith.addi %add3A_89, %add3A_198 : i32
    %dma_start3A_200 = arith.constant 0 : i32
    %dma_start3A_201 = tpu.memref_slice %arg6[%add3A_199, %dma_start3A_200] : memref<20480x128xf32, #tpu.memory_space<hbm>> -> memref<64x128xf32, #tpu.memory_space<hbm>>
    %dma_start3A_202 = arith.constant 0 : i32
    %dma_start3A_203 = tpu.memref_slice %arg6[%add3A_199, %dma_start3A_202] : memref<20480x128xf32, #tpu.memory_space<hbm>> -> memref<64x128xf32, #tpu.memory_space<hbm>>
    tpu.enqueue_dma source(%arg15 : memref<64x128xf32, #tpu.memory_space<vmem>>) target(%dma_start3A_203 : memref<64x128xf32, #tpu.memory_space<hbm>>) target_semaphore(%arg24 : memref<!tpu.dma_semaphore, #tpu.memory_space<semaphore_mem>>)
    %add3A_204 = arith.constant 448 : i32
    %add3A_205 = arith.addi %add3A_89, %add3A_204 : i32
    %dma_wait3A_206 = arith.constant 0 : i32
    %dma_wait3A_207 = tpu.memref_slice %arg6[%add3A_205, %dma_wait3A_206] : memref<20480x128xf32, #tpu.memory_space<hbm>> -> memref<64x128xf32, #tpu.memory_space<hbm>>
    %dma_wait3A_208 = arith.constant 0 : i32
    %dma_wait3A_209 = tpu.memref_slice %arg6[%add3A_205, %dma_wait3A_208] : memref<20480x128xf32, #tpu.memory_space<hbm>> -> memref<64x128xf32, #tpu.memory_space<hbm>>
    tpu.wait_dma2 semaphore(%arg25 : memref<!tpu.dma_semaphore, #tpu.memory_space<semaphore_mem>>) src(%arg16 : memref<64x128xf32, #tpu.memory_space<vmem>>) dst(%dma_wait3A_209 : memref<64x128xf32, #tpu.memory_space<hbm>>)
    %add3A_210 = arith.constant 576 : i32
    %add3A_211 = arith.addi %mul3A_2, %add3A_210 : i32
    "tpu.region"() ({
      %run_scoped3A = tpu.sem_alloc : memref<!tpu.dma_semaphore, #tpu.memory_space<semaphore_mem>>
      %dma_start3A_230 = arith.constant 0 : i32
      %dma_start3A_231 = tpu.memref_slice %arg19[%add3A_211, %dma_start3A_230] : memref<10240x128xf32, #tpu.memory_space<vmem_shared>> -> memref<64x128xf32, #tpu.memory_space<vmem_shared>>
      %dma_start3A_232 = arith.constant 0 : i32
      %dma_start3A_233 = tpu.memref_slice %arg19[%add3A_211, %dma_start3A_232] : memref<10240x128xf32, #tpu.memory_space<vmem_shared>> -> memref<64x128xf32, #tpu.memory_space<vmem_shared>>
      tpu.enqueue_dma source(%dma_start3A_233 : memref<64x128xf32, #tpu.memory_space<vmem_shared>>) target(%arg16 : memref<64x128xf32, #tpu.memory_space<vmem>>) target_semaphore(%run_scoped3A : memref<!tpu.dma_semaphore, #tpu.memory_space<semaphore_mem>>)
      %dma_wait3A_234 = arith.constant 0 : i32
      %dma_wait3A_235 = tpu.memref_slice %arg19[%add3A_211, %dma_wait3A_234] : memref<10240x128xf32, #tpu.memory_space<vmem_shared>> -> memref<64x128xf32, #tpu.memory_space<vmem_shared>>
      %dma_wait3A_236 = arith.constant 0 : i32
      %dma_wait3A_237 = tpu.memref_slice %arg19[%add3A_211, %dma_wait3A_236] : memref<10240x128xf32, #tpu.memory_space<vmem_shared>> -> memref<64x128xf32, #tpu.memory_space<vmem_shared>>
      tpu.wait_dma2 semaphore(%run_scoped3A : memref<!tpu.dma_semaphore, #tpu.memory_space<semaphore_mem>>) src(%dma_wait3A_237 : memref<64x128xf32, #tpu.memory_space<vmem_shared>>) dst(%arg16 : memref<64x128xf32, #tpu.memory_space<vmem>>)
      tpu.yield
    }) : () -> ()
    %add3A_212 = arith.constant 576 : i32
    %add3A_213 = arith.addi %add3A_89, %add3A_212 : i32
    %dma_start3A_214 = arith.constant 0 : i32
    %dma_start3A_215 = tpu.memref_slice %arg6[%add3A_213, %dma_start3A_214] : memref<20480x128xf32, #tpu.memory_space<hbm>> -> memref<64x128xf32, #tpu.memory_space<hbm>>
    %dma_start3A_216 = arith.constant 0 : i32
    %dma_start3A_217 = tpu.memref_slice %arg6[%add3A_213, %dma_start3A_216] : memref<20480x128xf32, #tpu.memory_space<hbm>> -> memref<64x128xf32, #tpu.memory_space<hbm>>
    tpu.enqueue_dma source(%arg16 : memref<64x128xf32, #tpu.memory_space<vmem>>) target(%dma_start3A_217 : memref<64x128xf32, #tpu.memory_space<hbm>>) target_semaphore(%arg25 : memref<!tpu.dma_semaphore, #tpu.memory_space<semaphore_mem>>)
    %add3A_218 = arith.constant 512 : i32
    %add3A_219 = arith.addi %add3A_89, %add3A_218 : i32
    %dma_wait3A_220 = arith.constant 0 : i32
    %dma_wait3A_221 = tpu.memref_slice %arg6[%add3A_219, %dma_wait3A_220] : memref<20480x128xf32, #tpu.memory_space<hbm>> -> memref<64x128xf32, #tpu.memory_space<hbm>>
    %dma_wait3A_222 = arith.constant 0 : i32
    %dma_wait3A_223 = tpu.memref_slice %arg6[%add3A_219, %dma_wait3A_222] : memref<20480x128xf32, #tpu.memory_space<hbm>> -> memref<64x128xf32, #tpu.memory_space<hbm>>
    tpu.wait_dma2 semaphore(%arg24 : memref<!tpu.dma_semaphore, #tpu.memory_space<semaphore_mem>>) src(%arg15 : memref<64x128xf32, #tpu.memory_space<vmem>>) dst(%dma_wait3A_223 : memref<64x128xf32, #tpu.memory_space<hbm>>)
    %add3A_224 = arith.constant 576 : i32
    %add3A_225 = arith.addi %add3A_89, %add3A_224 : i32
    %dma_wait3A_226 = arith.constant 0 : i32
    %dma_wait3A_227 = tpu.memref_slice %arg6[%add3A_225, %dma_wait3A_226] : memref<20480x128xf32, #tpu.memory_space<hbm>> -> memref<64x128xf32, #tpu.memory_space<hbm>>
    %dma_wait3A_228 = arith.constant 0 : i32
    %dma_wait3A_229 = tpu.memref_slice %arg6[%add3A_225, %dma_wait3A_228] : memref<20480x128xf32, #tpu.memory_space<hbm>> -> memref<64x128xf32, #tpu.memory_space<hbm>>
    tpu.wait_dma2 semaphore(%arg25 : memref<!tpu.dma_semaphore, #tpu.memory_space<semaphore_mem>>) src(%arg16 : memref<64x128xf32, #tpu.memory_space<vmem>>) dst(%dma_wait3A_229 : memref<64x128xf32, #tpu.memory_space<hbm>>)
    return
  }
}

module attributes {stable_mosaic.version = 14 : i64} {
  func.func @_mm2_body(%arg0: i32, %arg1: memref<1024x128xf32, #tpu.memory_space<vmem>>, %arg2: memref<128x128xf32, #tpu.memory_space<vmem>>, %arg3: memref<128x128xf32, #tpu.memory_space<vmem>>, %arg4: memref<1024x128xf32, #tpu.memory_space<vmem>>, %arg5: memref<1024x128xf32, #tpu.memory_space<vmem>>) attributes {dimension_semantics = [#tpu.dimension_semantics<arbitrary>], iteration_bounds = array<i64: 10>, scalar_prefetch = 0 : i64, scratch_operands = 0 : i64, tpu.core_type = #tpu.core_type<tc>, window_params = [{transform_indices = @transform_0, window_bounds = array<i64: 1024, 128>}, {pipeline_mode = #tpu.pipeline_mode<synchronous>, transform_indices = @transform_1, window_bounds = array<i64: 128, 128>}, {pipeline_mode = #tpu.pipeline_mode<synchronous>, transform_indices = @transform_2, window_bounds = array<i64: 128, 128>}, {transform_indices = @transform_3, window_bounds = array<i64: 1024, 128>}, {transform_indices = @transform_4, window_bounds = array<i64: 1024, 128>}]} {
    %get3A = arith.constant 0 : index
    %get3A_0 = arith.constant 0 : index
    %get3A_1 = vector.load %arg1[%get3A, %get3A_0] : memref<1024x128xf32, #tpu.memory_space<vmem>>, vector<1024x128xf32>
    %get3A_2 = arith.constant 0 : index
    %get3A_3 = arith.constant 0 : index
    %get3A_4 = vector.load %arg2[%get3A_2, %get3A_3] : memref<128x128xf32, #tpu.memory_space<vmem>>, vector<128x128xf32>
    %dot_general3A = arith.constant dense<0.000000e+00> : vector<1024x128xf32>
    %dot_general3A_5 = tpu.matmul %get3A_1, %get3A_4, %dot_general3A {dimension_numbers = #tpu.dot_dimension_numbers<[1], [0], [0], [1], [0, 0, 1, 1], [], []>, transpose_lhs_hint = false} : vector<1024x128xf32>, vector<128x128xf32>, vector<1024x128xf32> -> vector<1024x128xf32>
    %swap3A = arith.constant 0 : index
    %swap3A_6 = arith.constant 0 : index
    %swap3A_7 = vector.load %arg4[%swap3A, %swap3A_6] : memref<1024x128xf32, #tpu.memory_space<vmem>>, vector<1024x128xf32>
    tpu.vector_store %arg4[%swap3A, %swap3A_6], %dot_general3A_5 {strides = array<i32>} : memref<1024x128xf32, #tpu.memory_space<vmem>>, vector<1024x128xf32>,
    %get3A_8 = arith.constant 0 : index
    %get3A_9 = arith.constant 0 : index
    %get3A_10 = vector.load %arg3[%get3A_8, %get3A_9] : memref<128x128xf32, #tpu.memory_space<vmem>>, vector<128x128xf32>
    %dot_general3A_11 = arith.constant dense<0.000000e+00> : vector<1024x128xf32>
    %dot_general3A_12 = tpu.matmul %get3A_1, %get3A_10, %dot_general3A_11 {dimension_numbers = #tpu.dot_dimension_numbers<[1], [0], [0], [1], [0, 0, 1, 1], [], []>, transpose_lhs_hint = false} : vector<1024x128xf32>, vector<128x128xf32>, vector<1024x128xf32> -> vector<1024x128xf32>
    %swap3A_13 = arith.constant 0 : index
    %swap3A_14 = arith.constant 0 : index
    %swap3A_15 = vector.load %arg5[%swap3A_13, %swap3A_14] : memref<1024x128xf32, #tpu.memory_space<vmem>>, vector<1024x128xf32>
    tpu.vector_store %arg5[%swap3A_13, %swap3A_14], %dot_general3A_12 {strides = array<i32>} : memref<1024x128xf32, #tpu.memory_space<vmem>>, vector<1024x128xf32>,
    return
  }
  func.func @transform_0(%arg0: i32) -> (i32, i32) {
    %c0_i32 = arith.constant 0 : i32
    %c0_i32_0 = arith.constant 0 : i32
    return %arg0, %c0_i32 : i32, i32
  }
  func.func @transform_1(%arg0: i32) -> (i32, i32) {
    %c0_i32 = arith.constant 0 : i32
    %c0_i32_0 = arith.constant 0 : i32
    %c0_i32_1 = arith.constant 0 : i32
    return %c0_i32, %c0_i32_0 : i32, i32
  }
  func.func @transform_2(%arg0: i32) -> (i32, i32) {
    %c0_i32 = arith.constant 0 : i32
    %c0_i32_0 = arith.constant 0 : i32
    %c0_i32_1 = arith.constant 0 : i32
    return %c0_i32, %c0_i32_0 : i32, i32
  }
  func.func @transform_3(%arg0: i32) -> (i32, i32) {
    %c0_i32 = arith.constant 0 : i32
    %c0_i32_0 = arith.constant 0 : i32
    return %arg0, %c0_i32 : i32, i32
  }
  func.func @transform_4(%arg0: i32) -> (i32, i32) {
    %c0_i32 = arith.constant 0 : i32
    %c0_i32_0 = arith.constant 0 : i32
    return %arg0, %c0_i32 : i32, i32
  }
}

module attributes {stable_mosaic.version = 14 : i64} {
  func.func @_layer_body(%arg0: i32, %arg1: memref<2x1024x128xf32, #tpu.memory_space<vmem>>, %arg2: memref<2x1024x128xf32, #tpu.memory_space<vmem>>, %arg3: memref<1024x128xf32, #tpu.memory_space<vmem>>, %arg4: memref<1x128xf32, #tpu.memory_space<vmem>>, %arg5: memref<128x128xf32, #tpu.memory_space<vmem>>, %arg6: memref<128x128xf32, #tpu.memory_space<vmem>>, %arg7: memref<1024x128xf32, #tpu.memory_space<vmem>>, %arg8: memref<1024x128xf32, #tpu.memory_space<vmem>>) attributes {dimension_semantics = [#tpu.dimension_semantics<arbitrary>], iteration_bounds = array<i64: 10>, scalar_prefetch = 0 : i64, scratch_operands = 0 : i64, tpu.core_type = #tpu.core_type<tc>, window_params = [{transform_indices = @transform_0, window_bounds = array<i64: 2, 1024, 128>}, {transform_indices = @transform_1, window_bounds = array<i64: 2, 1024, 128>}, {transform_indices = @transform_2, window_bounds = array<i64: 1024, 128>}, {pipeline_mode = #tpu.pipeline_mode<synchronous>, transform_indices = @transform_3, window_bounds = array<i64: 1, 128>}, {pipeline_mode = #tpu.pipeline_mode<synchronous>, transform_indices = @transform_4, window_bounds = array<i64: 128, 128>}, {pipeline_mode = #tpu.pipeline_mode<synchronous>, transform_indices = @transform_5, window_bounds = array<i64: 128, 128>}, {transform_indices = @transform_6, window_bounds = array<i64: 1024, 128>}, {transform_indices = @transform_7, window_bounds = array<i64: 1024, 128>}]} {
    %get3A = arith.constant 0 : index
    %get3A_0 = arith.constant 0 : index
    %get3A_1 = arith.constant 0 : index
    %get3A_2 = vector.load %arg1[%get3A, %get3A_0, %get3A_1] : memref<2x1024x128xf32, #tpu.memory_space<vmem>>, vector<1x1024x128xf32>
    %get3A_3 = vector.shape_cast %get3A_2 : vector<1x1024x128xf32> to vector<1024x128xf32>
    %get3A_4 = arith.constant 1 : index
    %get3A_5 = arith.constant 0 : index
    %get3A_6 = arith.constant 0 : index
    %get3A_7 = vector.load %arg1[%get3A_4, %get3A_5, %get3A_6] : memref<2x1024x128xf32, #tpu.memory_space<vmem>>, vector<1x1024x128xf32>
    %get3A_8 = vector.shape_cast %get3A_7 : vector<1x1024x128xf32> to vector<1024x128xf32>
    %add3A = arith.addf %get3A_3, %get3A_8 : vector<1024x128xf32>
    %get3A_9 = arith.constant 0 : index
    %get3A_10 = arith.constant 0 : index
    %get3A_11 = arith.constant 0 : index
    %get3A_12 = vector.load %arg2[%get3A_9, %get3A_10, %get3A_11] : memref<2x1024x128xf32, #tpu.memory_space<vmem>>, vector<1x1024x1xf32>
    %get3A_13 = vector.shape_cast %get3A_12 : vector<1x1024x1xf32> to vector<1024x1xf32>
    %get3A_14 = arith.constant 1 : index
    %get3A_15 = arith.constant 0 : index
    %get3A_16 = arith.constant 0 : index
    %get3A_17 = vector.load %arg2[%get3A_14, %get3A_15, %get3A_16] : memref<2x1024x128xf32, #tpu.memory_space<vmem>>, vector<1x1024x1xf32>
    %get3A_18 = vector.shape_cast %get3A_17 : vector<1x1024x1xf32> to vector<1024x1xf32>
    %add3A_19 = arith.addf %get3A_13, %get3A_18 : vector<1024x1xf32>
    %max3A = arith.constant 1.000000e+00 : f32
    %max3A_20 = vector.broadcast %max3A : f32 to vector<1024x1xf32>
    %max3A_21 = arith.maximumf %add3A_19, %max3A_20 : vector<1024x1xf32>
    %div3A = vector.broadcast %max3A_21 : vector<1024x1xf32> to vector<1024x128xf32>
    %div3A_22 = arith.divf %add3A, %div3A : vector<1024x128xf32>
    %get3A_23 = arith.constant 0 : index
    %get3A_24 = arith.constant 0 : index
    %get3A_25 = vector.load %arg3[%get3A_23, %get3A_24] : memref<1024x128xf32, #tpu.memory_space<vmem>>, vector<1024x128xf32>
    %add3A_26 = arith.addf %div3A_22, %get3A_25 : vector<1024x128xf32>
    %get3A_27 = arith.constant 0 : index
    %get3A_28 = arith.constant 0 : index
    %get3A_29 = vector.load %arg4[%get3A_27, %get3A_28] : memref<1x128xf32, #tpu.memory_space<vmem>>, vector<1x128xf32>
    %add3A_30 = vector.broadcast %get3A_29 : vector<1x128xf32> to vector<1024x128xf32>
    %add3A_31 = arith.addf %add3A_26, %add3A_30 : vector<1024x128xf32>
    %max3A_32 = arith.constant 0.000000e+00 : f32
    %max3A_33 = vector.broadcast %max3A_32 : f32 to vector<1024x128xf32>
    %max3A_34 = arith.maximumf %add3A_31, %max3A_33 : vector<1024x128xf32>
    %get3A_35 = arith.constant 0 : index
    %get3A_36 = arith.constant 0 : index
    %get3A_37 = vector.load %arg5[%get3A_35, %get3A_36] : memref<128x128xf32, #tpu.memory_space<vmem>>, vector<128x128xf32>
    %dot_general3A = arith.constant dense<0.000000e+00> : vector<1024x128xf32>
    %dot_general3A_38 = tpu.matmul %max3A_34, %get3A_37, %dot_general3A {dimension_numbers = #tpu.dot_dimension_numbers<[1], [0], [0], [1], [0, 0, 1, 1], [], []>, transpose_lhs_hint = false} : vector<1024x128xf32>, vector<128x128xf32>, vector<1024x128xf32> -> vector<1024x128xf32>
    %swap3A = arith.constant 0 : index
    %swap3A_39 = arith.constant 0 : index
    %swap3A_40 = vector.load %arg7[%swap3A, %swap3A_39] : memref<1024x128xf32, #tpu.memory_space<vmem>>, vector<1024x128xf32>
    tpu.vector_store %arg7[%swap3A, %swap3A_39], %dot_general3A_38 {strides = array<i32>} : memref<1024x128xf32, #tpu.memory_space<vmem>>, vector<1024x128xf32>,
    %get3A_41 = arith.constant 0 : index
    %get3A_42 = arith.constant 0 : index
    %get3A_43 = vector.load %arg6[%get3A_41, %get3A_42] : memref<128x128xf32, #tpu.memory_space<vmem>>, vector<128x128xf32>
    %dot_general3A_44 = arith.constant dense<0.000000e+00> : vector<1024x128xf32>
    %dot_general3A_45 = tpu.matmul %max3A_34, %get3A_43, %dot_general3A_44 {dimension_numbers = #tpu.dot_dimension_numbers<[1], [0], [0], [1], [0, 0, 1, 1], [], []>, transpose_lhs_hint = false} : vector<1024x128xf32>, vector<128x128xf32>, vector<1024x128xf32> -> vector<1024x128xf32>
    %swap3A_46 = arith.constant 0 : index
    %swap3A_47 = arith.constant 0 : index
    %swap3A_48 = vector.load %arg8[%swap3A_46, %swap3A_47] : memref<1024x128xf32, #tpu.memory_space<vmem>>, vector<1024x128xf32>
    tpu.vector_store %arg8[%swap3A_46, %swap3A_47], %dot_general3A_45 {strides = array<i32>} : memref<1024x128xf32, #tpu.memory_space<vmem>>, vector<1024x128xf32>,
    return
  }
  func.func @transform_0(%arg0: i32) -> (i32, i32, i32) {
    %c0_i32 = arith.constant 0 : i32
    %c0_i32_0 = arith.constant 0 : i32
    %c0_i32_1 = arith.constant 0 : i32
    return %c0_i32, %arg0, %c0_i32_0 : i32, i32, i32
  }
  func.func @transform_1(%arg0: i32) -> (i32, i32, i32) {
    %c0_i32 = arith.constant 0 : i32
    %c0_i32_0 = arith.constant 0 : i32
    %c0_i32_1 = arith.constant 0 : i32
    return %c0_i32, %arg0, %c0_i32_0 : i32, i32, i32
  }
  func.func @transform_2(%arg0: i32) -> (i32, i32) {
    %c0_i32 = arith.constant 0 : i32
    %c0_i32_0 = arith.constant 0 : i32
    return %arg0, %c0_i32 : i32, i32
  }
  func.func @transform_3(%arg0: i32) -> (i32, i32) {
    %c0_i32 = arith.constant 0 : i32
    %c0_i32_0 = arith.constant 0 : i32
    %c0_i32_1 = arith.constant 0 : i32
    return %c0_i32, %c0_i32_0 : i32, i32
  }
  func.func @transform_4(%arg0: i32) -> (i32, i32) {
    %c0_i32 = arith.constant 0 : i32
    %c0_i32_0 = arith.constant 0 : i32
    %c0_i32_1 = arith.constant 0 : i32
    return %c0_i32, %c0_i32_0 : i32, i32
  }
  func.func @transform_5(%arg0: i32) -> (i32, i32) {
    %c0_i32 = arith.constant 0 : i32
    %c0_i32_0 = arith.constant 0 : i32
    %c0_i32_1 = arith.constant 0 : i32
    return %c0_i32, %c0_i32_0 : i32, i32
  }
  func.func @transform_6(%arg0: i32) -> (i32, i32) {
    %c0_i32 = arith.constant 0 : i32
    %c0_i32_0 = arith.constant 0 : i32
    return %arg0, %c0_i32 : i32, i32
  }
  func.func @transform_7(%arg0: i32) -> (i32, i32) {
    %c0_i32 = arith.constant 0 : i32
    %c0_i32_0 = arith.constant 0 : i32
    return %arg0, %c0_i32 : i32, i32
  }
}

module attributes {stable_mosaic.version = 14 : i64} {
  func.func @_out_body(%arg0: i32, %arg1: memref<2x1024x128xf32, #tpu.memory_space<vmem>>, %arg2: memref<2x1024x128xf32, #tpu.memory_space<vmem>>, %arg3: memref<1024x128xf32, #tpu.memory_space<vmem>>, %arg4: memref<1x128xf32, #tpu.memory_space<vmem>>, %arg5: memref<1024x128xf32, #tpu.memory_space<vmem>>) attributes {dimension_semantics = [#tpu.dimension_semantics<arbitrary>], iteration_bounds = array<i64: 10>, scalar_prefetch = 0 : i64, scratch_operands = 0 : i64, tpu.core_type = #tpu.core_type<tc>, window_params = [{transform_indices = @transform_0, window_bounds = array<i64: 2, 1024, 128>}, {transform_indices = @transform_1, window_bounds = array<i64: 2, 1024, 128>}, {transform_indices = @transform_2, window_bounds = array<i64: 1024, 128>}, {pipeline_mode = #tpu.pipeline_mode<synchronous>, transform_indices = @transform_3, window_bounds = array<i64: 1, 128>}, {transform_indices = @transform_4, window_bounds = array<i64: 1024, 128>}]} {
    %get3A = arith.constant 0 : index
    %get3A_0 = arith.constant 0 : index
    %get3A_1 = arith.constant 0 : index
    %get3A_2 = vector.load %arg1[%get3A, %get3A_0, %get3A_1] : memref<2x1024x128xf32, #tpu.memory_space<vmem>>, vector<1x1024x128xf32>
    %get3A_3 = vector.shape_cast %get3A_2 : vector<1x1024x128xf32> to vector<1024x128xf32>
    %get3A_4 = arith.constant 1 : index
    %get3A_5 = arith.constant 0 : index
    %get3A_6 = arith.constant 0 : index
    %get3A_7 = vector.load %arg1[%get3A_4, %get3A_5, %get3A_6] : memref<2x1024x128xf32, #tpu.memory_space<vmem>>, vector<1x1024x128xf32>
    %get3A_8 = vector.shape_cast %get3A_7 : vector<1x1024x128xf32> to vector<1024x128xf32>
    %add3A = arith.addf %get3A_3, %get3A_8 : vector<1024x128xf32>
    %get3A_9 = arith.constant 0 : index
    %get3A_10 = arith.constant 0 : index
    %get3A_11 = arith.constant 0 : index
    %get3A_12 = vector.load %arg2[%get3A_9, %get3A_10, %get3A_11] : memref<2x1024x128xf32, #tpu.memory_space<vmem>>, vector<1x1024x1xf32>
    %get3A_13 = vector.shape_cast %get3A_12 : vector<1x1024x1xf32> to vector<1024x1xf32>
    %get3A_14 = arith.constant 1 : index
    %get3A_15 = arith.constant 0 : index
    %get3A_16 = arith.constant 0 : index
    %get3A_17 = vector.load %arg2[%get3A_14, %get3A_15, %get3A_16] : memref<2x1024x128xf32, #tpu.memory_space<vmem>>, vector<1x1024x1xf32>
    %get3A_18 = vector.shape_cast %get3A_17 : vector<1x1024x1xf32> to vector<1024x1xf32>
    %add3A_19 = arith.addf %get3A_13, %get3A_18 : vector<1024x1xf32>
    %max3A = arith.constant 1.000000e+00 : f32
    %max3A_20 = vector.broadcast %max3A : f32 to vector<1024x1xf32>
    %max3A_21 = arith.maximumf %add3A_19, %max3A_20 : vector<1024x1xf32>
    %div3A = vector.broadcast %max3A_21 : vector<1024x1xf32> to vector<1024x128xf32>
    %div3A_22 = arith.divf %add3A, %div3A : vector<1024x128xf32>
    %get3A_23 = arith.constant 0 : index
    %get3A_24 = arith.constant 0 : index
    %get3A_25 = vector.load %arg3[%get3A_23, %get3A_24] : memref<1024x128xf32, #tpu.memory_space<vmem>>, vector<1024x128xf32>
    %add3A_26 = arith.addf %div3A_22, %get3A_25 : vector<1024x128xf32>
    %get3A_27 = arith.constant 0 : index
    %get3A_28 = arith.constant 0 : index
    %get3A_29 = vector.load %arg4[%get3A_27, %get3A_28] : memref<1x128xf32, #tpu.memory_space<vmem>>, vector<1x128xf32>
    %add3A_30 = vector.broadcast %get3A_29 : vector<1x128xf32> to vector<1024x128xf32>
    %add3A_31 = arith.addf %add3A_26, %add3A_30 : vector<1024x128xf32>
    %swap3A = arith.constant 0 : index
    %swap3A_32 = arith.constant 0 : index
    %swap3A_33 = vector.load %arg5[%swap3A, %swap3A_32] : memref<1024x128xf32, #tpu.memory_space<vmem>>, vector<1024x128xf32>
    tpu.vector_store %arg5[%swap3A, %swap3A_32], %add3A_31 {strides = array<i32>} : memref<1024x128xf32, #tpu.memory_space<vmem>>, vector<1024x128xf32>,
    return
  }
  func.func @transform_0(%arg0: i32) -> (i32, i32, i32) {
    %c0_i32 = arith.constant 0 : i32
    %c0_i32_0 = arith.constant 0 : i32
    %c0_i32_1 = arith.constant 0 : i32
    return %c0_i32, %arg0, %c0_i32_0 : i32, i32, i32
  }
  func.func @transform_1(%arg0: i32) -> (i32, i32, i32) {
    %c0_i32 = arith.constant 0 : i32
    %c0_i32_0 = arith.constant 0 : i32
    %c0_i32_1 = arith.constant 0 : i32
    return %c0_i32, %arg0, %c0_i32_0 : i32, i32, i32
  }
  func.func @transform_2(%arg0: i32) -> (i32, i32) {
    %c0_i32 = arith.constant 0 : i32
    %c0_i32_0 = arith.constant 0 : i32
    return %arg0, %c0_i32 : i32, i32
  }
  func.func @transform_3(%arg0: i32) -> (i32, i32) {
    %c0_i32 = arith.constant 0 : i32
    %c0_i32_0 = arith.constant 0 : i32
    %c0_i32_1 = arith.constant 0 : i32
    return %c0_i32, %c0_i32_0 : i32, i32
  }
  func.func @transform_4(%arg0: i32) -> (i32, i32) {
    %c0_i32 = arith.constant 0 : i32
    %c0_i32_0 = arith.constant 0 : i32
    return %arg0, %c0_i32 : i32, i32
  }
}

</mosaic_0001>

<sc_bundles>
// kernel: kernel.11.cloned.1.call-start
scs
__scs_entry_jumppad:
0x0: {  	(pc) =	sbr.rel $0x88, $3  }
0x1: {  	(tag) =	ssettag $0x0;
	lr =	simm.s32 $0x1  }
0x2: {  	[smem:$0x3F99] =	sst lr;
	_ =	strace $0xD0000000  }
0x3: {  	_ = 	snop  }
0x4: {  	_ = 	snop  }
0x5: {  	_ = 	snop  }
0x6: {  	_ = 	snop  }
0x7: {  	_ = 	snop  }
__scs_overlays_trampoline_lowered:
0x8: {  	[smem:$0x3FA8] =	sst s0  }
0x9: {  	[smem:$0x3FA9] =	sst s1  }
0xa: {  	[smem:$0x3FAA] =	sst s2  }
0xb: {  	[smem:$0x3FAB] =	sst s3  }
0xc: {  	[smem:$0x3FAC] =	sst s4  }
0xd: {  	[smem:$0x3FAD] =	sst s5  }
0xe: {  	[smem:$0x3FAE] =	sst s6  }
0xf: {  	[smem:$0x3FAF] =	sst s7  }
0x10: {  	[smem:$0x3FB0] =	sst s8  }
0x11: {  	[smem:$0x3FB1] =	sst s9;
	s0 =	simm.s32 @!p0 $0x0  }
0x12: {  	s1 =	sld [smem:$0x3F97];
	s0 =	simm.s32 @p0 $0x1  }
0x13: {  	[smem:$0x3FB2] =	sst s0;
	s0 =	simm.s32 @!p1 $0x0  }
0x14: {  	s2 =	sld [smem:$0x3F96];
	s0 =	simm.s32 @p1 $0x1  }
0x15: {  	[smem:$0x3FB3] =	sst s0;
	s0 =	simm.s32 @!p2 $0x0  }
0x16: {  	s3 =	sld [smem:$0x3FDB];
	s0 =	simm.s32 @p2 $0x1  }
0x17: {  	s4 =	simm.s32 $0x1BF5;
	[smem:$0x3FB5] =	sst s0  }
0x18: {  	s0 =	sld [smem:$0x3F98];
	_ =	swait.ge [sflag:s4], $0x0  }
0x19: {  	s7 =	sld [smem:$0x3F99]  }
0x1a: {  	s8 =	sadd.s32 $0xFFFFE003, lr  }
0x1b: {  	s9 =	sadd.s32 $0xFFFFFEF7, lr;
	s5 =	simm.s32 $0xFFFFFFFF;
	p2 =	slt.u32 s8, $0xFFFFF086  }
0x1c: {  	p1 =	slt.u32 s9, $0xF7A;
	s5 =	simm.s32 @!p2 $0x0  }
0x1d: {  	s5 =	simm.s32 @p1 $0x1;
	p0 =	seq.s32 s7, s2  }
0x1e: {  	s7 =	smul.u32 @!p0 $0xF7A, s2;
	p2 =	seq.s32 @!p0 s5, $0x0  }
0x1f: {  	s9 =	smul.u32 $0xF7A, s1;
	s8 =	simm.s32 @!p0 $0x1BF5;
	p2 =	por !p2, p0  }
0x20: {  	[sflag:s8] =	ssyncset.s32 @!p0 $0xFFFFF086;
	s6 =	sadd.s32 @!p0 s3, s7;
	s7 =	simm.s32 @!p0 $0x108  }
0x21: {  	s3 =	sadd.s32 s3, s9;
	s6 =	sadd.s32 @!p0 $0x88, s6;
	s7 =	simm.s32 @p2 $0x1082  }
0x22: {  	[simem:s7], [sflag:s8] =	dma.local @!p0 [hbm:s6], $0xF7A  }
0x23: {  	s9 =	sor.u32 $0xD0000000, s2;
	s6 =	simm.s32 $0x108;
	_ =	swait.ge @!p0 [sflag:s8], $0x0  }
0x24: {  	s3 =	sadd.s32 $0x88, s3;
	s6 =	simm.s32 @!p1 $0x1082;
	[sflag:s4] =	ssyncset.s32 $0xFFFFF086  }
0x25: {  	[simem:s6], [sflag:s4] =	dma.local [hbm:s3], $0xF7A  }
0x26: {  	[smem:$0x3F99] =	sst s1;
	(tag) =	ssettag s2;
	_ =	strace s9  }
0x27: {  	s1 =	sld [smem:$0x3FA9]  }
0x28: {  	s2 =	sld [smem:$0x3FAA]  }
0x29: {  	s4 =	sld [smem:$0x3FAC]  }
0x2a: {  	p0 =	seq.s32 s5, $0x0;
	s5 =	sld [smem:$0x3FAD]  }
0x2b: {  	s6 =	sld [smem:$0x3FAE]  }
0x2c: {  	s7 =	sld [smem:$0x3FAF]  }
0x2d: {  	s3 =	simm.s32 $0x108;
	s8 =	sld [smem:$0x3FB0]  }
0x2e: {  	s3 =	simm.s32 @!p0 $0x1082;
	s9 =	sld [smem:$0x3FB1]  }
0x2f: {  	lr =	sadd.s32 s0, s3;
	s0 =	sld [smem:$0x3FA8]  }
0x30: {  	s3 =	sld [smem:$0x3FAB]  }
0x31: {  	[smem:$0x3FB4] =	sst s10  }
0x32: {  	s10 =	sld [smem:$0x3FB2];
	_ =	sdelay $0x3  }
0x33: {  	p0 =	seq.s32 s10, $0x1;
	s10 =	sld [smem:$0x3FB4];
	_ =	sdelay $0x3  }
0x34: {  	[smem:$0x3FB4] =	sst s10  }
0x35: {  	s10 =	sld [smem:$0x3FB3];
	_ =	sdelay $0x3  }
0x36: {  	p1 =	seq.s32 s10, $0x1;
	s10 =	sld [smem:$0x3FB4];
	_ =	sdelay $0x3  }
0x37: {  	[smem:$0x3FB4] =	sst s10  }
0x38: {  	s10 =	sld [smem:$0x3FB5]  }
0x39: {  	_ = 	snop;
	(pc) =	sbr.ind lr, $3  }
0x3a: {  	_ = 	snop  }
0x3b: {  	_ = 	snop  }
0x3c: {  	p2 =	seq.s32 s10, $0x1;
	s10 =	sld [smem:$0x3FB4]  }
0x3d: {  	_ =	shalt  }
0x3e: {  	_ =	shalt  }
0x3f: {  	_ =	shalt  }
0x40: {  	_ =	shalt  }
0x41: {  	_ =	shalt  }
0x42: {  	_ =	shalt  }
0x43: {  	_ =	shalt  }
0x44: {  	_ =	shalt  }
0x45: {  	_ =	shalt  }
0x46: {  	_ =	shalt  }
0x47: {  	_ =	shalt  }
0x48: {  	_ =	shalt  }
0x49: {  	_ =	shalt  }
0x4a: {  	_ =	shalt  }
0x4b: {  	_ =	shalt  }
0x4c: {  	_ =	shalt  }
0x4d: {  	_ =	shalt  }
0x4e: {  	_ =	shalt  }
0x4f: {  	_ =	shalt  }
0x50: {  	_ =	shalt  }
0x51: {  	_ =	shalt  }
0x52: {  	_ =	shalt  }
0x53: {  	_ =	shalt  }
0x54: {  	_ =	shalt  }
0x55: {  	_ =	shalt  }
0x56: {  	_ =	shalt  }
0x57: {  	_ =	shalt  }
0x58: {  	_ =	shalt  }
0x59: {  	_ =	shalt  }
0x5a: {  	_ =	shalt  }
0x5b: {  	_ =	shalt  }
0x5c: {  	_ =	shalt  }
0x5d: {  	_ =	shalt  }
0x5e: {  	_ =	shalt  }
0x5f: {  	_ =	shalt  }
0x60: {  	_ =	shalt  }
0x61: {  	_ =	shalt  }
0x62: {  	_ =	shalt  }
0x63: {  	_ =	shalt  }
0x64: {  	_ =	shalt  }
0x65: {  	_ =	shalt  }
0x66: {  	_ =	shalt  }
0x67: {  	_ =	shalt  }
0x68: {  	_ =	shalt  }
0x69: {  	_ =	shalt  }
0x6a: {  	_ =	shalt  }
0x6b: {  	_ =	shalt  }
0x6c: {  	_ =	shalt  }
0x6d: {  	_ =	shalt  }
0x6e: {  	_ =	shalt  }
0x6f: {  	_ =	shalt  }
0x70: {  	_ =	shalt  }
0x71: {  	_ =	shalt  }
0x72: {  	_ =	shalt  }
0x73: {  	_ =	shalt  }
0x74: {  	_ =	shalt  }
0x75: {  	_ =	shalt  }
0x76: {  	_ =	shalt  }
0x77: {  	_ =	shalt  }
0x78: {  	_ =	shalt  }
0x79: {  	_ =	shalt  }
0x7a: {  	_ =	shalt  }
0x7b: {  	_ =	shalt  }
0x7c: {  	_ =	shalt  }
0x7d: {  	_ =	shalt  }
0x7e: {  	_ =	shalt  }
0x7f: {  	_ =	shalt  }
0x80: {  	_ =	shalt  }
0x81: {  	_ =	shalt  }
0x82: {  	_ =	shalt  }
0x83: {  	_ =	shalt  }
0x84: {  	_ =	shalt  }
0x85: {  	_ =	shalt  }
0x86: {  	_ =	shalt  }
0x87: {  	_ =	shalt  }
.Lfunc_end0:
.L_simem_size_0:
called_computation.1_lowered:
.L_overlay_start_0:
0x88: {  	s2 =	sld [smem:$0x3FD9]  }
0x89: {  	s3 =	sld [smem:$0x3FFE];
	_ =	sdelay $0x1  }
0x8a: {  	s1 =	srdreg.scid  }
0x8b: {  	s0 =	sand.u32 $0x1, s1  }
0x8c: {  	s17 =	sshll.u32 s0, $0xA;
	s2 =	sadd.s32 s3, s2  }
0x8d: {  	s2 =	sadd.s32 s2, s17  }
0x8e: {  	[smem:$0x3FC0] =	sst s2  }
0x8f: {  	_ = 	snop  }
0x90: {  	s2 =	sld [smem:$0x3FD0];
	(tm) =	ssettm $0x1  }
0x91: {  	s18 =	sld [smem:$0x3FFB];
	_ =	sdelay $0x3  }
0x92: {  	_ =	strace s18  }
0x93: {  	s3 =	sld [smem:$0x3FFC];
	_ =	sdelay $0x3  }
0x94: {  	_ =	strace s3  }
0x95: {  	s3 =	sld [smem:$0x3FFD];
	_ =	sdelay $0x3  }
0x96: {  	_ =	strace s3  }
0x97: {  	_ =	strace $0x8FFFFFFF  }
0x98: {  	s19 =	sld [smem:$0x3FDB];
	_ =	sdelay $0x1  }
0x99: {  	s4 =	simm.s32 $_scs_section_size  }
0x9a: {  	s5 =	simm.s32 $_size__tile_overlayer_lowered;
	s6 =	simm.s32 $_tile_overlayer_lowered  }
0x9b: {  	s22 =	simm.s32 $0x1BFF;
	s21 =	sshll.u32 s6, $0x1;
	s3 =	sadd.s32 s4, s19  }
0x9c: {  	s7 =	simm.s32 $0x0;
	s20 =	sshll.u32 s5, $0x1;
	s5 =	sadd.s32 s21, s3  }
0x9d: {  	[timem:s7], [sflag:s22] =	dma.local [hbm:s5], s20  }
0x9e: {  	_ =	swait.ge [sflag:s22], s20  }
0x9f: {  	s4 =	ssub.s32 $0x0, s20;
	[sflag:s22] =	ssyncset.done $0x0  }
0xa0: {  	[sflag:s22] =	ssyncadd.s32 s4;
	_ =	sdelay $0x1  }
0xa1: {  	s23 =	simm.s32 $0x1B8B  }
0xa2: {  	_ =	swait.ge [sflag:s23], $0x1  }
0xa3: {  	[sflag:s23] =	ssyncset.done $0x0  }
0xa4: {  	s25 =	simm.s32 $0x1B8E;
	s24 =	sld [smem:$0x3FFE];
	[sflag:s23] =	ssyncadd.s32 $0xFFFFFFFF  }
0xa5: {  	s26 =	simm.s32 $execute0_lowered;
	[smem:$0x3FD2] =	sst s25  }
0xa6: {  	s5 =	sshll.u32 s26, $0x1;
	_ =	strace $0x80000046;
	[dreg:$0x1] =	wrdreg $0xFFFFFFFF  }
0xa7: {  	s28 =	simm.s32 $_size_execute0_lowered;
	s3 =	sadd.s32 s3, s5;
	[dreg:$0x0] =	wrdreg $0x0  }
0xa8: {  	s5 =	sshll.u32 s28, $0x1;
	[dreg:$0x2] =	wrdreg s3  }
0xa9: {  	[dreg:$0x3] =	wrdreg s5  }
0xaa: {  	[dreg:$0x4] =	wrdreg $0xC0  }
0xab: {  	_ =	task [dreg:s7], $0x5FFFF  }
0xac: {  	[dreg:$0x1] =	wrdreg $0xFFFFFFFF  }
0xad: {  	[dreg:$0x0] =	wrdreg $0x60  }
0xae: {  	[dreg:$0x2] =	wrdreg s24  }
0xaf: {  	[dreg:$0x3] =	wrdreg s2  }
0xb0: {  	[dreg:$0x4] =	wrdreg $0x84000  }
0xb1: {  	[dreg:$0x5] =	wrdreg $0xA  }
0xb2: {  	_ =	task.clear_ibuf [dreg:s7], $0x6FFFF;
	_ =	strace $0x90000046  }
0xb3: {  	s29 =	simm.s32 $0xA;
	_ =	strace $0x80000048  }
0xb4: {  	_ =	swait.ge [sflag:s29], $0x1  }
0xb5: {  	[sflag:s29] =	ssyncadd.s32 $0xFFFFFFFF  }
0xb6: {  	_ =	strace $0x90000048  }
0xb7: {  	_ =	sfence  }
0xb8: {  	s30 =	sld [smem:$0x0];
	_ =	sdelay $0x2  }
0xb9: {  	s31 =	sshll.u32 s1, $0xD;
	s1 =	sshrl.u32 s1, $0x2  }
0xba: {  	s3 =	sand.u32 $0x4000, s31;
	s1 =	sadd.s32 s1, s30  }
0xbb: {  	s0 =	sor.u32 s3, s0;
	s1 =	sshll.u32 s1, $0x11  }
0xbc: {  	s0 =	sor.u32 s1, s0  }
0xbd: {  	s0 =	sadd.s32 $0x8F2B, s0  }
0xbe: {  	[sflag:s0] =	ssyncadd.remote.s32 $0x1  }
0xbf: {  	_ =	sfence.sel $0xFFFF  }
0xc0: {  	[dreg:$0x0] =	wrdreg $0xFFFFFFFF;
	(pc) =	sbr.abs _section_cstart, $3  }
0xc1: {  	[dreg:$0x1] =	wrdreg $0xFFFFFFFF  }
0xc2: {  	_ =	task.clear_ibuf [dreg:s7], $0x2FFFF;
	_ =	strace $0x9FFFFFFF  }
0xc3: {  	(tm) =	ssettm $0x7FFFFFFF  }
tec
execute0_lowered:
.L_overlay_start_1:
0x0: {  	(tag) =	ssettag $0x1  }
0x1: {  	s2 =	rddreg [dreg:$0x0]  }
0x2: {  	s0 =	rddreg [dreg:$0x1]  }
0x3: {  	s1 =	rddreg [dreg:$0x2];
	s3 =	simm.s32 $0x0;
	s11 =	stileid.u32  }
0x4: {  	s4 =	srdreg.scid;
	s28 =	simm.s32 $0x7;
	s6 =	smul.u32 $0x280, s11  }
0x5: {  	[smem:$0x7FF] =	sst s3;
	s5 =	sand.u32 $0x1, s4;
	s19 =	smul.u32 $0x5000, s11  }
0x6: {  	s12 =	sshll.u32 s11, $0x1;
	s4 =	sadd.s32 $0xBC00, s2;
	s11 =	smul.u32 $0x50000, s11  }
0x7: {  	s9 =	sadd.s32 $0x1C00, s2;
	s10 =	sadd.s32 $0x33C00, s2;
	_ =	strace $0x80000047  }
0x8: {  	s7 =	smul.u32 $0x2800, s5;
	s8 =	sor.u32 s5, s12;
	s23 =	sshrl.u32 s11, $0x2  }
0x9: {  	[dreg:$0xc] =	wrdreg s10;
	s8 =	smul.u32 $0x2800, s8;
	s11 =	sadd.s32 s23, s1  }
0xa: {  	s6 =	sadd.s32 s6, s7;
	s31 =	sadd.s32 $0x6000, s11;
	[smem:$0x7F7] =	sst s11  }
0xb: {  	s8 =	sshrl.u32 s8, $0x3;
	s30 =	sadd.s32 $0x8000, s11;
	[smem:$0x7F9] =	sst s31  }
0xc: {  	s6 =	sshll.u32 s6, $0x4;
	s15 =	sadd.s32 s0, s8;
	[smem:$0x7FA] =	sst s30  }
0xd: {  	s14 =	sor.u32 $0x8, s8;
	s16 =	sadd.s32 s9, s8;
	[dreg:$0xd] =	wrdreg s15  }
0xe: {  	s2 =	sadd.s32 s6, s2;
	[dreg:$0xe] =	wrdreg s16;
	s17 =	sadd.s32 s0, s14  }
0xf: {  	s18 =	sor.u32 $0x10, s8;
	s6 =	sadd.s32 s9, s14;
	[dreg:$0xf] =	wrdreg s17  }
0x10: {  	s8 =	sor.u32 $0x18, s8;
	s12 =	sadd.s32 s0, s18;
	[dreg:$0x10] =	wrdreg s6  }
0x11: {  	s5 =	ssub.s32 $0x2, s5;
	s20 =	sadd.s32 s0, s8;
	[dreg:$0x11] =	wrdreg s12  }
0x12: {  	s21 =	sadd.s32 s7, s19;
	s22 =	sadd.s32 s9, s8;
	[dreg:$0x13] =	wrdreg s20  }
0x13: {  	s24 =	sor.u32 $0x1C0, s21;
	s25 =	sadd.s32 $0x34000, s2;
	[dreg:$0x14] =	wrdreg s22  }
0x14: {  	s26 =	sshrl.u32 s24, $0x3;
	s10 =	sadd.s32 $0x34400, s2;
	[dreg:$0x15] =	wrdreg s25  }
0x15: {  	s13 =	sshrl.u32 s5, $0x1;
	s7 =	sadd.s32 s26, s0;
	[dreg:$0x16] =	wrdreg s10  }
0x16: {  	s5 =	ssub.s32 s5, s13;
	s23 =	sadd.s32 $0x35400, s2;
	[dreg:$0x5] =	wrdreg s7  }
0x17: {  	s29 =	simm.s32 $0x8;
	s8 =	smax.u32 s5, $0x1;
	[dreg:$0x1a] =	wrdreg s23  }
0x18: {  	s15 =	sor.u32 $0x140, s21;
	s5 =	sadd.s32 $0x12000, s11;
	[dreg:$0x1f] =	wrdreg s8  }
0x19: {  	s6 =	sadd.s32 s9, s18;
	s12 =	sadd.s32 s26, s9;
	[smem:$0x7FD] =	sst s5  }
0x1a: {  	s10 =	sor.u32 $0x180, s21;
	s17 =	sshrl.u32 s15, $0x3;
	[dreg:$0x12] =	wrdreg s6  }
0x1b: {  	s18 =	sadd.s32 $0x34800, s2;
	s20 =	sadd.s32 $0x34C00, s2;
	[dreg:$0x4] =	wrdreg s12  }
0x1c: {  	s25 =	sadd.s32 $0x35800, s2;
	s26 =	sadd.s32 $0x35C00, s2;
	[dreg:$0x17] =	wrdreg s18  }
0x1d: {  	s7 =	sadd.s32 $0x36400, s2;
	s8 =	simm.s32 $0x80;
	[dreg:$0x18] =	wrdreg s20  }
0x1e: {  	s15 =	simm.s32 $0x1;
	s23 =	simm.s32 $0x9;
	[dreg:$0x1b] =	wrdreg s25  }
0x1f: {  	s13 =	sshrl.u32 s10, $0x3;
	s19 =	sadd.s32 s17, s9;
	[dreg:$0x1c] =	wrdreg s26  }
0x20: {  	s6 =	sor.u32 $0x100, s21;
	s21 =	sadd.s32 $0x35000, s2;
	[dreg:$0x1e] =	wrdreg s7  }
0x21: {  	s22 =	sadd.s32 s17, s0;
	s10 =	sadd.s32 $0x4000, s11;
	[dreg:$0x8] =	wrdreg s19  }
0x22: {  	s12 =	sadd.s32 $0xA000, s11;
	s7 =	simm.s32 $0x200;
	[dreg:$0x19] =	wrdreg s21  }
0x23: {  	s17 =	simm.s32 $0x400;
	s18 =	simm.s32 $0x2;
	[dreg:$0x9] =	wrdreg s22  }
0x24: {  	s20 =	simm.s32 $0x3;
	s25 =	simm.s32 $0x4;
	[smem:$0x7F4] =	sst s10  }
0x25: {  	s26 =	simm.s32 $0x6;
	s14 =	sadd.s32 s13, s9;
	[smem:$0x7F5] =	sst s12  }
0x26: {  	s16 =	sadd.s32 s13, s0;
	s6 =	sshrl.u32 s6, $0x3;
	[dreg:$0x6] =	wrdreg s14  }
0x27: {  	s13 =	sadd.s32 $0xC000, s11;
	s10 =	simm.s32 $0x100;
	[dreg:$0x7] =	wrdreg s16  }
0x28: {  	s12 =	simm.s32 $0x180;
	s24 =	sadd.s32 s6, s9;
	[smem:$0x7F6] =	sst s13  }
0x29: {  	s19 =	simm.s32 $0x2400;
	s0 =	sadd.s32 s6, s0;
	[dreg:$0xa] =	wrdreg s24  }
0x2a: {  	s21 =	simm.s32 $0x4400;
	s6 =	sadd.s32 $0x36000, s2;
	[dreg:$0xb] =	wrdreg s0  }
0x2b: {  	s22 =	simm.s32 $0x6400;
	s9 =	sadd.s32 $0x2000, s11;
	[dreg:$0x1d] =	wrdreg s6  }
0x2c: {  	s2 =	sadd.s32 $0x10000, s11;
	s14 =	simm.s32 $0x0;
	[smem:$0x7F3] =	sst s9  }
0x2d: {  	s13 =	simm.s32 $0x380;
	s16 =	simm.s32 $0x40;
	[smem:$0x7F8] =	sst s14  }
0x2e: {  	s6 =	sadd.s32 $0xE000, s11;
	s9 =	simm.s32 $0x280;
	[smem:$0x7FC] =	sst s2  }
0x2f: {  	s11 =	simm.s32 $0x300;
	s24 =	simm.s32 $0x5;
	[smem:$0x7FB] =	sst s6  }
.LBB2_1:
0x30: {  	s0 =	rddreg [dreg:$0xd]  }
0x31: {  	[tilespmem:s3], [sflag:$0x1] =	stream.linear.gather [hbm4b:s0+s3], $0x40, $0x38;
	[tilespmem:$0x1C400] =	vst v63  }
0x32: {  	s14 =	rddreg [dreg:$0xe]  }
0x33: {  	[tilespmem:s7], [sflag:$0x1] =	stream.linear.gather [hbm4b:s14+s3], $0x40, $0x38;
	[tilespmem:$0x1C400] =	vst v63  }
0x34: {  	s14 =	rddreg [dreg:$0xf]  }
0x35: {  	[tilespmem:s8], [sflag:$0x2] =	stream.linear.gather [hbm4b:s14+s3], $0x40, $0x38;
	[tilespmem:$0x1C400] =	vst v63  }
0x36: {  	s14 =	rddreg [dreg:$0x10]  }
0x37: {  	[tilespmem:s9], [sflag:$0x2] =	stream.linear.gather [hbm4b:s14+s3], $0x40, $0x38;
	[tilespmem:$0x1C400] =	vst v63  }
0x38: {  	s14 =	rddreg [dreg:$0x11]  }
0x39: {  	[tilespmem:s10], [sflag:$0x3] =	stream.linear.gather [hbm4b:s14+s3], $0x40, $0x38;
	[tilespmem:$0x1C400] =	vst v63  }
0x3a: {  	s14 =	rddreg [dreg:$0x12]  }
0x3b: {  	[tilespmem:s11], [sflag:$0x3] =	stream.linear.gather [hbm4b:s14+s3], $0x40, $0x38;
	[tilespmem:$0x1C400] =	vst v63  }
0x3c: {  	s14 =	rddreg [dreg:$0x13]  }
0x3d: {  	[tilespmem:s12], [sflag:$0x4] =	stream.linear.gather [hbm4b:s14+s3], $0x40, $0x38;
	[tilespmem:$0x1C400] =	vst v63  }
0x3e: {  	s14 =	rddreg [dreg:$0x14]  }
0x3f: {  	[tilespmem:s13], [sflag:$0x4] =	stream.linear.gather [hbm4b:s14+s3], $0x40, $0x38;
	[tilespmem:$0x1C400] =	vst v63  }
0x40: {  	_ =	swait.ge [sflag:s15], $0x40  }
0x41: {  	[sflag:s15] =	ssyncset.done $0x0  }
0x42: {  	[sflag:s15] =	ssyncadd.s32 $0xFFFFFFC0  }
0x43: {  	_ =	swait.ge [sflag:s15], $0x40  }
0x44: {  	[sflag:s15] =	ssyncset.done $0x0  }
0x45: {  	[sflag:s15] =	ssyncadd.s32 $0xFFFFFFC0  }
0x46: {  	[tilespmem:s17], [sflag:$0x5] =	stream.indirect.gather [hbm4b:s4+s16], $0x80, s3, s16, $0xb8;
	[tilespmem:$0x1C400] =	vst v63  }
0x47: {  	_ =	swait.ge [sflag:s18], $0x40  }
0x48: {  	[sflag:s18] =	ssyncset.done $0x0  }
0x49: {  	[sflag:s18] =	ssyncadd.s32 $0xFFFFFFC0  }
0x4a: {  	_ =	swait.ge [sflag:s18], $0x40  }
0x4b: {  	[sflag:s18] =	ssyncset.done $0x0  }
0x4c: {  	[sflag:s18] =	ssyncadd.s32 $0xFFFFFFC0  }
0x4d: {  	[tilespmem:s19], [sflag:$0x6] =	stream.indirect.gather [hbm4b:s4+s16], $0x80, s8, s16, $0xb8;
	[tilespmem:$0x1C400] =	vst v63  }
0x4e: {  	_ =	swait.ge [sflag:s20], $0x40  }
0x4f: {  	[sflag:s20] =	ssyncset.done $0x0  }
0x50: {  	[sflag:s20] =	ssyncadd.s32 $0xFFFFFFC0  }
0x51: {  	_ =	swait.ge [sflag:s20], $0x40  }
0x52: {  	[sflag:s20] =	ssyncset.done $0x0  }
0x53: {  	[sflag:s20] =	ssyncadd.s32 $0xFFFFFFC0  }
0x54: {  	[tilespmem:s21], [sflag:$0x7] =	stream.indirect.gather [hbm4b:s4+s16], $0x80, s10, s16, $0xb8;
	[tilespmem:$0x1C400] =	vst v63  }
0x55: {  	s14 =	rddreg [dreg:$0xc]  }
0x56: {  	[tilespmem:s22], [sflag:$0x9] =	stream.linear.gather [hbm4b:s14+s3], $0x2000, $0x38;
	[tilespmem:$0x1C400] =	vst v63  }
0x57: {  	_ =	swait.ge [sflag:s23], $0x2000  }
0x58: {  	s14 =	smov.u32 s30;
	s30 =	sld [smem:$0x7F7]  }
0x59: {  	[sflag:s23] =	ssyncset.done $0x0  }
0x5a: {  	[sflag:s23] =	ssyncadd.s32 $0xFFFFE000  }
0x5b: {  	[spmem:s30] =	stream.linear.scatter [tilespmem:s22], [sflag:$0x9], $0x2000, $0x38;
	[tilespmem:$0x1C400] =	vst v63  }
0x5c: {  	_ =	swait.ge [sflag:s23], $0x2000  }
0x5d: {  	s30 =	sld [smem:$0x7F3]  }
0x5e: {  	[sflag:s23] =	ssyncset.done $0x0  }
0x5f: {  	[sflag:s23] =	ssyncadd.s32 $0xFFFFE000  }
0x60: {  	[spmem:s30] =	stream.linear.scatter [tilespmem:s22], [sflag:$0x9], $0x2000, $0x38;
	[tilespmem:$0x1C400] =	vst v63  }
0x61: {  	s0 =	smov.u32 s31;
	s31 =	sld [smem:$0x7F4];
	_ =	swait.ge [sflag:s23], $0x2000  }
0x62: {  	[sflag:s23] =	ssyncset.done $0x0  }
0x63: {  	[sflag:s23] =	ssyncadd.s32 $0xFFFFE000  }
0x64: {  	[spmem:s31] =	stream.linear.scatter [tilespmem:s22], [sflag:$0x9], $0x2000, $0x38;
	[tilespmem:$0x1C400] =	vst v63  }
0x65: {  	_ =	swait.ge [sflag:s23], $0x2000  }
0x66: {  	[sflag:s23] =	ssyncset.done $0x0  }
0x67: {  	[sflag:s23] =	ssyncadd.s32 $0xFFFFE000  }
0x68: {  	[spmem:s0] =	stream.linear.scatter [tilespmem:s22], [sflag:$0x9], $0x2000, $0x38;
	[tilespmem:$0x1C400] =	vst v63  }
0x69: {  	_ =	swait.ge [sflag:s23], $0x2000  }
0x6a: {  	[sflag:s23] =	ssyncset.done $0x0  }
0x6b: {  	[sflag:s23] =	ssyncadd.s32 $0xFFFFE000  }
0x6c: {  	[spmem:s14] =	stream.linear.scatter [tilespmem:s22], [sflag:$0x9], $0x2000, $0x38;
	[tilespmem:$0x1C400] =	vst v63  }
0x6d: {  	_ =	swait.ge [sflag:s23], $0x2000  }
0x6e: {  	s14 =	sld [smem:$0x7F5]  }
0x6f: {  	[sflag:s23] =	ssyncset.done $0x0  }
0x70: {  	[sflag:s23] =	ssyncadd.s32 $0xFFFFE000  }
0x71: {  	[spmem:s14] =	stream.linear.scatter [tilespmem:s22], [sflag:$0x9], $0x2000, $0x38;
	[tilespmem:$0x1C400] =	vst v63  }
0x72: {  	_ =	swait.ge [sflag:s23], $0x2000  }
0x73: {  	s30 =	sld [smem:$0x7F6]  }
0x74: {  	[sflag:s23] =	ssyncset.done $0x0  }
0x75: {  	[sflag:s23] =	ssyncadd.s32 $0xFFFFE000  }
0x76: {  	[spmem:s30] =	stream.linear.scatter [tilespmem:s22], [sflag:$0x9], $0x2000, $0x38;
	[tilespmem:$0x1C400] =	vst v63  }
0x77: {  	_ =	swait.ge [sflag:s23], $0x2000  }
0x78: {  	[sflag:s23] =	ssyncset.done $0x0  }
0x79: {  	[sflag:s23] =	ssyncadd.s32 $0xFFFFE000  }
0x7a: {  	[spmem:s6] =	stream.linear.scatter [tilespmem:s22], [sflag:$0x9], $0x2000, $0x38;
	[tilespmem:$0x1C400] =	vst v63  }
0x7b: {  	_ =	swait.ge [sflag:s23], $0x2000  }
0x7c: {  	[sflag:s23] =	ssyncset.done $0x0  }
0x7d: {  	[sflag:s23] =	ssyncadd.s32 $0xFFFFE000  }
0x7e: {  	[spmem:s2] =	stream.linear.scatter [tilespmem:s22], [sflag:$0x9], $0x2000, $0x38;
	[tilespmem:$0x1C400] =	vst v63  }
0x7f: {  	_ =	swait.ge [sflag:s23], $0x2000  }
0x80: {  	[sflag:s23] =	ssyncset.done $0x0  }
0x81: {  	[sflag:s23] =	ssyncadd.s32 $0xFFFFE000  }
0x82: {  	[spmem:s5] =	stream.linear.scatter [tilespmem:s22], [sflag:$0x9], $0x2000, $0x38;
	[tilespmem:$0x1C400] =	vst v63  }
0x83: {  	_ =	swait.ge [sflag:s23], $0x2000  }
0x84: {  	[sflag:s23] =	ssyncset.done $0x0  }
0x85: {  	[sflag:s23] =	ssyncadd.s32 $0xFFFFE000  }
0x86: {  	[bflag:$0x0] =	sbarrier.arrive $0xFFFF  }
0x87: {  	_ =	swait.ge [sflag:s24], $0x2000  }
0x88: {  	[sflag:s24] =	ssyncset.done $0x0  }
0x89: {  	[sflag:s24] =	ssyncadd.s32 $0xFFFFE000  }
0x8a: {  	_ =	swait.ge [sflag:s25], $0x40  }
0x8b: {  	[sflag:s25] =	ssyncset.done $0x0  }
0x8c: {  	[sflag:s25] =	ssyncadd.s32 $0xFFFFFFC0  }
0x8d: {  	_ =	swait.ge [sflag:s25], $0x40  }
0x8e: {  	[sflag:s25] =	ssyncset.done $0x0  }
0x8f: {  	[sflag:s25] =	ssyncadd.s32 $0xFFFFFFC0  }
0x90: {  	[tilespmem:s22], [sflag:$0x8] =	stream.indirect.gather [hbm4b:s4+s16], $0x80, s12, s16, $0xb8;
	[tilespmem:$0x1C400] =	vst v63  }
0x91: {  	_ = 	snop  }
0x92: {  	[spmem:s1] =	stream.indirect.scatter.add.f32 [tilespmem:s17], [sflag:$0x9], $0x80, s7, s16, $0xb8;
	[tilespmem:$0x1C400] =	vst v63  }
0x93: {  	_ =	swait.ge [sflag:s23], $0x2000  }
0x94: {  	s6 =	rddreg [dreg:$0xb];
	[sflag:s23] =	ssyncset.done $0x0  }
0x95: {  	s31 =	rddreg [dreg:$0xa];
	[sflag:s23] =	ssyncadd.s32 $0xFFFFE000;
	s0 =	sadd.s32 $0x0, s6  }
0x96: {  	[tilespmem:s3], [sflag:$0x1] =	stream.linear.gather [hbm4b:s0+s3], $0x40, $0x38;
	[tilespmem:$0x1C400] =	vst v63  }
0x97: {  	s14 =	sadd.s32 $0x0, s31  }
0x98: {  	[tilespmem:s7], [sflag:$0x1] =	stream.linear.gather [hbm4b:s14+s3], $0x40, $0x38;
	[tilespmem:$0x1C400] =	vst v63  }
0x99: {  	_ =	swait.ge [sflag:s26], $0x2000  }
0x9a: {  	[sflag:s26] =	ssyncset.done $0x0  }
0x9b: {  	[sflag:s26] =	ssyncadd.s32 $0xFFFFE000  }
0x9c: {  	_ =	swait.ge [sflag:s15], $0x40  }
0x9d: {  	[sflag:s15] =	ssyncset.done $0x0  }
0x9e: {  	[sflag:s15] =	ssyncadd.s32 $0xFFFFFFC0  }
0x9f: {  	_ =	swait.ge [sflag:s15], $0x40  }
0xa0: {  	[sflag:s15] =	ssyncset.done $0x0  }
0xa1: {  	[sflag:s15] =	ssyncadd.s32 $0xFFFFFFC0  }
0xa2: {  	[tilespmem:s17], [sflag:$0x5] =	stream.indirect.gather [hbm4b:s4+s16], $0x80, s3, s16, $0xb8;
	[tilespmem:$0x1C400] =	vst v63  }
0xa3: {  	_ = 	snop  }
0xa4: {  	[spmem:s1] =	stream.indirect.scatter.add.f32 [tilespmem:s19], [sflag:$0x9], $0x80, s9, s16, $0xb8;
	[tilespmem:$0x1C400] =	vst v63  }
0xa5: {  	_ =	swait.ge [sflag:s23], $0x2000  }
0xa6: {  	s30 =	rddreg [dreg:$0x9];
	[sflag:s23] =	ssyncset.done $0x0  }
0xa7: {  	s31 =	rddreg [dreg:$0x8];
	[sflag:s23] =	ssyncadd.s32 $0xFFFFE000;
	s0 =	sadd.s32 $0x0, s30  }
0xa8: {  	[tilespmem:s8], [sflag:$0x2] =	stream.linear.gather [hbm4b:s0+s3], $0x40, $0x38;
	[tilespmem:$0x1C400] =	vst v63  }
0xa9: {  	s2 =	sadd.s32 $0x0, s31  }
0xaa: {  	[tilespmem:s9], [sflag:$0x2] =	stream.linear.gather [hbm4b:s2+s3], $0x40, $0x38;
	[tilespmem:$0x1C400] =	vst v63  }
0xab: {  	_ =	swait.ge [sflag:s28], $0x2000  }
0xac: {  	[sflag:s28] =	ssyncset.done $0x0  }
0xad: {  	[sflag:s28] =	ssyncadd.s32 $0xFFFFE000  }
0xae: {  	_ =	swait.ge [sflag:s18], $0x40  }
0xaf: {  	[sflag:s18] =	ssyncset.done $0x0  }
0xb0: {  	[sflag:s18] =	ssyncadd.s32 $0xFFFFFFC0  }
0xb1: {  	_ =	swait.ge [sflag:s18], $0x40  }
0xb2: {  	[sflag:s18] =	ssyncset.done $0x0  }
0xb3: {  	[sflag:s18] =	ssyncadd.s32 $0xFFFFFFC0  }
0xb4: {  	[tilespmem:s19], [sflag:$0x6] =	stream.indirect.gather [hbm4b:s4+s16], $0x80, s8, s16, $0xb8;
	[tilespmem:$0x1C400] =	vst v63  }
0xb5: {  	_ = 	snop  }
0xb6: {  	[spmem:s1] =	stream.indirect.scatter.add.f32 [tilespmem:s21], [sflag:$0x9], $0x80, s11, s16, $0xb8;
	[tilespmem:$0x1C400] =	vst v63  }
0xb7: {  	_ =	swait.ge [sflag:s23], $0x2000  }
0xb8: {  	s5 =	rddreg [dreg:$0x7];
	[sflag:s23] =	ssyncset.done $0x0  }
0xb9: {  	s31 =	rddreg [dreg:$0x6];
	[sflag:s23] =	ssyncadd.s32 $0xFFFFE000;
	s0 =	sadd.s32 $0x0, s5  }
0xba: {  	[tilespmem:s10], [sflag:$0x3] =	stream.linear.gather [hbm4b:s0+s3], $0x40, $0x38;
	[tilespmem:$0x1C400] =	vst v63  }
0xbb: {  	s6 =	sadd.s32 $0x0, s31  }
0xbc: {  	[tilespmem:s11], [sflag:$0x3] =	stream.linear.gather [hbm4b:s6+s3], $0x40, $0x38;
	[tilespmem:$0x1C400] =	vst v63  }
0xbd: {  	_ =	swait.ge [sflag:s29], $0x2000  }
0xbe: {  	[sflag:s29] =	ssyncset.done $0x0  }
0xbf: {  	[sflag:s29] =	ssyncadd.s32 $0xFFFFE000  }
0xc0: {  	_ =	swait.ge [sflag:s20], $0x40  }
0xc1: {  	[sflag:s20] =	ssyncset.done $0x0  }
0xc2: {  	[sflag:s20] =	ssyncadd.s32 $0xFFFFFFC0  }
0xc3: {  	_ =	swait.ge [sflag:s20], $0x40  }
0xc4: {  	[sflag:s20] =	ssyncset.done $0x0  }
0xc5: {  	[sflag:s20] =	ssyncadd.s32 $0xFFFFFFC0  }
0xc6: {  	[tilespmem:s21], [sflag:$0x7] =	stream.indirect.gather [hbm4b:s4+s16], $0x80, s10, s16, $0xb8;
	[tilespmem:$0x1C400] =	vst v63  }
0xc7: {  	_ = 	snop  }
0xc8: {  	[spmem:s1] =	stream.indirect.scatter.add.f32 [tilespmem:s22], [sflag:$0x9], $0x80, s13, s16, $0xb8;
	[tilespmem:$0x1C400] =	vst v63  }
0xc9: {  	_ =	swait.ge [sflag:s23], $0x2000  }
0xca: {  	s14 =	rddreg [dreg:$0x5];
	[sflag:s23] =	ssyncset.done $0x0  }
0xcb: {  	s30 =	rddreg [dreg:$0x4];
	[sflag:s23] =	ssyncadd.s32 $0xFFFFE000;
	s0 =	sadd.s32 $0x0, s14  }
0xcc: {  	[tilespmem:s12], [sflag:$0x4] =	stream.linear.gather [hbm4b:s0+s3], $0x40, $0x38;
	[tilespmem:$0x1C400] =	vst v63  }
0xcd: {  	s31 =	simm.s32 $0x20;
	s0 =	sadd.s32 $0x0, s30  }
.LBB2_2:
0xce: {  	[tilespmem:s13], [sflag:$0x4] =	stream.linear.gather [hbm4b:s0+s3], $0x40, $0x38;
	[tilespmem:$0x1C400] =	vst v63  }
0xcf: {  	_ =	swait.ge [sflag:s24], $0x2000  }
0xd0: {  	[sflag:s24] =	ssyncset.done $0x0  }
0xd1: {  	[sflag:s24] =	ssyncadd.s32 $0xFFFFE000  }
0xd2: {  	_ =	swait.ge [sflag:s25], $0x40  }
0xd3: {  	[sflag:s25] =	ssyncset.done $0x0  }
0xd4: {  	[sflag:s25] =	ssyncadd.s32 $0xFFFFFFC0  }
0xd5: {  	_ =	swait.ge [sflag:s25], $0x40  }
0xd6: {  	[sflag:s25] =	ssyncset.done $0x0  }
0xd7: {  	[sflag:s25] =	ssyncadd.s32 $0xFFFFFFC0  }
0xd8: {  	[tilespmem:s22], [sflag:$0x8] =	stream.indirect.gather [hbm4b:s4+s16], $0x80, s12, s16, $0xb8;
	[tilespmem:$0x1C400] =	vst v63  }
0xd9: {  	_ = 	snop  }
0xda: {  	[spmem:s1] =	stream.indirect.scatter.add.f32 [tilespmem:s17], [sflag:$0x9], $0x80, s7, s16, $0xb8;
	[tilespmem:$0x1C400] =	vst v63  }
0xdb: {  	_ =	swait.ge [sflag:s23], $0x2000  }
0xdc: {  	s0 =	smov.u32 s31;
	s2 =	rddreg [dreg:$0xb];
	[sflag:s23] =	ssyncset.done $0x0  }
0xdd: {  	s5 =	rddreg [dreg:$0xa];
	[sflag:s23] =	ssyncadd.s32 $0xFFFFE000;
	s2 =	sadd.s32 s0, s2  }
0xde: {  	[tilespmem:s3], [sflag:$0x1] =	stream.linear.gather [hbm4b:s2+s3], $0x40, $0x38;
	[tilespmem:$0x1C400] =	vst v63  }
0xdf: {  	s6 =	sadd.s32 s0, s5  }
0xe0: {  	[tilespmem:s7], [sflag:$0x1] =	stream.linear.gather [hbm4b:s6+s3], $0x40, $0x38;
	[tilespmem:$0x1C400] =	vst v63  }
0xe1: {  	_ =	swait.ge [sflag:s26], $0x2000  }
0xe2: {  	[sflag:s26] =	ssyncset.done $0x0  }
0xe3: {  	[sflag:s26] =	ssyncadd.s32 $0xFFFFE000  }
0xe4: {  	_ =	swait.ge [sflag:s15], $0x40  }
0xe5: {  	[sflag:s15] =	ssyncset.done $0x0  }
0xe6: {  	[sflag:s15] =	ssyncadd.s32 $0xFFFFFFC0  }
0xe7: {  	_ =	swait.ge [sflag:s15], $0x40  }
0xe8: {  	[sflag:s15] =	ssyncset.done $0x0  }
0xe9: {  	[sflag:s15] =	ssyncadd.s32 $0xFFFFFFC0  }
0xea: {  	[tilespmem:s17], [sflag:$0x5] =	stream.indirect.gather [hbm4b:s4+s16], $0x80, s3, s16, $0xb8;
	[tilespmem:$0x1C400] =	vst v63  }
0xeb: {  	_ = 	snop  }
0xec: {  	[spmem:s1] =	stream.indirect.scatter.add.f32 [tilespmem:s19], [sflag:$0x9], $0x80, s9, s16, $0xb8;
	[tilespmem:$0x1C400] =	vst v63  }
0xed: {  	_ =	swait.ge [sflag:s23], $0x2000  }
0xee: {  	s14 =	rddreg [dreg:$0x9];
	[sflag:s23] =	ssyncset.done $0x0  }
0xef: {  	s30 =	rddreg [dreg:$0x8];
	[sflag:s23] =	ssyncadd.s32 $0xFFFFE000;
	s2 =	sadd.s32 s0, s14  }
0xf0: {  	[tilespmem:s8], [sflag:$0x2] =	stream.linear.gather [hbm4b:s2+s3], $0x40, $0x38;
	[tilespmem:$0x1C400] =	vst v63  }
0xf1: {  	s6 =	sadd.s32 s0, s30  }
0xf2: {  	[tilespmem:s9], [sflag:$0x2] =	stream.linear.gather [hbm4b:s6+s3], $0x40, $0x38;
	[tilespmem:$0x1C400] =	vst v63  }
0xf3: {  	_ =	swait.ge [sflag:s28], $0x2000  }
0xf4: {  	[sflag:s28] =	ssyncset.done $0x0  }
0xf5: {  	[sflag:s28] =	ssyncadd.s32 $0xFFFFE000  }
0xf6: {  	_ =	swait.ge [sflag:s18], $0x40  }
0xf7: {  	[sflag:s18] =	ssyncset.done $0x0  }
0xf8: {  	[sflag:s18] =	ssyncadd.s32 $0xFFFFFFC0  }
0xf9: {  	_ =	swait.ge [sflag:s18], $0x40  }
0xfa: {  	[sflag:s18] =	ssyncset.done $0x0  }
0xfb: {  	[sflag:s18] =	ssyncadd.s32 $0xFFFFFFC0  }
0xfc: {  	[tilespmem:s19], [sflag:$0x6] =	stream.indirect.gather [hbm4b:s4+s16], $0x80, s8, s16, $0xb8;
	[tilespmem:$0x1C400] =	vst v63  }
0xfd: {  	_ = 	snop  }
0xfe: {  	[spmem:s1] =	stream.indirect.scatter.add.f32 [tilespmem:s21], [sflag:$0x9], $0x80, s11, s16, $0xb8;
	[tilespmem:$0x1C400] =	vst v63  }
0xff: {  	_ =	swait.ge [sflag:s23], $0x2000  }
0x100: {  	s14 =	rddreg [dreg:$0x7];
	[sflag:s23] =	ssyncset.done $0x0  }
0x101: {  	s30 =	rddreg [dreg:$0x6];
	[sflag:s23] =	ssyncadd.s32 $0xFFFFE000;
	s2 =	sadd.s32 s0, s14  }
0x102: {  	[tilespmem:s10], [sflag:$0x3] =	stream.linear.gather [hbm4b:s2+s3], $0x40, $0x38;
	[tilespmem:$0x1C400] =	vst v63  }
0x103: {  	s6 =	sadd.s32 s0, s30  }
0x104: {  	[tilespmem:s11], [sflag:$0x3] =	stream.linear.gather [hbm4b:s6+s3], $0x40, $0x38;
	[tilespmem:$0x1C400] =	vst v63  }
0x105: {  	_ =	swait.ge [sflag:s29], $0x2000  }
0x106: {  	[sflag:s29] =	ssyncset.done $0x0  }
0x107: {  	[sflag:s29] =	ssyncadd.s32 $0xFFFFE000  }
0x108: {  	_ =	swait.ge [sflag:s20], $0x40  }
0x109: {  	[sflag:s20] =	ssyncset.done $0x0  }
0x10a: {  	[sflag:s20] =	ssyncadd.s32 $0xFFFFFFC0  }
0x10b: {  	_ =	swait.ge [sflag:s20], $0x40  }
0x10c: {  	[sflag:s20] =	ssyncset.done $0x0  }
0x10d: {  	[sflag:s20] =	ssyncadd.s32 $0xFFFFFFC0  }
0x10e: {  	[tilespmem:s21], [sflag:$0x7] =	stream.indirect.gather [hbm4b:s4+s16], $0x80, s10, s16, $0xb8;
	[tilespmem:$0x1C400] =	vst v63  }
0x10f: {  	p0 =	sne.s32 s31, $0x4C0  }
0x110: {  	[spmem:s1] =	stream.indirect.scatter.add.f32 [tilespmem:s22], [sflag:$0x9], $0x80, s13, s16, $0xb8;
	[tilespmem:$0x1C400] =	vst v63  }
.Ltmp0:
0x111: {  	_ =	swait.ge [sflag:s23], $0x2000;
	(pc) =	sbr.rel @p0 .LBB2_2-.Ltmp0, $4  }
0x112: {  	s14 =	rddreg [dreg:$0x5]  }
0x113: {  	s31 =	sadd.s32 $0x20, s31;
	s30 =	rddreg [dreg:$0x4];
	[sflag:s23] =	ssyncset.done $0x0  }
0x114: {  	[sflag:s23] =	ssyncadd.s32 $0xFFFFE000;
	s2 =	sadd.s32 s0, s14;
	s0 =	sadd.s32 s0, s30  }
0x115: {  	[tilespmem:s12], [sflag:$0x4] =	stream.linear.gather [hbm4b:s2+s3], $0x40, $0x38;
	[tilespmem:$0x1C400] =	vst v63  }
0x116: {  	[tilespmem:s13], [sflag:$0x4] =	stream.linear.gather [hbm4b:s0+s3], $0x40, $0x38;
	[tilespmem:$0x1C400] =	vst v63  }
0x117: {  	_ =	swait.ge [sflag:s24], $0x2000  }
0x118: {  	[sflag:s24] =	ssyncset.done $0x0  }
0x119: {  	[sflag:s24] =	ssyncadd.s32 $0xFFFFE000  }
0x11a: {  	_ =	swait.ge [sflag:s25], $0x40  }
0x11b: {  	[sflag:s25] =	ssyncset.done $0x0  }
0x11c: {  	[sflag:s25] =	ssyncadd.s32 $0xFFFFFFC0  }
0x11d: {  	_ =	swait.ge [sflag:s25], $0x40  }
0x11e: {  	[sflag:s25] =	ssyncset.done $0x0  }
0x11f: {  	[sflag:s25] =	ssyncadd.s32 $0xFFFFFFC0  }
0x120: {  	[tilespmem:s22], [sflag:$0x8] =	stream.indirect.gather [hbm4b:s4+s16], $0x80, s12, s16, $0xb8;
	[tilespmem:$0x1C400] =	vst v63  }
0x121: {  	_ = 	snop  }
0x122: {  	[spmem:s1] =	stream.indirect.scatter.add.f32 [tilespmem:s17], [sflag:$0x9], $0x80, s7, s16, $0xb8;
	[tilespmem:$0x1C400] =	vst v63  }
0x123: {  	_ =	swait.ge [sflag:s23], $0x2000  }
0x124: {  	[sflag:s23] =	ssyncset.done $0x0  }
0x125: {  	[sflag:s23] =	ssyncadd.s32 $0xFFFFE000  }
0x126: {  	_ =	swait.ge [sflag:s26], $0x2000  }
0x127: {  	[sflag:s26] =	ssyncset.done $0x0  }
0x128: {  	[sflag:s26] =	ssyncadd.s32 $0xFFFFE000  }
0x129: {  	[spmem:s1] =	stream.indirect.scatter.add.f32 [tilespmem:s19], [sflag:$0x9], $0x80, s9, s16, $0xb8;
	[tilespmem:$0x1C400] =	vst v63  }
0x12a: {  	_ =	swait.ge [sflag:s23], $0x2000  }
0x12b: {  	[sflag:s23] =	ssyncset.done $0x0  }
0x12c: {  	[sflag:s23] =	ssyncadd.s32 $0xFFFFE000  }
0x12d: {  	_ =	swait.ge [sflag:s28], $0x2000  }
0x12e: {  	[sflag:s28] =	ssyncset.done $0x0  }
0x12f: {  	[sflag:s28] =	ssyncadd.s32 $0xFFFFE000  }
0x130: {  	[spmem:s1] =	stream.indirect.scatter.add.f32 [tilespmem:s21], [sflag:$0x9], $0x80, s11, s16, $0xb8;
	[tilespmem:$0x1C400] =	vst v63  }
0x131: {  	_ =	swait.ge [sflag:s23], $0x2000  }
0x132: {  	[sflag:s23] =	ssyncset.done $0x0  }
0x133: {  	[sflag:s23] =	ssyncadd.s32 $0xFFFFE000  }
0x134: {  	_ =	swait.ge [sflag:s29], $0x2000  }
0x135: {  	[sflag:s29] =	ssyncset.done $0x0  }
0x136: {  	[sflag:s29] =	ssyncadd.s32 $0xFFFFE000  }
0x137: {  	[spmem:s1] =	stream.indirect.scatter.add.f32 [tilespmem:s22], [sflag:$0x9], $0x80, s13, s16, $0xb8;
	[tilespmem:$0x1C400] =	vst v63  }
0x138: {  	_ =	swait.ge [sflag:s23], $0x2000  }
0x139: {  	[sflag:s23] =	ssyncset.done $0x0  }
0x13a: {  	[sflag:s23] =	ssyncadd.s32 $0xFFFFE000  }
0x13b: {  	[bflag:$0x0] =	sbarrier.arrive $0xFFFF  }
0x13c: {  	s2 =	sld [smem:$0x7F7];
	_ =	sdelay $0x2  }
0x13d: {  	[tilespmem:s17], [sflag:$0x9] =	stream.linear.gather [spmem:s2], $0x2000, $0x38;
	[tilespmem:$0x1C400] =	vst v63  }
0x13e: {  	_ =	swait.ge [sflag:s23], $0x2000  }
0x13f: {  	[sflag:s23] =	ssyncset.done $0x0;
	s5 =	rddreg [dreg:$0x15]  }
0x140: {  	s6 =	sld [smem:$0x7F3];
	[sflag:s23] =	ssyncadd.s32 $0xFFFFE000  }
0x141: {  	[hbm4b:s5+s3] =	stream.linear.scatter [tilespmem:s17], [sflag:$0x5], $0x2000, $0x38;
	[tilespmem:$0x1C400] =	vst v63  }
0x142: {  	_ = 	snop  }
0x143: {  	[tilespmem:s19], [sflag:$0x9] =	stream.linear.gather [spmem:s6], $0x2000, $0x38;
	[tilespmem:$0x1C400] =	vst v63  }
0x144: {  	_ =	swait.ge [sflag:s23], $0x2000  }
0x145: {  	[sflag:s23] =	ssyncset.done $0x0  }
0x146: {  	s14 =	rddreg [dreg:$0x16];
	[sflag:s23] =	ssyncadd.s32 $0xFFFFE000  }
0x147: {  	[hbm4b:s14+s3] =	stream.linear.scatter [tilespmem:s19], [sflag:$0x6], $0x2000, $0x38;
	[tilespmem:$0x1C400] =	vst v63  }
0x148: {  	_ =	swait.ge [sflag:s24], $0x2000  }
0x149: {  	s2 =	sld [smem:$0x7F4]  }
0x14a: {  	[sflag:s24] =	ssyncset.done $0x0  }
0x14b: {  	[sflag:s24] =	ssyncadd.s32 $0xFFFFE000  }
0x14c: {  	[tilespmem:s17], [sflag:$0x9] =	stream.linear.gather [spmem:s2], $0x2000, $0x38;
	[tilespmem:$0x1C400] =	vst v63  }
0x14d: {  	_ =	swait.ge [sflag:s23], $0x2000  }
0x14e: {  	[sflag:s23] =	ssyncset.done $0x0  }
0x14f: {  	s5 =	rddreg [dreg:$0x17];
	[sflag:s23] =	ssyncadd.s32 $0xFFFFE000  }
0x150: {  	[hbm4b:s5+s3] =	stream.linear.scatter [tilespmem:s17], [sflag:$0x5], $0x2000, $0x38;
	[tilespmem:$0x1C400] =	vst v63  }
0x151: {  	_ =	swait.ge [sflag:s26], $0x2000  }
0x152: {  	s31 =	sld [smem:$0x7F9]  }
0x153: {  	[sflag:s26] =	ssyncset.done $0x0  }
0x154: {  	[sflag:s26] =	ssyncadd.s32 $0xFFFFE000  }
0x155: {  	[tilespmem:s19], [sflag:$0x9] =	stream.linear.gather [spmem:s31], $0x2000, $0x38;
	[tilespmem:$0x1C400] =	vst v63  }
0x156: {  	_ =	swait.ge [sflag:s23], $0x2000  }
0x157: {  	[sflag:s23] =	ssyncset.done $0x0  }
0x158: {  	s6 =	rddreg [dreg:$0x18];
	[sflag:s23] =	ssyncadd.s32 $0xFFFFE000  }
0x159: {  	[hbm4b:s6+s3] =	stream.linear.scatter [tilespmem:s19], [sflag:$0x6], $0x2000, $0x38;
	[tilespmem:$0x1C400] =	vst v63  }
0x15a: {  	_ =	swait.ge [sflag:s24], $0x2000  }
0x15b: {  	s30 =	sld [smem:$0x7FA]  }
0x15c: {  	[sflag:s24] =	ssyncset.done $0x0  }
0x15d: {  	[sflag:s24] =	ssyncadd.s32 $0xFFFFE000  }
0x15e: {  	[tilespmem:s17], [sflag:$0x9] =	stream.linear.gather [spmem:s30], $0x2000, $0x38;
	[tilespmem:$0x1C400] =	vst v63  }
0x15f: {  	_ =	swait.ge [sflag:s23], $0x2000  }
0x160: {  	[sflag:s23] =	ssyncset.done $0x0  }
0x161: {  	s14 =	rddreg [dreg:$0x19];
	[sflag:s23] =	ssyncadd.s32 $0xFFFFE000  }
0x162: {  	[hbm4b:s14+s3] =	stream.linear.scatter [tilespmem:s17], [sflag:$0x5], $0x2000, $0x38;
	[tilespmem:$0x1C400] =	vst v63  }
0x163: {  	_ =	swait.ge [sflag:s26], $0x2000  }
0x164: {  	s2 =	sld [smem:$0x7F5]  }
0x165: {  	[sflag:s26] =	ssyncset.done $0x0  }
0x166: {  	[sflag:s26] =	ssyncadd.s32 $0xFFFFE000  }
0x167: {  	[tilespmem:s19], [sflag:$0x9] =	stream.linear.gather [spmem:s2], $0x2000, $0x38;
	[tilespmem:$0x1C400] =	vst v63  }
0x168: {  	_ =	swait.ge [sflag:s23], $0x2000  }
0x169: {  	[sflag:s23] =	ssyncset.done $0x0  }
0x16a: {  	s5 =	rddreg [dreg:$0x1a];
	[sflag:s23] =	ssyncadd.s32 $0xFFFFE000  }
0x16b: {  	[hbm4b:s5+s3] =	stream.linear.scatter [tilespmem:s19], [sflag:$0x6], $0x2000, $0x38;
	[tilespmem:$0x1C400] =	vst v63  }
0x16c: {  	_ =	swait.ge [sflag:s24], $0x2000  }
0x16d: {  	s6 =	sld [smem:$0x7F6]  }
0x16e: {  	[sflag:s24] =	ssyncset.done $0x0  }
0x16f: {  	[sflag:s24] =	ssyncadd.s32 $0xFFFFE000  }
0x170: {  	[tilespmem:s17], [sflag:$0x9] =	stream.linear.gather [spmem:s6], $0x2000, $0x38;
	[tilespmem:$0x1C400] =	vst v63  }
0x171: {  	_ =	swait.ge [sflag:s23], $0x2000  }
0x172: {  	[sflag:s23] =	ssyncset.done $0x0  }
0x173: {  	s14 =	rddreg [dreg:$0x1b];
	[sflag:s23] =	ssyncadd.s32 $0xFFFFE000  }
0x174: {  	[hbm4b:s14+s3] =	stream.linear.scatter [tilespmem:s17], [sflag:$0x5], $0x2000, $0x38;
	[tilespmem:$0x1C400] =	vst v63  }
0x175: {  	_ =	swait.ge [sflag:s26], $0x2000  }
0x176: {  	s6 =	sld [smem:$0x7FB]  }
0x177: {  	[sflag:s26] =	ssyncset.done $0x0  }
0x178: {  	[sflag:s26] =	ssyncadd.s32 $0xFFFFE000  }
0x179: {  	[tilespmem:s19], [sflag:$0x9] =	stream.linear.gather [spmem:s6], $0x2000, $0x38;
	[tilespmem:$0x1C400] =	vst v63  }
0x17a: {  	_ =	swait.ge [sflag:s23], $0x2000  }
0x17b: {  	[sflag:s23] =	ssyncset.done $0x0  }
0x17c: {  	s2 =	rddreg [dreg:$0x1c];
	[sflag:s23] =	ssyncadd.s32 $0xFFFFE000  }
0x17d: {  	[hbm4b:s2+s3] =	stream.linear.scatter [tilespmem:s19], [sflag:$0x6], $0x2000, $0x38;
	[tilespmem:$0x1C400] =	vst v63  }
0x17e: {  	_ =	swait.ge [sflag:s24], $0x2000  }
0x17f: {  	s2 =	sld [smem:$0x7FC]  }
0x180: {  	[sflag:s24] =	ssyncset.done $0x0  }
0x181: {  	[sflag:s24] =	ssyncadd.s32 $0xFFFFE000  }
0x182: {  	[tilespmem:s17], [sflag:$0x9] =	stream.linear.gather [spmem:s2], $0x2000, $0x38;
	[tilespmem:$0x1C400] =	vst v63  }
0x183: {  	_ =	swait.ge [sflag:s23], $0x2000  }
0x184: {  	[sflag:s23] =	ssyncset.done $0x0  }
0x185: {  	s5 =	rddreg [dreg:$0x1d];
	[sflag:s23] =	ssyncadd.s32 $0xFFFFE000  }
0x186: {  	[hbm4b:s5+s3] =	stream.linear.scatter [tilespmem:s17], [sflag:$0x5], $0x2000, $0x38;
	[tilespmem:$0x1C400] =	vst v63  }
0x187: {  	_ =	swait.ge [sflag:s26], $0x2000  }
0x188: {  	s5 =	sld [smem:$0x7FD]  }
0x189: {  	[sflag:s26] =	ssyncset.done $0x0  }
0x18a: {  	[sflag:s26] =	ssyncadd.s32 $0xFFFFE000  }
0x18b: {  	[tilespmem:s19], [sflag:$0x9] =	stream.linear.gather [spmem:s5], $0x2000, $0x38;
	[tilespmem:$0x1C400] =	vst v63  }
0x18c: {  	_ =	swait.ge [sflag:s23], $0x2000  }
0x18d: {  	[sflag:s23] =	ssyncset.done $0x0  }
0x18e: {  	s14 =	rddreg [dreg:$0x1e];
	[sflag:s23] =	ssyncadd.s32 $0xFFFFE000  }
0x18f: {  	[hbm4b:s14+s3] =	stream.linear.scatter [tilespmem:s19], [sflag:$0x6], $0x2000, $0x38;
	[tilespmem:$0x1C400] =	vst v63  }
0x190: {  	_ =	swait.ge [sflag:s24], $0x2000  }
0x191: {  	[sflag:s24] =	ssyncset.done $0x0  }
0x192: {  	[sflag:s24] =	ssyncadd.s32 $0xFFFFE000  }
0x193: {  	_ =	swait.ge [sflag:s26], $0x2000  }
0x194: {  	s14 =	sld [smem:$0x7F8];
	_ =	sdelay $0x2  }
0x195: {  	s0 =	rddreg [dreg:$0x1f];
	s14 =	sadd.s32 $0x1, s14  }
0x196: {  	p0 =	sne.s32 s14, s0  }
.Ltmp1:
0x197: {  	_ = 	snop;
	(pc) =	sbr.rel @p0 .LBB2_1-.Ltmp1, $3  }
0x198: {  	_ =	sdelay $0x1  }
0x199: {  	[sflag:s26] =	ssyncset.done $0x0  }
0x19a: {  	[sflag:s26] =	ssyncadd.s32 $0xFFFFE000;
	[smem:$0x7F8] =	sst s14  }
0x19b: {  	_ =	sfence.sel $0x180000  }
0x19c: {  	[bflag:$0x0] =	sbarrier.arrive $0xFFFF  }
0x19d: {  	_ =	strace $0x90000047  }
0x19e: {  	s0 =	stileid.u32;
	[bflag:$0x2] =	sbarrier.arrive $0xFFFF  }
0x19f: {  	p0 =	sne.s32 s0, $0x0;
	s0 =	rddreg [dreg:$0x3]  }
0x1a0: {  	s0 =	sadd.s32 @!p0 $0x100000, s0  }
0x1a1: {  	[sflag:s0] =	ssyncadd.tile.s32 @!p0 $0x1;
	_ =	shalt  }
.Lfunc_end2:
_tile_overlayer_lowered:
.L_overlay_start_2:
0x1a2: {  	(tag) =	ssettag $0x2  }
0x1a3: {  	s0 =	rddreg [dreg:$0x0];
	s2 =	stileid.u32  }
0x1a4: {  	s1 =	rddreg [dreg:$0x1];
	p0 =	sne.s32 s2, $0x0  }
0x1a5: {  	s3 =	rddreg [dreg:$0x2];
	[bflag:$0x3] =	sbarrier.arrive $0xFFFF;
	s2 =	simm.s32 @!p0 $0x1C09  }
0x1a6: {  	[timem:s3], [sflag:s2] =	dma.local @!p0 [hbm:s0], s1  }
0x1a7: {  	s0 =	simm.s32 @!p0 $0x9  }
0x1a8: {  	_ =	swait.ge @!p0 [sflag:s0], s1  }
0x1a9: {  	s1 =	ssub.s32 @!p0 $0x0, s1;
	[sflag:s0] =	ssyncset.done @!p0 $0x0  }
0x1aa: {  	[sflag:s0] =	ssyncadd.s32 @!p0 s1  }
0x1ab: {  	[bflag:$0x3] =	sbarrier.arrive $0xFFFF  }
0x1ac: {  	_ =	shalt  }

// kernel: kernel.14.cloned.1.call-start
scs
__scs_entry_jumppad:
0x0: {  	(pc) =	sbr.rel $0x88, $3  }
0x1: {  	(tag) =	ssettag $0x0;
	lr =	simm.s32 $0x1  }
0x2: {  	[smem:$0x3F99] =	sst lr;
	_ =	strace $0xD0000000  }
0x3: {  	_ = 	snop  }
0x4: {  	_ = 	snop  }
0x5: {  	_ = 	snop  }
0x6: {  	_ = 	snop  }
0x7: {  	_ = 	snop  }
__scs_overlays_trampoline_lowered:
0x8: {  	[smem:$0x3FA8] =	sst s0  }
0x9: {  	[smem:$0x3FA9] =	sst s1  }
0xa: {  	[smem:$0x3FAA] =	sst s2  }
0xb: {  	[smem:$0x3FAB] =	sst s3  }
0xc: {  	[smem:$0x3FAC] =	sst s4  }
0xd: {  	[smem:$0x3FAD] =	sst s5  }
0xe: {  	[smem:$0x3FAE] =	sst s6  }
0xf: {  	[smem:$0x3FAF] =	sst s7  }
0x10: {  	[smem:$0x3FB0] =	sst s8  }
0x11: {  	[smem:$0x3FB1] =	sst s9;
	s0 =	simm.s32 @!p0 $0x0  }
0x12: {  	s1 =	sld [smem:$0x3F97];
	s0 =	simm.s32 @p0 $0x1  }
0x13: {  	[smem:$0x3FB2] =	sst s0;
	s0 =	simm.s32 @!p1 $0x0  }
0x14: {  	s2 =	sld [smem:$0x3F96];
	s0 =	simm.s32 @p1 $0x1  }
0x15: {  	[smem:$0x3FB3] =	sst s0;
	s0 =	simm.s32 @!p2 $0x0  }
0x16: {  	s3 =	sld [smem:$0x3FDB];
	s0 =	simm.s32 @p2 $0x1  }
0x17: {  	s4 =	simm.s32 $0x1BF5;
	[smem:$0x3FB5] =	sst s0  }
0x18: {  	s0 =	sld [smem:$0x3F98];
	_ =	swait.ge [sflag:s4], $0x0  }
0x19: {  	s7 =	sld [smem:$0x3F99]  }
0x1a: {  	s8 =	sadd.s32 $0xFFFFE003, lr  }
0x1b: {  	s9 =	sadd.s32 $0xFFFFFEF7, lr;
	s5 =	simm.s32 $0xFFFFFFFF;
	p2 =	slt.u32 s8, $0xFFFFF086  }
0x1c: {  	p1 =	slt.u32 s9, $0xF7A;
	s5 =	simm.s32 @!p2 $0x0  }
0x1d: {  	s5 =	simm.s32 @p1 $0x1;
	p0 =	seq.s32 s7, s2  }
0x1e: {  	s7 =	smul.u32 @!p0 $0xF7A, s2;
	p2 =	seq.s32 @!p0 s5, $0x0  }
0x1f: {  	s9 =	smul.u32 $0xF7A, s1;
	s8 =	simm.s32 @!p0 $0x1BF5;
	p2 =	por !p2, p0  }
0x20: {  	[sflag:s8] =	ssyncset.s32 @!p0 $0xFFFFF086;
	s6 =	sadd.s32 @!p0 s3, s7;
	s7 =	simm.s32 @!p0 $0x108  }
0x21: {  	s3 =	sadd.s32 s3, s9;
	s6 =	sadd.s32 @!p0 $0x88, s6;
	s7 =	simm.s32 @p2 $0x1082  }
0x22: {  	[simem:s7], [sflag:s8] =	dma.local @!p0 [hbm:s6], $0xF7A  }
0x23: {  	s9 =	sor.u32 $0xD0000000, s2;
	s6 =	simm.s32 $0x108;
	_ =	swait.ge @!p0 [sflag:s8], $0x0  }
0x24: {  	s3 =	sadd.s32 $0x88, s3;
	s6 =	simm.s32 @!p1 $0x1082;
	[sflag:s4] =	ssyncset.s32 $0xFFFFF086  }
0x25: {  	[simem:s6], [sflag:s4] =	dma.local [hbm:s3], $0xF7A  }
0x26: {  	[smem:$0x3F99] =	sst s1;
	(tag) =	ssettag s2;
	_ =	strace s9  }
0x27: {  	s1 =	sld [smem:$0x3FA9]  }
0x28: {  	s2 =	sld [smem:$0x3FAA]  }
0x29: {  	s4 =	sld [smem:$0x3FAC]  }
0x2a: {  	p0 =	seq.s32 s5, $0x0;
	s5 =	sld [smem:$0x3FAD]  }
0x2b: {  	s6 =	sld [smem:$0x3FAE]  }
0x2c: {  	s7 =	sld [smem:$0x3FAF]  }
0x2d: {  	s3 =	simm.s32 $0x108;
	s8 =	sld [smem:$0x3FB0]  }
0x2e: {  	s3 =	simm.s32 @!p0 $0x1082;
	s9 =	sld [smem:$0x3FB1]  }
0x2f: {  	lr =	sadd.s32 s0, s3;
	s0 =	sld [smem:$0x3FA8]  }
0x30: {  	s3 =	sld [smem:$0x3FAB]  }
0x31: {  	[smem:$0x3FB4] =	sst s10  }
0x32: {  	s10 =	sld [smem:$0x3FB2];
	_ =	sdelay $0x3  }
0x33: {  	p0 =	seq.s32 s10, $0x1;
	s10 =	sld [smem:$0x3FB4];
	_ =	sdelay $0x3  }
0x34: {  	[smem:$0x3FB4] =	sst s10  }
0x35: {  	s10 =	sld [smem:$0x3FB3];
	_ =	sdelay $0x3  }
0x36: {  	p1 =	seq.s32 s10, $0x1;
	s10 =	sld [smem:$0x3FB4];
	_ =	sdelay $0x3  }
0x37: {  	[smem:$0x3FB4] =	sst s10  }
0x38: {  	s10 =	sld [smem:$0x3FB5]  }
0x39: {  	_ = 	snop;
	(pc) =	sbr.ind lr, $3  }
0x3a: {  	_ = 	snop  }
0x3b: {  	_ = 	snop  }
0x3c: {  	p2 =	seq.s32 s10, $0x1;
	s10 =	sld [smem:$0x3FB4]  }
0x3d: {  	_ =	shalt  }
0x3e: {  	_ =	shalt  }
0x3f: {  	_ =	shalt  }
0x40: {  	_ =	shalt  }
0x41: {  	_ =	shalt  }
0x42: {  	_ =	shalt  }
0x43: {  	_ =	shalt  }
0x44: {  	_ =	shalt  }
0x45: {  	_ =	shalt  }
0x46: {  	_ =	shalt  }
0x47: {  	_ =	shalt  }
0x48: {  	_ =	shalt  }
0x49: {  	_ =	shalt  }
0x4a: {  	_ =	shalt  }
0x4b: {  	_ =	shalt  }
0x4c: {  	_ =	shalt  }
0x4d: {  	_ =	shalt  }
0x4e: {  	_ =	shalt  }
0x4f: {  	_ =	shalt  }
0x50: {  	_ =	shalt  }
0x51: {  	_ =	shalt  }
0x52: {  	_ =	shalt  }
0x53: {  	_ =	shalt  }
0x54: {  	_ =	shalt  }
0x55: {  	_ =	shalt  }
0x56: {  	_ =	shalt  }
0x57: {  	_ =	shalt  }
0x58: {  	_ =	shalt  }
0x59: {  	_ =	shalt  }
0x5a: {  	_ =	shalt  }
0x5b: {  	_ =	shalt  }
0x5c: {  	_ =	shalt  }
0x5d: {  	_ =	shalt  }
0x5e: {  	_ =	shalt  }
0x5f: {  	_ =	shalt  }
0x60: {  	_ =	shalt  }
0x61: {  	_ =	shalt  }
0x62: {  	_ =	shalt  }
0x63: {  	_ =	shalt  }
0x64: {  	_ =	shalt  }
0x65: {  	_ =	shalt  }
0x66: {  	_ =	shalt  }
0x67: {  	_ =	shalt  }
0x68: {  	_ =	shalt  }
0x69: {  	_ =	shalt  }
0x6a: {  	_ =	shalt  }
0x6b: {  	_ =	shalt  }
0x6c: {  	_ =	shalt  }
0x6d: {  	_ =	shalt  }
0x6e: {  	_ =	shalt  }
0x6f: {  	_ =	shalt  }
0x70: {  	_ =	shalt  }
0x71: {  	_ =	shalt  }
0x72: {  	_ =	shalt  }
0x73: {  	_ =	shalt  }
0x74: {  	_ =	shalt  }
0x75: {  	_ =	shalt  }
0x76: {  	_ =	shalt  }
0x77: {  	_ =	shalt  }
0x78: {  	_ =	shalt  }
0x79: {  	_ =	shalt  }
0x7a: {  	_ =	shalt  }
0x7b: {  	_ =	shalt  }
0x7c: {  	_ =	shalt  }
0x7d: {  	_ =	shalt  }
0x7e: {  	_ =	shalt  }
0x7f: {  	_ =	shalt  }
0x80: {  	_ =	shalt  }
0x81: {  	_ =	shalt  }
0x82: {  	_ =	shalt  }
0x83: {  	_ =	shalt  }
0x84: {  	_ =	shalt  }
0x85: {  	_ =	shalt  }
0x86: {  	_ =	shalt  }
0x87: {  	_ =	shalt  }
.Lfunc_end0:
.L_simem_size_0:
called_computation.2_lowered:
.L_overlay_start_0:
0x88: {  	s2 =	sld [smem:$0x3FD9]  }
0x89: {  	s3 =	sld [smem:$0x3FFE];
	_ =	sdelay $0x1  }
0x8a: {  	s1 =	srdreg.scid  }
0x8b: {  	s0 =	sand.u32 $0x1, s1  }
0x8c: {  	s17 =	sshll.u32 s0, $0xA;
	s2 =	sadd.s32 s3, s2  }
0x8d: {  	s2 =	sadd.s32 s2, s17  }
0x8e: {  	[smem:$0x3FC0] =	sst s2  }
0x8f: {  	_ = 	snop  }
0x90: {  	s2 =	sld [smem:$0x3FD0];
	(tm) =	ssettm $0x1  }
0x91: {  	s18 =	sld [smem:$0x3FFB];
	_ =	sdelay $0x3  }
0x92: {  	_ =	strace s18  }
0x93: {  	s3 =	sld [smem:$0x3FFC];
	_ =	sdelay $0x3  }
0x94: {  	_ =	strace s3  }
0x95: {  	s3 =	sld [smem:$0x3FFD];
	_ =	sdelay $0x3  }
0x96: {  	_ =	strace s3  }
0x97: {  	_ =	strace $0x8FFFFFFF  }
0x98: {  	s19 =	sld [smem:$0x3FDB];
	_ =	sdelay $0x1  }
0x99: {  	s4 =	simm.s32 $_scs_section_size  }
0x9a: {  	s5 =	simm.s32 $_size__tile_overlayer_lowered;
	s6 =	simm.s32 $_tile_overlayer_lowered  }
0x9b: {  	s22 =	simm.s32 $0x1BFF;
	s21 =	sshll.u32 s6, $0x1;
	s3 =	sadd.s32 s4, s19  }
0x9c: {  	s7 =	simm.s32 $0x0;
	s20 =	sshll.u32 s5, $0x1;
	s5 =	sadd.s32 s21, s3  }
0x9d: {  	[timem:s7], [sflag:s22] =	dma.local [hbm:s5], s20  }
0x9e: {  	_ =	swait.ge [sflag:s22], s20  }
0x9f: {  	s4 =	ssub.s32 $0x0, s20;
	[sflag:s22] =	ssyncset.done $0x0  }
0xa0: {  	[sflag:s22] =	ssyncadd.s32 s4;
	_ =	sdelay $0x1  }
0xa1: {  	s23 =	simm.s32 $0x1B8B  }
0xa2: {  	_ =	swait.ge [sflag:s23], $0x1  }
0xa3: {  	[sflag:s23] =	ssyncset.done $0x0  }
0xa4: {  	s25 =	simm.s32 $0x1B8E;
	s24 =	sld [smem:$0x3FFE];
	[sflag:s23] =	ssyncadd.s32 $0xFFFFFFFF  }
0xa5: {  	s26 =	simm.s32 $execute0_lowered;
	[smem:$0x3FD2] =	sst s25  }
0xa6: {  	s5 =	sshll.u32 s26, $0x1;
	_ =	strace $0x8000004C;
	[dreg:$0x1] =	wrdreg $0xFFFFFFFF  }
0xa7: {  	s28 =	simm.s32 $_size_execute0_lowered;
	s3 =	sadd.s32 s3, s5;
	[dreg:$0x0] =	wrdreg $0x0  }
0xa8: {  	s5 =	sshll.u32 s28, $0x1;
	[dreg:$0x2] =	wrdreg s3  }
0xa9: {  	[dreg:$0x3] =	wrdreg s5  }
0xaa: {  	[dreg:$0x4] =	wrdreg $0xC0  }
0xab: {  	_ =	task [dreg:s7], $0x5FFFF  }
0xac: {  	[dreg:$0x1] =	wrdreg $0xFFFFFFFF  }
0xad: {  	[dreg:$0x0] =	wrdreg $0x60  }
0xae: {  	[dreg:$0x2] =	wrdreg s24  }
0xaf: {  	[dreg:$0x3] =	wrdreg s2  }
0xb0: {  	[dreg:$0x4] =	wrdreg $0x84000  }
0xb1: {  	[dreg:$0x5] =	wrdreg $0x9  }
0xb2: {  	_ =	task.clear_ibuf [dreg:s7], $0x6FFFF;
	_ =	strace $0x9000004C  }
0xb3: {  	s29 =	simm.s32 $0x9;
	_ =	strace $0x8000004E  }
0xb4: {  	_ =	swait.ge [sflag:s29], $0x1  }
0xb5: {  	[sflag:s29] =	ssyncadd.s32 $0xFFFFFFFF  }
0xb6: {  	_ =	strace $0x9000004E  }
0xb7: {  	_ =	sfence  }
0xb8: {  	s30 =	sld [smem:$0x0];
	_ =	sdelay $0x2  }
0xb9: {  	s31 =	sshll.u32 s1, $0xD;
	s1 =	sshrl.u32 s1, $0x2  }
0xba: {  	s3 =	sand.u32 $0x4000, s31;
	s1 =	sadd.s32 s1, s30  }
0xbb: {  	s0 =	sor.u32 s3, s0;
	s1 =	sshll.u32 s1, $0x11  }
0xbc: {  	s0 =	sor.u32 s1, s0  }
0xbd: {  	s0 =	sadd.s32 $0x8F2B, s0  }
0xbe: {  	[sflag:s0] =	ssyncadd.remote.s32 $0x1  }
0xbf: {  	_ =	sfence.sel $0xFFFF  }
0xc0: {  	[dreg:$0x0] =	wrdreg $0xFFFFFFFF;
	(pc) =	sbr.abs _section_cstart, $3  }
0xc1: {  	[dreg:$0x1] =	wrdreg $0xFFFFFFFF  }
0xc2: {  	_ =	task.clear_ibuf [dreg:s7], $0x2FFFF;
	_ =	strace $0x9FFFFFFF  }
0xc3: {  	(tm) =	ssettm $0x7FFFFFFF  }
tec
execute0_lowered:
.L_overlay_start_1:
0x0: {  	(tag) =	ssettag $0x1  }
0x1: {  	s2 =	rddreg [dreg:$0x0]  }
0x2: {  	s0 =	rddreg [dreg:$0x1]  }
0x3: {  	s1 =	rddreg [dreg:$0x2];
	s3 =	simm.s32 $0x0;
	s11 =	stileid.u32  }
0x4: {  	s4 =	srdreg.scid;
	s28 =	simm.s32 $0x7;
	s6 =	smul.u32 $0x280, s11  }
0x5: {  	[smem:$0x7FF] =	sst s3;
	s5 =	sand.u32 $0x1, s4;
	s19 =	smul.u32 $0x5000, s11  }
0x6: {  	s12 =	sshll.u32 s11, $0x1;
	s4 =	sadd.s32 $0xBC00, s2;
	s11 =	smul.u32 $0x50000, s11  }
0x7: {  	s9 =	sadd.s32 $0x1C00, s2;
	s10 =	sadd.s32 $0x33C00, s2;
	_ =	strace $0x8000004D  }
0x8: {  	s7 =	smul.u32 $0x2800, s5;
	s8 =	sor.u32 s5, s12;
	s23 =	sshrl.u32 s11, $0x2  }
0x9: {  	[dreg:$0xc] =	wrdreg s10;
	s8 =	smul.u32 $0x2800, s8;
	s11 =	sadd.s32 s23, s1  }
0xa: {  	s6 =	sadd.s32 s6, s7;
	s31 =	sadd.s32 $0x6000, s11;
	[smem:$0x7F7] =	sst s11  }
0xb: {  	s8 =	sshrl.u32 s8, $0x3;
	s30 =	sadd.s32 $0x8000, s11;
	[smem:$0x7F9] =	sst s31  }
0xc: {  	s6 =	sshll.u32 s6, $0x4;
	s15 =	sadd.s32 s0, s8;
	[smem:$0x7FA] =	sst s30  }
0xd: {  	s14 =	sor.u32 $0x8, s8;
	s16 =	sadd.s32 s9, s8;
	[dreg:$0xd] =	wrdreg s15  }
0xe: {  	s2 =	sadd.s32 s6, s2;
	[dreg:$0xe] =	wrdreg s16;
	s17 =	sadd.s32 s0, s14  }
0xf: {  	s18 =	sor.u32 $0x10, s8;
	s6 =	sadd.s32 s9, s14;
	[dreg:$0xf] =	wrdreg s17  }
0x10: {  	s8 =	sor.u32 $0x18, s8;
	s12 =	sadd.s32 s0, s18;
	[dreg:$0x10] =	wrdreg s6  }
0x11: {  	s5 =	ssub.s32 $0x2, s5;
	s20 =	sadd.s32 s0, s8;
	[dreg:$0x11] =	wrdreg s12  }
0x12: {  	s21 =	sadd.s32 s7, s19;
	s22 =	sadd.s32 s9, s8;
	[dreg:$0x13] =	wrdreg s20  }
0x13: {  	s24 =	sor.u32 $0x1C0, s21;
	s25 =	sadd.s32 $0x34000, s2;
	[dreg:$0x14] =	wrdreg s22  }
0x14: {  	s26 =	sshrl.u32 s24, $0x3;
	s10 =	sadd.s32 $0x34400, s2;
	[dreg:$0x15] =	wrdreg s25  }
0x15: {  	s13 =	sshrl.u32 s5, $0x1;
	s7 =	sadd.s32 s26, s0;
	[dreg:$0x16] =	wrdreg s10  }
0x16: {  	s5 =	ssub.s32 s5, s13;
	s23 =	sadd.s32 $0x35400, s2;
	[dreg:$0x5] =	wrdreg s7  }
0x17: {  	s29 =	simm.s32 $0x8;
	s8 =	smax.u32 s5, $0x1;
	[dreg:$0x1a] =	wrdreg s23  }
0x18: {  	s15 =	sor.u32 $0x140, s21;
	s5 =	sadd.s32 $0x12000, s11;
	[dreg:$0x1f] =	wrdreg s8  }
0x19: {  	s6 =	sadd.s32 s9, s18;
	s12 =	sadd.s32 s26, s9;
	[smem:$0x7FD] =	sst s5  }
0x1a: {  	s10 =	sor.u32 $0x180, s21;
	s17 =	sshrl.u32 s15, $0x3;
	[dreg:$0x12] =	wrdreg s6  }
0x1b: {  	s18 =	sadd.s32 $0x34800, s2;
	s20 =	sadd.s32 $0x34C00, s2;
	[dreg:$0x4] =	wrdreg s12  }
0x1c: {  	s25 =	sadd.s32 $0x35800, s2;
	s26 =	sadd.s32 $0x35C00, s2;
	[dreg:$0x17] =	wrdreg s18  }
0x1d: {  	s7 =	sadd.s32 $0x36400, s2;
	s8 =	simm.s32 $0x80;
	[dreg:$0x18] =	wrdreg s20  }
0x1e: {  	s15 =	simm.s32 $0x1;
	s23 =	simm.s32 $0x9;
	[dreg:$0x1b] =	wrdreg s25  }
0x1f: {  	s13 =	sshrl.u32 s10, $0x3;
	s19 =	sadd.s32 s17, s9;
	[dreg:$0x1c] =	wrdreg s26  }
0x20: {  	s6 =	sor.u32 $0x100, s21;
	s21 =	sadd.s32 $0x35000, s2;
	[dreg:$0x1e] =	wrdreg s7  }
0x21: {  	s22 =	sadd.s32 s17, s0;
	s10 =	sadd.s32 $0x4000, s11;
	[dreg:$0x8] =	wrdreg s19  }
0x22: {  	s12 =	sadd.s32 $0xA000, s11;
	s7 =	simm.s32 $0x200;
	[dreg:$0x19] =	wrdreg s21  }
0x23: {  	s17 =	simm.s32 $0x400;
	s18 =	simm.s32 $0x2;
	[dreg:$0x9] =	wrdreg s22  }
0x24: {  	s20 =	simm.s32 $0x3;
	s25 =	simm.s32 $0x4;
	[smem:$0x7F4] =	sst s10  }
0x25: {  	s26 =	simm.s32 $0x6;
	s14 =	sadd.s32 s13, s9;
	[smem:$0x7F5] =	sst s12  }
0x26: {  	s16 =	sadd.s32 s13, s0;
	s6 =	sshrl.u32 s6, $0x3;
	[dreg:$0x6] =	wrdreg s14  }
0x27: {  	s13 =	sadd.s32 $0xC000, s11;
	s10 =	simm.s32 $0x100;
	[dreg:$0x7] =	wrdreg s16  }
0x28: {  	s12 =	simm.s32 $0x180;
	s24 =	sadd.s32 s6, s9;
	[smem:$0x7F6] =	sst s13  }
0x29: {  	s19 =	simm.s32 $0x2400;
	s0 =	sadd.s32 s6, s0;
	[dreg:$0xa] =	wrdreg s24  }
0x2a: {  	s21 =	simm.s32 $0x4400;
	s6 =	sadd.s32 $0x36000, s2;
	[dreg:$0xb] =	wrdreg s0  }
0x2b: {  	s22 =	simm.s32 $0x6400;
	s9 =	sadd.s32 $0x2000, s11;
	[dreg:$0x1d] =	wrdreg s6  }
0x2c: {  	s2 =	sadd.s32 $0x10000, s11;
	s14 =	simm.s32 $0x0;
	[smem:$0x7F3] =	sst s9  }
0x2d: {  	s13 =	simm.s32 $0x380;
	s16 =	simm.s32 $0x40;
	[smem:$0x7F8] =	sst s14  }
0x2e: {  	s6 =	sadd.s32 $0xE000, s11;
	s9 =	simm.s32 $0x280;
	[smem:$0x7FC] =	sst s2  }
0x2f: {  	s11 =	simm.s32 $0x300;
	s24 =	simm.s32 $0x5;
	[smem:$0x7FB] =	sst s6  }
.LBB2_1:
0x30: {  	s0 =	rddreg [dreg:$0xd]  }
0x31: {  	[tilespmem:s3], [sflag:$0x1] =	stream.linear.gather [hbm4b:s0+s3], $0x40, $0x38;
	[tilespmem:$0x1C400] =	vst v63  }
0x32: {  	s14 =	rddreg [dreg:$0xe]  }
0x33: {  	[tilespmem:s7], [sflag:$0x1] =	stream.linear.gather [hbm4b:s14+s3], $0x40, $0x38;
	[tilespmem:$0x1C400] =	vst v63  }
0x34: {  	s14 =	rddreg [dreg:$0xf]  }
0x35: {  	[tilespmem:s8], [sflag:$0x2] =	stream.linear.gather [hbm4b:s14+s3], $0x40, $0x38;
	[tilespmem:$0x1C400] =	vst v63  }
0x36: {  	s14 =	rddreg [dreg:$0x10]  }
0x37: {  	[tilespmem:s9], [sflag:$0x2] =	stream.linear.gather [hbm4b:s14+s3], $0x40, $0x38;
	[tilespmem:$0x1C400] =	vst v63  }
0x38: {  	s14 =	rddreg [dreg:$0x11]  }
0x39: {  	[tilespmem:s10], [sflag:$0x3] =	stream.linear.gather [hbm4b:s14+s3], $0x40, $0x38;
	[tilespmem:$0x1C400] =	vst v63  }
0x3a: {  	s14 =	rddreg [dreg:$0x12]  }
0x3b: {  	[tilespmem:s11], [sflag:$0x3] =	stream.linear.gather [hbm4b:s14+s3], $0x40, $0x38;
	[tilespmem:$0x1C400] =	vst v63  }
0x3c: {  	s14 =	rddreg [dreg:$0x13]  }
0x3d: {  	[tilespmem:s12], [sflag:$0x4] =	stream.linear.gather [hbm4b:s14+s3], $0x40, $0x38;
	[tilespmem:$0x1C400] =	vst v63  }
0x3e: {  	s14 =	rddreg [dreg:$0x14]  }
0x3f: {  	[tilespmem:s13], [sflag:$0x4] =	stream.linear.gather [hbm4b:s14+s3], $0x40, $0x38;
	[tilespmem:$0x1C400] =	vst v63  }
0x40: {  	_ =	swait.ge [sflag:s15], $0x40  }
0x41: {  	[sflag:s15] =	ssyncset.done $0x0  }
0x42: {  	[sflag:s15] =	ssyncadd.s32 $0xFFFFFFC0  }
0x43: {  	_ =	swait.ge [sflag:s15], $0x40  }
0x44: {  	[sflag:s15] =	ssyncset.done $0x0  }
0x45: {  	[sflag:s15] =	ssyncadd.s32 $0xFFFFFFC0  }
0x46: {  	[tilespmem:s17], [sflag:$0x5] =	stream.indirect.gather [hbm4b:s4+s16], $0x80, s3, s16, $0xb8;
	[tilespmem:$0x1C400] =	vst v63  }
0x47: {  	_ =	swait.ge [sflag:s18], $0x40  }
0x48: {  	[sflag:s18] =	ssyncset.done $0x0  }
0x49: {  	[sflag:s18] =	ssyncadd.s32 $0xFFFFFFC0  }
0x4a: {  	_ =	swait.ge [sflag:s18], $0x40  }
0x4b: {  	[sflag:s18] =	ssyncset.done $0x0  }
0x4c: {  	[sflag:s18] =	ssyncadd.s32 $0xFFFFFFC0  }
0x4d: {  	[tilespmem:s19], [sflag:$0x6] =	stream.indirect.gather [hbm4b:s4+s16], $0x80, s8, s16, $0xb8;
	[tilespmem:$0x1C400] =	vst v63  }
0x4e: {  	_ =	swait.ge [sflag:s20], $0x40  }
0x4f: {  	[sflag:s20] =	ssyncset.done $0x0  }
0x50: {  	[sflag:s20] =	ssyncadd.s32 $0xFFFFFFC0  }
0x51: {  	_ =	swait.ge [sflag:s20], $0x40  }
0x52: {  	[sflag:s20] =	ssyncset.done $0x0  }
0x53: {  	[sflag:s20] =	ssyncadd.s32 $0xFFFFFFC0  }
0x54: {  	[tilespmem:s21], [sflag:$0x7] =	stream.indirect.gather [hbm4b:s4+s16], $0x80, s10, s16, $0xb8;
	[tilespmem:$0x1C400] =	vst v63  }
0x55: {  	s14 =	rddreg [dreg:$0xc]  }
0x56: {  	[tilespmem:s22], [sflag:$0x9] =	stream.linear.gather [hbm4b:s14+s3], $0x2000, $0x38;
	[tilespmem:$0x1C400] =	vst v63  }
0x57: {  	_ =	swait.ge [sflag:s23], $0x2000  }
0x58: {  	s14 =	smov.u32 s30;
	s30 =	sld [smem:$0x7F7]  }
0x59: {  	[sflag:s23] =	ssyncset.done $0x0  }
0x5a: {  	[sflag:s23] =	ssyncadd.s32 $0xFFFFE000  }
0x5b: {  	[spmem:s30] =	stream.linear.scatter [tilespmem:s22], [sflag:$0x9], $0x2000, $0x38;
	[tilespmem:$0x1C400] =	vst v63  }
0x5c: {  	_ =	swait.ge [sflag:s23], $0x2000  }
0x5d: {  	s30 =	sld [smem:$0x7F3]  }
0x5e: {  	[sflag:s23] =	ssyncset.done $0x0  }
0x5f: {  	[sflag:s23] =	ssyncadd.s32 $0xFFFFE000  }
0x60: {  	[spmem:s30] =	stream.linear.scatter [tilespmem:s22], [sflag:$0x9], $0x2000, $0x38;
	[tilespmem:$0x1C400] =	vst v63  }
0x61: {  	s0 =	smov.u32 s31;
	s31 =	sld [smem:$0x7F4];
	_ =	swait.ge [sflag:s23], $0x2000  }
0x62: {  	[sflag:s23] =	ssyncset.done $0x0  }
0x63: {  	[sflag:s23] =	ssyncadd.s32 $0xFFFFE000  }
0x64: {  	[spmem:s31] =	stream.linear.scatter [tilespmem:s22], [sflag:$0x9], $0x2000, $0x38;
	[tilespmem:$0x1C400] =	vst v63  }
0x65: {  	_ =	swait.ge [sflag:s23], $0x2000  }
0x66: {  	[sflag:s23] =	ssyncset.done $0x0  }
0x67: {  	[sflag:s23] =	ssyncadd.s32 $0xFFFFE000  }
0x68: {  	[spmem:s0] =	stream.linear.scatter [tilespmem:s22], [sflag:$0x9], $0x2000, $0x38;
	[tilespmem:$0x1C400] =	vst v63  }
0x69: {  	_ =	swait.ge [sflag:s23], $0x2000  }
0x6a: {  	[sflag:s23] =	ssyncset.done $0x0  }
0x6b: {  	[sflag:s23] =	ssyncadd.s32 $0xFFFFE000  }
0x6c: {  	[spmem:s14] =	stream.linear.scatter [tilespmem:s22], [sflag:$0x9], $0x2000, $0x38;
	[tilespmem:$0x1C400] =	vst v63  }
0x6d: {  	_ =	swait.ge [sflag:s23], $0x2000  }
0x6e: {  	s14 =	sld [smem:$0x7F5]  }
0x6f: {  	[sflag:s23] =	ssyncset.done $0x0  }
0x70: {  	[sflag:s23] =	ssyncadd.s32 $0xFFFFE000  }
0x71: {  	[spmem:s14] =	stream.linear.scatter [tilespmem:s22], [sflag:$0x9], $0x2000, $0x38;
	[tilespmem:$0x1C400] =	vst v63  }
0x72: {  	_ =	swait.ge [sflag:s23], $0x2000  }
0x73: {  	s30 =	sld [smem:$0x7F6]  }
0x74: {  	[sflag:s23] =	ssyncset.done $0x0  }
0x75: {  	[sflag:s23] =	ssyncadd.s32 $0xFFFFE000  }
0x76: {  	[spmem:s30] =	stream.linear.scatter [tilespmem:s22], [sflag:$0x9], $0x2000, $0x38;
	[tilespmem:$0x1C400] =	vst v63  }
0x77: {  	_ =	swait.ge [sflag:s23], $0x2000  }
0x78: {  	[sflag:s23] =	ssyncset.done $0x0  }
0x79: {  	[sflag:s23] =	ssyncadd.s32 $0xFFFFE000  }
0x7a: {  	[spmem:s6] =	stream.linear.scatter [tilespmem:s22], [sflag:$0x9], $0x2000, $0x38;
	[tilespmem:$0x1C400] =	vst v63  }
0x7b: {  	_ =	swait.ge [sflag:s23], $0x2000  }
0x7c: {  	[sflag:s23] =	ssyncset.done $0x0  }
0x7d: {  	[sflag:s23] =	ssyncadd.s32 $0xFFFFE000  }
0x7e: {  	[spmem:s2] =	stream.linear.scatter [tilespmem:s22], [sflag:$0x9], $0x2000, $0x38;
	[tilespmem:$0x1C400] =	vst v63  }
0x7f: {  	_ =	swait.ge [sflag:s23], $0x2000  }
0x80: {  	[sflag:s23] =	ssyncset.done $0x0  }
0x81: {  	[sflag:s23] =	ssyncadd.s32 $0xFFFFE000  }
0x82: {  	[spmem:s5] =	stream.linear.scatter [tilespmem:s22], [sflag:$0x9], $0x2000, $0x38;
	[tilespmem:$0x1C400] =	vst v63  }
0x83: {  	_ =	swait.ge [sflag:s23], $0x2000  }
0x84: {  	[sflag:s23] =	ssyncset.done $0x0  }
0x85: {  	[sflag:s23] =	ssyncadd.s32 $0xFFFFE000  }
0x86: {  	[bflag:$0x0] =	sbarrier.arrive $0xFFFF  }
0x87: {  	_ =	swait.ge [sflag:s24], $0x2000  }
0x88: {  	[sflag:s24] =	ssyncset.done $0x0  }
0x89: {  	[sflag:s24] =	ssyncadd.s32 $0xFFFFE000  }
0x8a: {  	_ =	swait.ge [sflag:s25], $0x40  }
0x8b: {  	[sflag:s25] =	ssyncset.done $0x0  }
0x8c: {  	[sflag:s25] =	ssyncadd.s32 $0xFFFFFFC0  }
0x8d: {  	_ =	swait.ge [sflag:s25], $0x40  }
0x8e: {  	[sflag:s25] =	ssyncset.done $0x0  }
0x8f: {  	[sflag:s25] =	ssyncadd.s32 $0xFFFFFFC0  }
0x90: {  	[tilespmem:s22], [sflag:$0x8] =	stream.indirect.gather [hbm4b:s4+s16], $0x80, s12, s16, $0xb8;
	[tilespmem:$0x1C400] =	vst v63  }
0x91: {  	_ = 	snop  }
0x92: {  	[spmem:s1] =	stream.indirect.scatter.add.f32 [tilespmem:s17], [sflag:$0x9], $0x80, s7, s16, $0xb8;
	[tilespmem:$0x1C400] =	vst v63  }
0x93: {  	_ =	swait.ge [sflag:s23], $0x2000  }
0x94: {  	s6 =	rddreg [dreg:$0xb];
	[sflag:s23] =	ssyncset.done $0x0  }
0x95: {  	s31 =	rddreg [dreg:$0xa];
	[sflag:s23] =	ssyncadd.s32 $0xFFFFE000;
	s0 =	sadd.s32 $0x0, s6  }
0x96: {  	[tilespmem:s3], [sflag:$0x1] =	stream.linear.gather [hbm4b:s0+s3], $0x40, $0x38;
	[tilespmem:$0x1C400] =	vst v63  }
0x97: {  	s14 =	sadd.s32 $0x0, s31  }
0x98: {  	[tilespmem:s7], [sflag:$0x1] =	stream.linear.gather [hbm4b:s14+s3], $0x40, $0x38;
	[tilespmem:$0x1C400] =	vst v63  }
0x99: {  	_ =	swait.ge [sflag:s26], $0x2000  }
0x9a: {  	[sflag:s26] =	ssyncset.done $0x0  }
0x9b: {  	[sflag:s26] =	ssyncadd.s32 $0xFFFFE000  }
0x9c: {  	_ =	swait.ge [sflag:s15], $0x40  }
0x9d: {  	[sflag:s15] =	ssyncset.done $0x0  }
0x9e: {  	[sflag:s15] =	ssyncadd.s32 $0xFFFFFFC0  }
0x9f: {  	_ =	swait.ge [sflag:s15], $0x40  }
0xa0: {  	[sflag:s15] =	ssyncset.done $0x0  }
0xa1: {  	[sflag:s15] =	ssyncadd.s32 $0xFFFFFFC0  }
0xa2: {  	[tilespmem:s17], [sflag:$0x5] =	stream.indirect.gather [hbm4b:s4+s16], $0x80, s3, s16, $0xb8;
	[tilespmem:$0x1C400] =	vst v63  }
0xa3: {  	_ = 	snop  }
0xa4: {  	[spmem:s1] =	stream.indirect.scatter.add.f32 [tilespmem:s19], [sflag:$0x9], $0x80, s9, s16, $0xb8;
	[tilespmem:$0x1C400] =	vst v63  }
0xa5: {  	_ =	swait.ge [sflag:s23], $0x2000  }
0xa6: {  	s30 =	rddreg [dreg:$0x9];
	[sflag:s23] =	ssyncset.done $0x0  }
0xa7: {  	s31 =	rddreg [dreg:$0x8];
	[sflag:s23] =	ssyncadd.s32 $0xFFFFE000;
	s0 =	sadd.s32 $0x0, s30  }
0xa8: {  	[tilespmem:s8], [sflag:$0x2] =	stream.linear.gather [hbm4b:s0+s3], $0x40, $0x38;
	[tilespmem:$0x1C400] =	vst v63  }
0xa9: {  	s2 =	sadd.s32 $0x0, s31  }
0xaa: {  	[tilespmem:s9], [sflag:$0x2] =	stream.linear.gather [hbm4b:s2+s3], $0x40, $0x38;
	[tilespmem:$0x1C400] =	vst v63  }
0xab: {  	_ =	swait.ge [sflag:s28], $0x2000  }
0xac: {  	[sflag:s28] =	ssyncset.done $0x0  }
0xad: {  	[sflag:s28] =	ssyncadd.s32 $0xFFFFE000  }
0xae: {  	_ =	swait.ge [sflag:s18], $0x40  }
0xaf: {  	[sflag:s18] =	ssyncset.done $0x0  }
0xb0: {  	[sflag:s18] =	ssyncadd.s32 $0xFFFFFFC0  }
0xb1: {  	_ =	swait.ge [sflag:s18], $0x40  }
0xb2: {  	[sflag:s18] =	ssyncset.done $0x0  }
0xb3: {  	[sflag:s18] =	ssyncadd.s32 $0xFFFFFFC0  }
0xb4: {  	[tilespmem:s19], [sflag:$0x6] =	stream.indirect.gather [hbm4b:s4+s16], $0x80, s8, s16, $0xb8;
	[tilespmem:$0x1C400] =	vst v63  }
0xb5: {  	_ = 	snop  }
0xb6: {  	[spmem:s1] =	stream.indirect.scatter.add.f32 [tilespmem:s21], [sflag:$0x9], $0x80, s11, s16, $0xb8;
	[tilespmem:$0x1C400] =	vst v63  }
0xb7: {  	_ =	swait.ge [sflag:s23], $0x2000  }
0xb8: {  	s5 =	rddreg [dreg:$0x7];
	[sflag:s23] =	ssyncset.done $0x0  }
0xb9: {  	s31 =	rddreg [dreg:$0x6];
	[sflag:s23] =	ssyncadd.s32 $0xFFFFE000;
	s0 =	sadd.s32 $0x0, s5  }
0xba: {  	[tilespmem:s10], [sflag:$0x3] =	stream.linear.gather [hbm4b:s0+s3], $0x40, $0x38;
	[tilespmem:$0x1C400] =	vst v63  }
0xbb: {  	s6 =	sadd.s32 $0x0, s31  }
0xbc: {  	[tilespmem:s11], [sflag:$0x3] =	stream.linear.gather [hbm4b:s6+s3], $0x40, $0x38;
	[tilespmem:$0x1C400] =	vst v63  }
0xbd: {  	_ =	swait.ge [sflag:s29], $0x2000  }
0xbe: {  	[sflag:s29] =	ssyncset.done $0x0  }
0xbf: {  	[sflag:s29] =	ssyncadd.s32 $0xFFFFE000  }
0xc0: {  	_ =	swait.ge [sflag:s20], $0x40  }
0xc1: {  	[sflag:s20] =	ssyncset.done $0x0  }
0xc2: {  	[sflag:s20] =	ssyncadd.s32 $0xFFFFFFC0  }
0xc3: {  	_ =	swait.ge [sflag:s20], $0x40  }
0xc4: {  	[sflag:s20] =	ssyncset.done $0x0  }
0xc5: {  	[sflag:s20] =	ssyncadd.s32 $0xFFFFFFC0  }
0xc6: {  	[tilespmem:s21], [sflag:$0x7] =	stream.indirect.gather [hbm4b:s4+s16], $0x80, s10, s16, $0xb8;
	[tilespmem:$0x1C400] =	vst v63  }
0xc7: {  	_ = 	snop  }
0xc8: {  	[spmem:s1] =	stream.indirect.scatter.add.f32 [tilespmem:s22], [sflag:$0x9], $0x80, s13, s16, $0xb8;
	[tilespmem:$0x1C400] =	vst v63  }
0xc9: {  	_ =	swait.ge [sflag:s23], $0x2000  }
0xca: {  	s14 =	rddreg [dreg:$0x5];
	[sflag:s23] =	ssyncset.done $0x0  }
0xcb: {  	s30 =	rddreg [dreg:$0x4];
	[sflag:s23] =	ssyncadd.s32 $0xFFFFE000;
	s0 =	sadd.s32 $0x0, s14  }
0xcc: {  	[tilespmem:s12], [sflag:$0x4] =	stream.linear.gather [hbm4b:s0+s3], $0x40, $0x38;
	[tilespmem:$0x1C400] =	vst v63  }
0xcd: {  	s31 =	simm.s32 $0x20;
	s0 =	sadd.s32 $0x0, s30  }
.LBB2_2:
0xce: {  	[tilespmem:s13], [sflag:$0x4] =	stream.linear.gather [hbm4b:s0+s3], $0x40, $0x38;
	[tilespmem:$0x1C400] =	vst v63  }
0xcf: {  	_ =	swait.ge [sflag:s24], $0x2000  }
0xd0: {  	[sflag:s24] =	ssyncset.done $0x0  }
0xd1: {  	[sflag:s24] =	ssyncadd.s32 $0xFFFFE000  }
0xd2: {  	_ =	swait.ge [sflag:s25], $0x40  }
0xd3: {  	[sflag:s25] =	ssyncset.done $0x0  }
0xd4: {  	[sflag:s25] =	ssyncadd.s32 $0xFFFFFFC0  }
0xd5: {  	_ =	swait.ge [sflag:s25], $0x40  }
0xd6: {  	[sflag:s25] =	ssyncset.done $0x0  }
0xd7: {  	[sflag:s25] =	ssyncadd.s32 $0xFFFFFFC0  }
0xd8: {  	[tilespmem:s22], [sflag:$0x8] =	stream.indirect.gather [hbm4b:s4+s16], $0x80, s12, s16, $0xb8;
	[tilespmem:$0x1C400] =	vst v63  }
0xd9: {  	_ = 	snop  }
0xda: {  	[spmem:s1] =	stream.indirect.scatter.add.f32 [tilespmem:s17], [sflag:$0x9], $0x80, s7, s16, $0xb8;
	[tilespmem:$0x1C400] =	vst v63  }
0xdb: {  	_ =	swait.ge [sflag:s23], $0x2000  }
0xdc: {  	s0 =	smov.u32 s31;
	s2 =	rddreg [dreg:$0xb];
	[sflag:s23] =	ssyncset.done $0x0  }
0xdd: {  	s5 =	rddreg [dreg:$0xa];
	[sflag:s23] =	ssyncadd.s32 $0xFFFFE000;
	s2 =	sadd.s32 s0, s2  }
0xde: {  	[tilespmem:s3], [sflag:$0x1] =	stream.linear.gather [hbm4b:s2+s3], $0x40, $0x38;
	[tilespmem:$0x1C400] =	vst v63  }
0xdf: {  	s6 =	sadd.s32 s0, s5  }
0xe0: {  	[tilespmem:s7], [sflag:$0x1] =	stream.linear.gather [hbm4b:s6+s3], $0x40, $0x38;
	[tilespmem:$0x1C400] =	vst v63  }
0xe1: {  	_ =	swait.ge [sflag:s26], $0x2000  }
0xe2: {  	[sflag:s26] =	ssyncset.done $0x0  }
0xe3: {  	[sflag:s26] =	ssyncadd.s32 $0xFFFFE000  }
0xe4: {  	_ =	swait.ge [sflag:s15], $0x40  }
0xe5: {  	[sflag:s15] =	ssyncset.done $0x0  }
0xe6: {  	[sflag:s15] =	ssyncadd.s32 $0xFFFFFFC0  }
0xe7: {  	_ =	swait.ge [sflag:s15], $0x40  }
0xe8: {  	[sflag:s15] =	ssyncset.done $0x0  }
0xe9: {  	[sflag:s15] =	ssyncadd.s32 $0xFFFFFFC0  }
0xea: {  	[tilespmem:s17], [sflag:$0x5] =	stream.indirect.gather [hbm4b:s4+s16], $0x80, s3, s16, $0xb8;
	[tilespmem:$0x1C400] =	vst v63  }
0xeb: {  	_ = 	snop  }
0xec: {  	[spmem:s1] =	stream.indirect.scatter.add.f32 [tilespmem:s19], [sflag:$0x9], $0x80, s9, s16, $0xb8;
	[tilespmem:$0x1C400] =	vst v63  }
0xed: {  	_ =	swait.ge [sflag:s23], $0x2000  }
0xee: {  	s14 =	rddreg [dreg:$0x9];
	[sflag:s23] =	ssyncset.done $0x0  }
0xef: {  	s30 =	rddreg [dreg:$0x8];
	[sflag:s23] =	ssyncadd.s32 $0xFFFFE000;
	s2 =	sadd.s32 s0, s14  }
0xf0: {  	[tilespmem:s8], [sflag:$0x2] =	stream.linear.gather [hbm4b:s2+s3], $0x40, $0x38;
	[tilespmem:$0x1C400] =	vst v63  }
0xf1: {  	s6 =	sadd.s32 s0, s30  }
0xf2: {  	[tilespmem:s9], [sflag:$0x2] =	stream.linear.gather [hbm4b:s6+s3], $0x40, $0x38;
	[tilespmem:$0x1C400] =	vst v63  }
0xf3: {  	_ =	swait.ge [sflag:s28], $0x2000  }
0xf4: {  	[sflag:s28] =	ssyncset.done $0x0  }
0xf5: {  	[sflag:s28] =	ssyncadd.s32 $0xFFFFE000  }
0xf6: {  	_ =	swait.ge [sflag:s18], $0x40  }
0xf7: {  	[sflag:s18] =	ssyncset.done $0x0  }
0xf8: {  	[sflag:s18] =	ssyncadd.s32 $0xFFFFFFC0  }
0xf9: {  	_ =	swait.ge [sflag:s18], $0x40  }
0xfa: {  	[sflag:s18] =	ssyncset.done $0x0  }
0xfb: {  	[sflag:s18] =	ssyncadd.s32 $0xFFFFFFC0  }
0xfc: {  	[tilespmem:s19], [sflag:$0x6] =	stream.indirect.gather [hbm4b:s4+s16], $0x80, s8, s16, $0xb8;
	[tilespmem:$0x1C400] =	vst v63  }
0xfd: {  	_ = 	snop  }
0xfe: {  	[spmem:s1] =	stream.indirect.scatter.add.f32 [tilespmem:s21], [sflag:$0x9], $0x80, s11, s16, $0xb8;
	[tilespmem:$0x1C400] =	vst v63  }
0xff: {  	_ =	swait.ge [sflag:s23], $0x2000  }
0x100: {  	s14 =	rddreg [dreg:$0x7];
	[sflag:s23] =	ssyncset.done $0x0  }
0x101: {  	s30 =	rddreg [dreg:$0x6];
	[sflag:s23] =	ssyncadd.s32 $0xFFFFE000;
	s2 =	sadd.s32 s0, s14  }
0x102: {  	[tilespmem:s10], [sflag:$0x3] =	stream.linear.gather [hbm4b:s2+s3], $0x40, $0x38;
	[tilespmem:$0x1C400] =	vst v63  }
0x103: {  	s6 =	sadd.s32 s0, s30  }
0x104: {  	[tilespmem:s11], [sflag:$0x3] =	stream.linear.gather [hbm4b:s6+s3], $0x40, $0x38;
	[tilespmem:$0x1C400] =	vst v63  }
0x105: {  	_ =	swait.ge [sflag:s29], $0x2000  }
0x106: {  	[sflag:s29] =	ssyncset.done $0x0  }
0x107: {  	[sflag:s29] =	ssyncadd.s32 $0xFFFFE000  }
0x108: {  	_ =	swait.ge [sflag:s20], $0x40  }
0x109: {  	[sflag:s20] =	ssyncset.done $0x0  }
0x10a: {  	[sflag:s20] =	ssyncadd.s32 $0xFFFFFFC0  }
0x10b: {  	_ =	swait.ge [sflag:s20], $0x40  }
0x10c: {  	[sflag:s20] =	ssyncset.done $0x0  }
0x10d: {  	[sflag:s20] =	ssyncadd.s32 $0xFFFFFFC0  }
0x10e: {  	[tilespmem:s21], [sflag:$0x7] =	stream.indirect.gather [hbm4b:s4+s16], $0x80, s10, s16, $0xb8;
	[tilespmem:$0x1C400] =	vst v63  }
0x10f: {  	p0 =	sne.s32 s31, $0x4C0  }
0x110: {  	[spmem:s1] =	stream.indirect.scatter.add.f32 [tilespmem:s22], [sflag:$0x9], $0x80, s13, s16, $0xb8;
	[tilespmem:$0x1C400] =	vst v63  }
.Ltmp0:
0x111: {  	_ =	swait.ge [sflag:s23], $0x2000;
	(pc) =	sbr.rel @p0 .LBB2_2-.Ltmp0, $4  }
0x112: {  	s14 =	rddreg [dreg:$0x5]  }
0x113: {  	s31 =	sadd.s32 $0x20, s31;
	s30 =	rddreg [dreg:$0x4];
	[sflag:s23] =	ssyncset.done $0x0  }
0x114: {  	[sflag:s23] =	ssyncadd.s32 $0xFFFFE000;
	s2 =	sadd.s32 s0, s14;
	s0 =	sadd.s32 s0, s30  }
0x115: {  	[tilespmem:s12], [sflag:$0x4] =	stream.linear.gather [hbm4b:s2+s3], $0x40, $0x38;
	[tilespmem:$0x1C400] =	vst v63  }
0x116: {  	[tilespmem:s13], [sflag:$0x4] =	stream.linear.gather [hbm4b:s0+s3], $0x40, $0x38;
	[tilespmem:$0x1C400] =	vst v63  }
0x117: {  	_ =	swait.ge [sflag:s24], $0x2000  }
0x118: {  	[sflag:s24] =	ssyncset.done $0x0  }
0x119: {  	[sflag:s24] =	ssyncadd.s32 $0xFFFFE000  }
0x11a: {  	_ =	swait.ge [sflag:s25], $0x40  }
0x11b: {  	[sflag:s25] =	ssyncset.done $0x0  }
0x11c: {  	[sflag:s25] =	ssyncadd.s32 $0xFFFFFFC0  }
0x11d: {  	_ =	swait.ge [sflag:s25], $0x40  }
0x11e: {  	[sflag:s25] =	ssyncset.done $0x0  }
0x11f: {  	[sflag:s25] =	ssyncadd.s32 $0xFFFFFFC0  }
0x120: {  	[tilespmem:s22], [sflag:$0x8] =	stream.indirect.gather [hbm4b:s4+s16], $0x80, s12, s16, $0xb8;
	[tilespmem:$0x1C400] =	vst v63  }
0x121: {  	_ = 	snop  }
0x122: {  	[spmem:s1] =	stream.indirect.scatter.add.f32 [tilespmem:s17], [sflag:$0x9], $0x80, s7, s16, $0xb8;
	[tilespmem:$0x1C400] =	vst v63  }
0x123: {  	_ =	swait.ge [sflag:s23], $0x2000  }
0x124: {  	[sflag:s23] =	ssyncset.done $0x0  }
0x125: {  	[sflag:s23] =	ssyncadd.s32 $0xFFFFE000  }
0x126: {  	_ =	swait.ge [sflag:s26], $0x2000  }
0x127: {  	[sflag:s26] =	ssyncset.done $0x0  }
0x128: {  	[sflag:s26] =	ssyncadd.s32 $0xFFFFE000  }
0x129: {  	[spmem:s1] =	stream.indirect.scatter.add.f32 [tilespmem:s19], [sflag:$0x9], $0x80, s9, s16, $0xb8;
	[tilespmem:$0x1C400] =	vst v63  }
0x12a: {  	_ =	swait.ge [sflag:s23], $0x2000  }
0x12b: {  	[sflag:s23] =	ssyncset.done $0x0  }
0x12c: {  	[sflag:s23] =	ssyncadd.s32 $0xFFFFE000  }
0x12d: {  	_ =	swait.ge [sflag:s28], $0x2000  }
0x12e: {  	[sflag:s28] =	ssyncset.done $0x0  }
0x12f: {  	[sflag:s28] =	ssyncadd.s32 $0xFFFFE000  }
0x130: {  	[spmem:s1] =	stream.indirect.scatter.add.f32 [tilespmem:s21], [sflag:$0x9], $0x80, s11, s16, $0xb8;
	[tilespmem:$0x1C400] =	vst v63  }
0x131: {  	_ =	swait.ge [sflag:s23], $0x2000  }
0x132: {  	[sflag:s23] =	ssyncset.done $0x0  }
0x133: {  	[sflag:s23] =	ssyncadd.s32 $0xFFFFE000  }
0x134: {  	_ =	swait.ge [sflag:s29], $0x2000  }
0x135: {  	[sflag:s29] =	ssyncset.done $0x0  }
0x136: {  	[sflag:s29] =	ssyncadd.s32 $0xFFFFE000  }
0x137: {  	[spmem:s1] =	stream.indirect.scatter.add.f32 [tilespmem:s22], [sflag:$0x9], $0x80, s13, s16, $0xb8;
	[tilespmem:$0x1C400] =	vst v63  }
0x138: {  	_ =	swait.ge [sflag:s23], $0x2000  }
0x139: {  	[sflag:s23] =	ssyncset.done $0x0  }
0x13a: {  	[sflag:s23] =	ssyncadd.s32 $0xFFFFE000  }
0x13b: {  	[bflag:$0x0] =	sbarrier.arrive $0xFFFF  }
0x13c: {  	s2 =	sld [smem:$0x7F7];
	_ =	sdelay $0x2  }
0x13d: {  	[tilespmem:s17], [sflag:$0x9] =	stream.linear.gather [spmem:s2], $0x2000, $0x38;
	[tilespmem:$0x1C400] =	vst v63  }
0x13e: {  	_ =	swait.ge [sflag:s23], $0x2000  }
0x13f: {  	[sflag:s23] =	ssyncset.done $0x0;
	s5 =	rddreg [dreg:$0x15]  }
0x140: {  	s6 =	sld [smem:$0x7F3];
	[sflag:s23] =	ssyncadd.s32 $0xFFFFE000  }
0x141: {  	[hbm4b:s5+s3] =	stream.linear.scatter [tilespmem:s17], [sflag:$0x5], $0x2000, $0x38;
	[tilespmem:$0x1C400] =	vst v63  }
0x142: {  	_ = 	snop  }
0x143: {  	[tilespmem:s19], [sflag:$0x9] =	stream.linear.gather [spmem:s6], $0x2000, $0x38;
	[tilespmem:$0x1C400] =	vst v63  }
0x144: {  	_ =	swait.ge [sflag:s23], $0x2000  }
0x145: {  	[sflag:s23] =	ssyncset.done $0x0  }
0x146: {  	s14 =	rddreg [dreg:$0x16];
	[sflag:s23] =	ssyncadd.s32 $0xFFFFE000  }
0x147: {  	[hbm4b:s14+s3] =	stream.linear.scatter [tilespmem:s19], [sflag:$0x6], $0x2000, $0x38;
	[tilespmem:$0x1C400] =	vst v63  }
0x148: {  	_ =	swait.ge [sflag:s24], $0x2000  }
0x149: {  	s2 =	sld [smem:$0x7F4]  }
0x14a: {  	[sflag:s24] =	ssyncset.done $0x0  }
0x14b: {  	[sflag:s24] =	ssyncadd.s32 $0xFFFFE000  }
0x14c: {  	[tilespmem:s17], [sflag:$0x9] =	stream.linear.gather [spmem:s2], $0x2000, $0x38;
	[tilespmem:$0x1C400] =	vst v63  }
0x14d: {  	_ =	swait.ge [sflag:s23], $0x2000  }
0x14e: {  	[sflag:s23] =	ssyncset.done $0x0  }
0x14f: {  	s5 =	rddreg [dreg:$0x17];
	[sflag:s23] =	ssyncadd.s32 $0xFFFFE000  }
0x150: {  	[hbm4b:s5+s3] =	stream.linear.scatter [tilespmem:s17], [sflag:$0x5], $0x2000, $0x38;
	[tilespmem:$0x1C400] =	vst v63  }
0x151: {  	_ =	swait.ge [sflag:s26], $0x2000  }
0x152: {  	s31 =	sld [smem:$0x7F9]  }
0x153: {  	[sflag:s26] =	ssyncset.done $0x0  }
0x154: {  	[sflag:s26] =	ssyncadd.s32 $0xFFFFE000  }
0x155: {  	[tilespmem:s19], [sflag:$0x9] =	stream.linear.gather [spmem:s31], $0x2000, $0x38;
	[tilespmem:$0x1C400] =	vst v63  }
0x156: {  	_ =	swait.ge [sflag:s23], $0x2000  }
0x157: {  	[sflag:s23] =	ssyncset.done $0x0  }
0x158: {  	s6 =	rddreg [dreg:$0x18];
	[sflag:s23] =	ssyncadd.s32 $0xFFFFE000  }
0x159: {  	[hbm4b:s6+s3] =	stream.linear.scatter [tilespmem:s19], [sflag:$0x6], $0x2000, $0x38;
	[tilespmem:$0x1C400] =	vst v63  }
0x15a: {  	_ =	swait.ge [sflag:s24], $0x2000  }
0x15b: {  	s30 =	sld [smem:$0x7FA]  }
0x15c: {  	[sflag:s24] =	ssyncset.done $0x0  }
0x15d: {  	[sflag:s24] =	ssyncadd.s32 $0xFFFFE000  }
0x15e: {  	[tilespmem:s17], [sflag:$0x9] =	stream.linear.gather [spmem:s30], $0x2000, $0x38;
	[tilespmem:$0x1C400] =	vst v63  }
0x15f: {  	_ =	swait.ge [sflag:s23], $0x2000  }
0x160: {  	[sflag:s23] =	ssyncset.done $0x0  }
0x161: {  	s14 =	rddreg [dreg:$0x19];
	[sflag:s23] =	ssyncadd.s32 $0xFFFFE000  }
0x162: {  	[hbm4b:s14+s3] =	stream.linear.scatter [tilespmem:s17], [sflag:$0x5], $0x2000, $0x38;
	[tilespmem:$0x1C400] =	vst v63  }
0x163: {  	_ =	swait.ge [sflag:s26], $0x2000  }
0x164: {  	s2 =	sld [smem:$0x7F5]  }
0x165: {  	[sflag:s26] =	ssyncset.done $0x0  }
0x166: {  	[sflag:s26] =	ssyncadd.s32 $0xFFFFE000  }
0x167: {  	[tilespmem:s19], [sflag:$0x9] =	stream.linear.gather [spmem:s2], $0x2000, $0x38;
	[tilespmem:$0x1C400] =	vst v63  }
0x168: {  	_ =	swait.ge [sflag:s23], $0x2000  }
0x169: {  	[sflag:s23] =	ssyncset.done $0x0  }
0x16a: {  	s5 =	rddreg [dreg:$0x1a];
	[sflag:s23] =	ssyncadd.s32 $0xFFFFE000  }
0x16b: {  	[hbm4b:s5+s3] =	stream.linear.scatter [tilespmem:s19], [sflag:$0x6], $0x2000, $0x38;
	[tilespmem:$0x1C400] =	vst v63  }
0x16c: {  	_ =	swait.ge [sflag:s24], $0x2000  }
0x16d: {  	s6 =	sld [smem:$0x7F6]  }
0x16e: {  	[sflag:s24] =	ssyncset.done $0x0  }
0x16f: {  	[sflag:s24] =	ssyncadd.s32 $0xFFFFE000  }
0x170: {  	[tilespmem:s17], [sflag:$0x9] =	stream.linear.gather [spmem:s6], $0x2000, $0x38;
	[tilespmem:$0x1C400] =	vst v63  }
0x171: {  	_ =	swait.ge [sflag:s23], $0x2000  }
0x172: {  	[sflag:s23] =	ssyncset.done $0x0  }
0x173: {  	s14 =	rddreg [dreg:$0x1b];
	[sflag:s23] =	ssyncadd.s32 $0xFFFFE000  }
0x174: {  	[hbm4b:s14+s3] =	stream.linear.scatter [tilespmem:s17], [sflag:$0x5], $0x2000, $0x38;
	[tilespmem:$0x1C400] =	vst v63  }
0x175: {  	_ =	swait.ge [sflag:s26], $0x2000  }
0x176: {  	s6 =	sld [smem:$0x7FB]  }
0x177: {  	[sflag:s26] =	ssyncset.done $0x0  }
0x178: {  	[sflag:s26] =	ssyncadd.s32 $0xFFFFE000  }
0x179: {  	[tilespmem:s19], [sflag:$0x9] =	stream.linear.gather [spmem:s6], $0x2000, $0x38;
	[tilespmem:$0x1C400] =	vst v63  }
0x17a: {  	_ =	swait.ge [sflag:s23], $0x2000  }
0x17b: {  	[sflag:s23] =	ssyncset.done $0x0  }
0x17c: {  	s2 =	rddreg [dreg:$0x1c];
	[sflag:s23] =	ssyncadd.s32 $0xFFFFE000  }
0x17d: {  	[hbm4b:s2+s3] =	stream.linear.scatter [tilespmem:s19], [sflag:$0x6], $0x2000, $0x38;
	[tilespmem:$0x1C400] =	vst v63  }
0x17e: {  	_ =	swait.ge [sflag:s24], $0x2000  }
0x17f: {  	s2 =	sld [smem:$0x7FC]  }
0x180: {  	[sflag:s24] =	ssyncset.done $0x0  }
0x181: {  	[sflag:s24] =	ssyncadd.s32 $0xFFFFE000  }
0x182: {  	[tilespmem:s17], [sflag:$0x9] =	stream.linear.gather [spmem:s2], $0x2000, $0x38;
	[tilespmem:$0x1C400] =	vst v63  }
0x183: {  	_ =	swait.ge [sflag:s23], $0x2000  }
0x184: {  	[sflag:s23] =	ssyncset.done $0x0  }
0x185: {  	s5 =	rddreg [dreg:$0x1d];
	[sflag:s23] =	ssyncadd.s32 $0xFFFFE000  }
0x186: {  	[hbm4b:s5+s3] =	stream.linear.scatter [tilespmem:s17], [sflag:$0x5], $0x2000, $0x38;
	[tilespmem:$0x1C400] =	vst v63  }
0x187: {  	_ =	swait.ge [sflag:s26], $0x2000  }
0x188: {  	s5 =	sld [smem:$0x7FD]  }
0x189: {  	[sflag:s26] =	ssyncset.done $0x0  }
0x18a: {  	[sflag:s26] =	ssyncadd.s32 $0xFFFFE000  }
0x18b: {  	[tilespmem:s19], [sflag:$0x9] =	stream.linear.gather [spmem:s5], $0x2000, $0x38;
	[tilespmem:$0x1C400] =	vst v63  }
0x18c: {  	_ =	swait.ge [sflag:s23], $0x2000  }
0x18d: {  	[sflag:s23] =	ssyncset.done $0x0  }
0x18e: {  	s14 =	rddreg [dreg:$0x1e];
	[sflag:s23] =	ssyncadd.s32 $0xFFFFE000  }
0x18f: {  	[hbm4b:s14+s3] =	stream.linear.scatter [tilespmem:s19], [sflag:$0x6], $0x2000, $0x38;
	[tilespmem:$0x1C400] =	vst v63  }
0x190: {  	_ =	swait.ge [sflag:s24], $0x2000  }
0x191: {  	[sflag:s24] =	ssyncset.done $0x0  }
0x192: {  	[sflag:s24] =	ssyncadd.s32 $0xFFFFE000  }
0x193: {  	_ =	swait.ge [sflag:s26], $0x2000  }
0x194: {  	s14 =	sld [smem:$0x7F8];
	_ =	sdelay $0x2  }
0x195: {  	s0 =	rddreg [dreg:$0x1f];
	s14 =	sadd.s32 $0x1, s14  }
0x196: {  	p0 =	sne.s32 s14, s0  }
.Ltmp1:
0x197: {  	_ = 	snop;
	(pc) =	sbr.rel @p0 .LBB2_1-.Ltmp1, $3  }
0x198: {  	_ =	sdelay $0x1  }
0x199: {  	[sflag:s26] =	ssyncset.done $0x0  }
0x19a: {  	[sflag:s26] =	ssyncadd.s32 $0xFFFFE000;
	[smem:$0x7F8] =	sst s14  }
0x19b: {  	_ =	sfence.sel $0x180000  }
0x19c: {  	[bflag:$0x0] =	sbarrier.arrive $0xFFFF  }
0x19d: {  	_ =	strace $0x9000004D  }
0x19e: {  	s0 =	stileid.u32;
	[bflag:$0x2] =	sbarrier.arrive $0xFFFF  }
0x19f: {  	p0 =	sne.s32 s0, $0x0;
	s0 =	rddreg [dreg:$0x3]  }
0x1a0: {  	s0 =	sadd.s32 @!p0 $0x100000, s0  }
0x1a1: {  	[sflag:s0] =	ssyncadd.tile.s32 @!p0 $0x1;
	_ =	shalt  }
.Lfunc_end2:
_tile_overlayer_lowered:
.L_overlay_start_2:
0x1a2: {  	(tag) =	ssettag $0x2  }
0x1a3: {  	s0 =	rddreg [dreg:$0x0];
	s2 =	stileid.u32  }
0x1a4: {  	s1 =	rddreg [dreg:$0x1];
	p0 =	sne.s32 s2, $0x0  }
0x1a5: {  	s3 =	rddreg [dreg:$0x2];
	[bflag:$0x3] =	sbarrier.arrive $0xFFFF;
	s2 =	simm.s32 @!p0 $0x1C09  }
0x1a6: {  	[timem:s3], [sflag:s2] =	dma.local @!p0 [hbm:s0], s1  }
0x1a7: {  	s0 =	simm.s32 @!p0 $0x9  }
0x1a8: {  	_ =	swait.ge @!p0 [sflag:s0], s1  }
0x1a9: {  	s1 =	ssub.s32 @!p0 $0x0, s1;
	[sflag:s0] =	ssyncset.done @!p0 $0x0  }
0x1aa: {  	[sflag:s0] =	ssyncadd.s32 @!p0 s1  }
0x1ab: {  	[bflag:$0x3] =	sbarrier.arrive $0xFFFF  }
0x1ac: {  	_ =	shalt  }

// kernel: kernel.8.cloned.1.call-start
scs
__scs_entry_jumppad:
0x0: {  	(pc) =	sbr.rel $0x88, $3  }
0x1: {  	(tag) =	ssettag $0x0;
	lr =	simm.s32 $0x1  }
0x2: {  	[smem:$0x3F99] =	sst lr;
	_ =	strace $0xD0000000  }
0x3: {  	_ = 	snop  }
0x4: {  	_ = 	snop  }
0x5: {  	_ = 	snop  }
0x6: {  	_ = 	snop  }
0x7: {  	_ = 	snop  }
__scs_overlays_trampoline_lowered:
0x8: {  	[smem:$0x3FA8] =	sst s0  }
0x9: {  	[smem:$0x3FA9] =	sst s1  }
0xa: {  	[smem:$0x3FAA] =	sst s2  }
0xb: {  	[smem:$0x3FAB] =	sst s3  }
0xc: {  	[smem:$0x3FAC] =	sst s4  }
0xd: {  	[smem:$0x3FAD] =	sst s5  }
0xe: {  	[smem:$0x3FAE] =	sst s6  }
0xf: {  	[smem:$0x3FAF] =	sst s7  }
0x10: {  	[smem:$0x3FB0] =	sst s8  }
0x11: {  	[smem:$0x3FB1] =	sst s9;
	s0 =	simm.s32 @!p0 $0x0  }
0x12: {  	s1 =	sld [smem:$0x3F97];
	s0 =	simm.s32 @p0 $0x1  }
0x13: {  	[smem:$0x3FB2] =	sst s0;
	s0 =	simm.s32 @!p1 $0x0  }
0x14: {  	s2 =	sld [smem:$0x3F96];
	s0 =	simm.s32 @p1 $0x1  }
0x15: {  	[smem:$0x3FB3] =	sst s0;
	s0 =	simm.s32 @!p2 $0x0  }
0x16: {  	s3 =	sld [smem:$0x3FDB];
	s0 =	simm.s32 @p2 $0x1  }
0x17: {  	s4 =	simm.s32 $0x1BF5;
	[smem:$0x3FB5] =	sst s0  }
0x18: {  	s0 =	sld [smem:$0x3F98];
	_ =	swait.ge [sflag:s4], $0x0  }
0x19: {  	s7 =	sld [smem:$0x3F99]  }
0x1a: {  	s8 =	sadd.s32 $0xFFFFE003, lr  }
0x1b: {  	s9 =	sadd.s32 $0xFFFFFEF7, lr;
	s5 =	simm.s32 $0xFFFFFFFF;
	p2 =	slt.u32 s8, $0xFFFFF086  }
0x1c: {  	p1 =	slt.u32 s9, $0xF7A;
	s5 =	simm.s32 @!p2 $0x0  }
0x1d: {  	s5 =	simm.s32 @p1 $0x1;
	p0 =	seq.s32 s7, s2  }
0x1e: {  	s7 =	smul.u32 @!p0 $0xF7A, s2;
	p2 =	seq.s32 @!p0 s5, $0x0  }
0x1f: {  	s9 =	smul.u32 $0xF7A, s1;
	s8 =	simm.s32 @!p0 $0x1BF5;
	p2 =	por !p2, p0  }
0x20: {  	[sflag:s8] =	ssyncset.s32 @!p0 $0xFFFFF086;
	s6 =	sadd.s32 @!p0 s3, s7;
	s7 =	simm.s32 @!p0 $0x108  }
0x21: {  	s3 =	sadd.s32 s3, s9;
	s6 =	sadd.s32 @!p0 $0x88, s6;
	s7 =	simm.s32 @p2 $0x1082  }
0x22: {  	[simem:s7], [sflag:s8] =	dma.local @!p0 [hbm:s6], $0xF7A  }
0x23: {  	s9 =	sor.u32 $0xD0000000, s2;
	s6 =	simm.s32 $0x108;
	_ =	swait.ge @!p0 [sflag:s8], $0x0  }
0x24: {  	s3 =	sadd.s32 $0x88, s3;
	s6 =	simm.s32 @!p1 $0x1082;
	[sflag:s4] =	ssyncset.s32 $0xFFFFF086  }
0x25: {  	[simem:s6], [sflag:s4] =	dma.local [hbm:s3], $0xF7A  }
0x26: {  	[smem:$0x3F99] =	sst s1;
	(tag) =	ssettag s2;
	_ =	strace s9  }
0x27: {  	s1 =	sld [smem:$0x3FA9]  }
0x28: {  	s2 =	sld [smem:$0x3FAA]  }
0x29: {  	s4 =	sld [smem:$0x3FAC]  }
0x2a: {  	p0 =	seq.s32 s5, $0x0;
	s5 =	sld [smem:$0x3FAD]  }
0x2b: {  	s6 =	sld [smem:$0x3FAE]  }
0x2c: {  	s7 =	sld [smem:$0x3FAF]  }
0x2d: {  	s3 =	simm.s32 $0x108;
	s8 =	sld [smem:$0x3FB0]  }
0x2e: {  	s3 =	simm.s32 @!p0 $0x1082;
	s9 =	sld [smem:$0x3FB1]  }
0x2f: {  	lr =	sadd.s32 s0, s3;
	s0 =	sld [smem:$0x3FA8]  }
0x30: {  	s3 =	sld [smem:$0x3FAB]  }
0x31: {  	[smem:$0x3FB4] =	sst s10  }
0x32: {  	s10 =	sld [smem:$0x3FB2];
	_ =	sdelay $0x3  }
0x33: {  	p0 =	seq.s32 s10, $0x1;
	s10 =	sld [smem:$0x3FB4];
	_ =	sdelay $0x3  }
0x34: {  	[smem:$0x3FB4] =	sst s10  }
0x35: {  	s10 =	sld [smem:$0x3FB3];
	_ =	sdelay $0x3  }
0x36: {  	p1 =	seq.s32 s10, $0x1;
	s10 =	sld [smem:$0x3FB4];
	_ =	sdelay $0x3  }
0x37: {  	[smem:$0x3FB4] =	sst s10  }
0x38: {  	s10 =	sld [smem:$0x3FB5]  }
0x39: {  	_ = 	snop;
	(pc) =	sbr.ind lr, $3  }
0x3a: {  	_ = 	snop  }
0x3b: {  	_ = 	snop  }
0x3c: {  	p2 =	seq.s32 s10, $0x1;
	s10 =	sld [smem:$0x3FB4]  }
0x3d: {  	_ =	shalt  }
0x3e: {  	_ =	shalt  }
0x3f: {  	_ =	shalt  }
0x40: {  	_ =	shalt  }
0x41: {  	_ =	shalt  }
0x42: {  	_ =	shalt  }
0x43: {  	_ =	shalt  }
0x44: {  	_ =	shalt  }
0x45: {  	_ =	shalt  }
0x46: {  	_ =	shalt  }
0x47: {  	_ =	shalt  }
0x48: {  	_ =	shalt  }
0x49: {  	_ =	shalt  }
0x4a: {  	_ =	shalt  }
0x4b: {  	_ =	shalt  }
0x4c: {  	_ =	shalt  }
0x4d: {  	_ =	shalt  }
0x4e: {  	_ =	shalt  }
0x4f: {  	_ =	shalt  }
0x50: {  	_ =	shalt  }
0x51: {  	_ =	shalt  }
0x52: {  	_ =	shalt  }
0x53: {  	_ =	shalt  }
0x54: {  	_ =	shalt  }
0x55: {  	_ =	shalt  }
0x56: {  	_ =	shalt  }
0x57: {  	_ =	shalt  }
0x58: {  	_ =	shalt  }
0x59: {  	_ =	shalt  }
0x5a: {  	_ =	shalt  }
0x5b: {  	_ =	shalt  }
0x5c: {  	_ =	shalt  }
0x5d: {  	_ =	shalt  }
0x5e: {  	_ =	shalt  }
0x5f: {  	_ =	shalt  }
0x60: {  	_ =	shalt  }
0x61: {  	_ =	shalt  }
0x62: {  	_ =	shalt  }
0x63: {  	_ =	shalt  }
0x64: {  	_ =	shalt  }
0x65: {  	_ =	shalt  }
0x66: {  	_ =	shalt  }
0x67: {  	_ =	shalt  }
0x68: {  	_ =	shalt  }
0x69: {  	_ =	shalt  }
0x6a: {  	_ =	shalt  }
0x6b: {  	_ =	shalt  }
0x6c: {  	_ =	shalt  }
0x6d: {  	_ =	shalt  }
0x6e: {  	_ =	shalt  }
0x6f: {  	_ =	shalt  }
0x70: {  	_ =	shalt  }
0x71: {  	_ =	shalt  }
0x72: {  	_ =	shalt  }
0x73: {  	_ =	shalt  }
0x74: {  	_ =	shalt  }
0x75: {  	_ =	shalt  }
0x76: {  	_ =	shalt  }
0x77: {  	_ =	shalt  }
0x78: {  	_ =	shalt  }
0x79: {  	_ =	shalt  }
0x7a: {  	_ =	shalt  }
0x7b: {  	_ =	shalt  }
0x7c: {  	_ =	shalt  }
0x7d: {  	_ =	shalt  }
0x7e: {  	_ =	shalt  }
0x7f: {  	_ =	shalt  }
0x80: {  	_ =	shalt  }
0x81: {  	_ =	shalt  }
0x82: {  	_ =	shalt  }
0x83: {  	_ =	shalt  }
0x84: {  	_ =	shalt  }
0x85: {  	_ =	shalt  }
0x86: {  	_ =	shalt  }
0x87: {  	_ =	shalt  }
.Lfunc_end0:
.L_simem_size_0:
called_computation_lowered:
.L_overlay_start_0:
0x88: {  	s2 =	sld [smem:$0x3FD9]  }
0x89: {  	s3 =	sld [smem:$0x3FFE];
	_ =	sdelay $0x1  }
0x8a: {  	s1 =	srdreg.scid  }
0x8b: {  	s0 =	sand.u32 $0x1, s1  }
0x8c: {  	s17 =	sshll.u32 s0, $0xA;
	s2 =	sadd.s32 s3, s2  }
0x8d: {  	s2 =	sadd.s32 s2, s17  }
0x8e: {  	[smem:$0x3FC0] =	sst s2  }
0x8f: {  	_ = 	snop  }
0x90: {  	(tm) =	ssettm $0x1  }
0x91: {  	s18 =	sld [smem:$0x3FFB];
	_ =	sdelay $0x3  }
0x92: {  	_ =	strace s18  }
0x93: {  	s2 =	sld [smem:$0x3FFC];
	_ =	sdelay $0x3  }
0x94: {  	_ =	strace s2  }
0x95: {  	s2 =	sld [smem:$0x3FFD];
	_ =	sdelay $0x3  }
0x96: {  	_ =	strace s2  }
0x97: {  	_ =	strace $0x8FFFFFFF  }
0x98: {  	s19 =	sld [smem:$0x3FDB];
	_ =	sdelay $0x1  }
0x99: {  	s20 =	simm.s32 $_scs_section_size  }
0x9a: {  	s4 =	simm.s32 $_size__tile_overlayer_lowered;
	s5 =	simm.s32 $_tile_overlayer_lowered  }
0x9b: {  	s6 =	simm.s32 $0x1BFF;
	s21 =	sshll.u32 s5, $0x1;
	s3 =	sadd.s32 s20, s19  }
0x9c: {  	s22 =	simm.s32 $0x0;
	s4 =	sshll.u32 s4, $0x1;
	s5 =	sadd.s32 s21, s3  }
0x9d: {  	[timem:s22], [sflag:s6] =	dma.local [hbm:s5], s4  }
0x9e: {  	_ =	swait.ge [sflag:s6], s4  }
0x9f: {  	s4 =	ssub.s32 $0x0, s4;
	[sflag:s6] =	ssyncset.done $0x0  }
0xa0: {  	[sflag:s6] =	ssyncadd.s32 s4;
	_ =	sdelay $0x1  }
0xa1: {  	s23 =	simm.s32 $0x1B8B  }
0xa2: {  	_ =	swait.ge [sflag:s23], $0x1  }
0xa3: {  	[sflag:s23] =	ssyncset.done $0x0  }
0xa4: {  	[sflag:s23] =	ssyncadd.s32 $0xFFFFFFFF  }
0xa5: {  	s4 =	sld [smem:$0x0]  }
0xa6: {  	s5 =	sand.u32 $0xFFFFFFFE, s1  }
0xa7: {  	p0 =	sne.s32 s1, s5  }
0xa8: {  	s5 =	sshll.u32 @p0 s5, $0xE  }
0xa9: {  	s5 =	sadd.s32 @p0 $0x11B8D, s5;
	s6 =	sshll.u32 @p0 s4, $0x11  }
0xaa: {  	s5 =	sor.u32 @p0 s6, s5  }
0xab: {  	[sflag:s5] =	ssyncadd.remote.s32 @p0 $0x1;
	_ =	sdelay $0x1  }
0xac: {  	s5 =	simm.s32 @p0 $0x1B8D  }
0xad: {  	_ =	swait.eq @p0 [sflag:s5], $0x1  }
0xae: {  	[sflag:s5] =	ssyncadd.s32 @p0 $0xFFFFFFFF  }
0xaf: {  	s6 =	sshll.u32 @!p0 s1, $0xE  }
0xb0: {  	s6 =	sor.u32 @!p0 $0x4000, s6;
	s5 =	simm.s32 @!p0 $0x1B8D  }
0xb1: {  	s4 =	sshll.u32 @!p0 s4, $0x11;
	s6 =	sadd.s32 @!p0 $0x11B8D, s6;
	_ =	swait.eq @!p0 [sflag:s5], $0x1  }
0xb2: {  	s4 =	sor.u32 @!p0 s4, s6;
	[sflag:s5] =	ssyncadd.s32 @!p0 $0xFFFFFFFF  }
0xb3: {  	s25 =	simm.s32 $0x1B8E;
	s24 =	sld [smem:$0x3FFE];
	[sflag:s4] =	ssyncadd.remote.s32 @!p0 $0x1  }
0xb4: {  	s26 =	simm.s32 $execute0_lowered;
	[smem:$0x3FD2] =	sst s25  }
0xb5: {  	s5 =	sshll.u32 s26, $0x1;
	_ =	strace $0x80000049;
	[dreg:$0x1] =	wrdreg $0xFFFFFFFF  }
0xb6: {  	s28 =	simm.s32 $_size_execute0_lowered;
	s3 =	sadd.s32 s3, s5;
	[dreg:$0x0] =	wrdreg $0x0  }
0xb7: {  	s5 =	sshll.u32 s28, $0x1;
	[dreg:$0x2] =	wrdreg s3  }
0xb8: {  	[dreg:$0x3] =	wrdreg s5  }
0xb9: {  	[dreg:$0x4] =	wrdreg $0xC0  }
0xba: {  	_ =	task [dreg:s22], $0x5FFFF  }
0xbb: {  	[dreg:$0x1] =	wrdreg $0xFFFFFFFF  }
0xbc: {  	[dreg:$0x0] =	wrdreg $0x60  }
0xbd: {  	[dreg:$0x2] =	wrdreg s24  }
0xbe: {  	[dreg:$0x3] =	wrdreg $0x81000  }
0xbf: {  	[dreg:$0x4] =	wrdreg $0x9  }
0xc0: {  	_ =	task.clear_ibuf [dreg:s22], $0x5FFFF;
	_ =	strace $0x90000049  }
0xc1: {  	s29 =	simm.s32 $0x9;
	_ =	strace $0x8000004B  }
0xc2: {  	_ =	swait.ge [sflag:s29], $0x1  }
0xc3: {  	[sflag:s29] =	ssyncadd.s32 $0xFFFFFFFF  }
0xc4: {  	_ =	strace $0x9000004B  }
0xc5: {  	_ =	sfence  }
0xc6: {  	s30 =	sld [smem:$0x0];
	_ =	sdelay $0x2  }
0xc7: {  	s31 =	sshll.u32 s1, $0xD;
	s1 =	sshrl.u32 s1, $0x2  }
0xc8: {  	s4 =	sand.u32 $0x4000, s31;
	s1 =	sadd.s32 s1, s30  }
0xc9: {  	s0 =	sor.u32 s4, s0;
	s1 =	sshll.u32 s1, $0x11  }
0xca: {  	s0 =	sor.u32 s1, s0  }
0xcb: {  	s0 =	sadd.s32 $0x8F2B, s0  }
0xcc: {  	[sflag:s0] =	ssyncadd.remote.s32 $0x1  }
0xcd: {  	_ =	sfence.sel $0xFFFF  }
0xce: {  	[dreg:$0x0] =	wrdreg $0xFFFFFFFF;
	(pc) =	sbr.abs _section_cstart, $3  }
0xcf: {  	[dreg:$0x1] =	wrdreg $0xFFFFFFFF  }
0xd0: {  	_ =	task.clear_ibuf [dreg:s22], $0x2FFFF;
	_ =	strace $0x9FFFFFFF  }
0xd1: {  	(tm) =	ssettm $0x7FFFFFFF  }
tec
execute0_lowered:
.L_overlay_start_1:
0x0: {  	(tag) =	ssettag $0x1  }
0x1: {  	s6 =	rddreg [dreg:$0x0]  }
0x2: {  	s2 =	rddreg [dreg:$0x1]  }
0x3: {  	s0 =	rddreg [dreg:$0x2]  }
0x4: {  	s3 =	simm.s32 $0x0;
	s4 =	srdreg.scid;
	s1 =	stileid.u32  }
0x5: {  	s23 =	simm.s32 $0x3;
	s24 =	simm.s32 $0x4100;
	s25 =	simm.s32 $0x1  }
0x6: {  	s28 =	simm.s32 $0x0;
	[smem:$0x7FF] =	sst s3;
	s8 =	smul.u32 $0x280, s1  }
0x7: {  	s7 =	sand.u32 $0x1, s4;
	s5 =	sshll.u32 s1, $0x1;
	s10 =	smul.u32 $0x50000, s1  }
0x8: {  	s20 =	sadd.s32 $0x1C00, s6;
	s4 =	sadd.s32 $0x84800, s6;
	s21 =	smul.u32 $0x5000, s1  }
0x9: {  	_ =	strace $0x8000004A;
	s17 =	smul.u32 $0x2800, s7;
	s9 =	sor.u32 s7, s5  }
0xa: {  	s5 =	sadd.s32 $0x84000, s6;
	s7 =	ssub.s32 $0x2, s7;
	s9 =	smul.u32 $0x2800, s9  }
0xb: {  	s26 =	sshrl.u32 s7, $0x1;
	s30 =	sshrl.u32 s10, $0x2;
	s8 =	sadd.s32 s8, s17  }
0xc: {  	s19 =	ssub.s32 s7, s26;
	s21 =	sadd.s32 s17, s21;
	s26 =	simm.s32 $0x2  }
0xd: {  	s8 =	sshll.u32 s8, $0x4;
	s29 =	sshrl.u32 s9, $0x3;
	s22 =	sor.u32 $0x180, s21  }
0xe: {  	s21 =	sor.u32 $0x100, s21;
	s18 =	sadd.s32 s8, s6;
	s6 =	sadd.s32 s20, s29  }
0xf: {  	s8 =	sadd.s32 s30, s2;
	s31 =	sshrl.u32 s22, $0x3;
	s21 =	sshrl.u32 s21, $0x3  }
0x10: {  	s22 =	simm.s32 $0x100;
	s7 =	sadd.s32 $0x10, s6;
	s9 =	sadd.s32 $0x85000, s18  }
0x11: {  	s10 =	sadd.s32 $0x4000, s8;
	s11 =	sadd.s32 $0x85800, s18;
	s12 =	sadd.s32 $0x8000, s8  }
0x12: {  	s13 =	sadd.s32 $0x86000, s18;
	s14 =	sadd.s32 $0xC000, s8;
	s15 =	sadd.s32 $0x86800, s18  }
0x13: {  	s16 =	sadd.s32 $0x10000, s8;
	s17 =	sadd.s32 $0x87000, s18;
	s18 =	smax.u32 s19, $0x1  }
0x14: {  	s19 =	sadd.s32 s31, s20;
	s20 =	sadd.s32 s21, s20;
	s21 =	simm.s32 $0x80  }
.LBB2_1:
0x15: {  	[tilespmem:s3], [sflag:$0x1] =	stream.linear.gather [hbm4b:s6+s3], $0x80, $0x38;
	[tilespmem:$0x1C100] =	vst v63  }
0x16: {  	_ = 	snop  }
0x17: {  	[tilespmem:s21], [sflag:$0x2] =	stream.linear.gather [hbm4b:s7+s3], $0x80, $0x38;
	[tilespmem:$0x1C100] =	vst v63  }
0x18: {  	_ = 	snop  }
0x19: {  	[tilespmem:s22], [sflag:$0x3] =	stream.linear.gather [hbm4b:s4+s3], $0x4000, $0x38;
	[tilespmem:$0x1C100] =	vst v63  }
0x1a: {  	_ =	swait.ge [sflag:s23], $0x4000  }
0x1b: {  	[sflag:s23] =	ssyncset.done $0x0  }
0x1c: {  	[sflag:s23] =	ssyncadd.s32 $0xFFFFC000  }
0x1d: {  	[spmem:s8] =	stream.linear.scatter [tilespmem:s22], [sflag:$0x3], $0x4000, $0x38;
	[tilespmem:$0x1C100] =	vst v63  }
0x1e: {  	_ =	swait.ge [sflag:s23], $0x4000  }
0x1f: {  	[sflag:s23] =	ssyncset.done $0x0  }
0x20: {  	[sflag:s23] =	ssyncadd.s32 $0xFFFFC000  }
0x21: {  	[spmem:s10] =	stream.linear.scatter [tilespmem:s22], [sflag:$0x3], $0x4000, $0x38;
	[tilespmem:$0x1C100] =	vst v63  }
0x22: {  	_ =	swait.ge [sflag:s23], $0x4000  }
0x23: {  	[sflag:s23] =	ssyncset.done $0x0  }
0x24: {  	[sflag:s23] =	ssyncadd.s32 $0xFFFFC000  }
0x25: {  	[spmem:s12] =	stream.linear.scatter [tilespmem:s22], [sflag:$0x3], $0x4000, $0x38;
	[tilespmem:$0x1C100] =	vst v63  }
0x26: {  	_ =	swait.ge [sflag:s23], $0x4000  }
0x27: {  	[sflag:s23] =	ssyncset.done $0x0  }
0x28: {  	[sflag:s23] =	ssyncadd.s32 $0xFFFFC000  }
0x29: {  	[spmem:s14] =	stream.linear.scatter [tilespmem:s22], [sflag:$0x3], $0x4000, $0x38;
	[tilespmem:$0x1C100] =	vst v63  }
0x2a: {  	_ =	swait.ge [sflag:s23], $0x4000  }
0x2b: {  	[sflag:s23] =	ssyncset.done $0x0  }
0x2c: {  	[sflag:s23] =	ssyncadd.s32 $0xFFFFC000  }
0x2d: {  	[spmem:s16] =	stream.linear.scatter [tilespmem:s22], [sflag:$0x3], $0x4000, $0x38;
	[tilespmem:$0x1C100] =	vst v63  }
0x2e: {  	_ =	swait.ge [sflag:s23], $0x4000  }
0x2f: {  	[sflag:s23] =	ssyncset.done $0x0  }
0x30: {  	[sflag:s23] =	ssyncadd.s32 $0xFFFFC000  }
0x31: {  	[tilespmem:s24], [sflag:$0x3] =	stream.linear.gather [hbm4b:s5+s3], $0x4000, $0x38;
	[tilespmem:$0x1C100] =	vst v63  }
0x32: {  	_ =	swait.ge [sflag:s23], $0x4000  }
0x33: {  	[sflag:s23] =	ssyncset.done $0x0  }
0x34: {  	[sflag:s23] =	ssyncadd.s32 $0xFFFFC000  }
0x35: {  	[bflag:$0x0] =	sbarrier.arrive $0xFFFF  }
0x36: {  	_ =	swait.ge [sflag:s25], $0x80  }
0x37: {  	[sflag:s25] =	ssyncset.done $0x0  }
0x38: {  	[sflag:s25] =	ssyncadd.s32 $0xFFFFFF80  }
0x39: {  	[spmem:s2] =	stream.indirect.scatter.add.f32 [tilespmem:s24], [sflag:$0x3], $0x80, s3, s21, $0xb8;
	[tilespmem:$0x1C100] =	vst v63  }
0x3a: {  	_ =	swait.ge [sflag:s23], $0x4000  }
0x3b: {  	[sflag:s23] =	ssyncset.done $0x0  }
0x3c: {  	s29 =	sadd.s32 $0x0, s20;
	[sflag:s23] =	ssyncadd.s32 $0xFFFFC000  }
0x3d: {  	[tilespmem:s3], [sflag:$0x1] =	stream.linear.gather [hbm4b:s29+s3], $0x80, $0x38;
	[tilespmem:$0x1C100] =	vst v63  }
0x3e: {  	_ =	swait.ge [sflag:s26], $0x80  }
0x3f: {  	[sflag:s26] =	ssyncset.done $0x0  }
0x40: {  	[sflag:s26] =	ssyncadd.s32 $0xFFFFFF80  }
0x41: {  	[spmem:s2] =	stream.indirect.scatter.add.f32 [tilespmem:s24], [sflag:$0x3], $0x80, s21, s21, $0xb8;
	[tilespmem:$0x1C100] =	vst v63  }
0x42: {  	_ =	swait.ge [sflag:s23], $0x4000  }
0x43: {  	[sflag:s23] =	ssyncset.done $0x0  }
0x44: {  	s30 =	sadd.s32 $0x0, s19;
	s29 =	simm.s32 $0x20;
	[sflag:s23] =	ssyncadd.s32 $0xFFFFC000  }
.LBB2_2:
0x45: {  	[tilespmem:s21], [sflag:$0x2] =	stream.linear.gather [hbm4b:s30+s3], $0x80, $0x38;
	[tilespmem:$0x1C100] =	vst v63  }
0x46: {  	s30 =	smov.u32 s29  }
0x47: {  	p0 =	sne.s32 s29, $0x4C0;
	s29 =	sadd.s32 $0x20, s29;
	_ =	swait.ge [sflag:s25], $0x80  }
0x48: {  	[sflag:s25] =	ssyncset.done $0x0  }
0x49: {  	[sflag:s25] =	ssyncadd.s32 $0xFFFFFF80  }
0x4a: {  	[spmem:s2] =	stream.indirect.scatter.add.f32 [tilespmem:s24], [sflag:$0x3], $0x80, s3, s21, $0xb8;
	[tilespmem:$0x1C100] =	vst v63  }
0x4b: {  	_ =	swait.ge [sflag:s23], $0x4000  }
0x4c: {  	[sflag:s23] =	ssyncset.done $0x0  }
0x4d: {  	s31 =	sadd.s32 s30, s20;
	[sflag:s23] =	ssyncadd.s32 $0xFFFFC000  }
0x4e: {  	[tilespmem:s3], [sflag:$0x1] =	stream.linear.gather [hbm4b:s31+s3], $0x80, $0x38;
	[tilespmem:$0x1C100] =	vst v63  }
0x4f: {  	_ =	swait.ge [sflag:s26], $0x80  }
0x50: {  	[sflag:s26] =	ssyncset.done $0x0  }
.Ltmp0:
0x51: {  	[sflag:s26] =	ssyncadd.s32 $0xFFFFFF80;
	(pc) =	sbr.rel @p0 .LBB2_2-.Ltmp0, $4  }
0x52: {  	[spmem:s2] =	stream.indirect.scatter.add.f32 [tilespmem:s24], [sflag:$0x3], $0x80, s21, s21, $0xb8;
	[tilespmem:$0x1C100] =	vst v63  }
0x53: {  	_ =	swait.ge [sflag:s23], $0x4000  }
0x54: {  	[sflag:s23] =	ssyncset.done $0x0  }
0x55: {  	s30 =	sadd.s32 s30, s19;
	[sflag:s23] =	ssyncadd.s32 $0xFFFFC000  }
0x56: {  	[tilespmem:s21], [sflag:$0x2] =	stream.linear.gather [hbm4b:s30+s3], $0x80, $0x38;
	[tilespmem:$0x1C100] =	vst v63  }
0x57: {  	_ =	swait.ge [sflag:s25], $0x80  }
0x58: {  	[sflag:s25] =	ssyncset.done $0x0  }
0x59: {  	[sflag:s25] =	ssyncadd.s32 $0xFFFFFF80  }
0x5a: {  	[spmem:s2] =	stream.indirect.scatter.add.f32 [tilespmem:s24], [sflag:$0x3], $0x80, s3, s21, $0xb8;
	[tilespmem:$0x1C100] =	vst v63  }
0x5b: {  	_ =	swait.ge [sflag:s23], $0x4000  }
0x5c: {  	[sflag:s23] =	ssyncset.done $0x0  }
0x5d: {  	[sflag:s23] =	ssyncadd.s32 $0xFFFFC000  }
0x5e: {  	_ =	swait.ge [sflag:s26], $0x80  }
0x5f: {  	[sflag:s26] =	ssyncset.done $0x0  }
0x60: {  	[sflag:s26] =	ssyncadd.s32 $0xFFFFFF80  }
0x61: {  	[spmem:s2] =	stream.indirect.scatter.add.f32 [tilespmem:s24], [sflag:$0x3], $0x80, s21, s21, $0xb8;
	[tilespmem:$0x1C100] =	vst v63  }
0x62: {  	_ =	swait.ge [sflag:s23], $0x4000  }
0x63: {  	[sflag:s23] =	ssyncset.done $0x0  }
0x64: {  	[sflag:s23] =	ssyncadd.s32 $0xFFFFC000  }
0x65: {  	[bflag:$0x0] =	sbarrier.arrive $0xFFFF  }
0x66: {  	[tilespmem:s22], [sflag:$0x3] =	stream.linear.gather [spmem:s8], $0x4000, $0x38;
	[tilespmem:$0x1C100] =	vst v63  }
0x67: {  	_ =	swait.ge [sflag:s23], $0x4000  }
0x68: {  	[sflag:s23] =	ssyncset.done $0x0  }
0x69: {  	[sflag:s23] =	ssyncadd.s32 $0xFFFFC000  }
0x6a: {  	[hbm4b:s9+s3] =	stream.linear.scatter [tilespmem:s22], [sflag:$0x1], $0x4000, $0x38;
	[tilespmem:$0x1C100] =	vst v63  }
0x6b: {  	_ = 	snop  }
0x6c: {  	[tilespmem:s24], [sflag:$0x3] =	stream.linear.gather [spmem:s10], $0x4000, $0x38;
	[tilespmem:$0x1C100] =	vst v63  }
0x6d: {  	_ =	swait.ge [sflag:s23], $0x4000  }
0x6e: {  	[sflag:s23] =	ssyncset.done $0x0  }
0x6f: {  	[sflag:s23] =	ssyncadd.s32 $0xFFFFC000  }
0x70: {  	[hbm4b:s11+s3] =	stream.linear.scatter [tilespmem:s24], [sflag:$0x2], $0x4000, $0x38;
	[tilespmem:$0x1C100] =	vst v63  }
0x71: {  	_ =	swait.ge [sflag:s25], $0x4000  }
0x72: {  	[sflag:s25] =	ssyncset.done $0x0  }
0x73: {  	[sflag:s25] =	ssyncadd.s32 $0xFFFFC000  }
0x74: {  	[tilespmem:s22], [sflag:$0x3] =	stream.linear.gather [spmem:s12], $0x4000, $0x38;
	[tilespmem:$0x1C100] =	vst v63  }
0x75: {  	_ =	swait.ge [sflag:s23], $0x4000  }
0x76: {  	[sflag:s23] =	ssyncset.done $0x0  }
0x77: {  	[sflag:s23] =	ssyncadd.s32 $0xFFFFC000  }
0x78: {  	[hbm4b:s13+s3] =	stream.linear.scatter [tilespmem:s22], [sflag:$0x1], $0x4000, $0x38;
	[tilespmem:$0x1C100] =	vst v63  }
0x79: {  	_ =	swait.ge [sflag:s26], $0x4000  }
0x7a: {  	[sflag:s26] =	ssyncset.done $0x0  }
0x7b: {  	[sflag:s26] =	ssyncadd.s32 $0xFFFFC000  }
0x7c: {  	[tilespmem:s24], [sflag:$0x3] =	stream.linear.gather [spmem:s14], $0x4000, $0x38;
	[tilespmem:$0x1C100] =	vst v63  }
0x7d: {  	_ =	swait.ge [sflag:s23], $0x4000  }
0x7e: {  	[sflag:s23] =	ssyncset.done $0x0  }
0x7f: {  	[sflag:s23] =	ssyncadd.s32 $0xFFFFC000  }
0x80: {  	[hbm4b:s15+s3] =	stream.linear.scatter [tilespmem:s24], [sflag:$0x2], $0x4000, $0x38;
	[tilespmem:$0x1C100] =	vst v63  }
0x81: {  	_ =	swait.ge [sflag:s25], $0x4000  }
0x82: {  	[sflag:s25] =	ssyncset.done $0x0  }
0x83: {  	[sflag:s25] =	ssyncadd.s32 $0xFFFFC000  }
0x84: {  	[tilespmem:s22], [sflag:$0x3] =	stream.linear.gather [spmem:s16], $0x4000, $0x38;
	[tilespmem:$0x1C100] =	vst v63  }
0x85: {  	_ =	swait.ge [sflag:s23], $0x4000  }
0x86: {  	[sflag:s23] =	ssyncset.done $0x0  }
0x87: {  	s28 =	sadd.s32 $0x1, s28;
	[sflag:s23] =	ssyncadd.s32 $0xFFFFC000  }
0x88: {  	[hbm4b:s17+s3] =	stream.linear.scatter [tilespmem:s22], [sflag:$0x1], $0x4000, $0x38;
	[tilespmem:$0x1C100] =	vst v63  }
0x89: {  	p0 =	sne.s32 s28, s18;
	_ =	swait.ge [sflag:s26], $0x4000  }
.Ltmp1:
0x8a: {  	[sflag:s26] =	ssyncset.done $0x0;
	(pc) =	sbr.rel @p0 .LBB2_1-.Ltmp1, $4  }
0x8b: {  	[sflag:s26] =	ssyncadd.s32 $0xFFFFC000  }
0x8c: {  	_ =	swait.ge [sflag:s25], $0x4000  }
0x8d: {  	[sflag:s25] =	ssyncset.done $0x0  }
0x8e: {  	[sflag:s25] =	ssyncadd.s32 $0xFFFFC000  }
0x8f: {  	_ =	sfence.sel $0x180000  }
0x90: {  	[bflag:$0x0] =	sbarrier.arrive $0xFFFF  }
0x91: {  	p0 =	sne.s32 s1, $0x0;
	_ =	strace $0x9000004A  }
0x92: {  	s0 =	sadd.s32 @!p0 $0x100000, s0;
	[bflag:$0x2] =	sbarrier.arrive $0xFFFF  }
0x93: {  	[sflag:s0] =	ssyncadd.tile.s32 @!p0 $0x1;
	_ =	shalt  }
.Lfunc_end2:
_tile_overlayer_lowered:
.L_overlay_start_2:
0x94: {  	(tag) =	ssettag $0x2  }
0x95: {  	s0 =	rddreg [dreg:$0x0];
	s2 =	stileid.u32  }
0x96: {  	s1 =	rddreg [dreg:$0x1];
	p0 =	sne.s32 s2, $0x0  }
0x97: {  	s3 =	rddreg [dreg:$0x2];
	[bflag:$0x3] =	sbarrier.arrive $0xFFFF;
	s2 =	simm.s32 @!p0 $0x1C03  }
0x98: {  	[timem:s3], [sflag:s2] =	dma.local @!p0 [hbm:s0], s1  }
0x99: {  	s0 =	simm.s32 @!p0 $0x3  }
0x9a: {  	_ =	swait.ge @!p0 [sflag:s0], s1  }
0x9b: {  	s1 =	ssub.s32 @!p0 $0x0, s1;
	[sflag:s0] =	ssyncset.done @!p0 $0x0  }
0x9c: {  	[sflag:s0] =	ssyncadd.s32 @!p0 s1  }
0x9d: {  	[bflag:$0x3] =	sbarrier.arrive $0xFFFF  }
0x9e: {  	_ =	shalt  }

</sc_bundles>
